<compile_context>
chip_gen: v7x
topology: tpu7x:2x2x1
jax: 0.10.2.dev20260603
libtpu: 0.0.44.dev20260713+nightly
codegen_flags: <defaults>
</compile_context>

<pallas_src>
import jax
import jax.numpy as jnp
from jax import lax
from jax.experimental import pallas as pl
from jax.experimental.pallas import tpu as pltpu
from jax.experimental.pallas import tpu_sc as plsc

N = 10000
E = 320000
D = 128

NC = 2
NS = 16
NW = NC * NS
EPW = E // NW
B = 40
CHUNKS = EPW // B
GDEPTH = 4
SLAG = 2
NBUF = GDEPTH + SLAG
IDEPTH = GDEPTH + 1
NIBUF = IDEPTH + SLAG
ROWS_PER_TILE = N // NS
ZR = 25
LANES = 16


def _spmm_body(row_hbm, col_hbm, val_hbm, embeds_hbm, out_hbm,
               valb, rowb, colb, rows, stage_v, acc, gsem, ssem, isem, zsem):
    cid = lax.axis_index("c")
    sid = lax.axis_index("s")
    wid = sid * NC + cid

    def _zero_row(i, c):
        for j in range(D // LANES):
            stage_v[i, pl.ds(j * LANES, LANES)] = jnp.zeros((LANES,), jnp.float32)
        return c
    lax.fori_loop(0, ZR, _zero_row, 0)
    for k in range(ROWS_PER_TILE // ZR):
        pltpu.async_copy(
            stage_v, acc.at[pl.ds(sid * ROWS_PER_TILE + k * ZR, ZR), :], zsem)
    for k in range(ROWS_PER_TILE // ZR):
        pltpu.make_async_copy(
            stage_v, acc.at[pl.ds(sid * ROWS_PER_TILE + k * ZR, ZR), :],
            zsem).wait()
    plsc.subcore_barrier()

    def _idx_fetch_start(ci):
        ib = lax.rem(ci, NIBUF)
        pltpu.async_copy(col_hbm.at[wid, ci], colb.at[ib], isem.at[ib])
        pltpu.async_copy(row_hbm.at[wid, ci], rowb.at[ib], isem.at[ib])
        pltpu.async_copy(val_hbm.at[wid, ci], valb.at[ib], isem.at[ib])

    def _idx_fetch_wait(ci):
        ib = lax.rem(ci, NIBUF)
        pltpu.make_async_copy(col_hbm.at[wid, ci], colb.at[ib],
                              isem.at[ib]).wait()
        pltpu.make_async_copy(row_hbm.at[wid, ci], rowb.at[ib],
                              isem.at[ib]).wait()
        pltpu.make_async_copy(val_hbm.at[wid, ci], valb.at[ib],
                              isem.at[ib]).wait()

    def _gather_start(ci):
        ib, b = lax.rem(ci, NIBUF), lax.rem(ci, NBUF)
        pltpu.async_copy(embeds_hbm.at[colb.at[ib]], rows.at[b], gsem.at[b])

    def _gather_wait(ci):
        ib, b = lax.rem(ci, NIBUF), lax.rem(ci, NBUF)
        pltpu.make_async_copy(embeds_hbm.at[colb.at[ib]], rows.at[b],
                              gsem.at[b]).wait()

    def _scatter_start(ci):
        ib, b = lax.rem(ci, NIBUF), lax.rem(ci, NBUF)
        pltpu.async_copy(rows.at[b], acc.at[rowb.at[ib]], ssem.at[b], add=True)

    def _scatter_wait(ci):
        ib, b = lax.rem(ci, NIBUF), lax.rem(ci, NBUF)
        pltpu.make_async_copy(rows.at[b], acc.at[rowb.at[ib]],
                              ssem.at[b]).wait()

    for k in range(IDEPTH):
        _idx_fetch_start(k)
    for k in range(GDEPTH):
        _idx_fetch_wait(k)
        _gather_start(k)

    def _chunk(ci, c):
        b = lax.rem(ci, NBUF)

        @pl.when(ci >= SLAG)
        def _():
            _scatter_wait(ci - SLAG)

        @pl.when(ci + IDEPTH < CHUNKS)
        def _():
            _idx_fetch_start(ci + IDEPTH)

        @pl.when(ci + GDEPTH < CHUNKS)
        def _():
            _idx_fetch_wait(ci + GDEPTH)
            _gather_start(ci + GDEPTH)

        _gather_wait(ci)

        rb = rows.at[b]
        vb = lax.rem(ci, NIBUF)

        @plsc.parallel_loop(0, B, unroll=8)
        def _edge(e):
            ve = plsc.load_gather(
                valb, [jnp.full((LANES,), vb, jnp.int32),
                       jnp.full((LANES,), e, jnp.int32)])
            for j in range(D // LANES):
                sl = pl.ds(j * LANES, LANES)
                rb[e, sl] = rb[e, sl] * ve

        _scatter_start(ci)
        return c
    lax.fori_loop(0, CHUNKS, _chunk, 0)

    for k in range(SLAG):
        _scatter_wait(CHUNKS - SLAG + k)
    plsc.subcore_barrier()

    for k in range(ROWS_PER_TILE // ZR):
        b0 = sid * ROWS_PER_TILE + k * ZR
        pltpu.async_copy(acc.at[pl.ds(b0, ZR), :],
                         out_hbm.at[cid, pl.ds(b0, ZR), :], zsem)
    for k in range(ROWS_PER_TILE // ZR):
        b0 = sid * ROWS_PER_TILE + k * ZR
        pltpu.make_async_copy(acc.at[pl.ds(b0, ZR), :],
                              out_hbm.at[cid, pl.ds(b0, ZR), :], zsem).wait()


_spmm_sc = pl.kernel(
    _spmm_body,
    out_type=jax.ShapeDtypeStruct((NC, N, D), jnp.float32),
    mesh=plsc.VectorSubcoreMesh(core_axis_name="c", subcore_axis_name="s",
                                num_cores=NC, num_subcores=NS),
    compiler_params=pltpu.CompilerParams(use_tc_tiling_on_sc=False,
                                         needs_layout_passes=False),
    scratch_types=[
        pltpu.VMEM((NIBUF, B), jnp.float32),
        pltpu.VMEM((NIBUF, B), jnp.int32),
        pltpu.VMEM((NIBUF, B), jnp.int32),
        pltpu.VMEM((NBUF, B, D), jnp.float32),
        pltpu.VMEM((ZR, D), jnp.float32),
        pltpu.VMEM_SHARED((N, D), jnp.float32),
        pltpu.SemaphoreType.DMA((NBUF,)),
        pltpu.SemaphoreType.DMA((NBUF,)),
        pltpu.SemaphoreType.DMA((NIBUF,)),
        pltpu.SemaphoreType.DMA,
    ],
)


def _add_body(a_ref, b_ref, o_ref):
    o_ref[...] = a_ref[...] + b_ref[...]


def _combine(p0, p1):
    blk = 5000
    return pl.pallas_call(
        _add_body,
        out_shape=jax.ShapeDtypeStruct((N, D), jnp.float32),
        grid=(N // blk,),
        in_specs=[pl.BlockSpec((blk, D), lambda i: (i, 0))] * 2,
        out_specs=pl.BlockSpec((blk, D), lambda i: (i, 0)),
    )(p0, p1)


@jax.jit
def kernel(adj_indices, adj_values, embeds):
    row = adj_indices[0].reshape(NW, CHUNKS, B)
    col = adj_indices[1].reshape(NW, CHUNKS, B)
    val = adj_values.reshape(NW, CHUNKS, B)
    partials = _spmm_sc(row, col, val, embeds)
    return _combine(partials[0], partials[1])

# --- scband reference (transcript-rebuilt; emitter-appended) ---
"""Pipeline reference for scband-gnnlayer-12816182411896 (READ-ONLY COPY).

The authoritative reference and input builder live on the scoring server;
editing this copy changes nothing except your own understanding.
"""

import jax, jax.numpy as jnp
import numpy as np

N = 10000
E = 320000
D = 128

def setup_inputs(seed: int = 0) -> dict:
    key = jax.random.key(seed)
    k1, k2, k3 = jax.random.split(key, 3)
    adj_indices = jax.random.randint(k1, (2, E), 0, N, dtype=jnp.int64 if jax.config.jax_enable_x64 else jnp.int32).astype(jnp.int32)
    adj_values = jax.random.uniform(k2, (E,), dtype=jnp.float32)
    embeds = jax.random.normal(k3, (N, D), dtype=jnp.float32)
    return {"adj_indices": adj_indices, "adj_values": adj_values, "embeds": embeds}

def reference(adj_indices, adj_values, embeds):
    # torch.sparse.mm(adj, embeds) with adj in COO form:
    # out[r] += adj_values[e] * embeds[c] for each edge e = (r, c)
    row = adj_indices[0]
    col = adj_indices[1]
    gathered = jnp.take(embeds, col, axis=0) * adj_values[:, None]
    out = jnp.zeros((N, embeds.shape[1]), dtype=embeds.dtype).at[row].add(gathered)
    return out

if __name__ == "__main__":
    import jax
    _d = setup_inputs()
    print(jax.jit(kernel)(*tuple(_d.values())))

</pallas_src>

<mosaic_0001>
#map = affine_map<(d0, d1) -> (0, 0, 0)>
#map1 = affine_map<(d0, d1) -> (0, 0)>
module attributes {stable_mosaic.version = 14 : i64} {
  func.func @_spmm_body(%arg0: i32, %arg1: i32, %arg2: memref<32x250x40xi32, #tpu.memory_space<hbm>>, %arg3: memref<32x250x40xi32, #tpu.memory_space<hbm>>, %arg4: memref<32x250x40xf32, #tpu.memory_space<hbm>>, %arg5: memref<10000x128xf32, #tpu.memory_space<hbm>>, %arg6: memref<2x10000x128xf32, #tpu.memory_space<hbm>>, %arg7: memref<7x40xf32, #tpu.memory_space<vmem>>, %arg8: memref<7x40xi32, #tpu.memory_space<vmem>>, %arg9: memref<7x40xi32, #tpu.memory_space<vmem>>, %arg10: memref<6x40x128xf32, #tpu.memory_space<vmem>>, %arg11: memref<25x128xf32, #tpu.memory_space<vmem>>, %arg12: memref<10000x128xf32, #tpu.memory_space<vmem_shared>>, %arg13: memref<6x!tpu.dma_semaphore, #tpu.memory_space<semaphore_mem>>, %arg14: memref<6x!tpu.dma_semaphore, #tpu.memory_space<semaphore_mem>>, %arg15: memref<7x!tpu.dma_semaphore, #tpu.memory_space<semaphore_mem>>, %arg16: memref<!tpu.dma_semaphore, #tpu.memory_space<semaphore_mem>>) attributes {dimension_semantics = [#tpu.dimension_semantics<core_parallel>, #tpu.dimension_semantics<subcore_parallel>], iteration_bounds = array<i64: 2, 16>, scalar_prefetch = 0 : i64, scratch_operands = 10 : i64, tpu.core_type = #tpu.core_type<sc_vector_subcore>, window_params = [{transform_indices = #map}, {transform_indices = #map}, {transform_indices = #map}, {transform_indices = #map1}, {transform_indices = #map}]} {
    %mul3A = arith.constant 2 : i32
    %mul3A_0 = arith.muli %arg1, %mul3A : i32
    %add3A = arith.addi %mul3A_0, %arg0 : i32
    %scan3A = arith.constant 0 : i32
    %scan3A_1 = arith.constant 0 : i32
    %scan3A_2 = arith.constant 25 : i32
    %scan3A_3 = arith.addi %scan3A_1, %scan3A_2 : i32
    %scan3A_4 = arith.constant 1 : i32
    scf.for %scan3A_1400 = %scan3A_1 to %scan3A_3 step %scan3A_4  : i32 {
      %broadcast_in_dim3A = arith.constant 0.000000e+00 : f32
      %broadcast_in_dim3A_1401 = vector.broadcast %broadcast_in_dim3A : f32 to vector<16xf32>
      %swap3A = arith.index_cast %scan3A_1400 : i32 to index
      %swap3A_1402 = arith.constant 0 : index
      %swap3A_1403 = tpu.vector_load %arg11[%swap3A, %swap3A_1402] {strides = array<i32>} : memref<25x128xf32, #tpu.memory_space<vmem>>, vector<16xf32>,
      tpu.vector_store %arg11[%swap3A, %swap3A_1402], %broadcast_in_dim3A_1401 {strides = array<i32>} : memref<25x128xf32, #tpu.memory_space<vmem>>, vector<16xf32>,
      %broadcast_in_dim3A_1404 = arith.constant 0.000000e+00 : f32
      %broadcast_in_dim3A_1405 = vector.broadcast %broadcast_in_dim3A_1404 : f32 to vector<16xf32>
      %swap3A_1406 = arith.index_cast %scan3A_1400 : i32 to index
      %swap3A_1407 = arith.constant 16 : index
      %swap3A_1408 = tpu.vector_load %arg11[%swap3A_1406, %swap3A_1407] {strides = array<i32>} : memref<25x128xf32, #tpu.memory_space<vmem>>, vector<16xf32>,
      tpu.vector_store %arg11[%swap3A_1406, %swap3A_1407], %broadcast_in_dim3A_1405 {strides = array<i32>} : memref<25x128xf32, #tpu.memory_space<vmem>>, vector<16xf32>,
      %broadcast_in_dim3A_1409 = arith.constant 0.000000e+00 : f32
      %broadcast_in_dim3A_1410 = vector.broadcast %broadcast_in_dim3A_1409 : f32 to vector<16xf32>
      %swap3A_1411 = arith.index_cast %scan3A_1400 : i32 to index
      %swap3A_1412 = arith.constant 32 : index
      %swap3A_1413 = tpu.vector_load %arg11[%swap3A_1411, %swap3A_1412] {strides = array<i32>} : memref<25x128xf32, #tpu.memory_space<vmem>>, vector<16xf32>,
      tpu.vector_store %arg11[%swap3A_1411, %swap3A_1412], %broadcast_in_dim3A_1410 {strides = array<i32>} : memref<25x128xf32, #tpu.memory_space<vmem>>, vector<16xf32>,
      %broadcast_in_dim3A_1414 = arith.constant 0.000000e+00 : f32
      %broadcast_in_dim3A_1415 = vector.broadcast %broadcast_in_dim3A_1414 : f32 to vector<16xf32>
      %swap3A_1416 = arith.index_cast %scan3A_1400 : i32 to index
      %swap3A_1417 = arith.constant 48 : index
      %swap3A_1418 = tpu.vector_load %arg11[%swap3A_1416, %swap3A_1417] {strides = array<i32>} : memref<25x128xf32, #tpu.memory_space<vmem>>, vector<16xf32>,
      tpu.vector_store %arg11[%swap3A_1416, %swap3A_1417], %broadcast_in_dim3A_1415 {strides = array<i32>} : memref<25x128xf32, #tpu.memory_space<vmem>>, vector<16xf32>,
      %broadcast_in_dim3A_1419 = arith.constant 0.000000e+00 : f32
      %broadcast_in_dim3A_1420 = vector.broadcast %broadcast_in_dim3A_1419 : f32 to vector<16xf32>
      %swap3A_1421 = arith.index_cast %scan3A_1400 : i32 to index
      %swap3A_1422 = arith.constant 64 : index
      %swap3A_1423 = tpu.vector_load %arg11[%swap3A_1421, %swap3A_1422] {strides = array<i32>} : memref<25x128xf32, #tpu.memory_space<vmem>>, vector<16xf32>,
      tpu.vector_store %arg11[%swap3A_1421, %swap3A_1422], %broadcast_in_dim3A_1420 {strides = array<i32>} : memref<25x128xf32, #tpu.memory_space<vmem>>, vector<16xf32>,
      %broadcast_in_dim3A_1424 = arith.constant 0.000000e+00 : f32
      %broadcast_in_dim3A_1425 = vector.broadcast %broadcast_in_dim3A_1424 : f32 to vector<16xf32>
      %swap3A_1426 = arith.index_cast %scan3A_1400 : i32 to index
      %swap3A_1427 = arith.constant 80 : index
      %swap3A_1428 = tpu.vector_load %arg11[%swap3A_1426, %swap3A_1427] {strides = array<i32>} : memref<25x128xf32, #tpu.memory_space<vmem>>, vector<16xf32>,
      tpu.vector_store %arg11[%swap3A_1426, %swap3A_1427], %broadcast_in_dim3A_1425 {strides = array<i32>} : memref<25x128xf32, #tpu.memory_space<vmem>>, vector<16xf32>,
      %broadcast_in_dim3A_1429 = arith.constant 0.000000e+00 : f32
      %broadcast_in_dim3A_1430 = vector.broadcast %broadcast_in_dim3A_1429 : f32 to vector<16xf32>
      %swap3A_1431 = arith.index_cast %scan3A_1400 : i32 to index
      %swap3A_1432 = arith.constant 96 : index
      %swap3A_1433 = tpu.vector_load %arg11[%swap3A_1431, %swap3A_1432] {strides = array<i32>} : memref<25x128xf32, #tpu.memory_space<vmem>>, vector<16xf32>,
      tpu.vector_store %arg11[%swap3A_1431, %swap3A_1432], %broadcast_in_dim3A_1430 {strides = array<i32>} : memref<25x128xf32, #tpu.memory_space<vmem>>, vector<16xf32>,
      %broadcast_in_dim3A_1434 = arith.constant 0.000000e+00 : f32
      %broadcast_in_dim3A_1435 = vector.broadcast %broadcast_in_dim3A_1434 : f32 to vector<16xf32>
      %swap3A_1436 = arith.index_cast %scan3A_1400 : i32 to index
      %swap3A_1437 = arith.constant 112 : index
      %swap3A_1438 = tpu.vector_load %arg11[%swap3A_1436, %swap3A_1437] {strides = array<i32>} : memref<25x128xf32, #tpu.memory_space<vmem>>, vector<16xf32>,
      tpu.vector_store %arg11[%swap3A_1436, %swap3A_1437], %broadcast_in_dim3A_1435 {strides = array<i32>} : memref<25x128xf32, #tpu.memory_space<vmem>>, vector<16xf32>,
    }
    %scan3A_5 = arith.constant 25 : i32
    %mul3A_6 = arith.constant 625 : i32
    %mul3A_7 = arith.muli %arg1, %mul3A_6 : i32
    %add3A_8 = arith.constant 0 : i32
    %add3A_9 = arith.addi %mul3A_7, %add3A_8 : i32
    %dma_start3A = arith.constant 0 : i32
    %dma_start3A_10 = tpu.memref_slice %arg12[%add3A_9, %dma_start3A] : memref<10000x128xf32, #tpu.memory_space<vmem_shared>> -> memref<25x128xf32, #tpu.memory_space<vmem_shared>>
    %dma_start3A_11 = arith.constant 0 : i32
    %dma_start3A_12 = tpu.memref_slice %arg12[%add3A_9, %dma_start3A_11] : memref<10000x128xf32, #tpu.memory_space<vmem_shared>> -> memref<25x128xf32, #tpu.memory_space<vmem_shared>>
    tpu.enqueue_dma source(%arg11 : memref<25x128xf32, #tpu.memory_space<vmem>>) target(%dma_start3A_12 : memref<25x128xf32, #tpu.memory_space<vmem_shared>>) target_semaphore(%arg16 : memref<!tpu.dma_semaphore, #tpu.memory_space<semaphore_mem>>)
    %mul3A_13 = arith.constant 625 : i32
    %mul3A_14 = arith.muli %arg1, %mul3A_13 : i32
    %add3A_15 = arith.constant 25 : i32
    %add3A_16 = arith.addi %mul3A_14, %add3A_15 : i32
    %dma_start3A_17 = arith.constant 0 : i32
    %dma_start3A_18 = tpu.memref_slice %arg12[%add3A_16, %dma_start3A_17] : memref<10000x128xf32, #tpu.memory_space<vmem_shared>> -> memref<25x128xf32, #tpu.memory_space<vmem_shared>>
    %dma_start3A_19 = arith.constant 0 : i32
    %dma_start3A_20 = tpu.memref_slice %arg12[%add3A_16, %dma_start3A_19] : memref<10000x128xf32, #tpu.memory_space<vmem_shared>> -> memref<25x128xf32, #tpu.memory_space<vmem_shared>>
    tpu.enqueue_dma source(%arg11 : memref<25x128xf32, #tpu.memory_space<vmem>>) target(%dma_start3A_20 : memref<25x128xf32, #tpu.memory_space<vmem_shared>>) target_semaphore(%arg16 : memref<!tpu.dma_semaphore, #tpu.memory_space<semaphore_mem>>)
    %mul3A_21 = arith.constant 625 : i32
    %mul3A_22 = arith.muli %arg1, %mul3A_21 : i32
    %add3A_23 = arith.constant 50 : i32
    %add3A_24 = arith.addi %mul3A_22, %add3A_23 : i32
    %dma_start3A_25 = arith.constant 0 : i32
    %dma_start3A_26 = tpu.memref_slice %arg12[%add3A_24, %dma_start3A_25] : memref<10000x128xf32, #tpu.memory_space<vmem_shared>> -> memref<25x128xf32, #tpu.memory_space<vmem_shared>>
    %dma_start3A_27 = arith.constant 0 : i32
    %dma_start3A_28 = tpu.memref_slice %arg12[%add3A_24, %dma_start3A_27] : memref<10000x128xf32, #tpu.memory_space<vmem_shared>> -> memref<25x128xf32, #tpu.memory_space<vmem_shared>>
    tpu.enqueue_dma source(%arg11 : memref<25x128xf32, #tpu.memory_space<vmem>>) target(%dma_start3A_28 : memref<25x128xf32, #tpu.memory_space<vmem_shared>>) target_semaphore(%arg16 : memref<!tpu.dma_semaphore, #tpu.memory_space<semaphore_mem>>)
    %mul3A_29 = arith.constant 625 : i32
    %mul3A_30 = arith.muli %arg1, %mul3A_29 : i32
    %add3A_31 = arith.constant 75 : i32
    %add3A_32 = arith.addi %mul3A_30, %add3A_31 : i32
    %dma_start3A_33 = arith.constant 0 : i32
    %dma_start3A_34 = tpu.memref_slice %arg12[%add3A_32, %dma_start3A_33] : memref<10000x128xf32, #tpu.memory_space<vmem_shared>> -> memref<25x128xf32, #tpu.memory_space<vmem_shared>>
    %dma_start3A_35 = arith.constant 0 : i32
    %dma_start3A_36 = tpu.memref_slice %arg12[%add3A_32, %dma_start3A_35] : memref<10000x128xf32, #tpu.memory_space<vmem_shared>> -> memref<25x128xf32, #tpu.memory_space<vmem_shared>>
    tpu.enqueue_dma source(%arg11 : memref<25x128xf32, #tpu.memory_space<vmem>>) target(%dma_start3A_36 : memref<25x128xf32, #tpu.memory_space<vmem_shared>>) target_semaphore(%arg16 : memref<!tpu.dma_semaphore, #tpu.memory_space<semaphore_mem>>)
    %mul3A_37 = arith.constant 625 : i32
    %mul3A_38 = arith.muli %arg1, %mul3A_37 : i32
    %add3A_39 = arith.constant 100 : i32
    %add3A_40 = arith.addi %mul3A_38, %add3A_39 : i32
    %dma_start3A_41 = arith.constant 0 : i32
    %dma_start3A_42 = tpu.memref_slice %arg12[%add3A_40, %dma_start3A_41] : memref<10000x128xf32, #tpu.memory_space<vmem_shared>> -> memref<25x128xf32, #tpu.memory_space<vmem_shared>>
    %dma_start3A_43 = arith.constant 0 : i32
    %dma_start3A_44 = tpu.memref_slice %arg12[%add3A_40, %dma_start3A_43] : memref<10000x128xf32, #tpu.memory_space<vmem_shared>> -> memref<25x128xf32, #tpu.memory_space<vmem_shared>>
    tpu.enqueue_dma source(%arg11 : memref<25x128xf32, #tpu.memory_space<vmem>>) target(%dma_start3A_44 : memref<25x128xf32, #tpu.memory_space<vmem_shared>>) target_semaphore(%arg16 : memref<!tpu.dma_semaphore, #tpu.memory_space<semaphore_mem>>)
    %mul3A_45 = arith.constant 625 : i32
    %mul3A_46 = arith.muli %arg1, %mul3A_45 : i32
    %add3A_47 = arith.constant 125 : i32
    %add3A_48 = arith.addi %mul3A_46, %add3A_47 : i32
    %dma_start3A_49 = arith.constant 0 : i32
    %dma_start3A_50 = tpu.memref_slice %arg12[%add3A_48, %dma_start3A_49] : memref<10000x128xf32, #tpu.memory_space<vmem_shared>> -> memref<25x128xf32, #tpu.memory_space<vmem_shared>>
    %dma_start3A_51 = arith.constant 0 : i32
    %dma_start3A_52 = tpu.memref_slice %arg12[%add3A_48, %dma_start3A_51] : memref<10000x128xf32, #tpu.memory_space<vmem_shared>> -> memref<25x128xf32, #tpu.memory_space<vmem_shared>>
    tpu.enqueue_dma source(%arg11 : memref<25x128xf32, #tpu.memory_space<vmem>>) target(%dma_start3A_52 : memref<25x128xf32, #tpu.memory_space<vmem_shared>>) target_semaphore(%arg16 : memref<!tpu.dma_semaphore, #tpu.memory_space<semaphore_mem>>)
    %mul3A_53 = arith.constant 625 : i32
    %mul3A_54 = arith.muli %arg1, %mul3A_53 : i32
    %add3A_55 = arith.constant 150 : i32
    %add3A_56 = arith.addi %mul3A_54, %add3A_55 : i32
    %dma_start3A_57 = arith.constant 0 : i32
    %dma_start3A_58 = tpu.memref_slice %arg12[%add3A_56, %dma_start3A_57] : memref<10000x128xf32, #tpu.memory_space<vmem_shared>> -> memref<25x128xf32, #tpu.memory_space<vmem_shared>>
    %dma_start3A_59 = arith.constant 0 : i32
    %dma_start3A_60 = tpu.memref_slice %arg12[%add3A_56, %dma_start3A_59] : memref<10000x128xf32, #tpu.memory_space<vmem_shared>> -> memref<25x128xf32, #tpu.memory_space<vmem_shared>>
    tpu.enqueue_dma source(%arg11 : memref<25x128xf32, #tpu.memory_space<vmem>>) target(%dma_start3A_60 : memref<25x128xf32, #tpu.memory_space<vmem_shared>>) target_semaphore(%arg16 : memref<!tpu.dma_semaphore, #tpu.memory_space<semaphore_mem>>)
    %mul3A_61 = arith.constant 625 : i32
    %mul3A_62 = arith.muli %arg1, %mul3A_61 : i32
    %add3A_63 = arith.constant 175 : i32
    %add3A_64 = arith.addi %mul3A_62, %add3A_63 : i32
    %dma_start3A_65 = arith.constant 0 : i32
    %dma_start3A_66 = tpu.memref_slice %arg12[%add3A_64, %dma_start3A_65] : memref<10000x128xf32, #tpu.memory_space<vmem_shared>> -> memref<25x128xf32, #tpu.memory_space<vmem_shared>>
    %dma_start3A_67 = arith.constant 0 : i32
    %dma_start3A_68 = tpu.memref_slice %arg12[%add3A_64, %dma_start3A_67] : memref<10000x128xf32, #tpu.memory_space<vmem_shared>> -> memref<25x128xf32, #tpu.memory_space<vmem_shared>>
    tpu.enqueue_dma source(%arg11 : memref<25x128xf32, #tpu.memory_space<vmem>>) target(%dma_start3A_68 : memref<25x128xf32, #tpu.memory_space<vmem_shared>>) target_semaphore(%arg16 : memref<!tpu.dma_semaphore, #tpu.memory_space<semaphore_mem>>)
    %mul3A_69 = arith.constant 625 : i32
    %mul3A_70 = arith.muli %arg1, %mul3A_69 : i32
    %add3A_71 = arith.constant 200 : i32
    %add3A_72 = arith.addi %mul3A_70, %add3A_71 : i32
    %dma_start3A_73 = arith.constant 0 : i32
    %dma_start3A_74 = tpu.memref_slice %arg12[%add3A_72, %dma_start3A_73] : memref<10000x128xf32, #tpu.memory_space<vmem_shared>> -> memref<25x128xf32, #tpu.memory_space<vmem_shared>>
    %dma_start3A_75 = arith.constant 0 : i32
    %dma_start3A_76 = tpu.memref_slice %arg12[%add3A_72, %dma_start3A_75] : memref<10000x128xf32, #tpu.memory_space<vmem_shared>> -> memref<25x128xf32, #tpu.memory_space<vmem_shared>>
    tpu.enqueue_dma source(%arg11 : memref<25x128xf32, #tpu.memory_space<vmem>>) target(%dma_start3A_76 : memref<25x128xf32, #tpu.memory_space<vmem_shared>>) target_semaphore(%arg16 : memref<!tpu.dma_semaphore, #tpu.memory_space<semaphore_mem>>)
    %mul3A_77 = arith.constant 625 : i32
    %mul3A_78 = arith.muli %arg1, %mul3A_77 : i32
    %add3A_79 = arith.constant 225 : i32
    %add3A_80 = arith.addi %mul3A_78, %add3A_79 : i32
    %dma_start3A_81 = arith.constant 0 : i32
    %dma_start3A_82 = tpu.memref_slice %arg12[%add3A_80, %dma_start3A_81] : memref<10000x128xf32, #tpu.memory_space<vmem_shared>> -> memref<25x128xf32, #tpu.memory_space<vmem_shared>>
    %dma_start3A_83 = arith.constant 0 : i32
    %dma_start3A_84 = tpu.memref_slice %arg12[%add3A_80, %dma_start3A_83] : memref<10000x128xf32, #tpu.memory_space<vmem_shared>> -> memref<25x128xf32, #tpu.memory_space<vmem_shared>>
    tpu.enqueue_dma source(%arg11 : memref<25x128xf32, #tpu.memory_space<vmem>>) target(%dma_start3A_84 : memref<25x128xf32, #tpu.memory_space<vmem_shared>>) target_semaphore(%arg16 : memref<!tpu.dma_semaphore, #tpu.memory_space<semaphore_mem>>)
    %mul3A_85 = arith.constant 625 : i32
    %mul3A_86 = arith.muli %arg1, %mul3A_85 : i32
    %add3A_87 = arith.constant 250 : i32
    %add3A_88 = arith.addi %mul3A_86, %add3A_87 : i32
    %dma_start3A_89 = arith.constant 0 : i32
    %dma_start3A_90 = tpu.memref_slice %arg12[%add3A_88, %dma_start3A_89] : memref<10000x128xf32, #tpu.memory_space<vmem_shared>> -> memref<25x128xf32, #tpu.memory_space<vmem_shared>>
    %dma_start3A_91 = arith.constant 0 : i32
    %dma_start3A_92 = tpu.memref_slice %arg12[%add3A_88, %dma_start3A_91] : memref<10000x128xf32, #tpu.memory_space<vmem_shared>> -> memref<25x128xf32, #tpu.memory_space<vmem_shared>>
    tpu.enqueue_dma source(%arg11 : memref<25x128xf32, #tpu.memory_space<vmem>>) target(%dma_start3A_92 : memref<25x128xf32, #tpu.memory_space<vmem_shared>>) target_semaphore(%arg16 : memref<!tpu.dma_semaphore, #tpu.memory_space<semaphore_mem>>)
    %mul3A_93 = arith.constant 625 : i32
    %mul3A_94 = arith.muli %arg1, %mul3A_93 : i32
    %add3A_95 = arith.constant 275 : i32
    %add3A_96 = arith.addi %mul3A_94, %add3A_95 : i32
    %dma_start3A_97 = arith.constant 0 : i32
    %dma_start3A_98 = tpu.memref_slice %arg12[%add3A_96, %dma_start3A_97] : memref<10000x128xf32, #tpu.memory_space<vmem_shared>> -> memref<25x128xf32, #tpu.memory_space<vmem_shared>>
    %dma_start3A_99 = arith.constant 0 : i32
    %dma_start3A_100 = tpu.memref_slice %arg12[%add3A_96, %dma_start3A_99] : memref<10000x128xf32, #tpu.memory_space<vmem_shared>> -> memref<25x128xf32, #tpu.memory_space<vmem_shared>>
    tpu.enqueue_dma source(%arg11 : memref<25x128xf32, #tpu.memory_space<vmem>>) target(%dma_start3A_100 : memref<25x128xf32, #tpu.memory_space<vmem_shared>>) target_semaphore(%arg16 : memref<!tpu.dma_semaphore, #tpu.memory_space<semaphore_mem>>)
    %mul3A_101 = arith.constant 625 : i32
    %mul3A_102 = arith.muli %arg1, %mul3A_101 : i32
    %add3A_103 = arith.constant 300 : i32
    %add3A_104 = arith.addi %mul3A_102, %add3A_103 : i32
    %dma_start3A_105 = arith.constant 0 : i32
    %dma_start3A_106 = tpu.memref_slice %arg12[%add3A_104, %dma_start3A_105] : memref<10000x128xf32, #tpu.memory_space<vmem_shared>> -> memref<25x128xf32, #tpu.memory_space<vmem_shared>>
    %dma_start3A_107 = arith.constant 0 : i32
    %dma_start3A_108 = tpu.memref_slice %arg12[%add3A_104, %dma_start3A_107] : memref<10000x128xf32, #tpu.memory_space<vmem_shared>> -> memref<25x128xf32, #tpu.memory_space<vmem_shared>>
    tpu.enqueue_dma source(%arg11 : memref<25x128xf32, #tpu.memory_space<vmem>>) target(%dma_start3A_108 : memref<25x128xf32, #tpu.memory_space<vmem_shared>>) target_semaphore(%arg16 : memref<!tpu.dma_semaphore, #tpu.memory_space<semaphore_mem>>)
    %mul3A_109 = arith.constant 625 : i32
    %mul3A_110 = arith.muli %arg1, %mul3A_109 : i32
    %add3A_111 = arith.constant 325 : i32
    %add3A_112 = arith.addi %mul3A_110, %add3A_111 : i32
    %dma_start3A_113 = arith.constant 0 : i32
    %dma_start3A_114 = tpu.memref_slice %arg12[%add3A_112, %dma_start3A_113] : memref<10000x128xf32, #tpu.memory_space<vmem_shared>> -> memref<25x128xf32, #tpu.memory_space<vmem_shared>>
    %dma_start3A_115 = arith.constant 0 : i32
    %dma_start3A_116 = tpu.memref_slice %arg12[%add3A_112, %dma_start3A_115] : memref<10000x128xf32, #tpu.memory_space<vmem_shared>> -> memref<25x128xf32, #tpu.memory_space<vmem_shared>>
    tpu.enqueue_dma source(%arg11 : memref<25x128xf32, #tpu.memory_space<vmem>>) target(%dma_start3A_116 : memref<25x128xf32, #tpu.memory_space<vmem_shared>>) target_semaphore(%arg16 : memref<!tpu.dma_semaphore, #tpu.memory_space<semaphore_mem>>)
    %mul3A_117 = arith.constant 625 : i32
    %mul3A_118 = arith.muli %arg1, %mul3A_117 : i32
    %add3A_119 = arith.constant 350 : i32
    %add3A_120 = arith.addi %mul3A_118, %add3A_119 : i32
    %dma_start3A_121 = arith.constant 0 : i32
    %dma_start3A_122 = tpu.memref_slice %arg12[%add3A_120, %dma_start3A_121] : memref<10000x128xf32, #tpu.memory_space<vmem_shared>> -> memref<25x128xf32, #tpu.memory_space<vmem_shared>>
    %dma_start3A_123 = arith.constant 0 : i32
    %dma_start3A_124 = tpu.memref_slice %arg12[%add3A_120, %dma_start3A_123] : memref<10000x128xf32, #tpu.memory_space<vmem_shared>> -> memref<25x128xf32, #tpu.memory_space<vmem_shared>>
    tpu.enqueue_dma source(%arg11 : memref<25x128xf32, #tpu.memory_space<vmem>>) target(%dma_start3A_124 : memref<25x128xf32, #tpu.memory_space<vmem_shared>>) target_semaphore(%arg16 : memref<!tpu.dma_semaphore, #tpu.memory_space<semaphore_mem>>)
    %mul3A_125 = arith.constant 625 : i32
    %mul3A_126 = arith.muli %arg1, %mul3A_125 : i32
    %add3A_127 = arith.constant 375 : i32
    %add3A_128 = arith.addi %mul3A_126, %add3A_127 : i32
    %dma_start3A_129 = arith.constant 0 : i32
    %dma_start3A_130 = tpu.memref_slice %arg12[%add3A_128, %dma_start3A_129] : memref<10000x128xf32, #tpu.memory_space<vmem_shared>> -> memref<25x128xf32, #tpu.memory_space<vmem_shared>>
    %dma_start3A_131 = arith.constant 0 : i32
    %dma_start3A_132 = tpu.memref_slice %arg12[%add3A_128, %dma_start3A_131] : memref<10000x128xf32, #tpu.memory_space<vmem_shared>> -> memref<25x128xf32, #tpu.memory_space<vmem_shared>>
    tpu.enqueue_dma source(%arg11 : memref<25x128xf32, #tpu.memory_space<vmem>>) target(%dma_start3A_132 : memref<25x128xf32, #tpu.memory_space<vmem_shared>>) target_semaphore(%arg16 : memref<!tpu.dma_semaphore, #tpu.memory_space<semaphore_mem>>)
    %mul3A_133 = arith.constant 625 : i32
    %mul3A_134 = arith.muli %arg1, %mul3A_133 : i32
    %add3A_135 = arith.constant 400 : i32
    %add3A_136 = arith.addi %mul3A_134, %add3A_135 : i32
    %dma_start3A_137 = arith.constant 0 : i32
    %dma_start3A_138 = tpu.memref_slice %arg12[%add3A_136, %dma_start3A_137] : memref<10000x128xf32, #tpu.memory_space<vmem_shared>> -> memref<25x128xf32, #tpu.memory_space<vmem_shared>>
    %dma_start3A_139 = arith.constant 0 : i32
    %dma_start3A_140 = tpu.memref_slice %arg12[%add3A_136, %dma_start3A_139] : memref<10000x128xf32, #tpu.memory_space<vmem_shared>> -> memref<25x128xf32, #tpu.memory_space<vmem_shared>>
    tpu.enqueue_dma source(%arg11 : memref<25x128xf32, #tpu.memory_space<vmem>>) target(%dma_start3A_140 : memref<25x128xf32, #tpu.memory_space<vmem_shared>>) target_semaphore(%arg16 : memref<!tpu.dma_semaphore, #tpu.memory_space<semaphore_mem>>)
    %mul3A_141 = arith.constant 625 : i32
    %mul3A_142 = arith.muli %arg1, %mul3A_141 : i32
    %add3A_143 = arith.constant 425 : i32
    %add3A_144 = arith.addi %mul3A_142, %add3A_143 : i32
    %dma_start3A_145 = arith.constant 0 : i32
    %dma_start3A_146 = tpu.memref_slice %arg12[%add3A_144, %dma_start3A_145] : memref<10000x128xf32, #tpu.memory_space<vmem_shared>> -> memref<25x128xf32, #tpu.memory_space<vmem_shared>>
    %dma_start3A_147 = arith.constant 0 : i32
    %dma_start3A_148 = tpu.memref_slice %arg12[%add3A_144, %dma_start3A_147] : memref<10000x128xf32, #tpu.memory_space<vmem_shared>> -> memref<25x128xf32, #tpu.memory_space<vmem_shared>>
    tpu.enqueue_dma source(%arg11 : memref<25x128xf32, #tpu.memory_space<vmem>>) target(%dma_start3A_148 : memref<25x128xf32, #tpu.memory_space<vmem_shared>>) target_semaphore(%arg16 : memref<!tpu.dma_semaphore, #tpu.memory_space<semaphore_mem>>)
    %mul3A_149 = arith.constant 625 : i32
    %mul3A_150 = arith.muli %arg1, %mul3A_149 : i32
    %add3A_151 = arith.constant 450 : i32
    %add3A_152 = arith.addi %mul3A_150, %add3A_151 : i32
    %dma_start3A_153 = arith.constant 0 : i32
    %dma_start3A_154 = tpu.memref_slice %arg12[%add3A_152, %dma_start3A_153] : memref<10000x128xf32, #tpu.memory_space<vmem_shared>> -> memref<25x128xf32, #tpu.memory_space<vmem_shared>>
    %dma_start3A_155 = arith.constant 0 : i32
    %dma_start3A_156 = tpu.memref_slice %arg12[%add3A_152, %dma_start3A_155] : memref<10000x128xf32, #tpu.memory_space<vmem_shared>> -> memref<25x128xf32, #tpu.memory_space<vmem_shared>>
    tpu.enqueue_dma source(%arg11 : memref<25x128xf32, #tpu.memory_space<vmem>>) target(%dma_start3A_156 : memref<25x128xf32, #tpu.memory_space<vmem_shared>>) target_semaphore(%arg16 : memref<!tpu.dma_semaphore, #tpu.memory_space<semaphore_mem>>)
    %mul3A_157 = arith.constant 625 : i32
    %mul3A_158 = arith.muli %arg1, %mul3A_157 : i32
    %add3A_159 = arith.constant 475 : i32
    %add3A_160 = arith.addi %mul3A_158, %add3A_159 : i32
    %dma_start3A_161 = arith.constant 0 : i32
    %dma_start3A_162 = tpu.memref_slice %arg12[%add3A_160, %dma_start3A_161] : memref<10000x128xf32, #tpu.memory_space<vmem_shared>> -> memref<25x128xf32, #tpu.memory_space<vmem_shared>>
    %dma_start3A_163 = arith.constant 0 : i32
    %dma_start3A_164 = tpu.memref_slice %arg12[%add3A_160, %dma_start3A_163] : memref<10000x128xf32, #tpu.memory_space<vmem_shared>> -> memref<25x128xf32, #tpu.memory_space<vmem_shared>>
    tpu.enqueue_dma source(%arg11 : memref<25x128xf32, #tpu.memory_space<vmem>>) target(%dma_start3A_164 : memref<25x128xf32, #tpu.memory_space<vmem_shared>>) target_semaphore(%arg16 : memref<!tpu.dma_semaphore, #tpu.memory_space<semaphore_mem>>)
    %mul3A_165 = arith.constant 625 : i32
    %mul3A_166 = arith.muli %arg1, %mul3A_165 : i32
    %add3A_167 = arith.constant 500 : i32
    %add3A_168 = arith.addi %mul3A_166, %add3A_167 : i32
    %dma_start3A_169 = arith.constant 0 : i32
    %dma_start3A_170 = tpu.memref_slice %arg12[%add3A_168, %dma_start3A_169] : memref<10000x128xf32, #tpu.memory_space<vmem_shared>> -> memref<25x128xf32, #tpu.memory_space<vmem_shared>>
    %dma_start3A_171 = arith.constant 0 : i32
    %dma_start3A_172 = tpu.memref_slice %arg12[%add3A_168, %dma_start3A_171] : memref<10000x128xf32, #tpu.memory_space<vmem_shared>> -> memref<25x128xf32, #tpu.memory_space<vmem_shared>>
    tpu.enqueue_dma source(%arg11 : memref<25x128xf32, #tpu.memory_space<vmem>>) target(%dma_start3A_172 : memref<25x128xf32, #tpu.memory_space<vmem_shared>>) target_semaphore(%arg16 : memref<!tpu.dma_semaphore, #tpu.memory_space<semaphore_mem>>)
    %mul3A_173 = arith.constant 625 : i32
    %mul3A_174 = arith.muli %arg1, %mul3A_173 : i32
    %add3A_175 = arith.constant 525 : i32
    %add3A_176 = arith.addi %mul3A_174, %add3A_175 : i32
    %dma_start3A_177 = arith.constant 0 : i32
    %dma_start3A_178 = tpu.memref_slice %arg12[%add3A_176, %dma_start3A_177] : memref<10000x128xf32, #tpu.memory_space<vmem_shared>> -> memref<25x128xf32, #tpu.memory_space<vmem_shared>>
    %dma_start3A_179 = arith.constant 0 : i32
    %dma_start3A_180 = tpu.memref_slice %arg12[%add3A_176, %dma_start3A_179] : memref<10000x128xf32, #tpu.memory_space<vmem_shared>> -> memref<25x128xf32, #tpu.memory_space<vmem_shared>>
    tpu.enqueue_dma source(%arg11 : memref<25x128xf32, #tpu.memory_space<vmem>>) target(%dma_start3A_180 : memref<25x128xf32, #tpu.memory_space<vmem_shared>>) target_semaphore(%arg16 : memref<!tpu.dma_semaphore, #tpu.memory_space<semaphore_mem>>)
    %mul3A_181 = arith.constant 625 : i32
    %mul3A_182 = arith.muli %arg1, %mul3A_181 : i32
    %add3A_183 = arith.constant 550 : i32
    %add3A_184 = arith.addi %mul3A_182, %add3A_183 : i32
    %dma_start3A_185 = arith.constant 0 : i32
    %dma_start3A_186 = tpu.memref_slice %arg12[%add3A_184, %dma_start3A_185] : memref<10000x128xf32, #tpu.memory_space<vmem_shared>> -> memref<25x128xf32, #tpu.memory_space<vmem_shared>>
    %dma_start3A_187 = arith.constant 0 : i32
    %dma_start3A_188 = tpu.memref_slice %arg12[%add3A_184, %dma_start3A_187] : memref<10000x128xf32, #tpu.memory_space<vmem_shared>> -> memref<25x128xf32, #tpu.memory_space<vmem_shared>>
    tpu.enqueue_dma source(%arg11 : memref<25x128xf32, #tpu.memory_space<vmem>>) target(%dma_start3A_188 : memref<25x128xf32, #tpu.memory_space<vmem_shared>>) target_semaphore(%arg16 : memref<!tpu.dma_semaphore, #tpu.memory_space<semaphore_mem>>)
    %mul3A_189 = arith.constant 625 : i32
    %mul3A_190 = arith.muli %arg1, %mul3A_189 : i32
    %add3A_191 = arith.constant 575 : i32
    %add3A_192 = arith.addi %mul3A_190, %add3A_191 : i32
    %dma_start3A_193 = arith.constant 0 : i32
    %dma_start3A_194 = tpu.memref_slice %arg12[%add3A_192, %dma_start3A_193] : memref<10000x128xf32, #tpu.memory_space<vmem_shared>> -> memref<25x128xf32, #tpu.memory_space<vmem_shared>>
    %dma_start3A_195 = arith.constant 0 : i32
    %dma_start3A_196 = tpu.memref_slice %arg12[%add3A_192, %dma_start3A_195] : memref<10000x128xf32, #tpu.memory_space<vmem_shared>> -> memref<25x128xf32, #tpu.memory_space<vmem_shared>>
    tpu.enqueue_dma source(%arg11 : memref<25x128xf32, #tpu.memory_space<vmem>>) target(%dma_start3A_196 : memref<25x128xf32, #tpu.memory_space<vmem_shared>>) target_semaphore(%arg16 : memref<!tpu.dma_semaphore, #tpu.memory_space<semaphore_mem>>)
    %mul3A_197 = arith.constant 625 : i32
    %mul3A_198 = arith.muli %arg1, %mul3A_197 : i32
    %add3A_199 = arith.constant 600 : i32
    %add3A_200 = arith.addi %mul3A_198, %add3A_199 : i32
    %dma_start3A_201 = arith.constant 0 : i32
    %dma_start3A_202 = tpu.memref_slice %arg12[%add3A_200, %dma_start3A_201] : memref<10000x128xf32, #tpu.memory_space<vmem_shared>> -> memref<25x128xf32, #tpu.memory_space<vmem_shared>>
    %dma_start3A_203 = arith.constant 0 : i32
    %dma_start3A_204 = tpu.memref_slice %arg12[%add3A_200, %dma_start3A_203] : memref<10000x128xf32, #tpu.memory_space<vmem_shared>> -> memref<25x128xf32, #tpu.memory_space<vmem_shared>>
    tpu.enqueue_dma source(%arg11 : memref<25x128xf32, #tpu.memory_space<vmem>>) target(%dma_start3A_204 : memref<25x128xf32, #tpu.memory_space<vmem_shared>>) target_semaphore(%arg16 : memref<!tpu.dma_semaphore, #tpu.memory_space<semaphore_mem>>)
    %mul3A_205 = arith.constant 625 : i32
    %mul3A_206 = arith.muli %arg1, %mul3A_205 : i32
    %add3A_207 = arith.constant 0 : i32
    %add3A_208 = arith.addi %mul3A_206, %add3A_207 : i32
    %dma_wait3A = arith.constant 0 : i32
    %dma_wait3A_209 = tpu.memref_slice %arg12[%add3A_208, %dma_wait3A] : memref<10000x128xf32, #tpu.memory_space<vmem_shared>> -> memref<25x128xf32, #tpu.memory_space<vmem_shared>>
    %dma_wait3A_210 = arith.constant 0 : i32
    %dma_wait3A_211 = tpu.memref_slice %arg12[%add3A_208, %dma_wait3A_210] : memref<10000x128xf32, #tpu.memory_space<vmem_shared>> -> memref<25x128xf32, #tpu.memory_space<vmem_shared>>
    tpu.wait_dma2 semaphore(%arg16 : memref<!tpu.dma_semaphore, #tpu.memory_space<semaphore_mem>>) src(%arg11 : memref<25x128xf32, #tpu.memory_space<vmem>>) dst(%dma_wait3A_211 : memref<25x128xf32, #tpu.memory_space<vmem_shared>>)
    %mul3A_212 = arith.constant 625 : i32
    %mul3A_213 = arith.muli %arg1, %mul3A_212 : i32
    %add3A_214 = arith.constant 25 : i32
    %add3A_215 = arith.addi %mul3A_213, %add3A_214 : i32
    %dma_wait3A_216 = arith.constant 0 : i32
    %dma_wait3A_217 = tpu.memref_slice %arg12[%add3A_215, %dma_wait3A_216] : memref<10000x128xf32, #tpu.memory_space<vmem_shared>> -> memref<25x128xf32, #tpu.memory_space<vmem_shared>>
    %dma_wait3A_218 = arith.constant 0 : i32
    %dma_wait3A_219 = tpu.memref_slice %arg12[%add3A_215, %dma_wait3A_218] : memref<10000x128xf32, #tpu.memory_space<vmem_shared>> -> memref<25x128xf32, #tpu.memory_space<vmem_shared>>
    tpu.wait_dma2 semaphore(%arg16 : memref<!tpu.dma_semaphore, #tpu.memory_space<semaphore_mem>>) src(%arg11 : memref<25x128xf32, #tpu.memory_space<vmem>>) dst(%dma_wait3A_219 : memref<25x128xf32, #tpu.memory_space<vmem_shared>>)
    %mul3A_220 = arith.constant 625 : i32
    %mul3A_221 = arith.muli %arg1, %mul3A_220 : i32
    %add3A_222 = arith.constant 50 : i32
    %add3A_223 = arith.addi %mul3A_221, %add3A_222 : i32
    %dma_wait3A_224 = arith.constant 0 : i32
    %dma_wait3A_225 = tpu.memref_slice %arg12[%add3A_223, %dma_wait3A_224] : memref<10000x128xf32, #tpu.memory_space<vmem_shared>> -> memref<25x128xf32, #tpu.memory_space<vmem_shared>>
    %dma_wait3A_226 = arith.constant 0 : i32
    %dma_wait3A_227 = tpu.memref_slice %arg12[%add3A_223, %dma_wait3A_226] : memref<10000x128xf32, #tpu.memory_space<vmem_shared>> -> memref<25x128xf32, #tpu.memory_space<vmem_shared>>
    tpu.wait_dma2 semaphore(%arg16 : memref<!tpu.dma_semaphore, #tpu.memory_space<semaphore_mem>>) src(%arg11 : memref<25x128xf32, #tpu.memory_space<vmem>>) dst(%dma_wait3A_227 : memref<25x128xf32, #tpu.memory_space<vmem_shared>>)
    %mul3A_228 = arith.constant 625 : i32
    %mul3A_229 = arith.muli %arg1, %mul3A_228 : i32
    %add3A_230 = arith.constant 75 : i32
    %add3A_231 = arith.addi %mul3A_229, %add3A_230 : i32
    %dma_wait3A_232 = arith.constant 0 : i32
    %dma_wait3A_233 = tpu.memref_slice %arg12[%add3A_231, %dma_wait3A_232] : memref<10000x128xf32, #tpu.memory_space<vmem_shared>> -> memref<25x128xf32, #tpu.memory_space<vmem_shared>>
    %dma_wait3A_234 = arith.constant 0 : i32
    %dma_wait3A_235 = tpu.memref_slice %arg12[%add3A_231, %dma_wait3A_234] : memref<10000x128xf32, #tpu.memory_space<vmem_shared>> -> memref<25x128xf32, #tpu.memory_space<vmem_shared>>
    tpu.wait_dma2 semaphore(%arg16 : memref<!tpu.dma_semaphore, #tpu.memory_space<semaphore_mem>>) src(%arg11 : memref<25x128xf32, #tpu.memory_space<vmem>>) dst(%dma_wait3A_235 : memref<25x128xf32, #tpu.memory_space<vmem_shared>>)
    %mul3A_236 = arith.constant 625 : i32
    %mul3A_237 = arith.muli %arg1, %mul3A_236 : i32
    %add3A_238 = arith.constant 100 : i32
    %add3A_239 = arith.addi %mul3A_237, %add3A_238 : i32
    %dma_wait3A_240 = arith.constant 0 : i32
    %dma_wait3A_241 = tpu.memref_slice %arg12[%add3A_239, %dma_wait3A_240] : memref<10000x128xf32, #tpu.memory_space<vmem_shared>> -> memref<25x128xf32, #tpu.memory_space<vmem_shared>>
    %dma_wait3A_242 = arith.constant 0 : i32
    %dma_wait3A_243 = tpu.memref_slice %arg12[%add3A_239, %dma_wait3A_242] : memref<10000x128xf32, #tpu.memory_space<vmem_shared>> -> memref<25x128xf32, #tpu.memory_space<vmem_shared>>
    tpu.wait_dma2 semaphore(%arg16 : memref<!tpu.dma_semaphore, #tpu.memory_space<semaphore_mem>>) src(%arg11 : memref<25x128xf32, #tpu.memory_space<vmem>>) dst(%dma_wait3A_243 : memref<25x128xf32, #tpu.memory_space<vmem_shared>>)
    %mul3A_244 = arith.constant 625 : i32
    %mul3A_245 = arith.muli %arg1, %mul3A_244 : i32
    %add3A_246 = arith.constant 125 : i32
    %add3A_247 = arith.addi %mul3A_245, %add3A_246 : i32
    %dma_wait3A_248 = arith.constant 0 : i32
    %dma_wait3A_249 = tpu.memref_slice %arg12[%add3A_247, %dma_wait3A_248] : memref<10000x128xf32, #tpu.memory_space<vmem_shared>> -> memref<25x128xf32, #tpu.memory_space<vmem_shared>>
    %dma_wait3A_250 = arith.constant 0 : i32
    %dma_wait3A_251 = tpu.memref_slice %arg12[%add3A_247, %dma_wait3A_250] : memref<10000x128xf32, #tpu.memory_space<vmem_shared>> -> memref<25x128xf32, #tpu.memory_space<vmem_shared>>
    tpu.wait_dma2 semaphore(%arg16 : memref<!tpu.dma_semaphore, #tpu.memory_space<semaphore_mem>>) src(%arg11 : memref<25x128xf32, #tpu.memory_space<vmem>>) dst(%dma_wait3A_251 : memref<25x128xf32, #tpu.memory_space<vmem_shared>>)
    %mul3A_252 = arith.constant 625 : i32
    %mul3A_253 = arith.muli %arg1, %mul3A_252 : i32
    %add3A_254 = arith.constant 150 : i32
    %add3A_255 = arith.addi %mul3A_253, %add3A_254 : i32
    %dma_wait3A_256 = arith.constant 0 : i32
    %dma_wait3A_257 = tpu.memref_slice %arg12[%add3A_255, %dma_wait3A_256] : memref<10000x128xf32, #tpu.memory_space<vmem_shared>> -> memref<25x128xf32, #tpu.memory_space<vmem_shared>>
    %dma_wait3A_258 = arith.constant 0 : i32
    %dma_wait3A_259 = tpu.memref_slice %arg12[%add3A_255, %dma_wait3A_258] : memref<10000x128xf32, #tpu.memory_space<vmem_shared>> -> memref<25x128xf32, #tpu.memory_space<vmem_shared>>
    tpu.wait_dma2 semaphore(%arg16 : memref<!tpu.dma_semaphore, #tpu.memory_space<semaphore_mem>>) src(%arg11 : memref<25x128xf32, #tpu.memory_space<vmem>>) dst(%dma_wait3A_259 : memref<25x128xf32, #tpu.memory_space<vmem_shared>>)
    %mul3A_260 = arith.constant 625 : i32
    %mul3A_261 = arith.muli %arg1, %mul3A_260 : i32
    %add3A_262 = arith.constant 175 : i32
    %add3A_263 = arith.addi %mul3A_261, %add3A_262 : i32
    %dma_wait3A_264 = arith.constant 0 : i32
    %dma_wait3A_265 = tpu.memref_slice %arg12[%add3A_263, %dma_wait3A_264] : memref<10000x128xf32, #tpu.memory_space<vmem_shared>> -> memref<25x128xf32, #tpu.memory_space<vmem_shared>>
    %dma_wait3A_266 = arith.constant 0 : i32
    %dma_wait3A_267 = tpu.memref_slice %arg12[%add3A_263, %dma_wait3A_266] : memref<10000x128xf32, #tpu.memory_space<vmem_shared>> -> memref<25x128xf32, #tpu.memory_space<vmem_shared>>
    tpu.wait_dma2 semaphore(%arg16 : memref<!tpu.dma_semaphore, #tpu.memory_space<semaphore_mem>>) src(%arg11 : memref<25x128xf32, #tpu.memory_space<vmem>>) dst(%dma_wait3A_267 : memref<25x128xf32, #tpu.memory_space<vmem_shared>>)
    %mul3A_268 = arith.constant 625 : i32
    %mul3A_269 = arith.muli %arg1, %mul3A_268 : i32
    %add3A_270 = arith.constant 200 : i32
    %add3A_271 = arith.addi %mul3A_269, %add3A_270 : i32
    %dma_wait3A_272 = arith.constant 0 : i32
    %dma_wait3A_273 = tpu.memref_slice %arg12[%add3A_271, %dma_wait3A_272] : memref<10000x128xf32, #tpu.memory_space<vmem_shared>> -> memref<25x128xf32, #tpu.memory_space<vmem_shared>>
    %dma_wait3A_274 = arith.constant 0 : i32
    %dma_wait3A_275 = tpu.memref_slice %arg12[%add3A_271, %dma_wait3A_274] : memref<10000x128xf32, #tpu.memory_space<vmem_shared>> -> memref<25x128xf32, #tpu.memory_space<vmem_shared>>
    tpu.wait_dma2 semaphore(%arg16 : memref<!tpu.dma_semaphore, #tpu.memory_space<semaphore_mem>>) src(%arg11 : memref<25x128xf32, #tpu.memory_space<vmem>>) dst(%dma_wait3A_275 : memref<25x128xf32, #tpu.memory_space<vmem_shared>>)
    %mul3A_276 = arith.constant 625 : i32
    %mul3A_277 = arith.muli %arg1, %mul3A_276 : i32
    %add3A_278 = arith.constant 225 : i32
    %add3A_279 = arith.addi %mul3A_277, %add3A_278 : i32
    %dma_wait3A_280 = arith.constant 0 : i32
    %dma_wait3A_281 = tpu.memref_slice %arg12[%add3A_279, %dma_wait3A_280] : memref<10000x128xf32, #tpu.memory_space<vmem_shared>> -> memref<25x128xf32, #tpu.memory_space<vmem_shared>>
    %dma_wait3A_282 = arith.constant 0 : i32
    %dma_wait3A_283 = tpu.memref_slice %arg12[%add3A_279, %dma_wait3A_282] : memref<10000x128xf32, #tpu.memory_space<vmem_shared>> -> memref<25x128xf32, #tpu.memory_space<vmem_shared>>
    tpu.wait_dma2 semaphore(%arg16 : memref<!tpu.dma_semaphore, #tpu.memory_space<semaphore_mem>>) src(%arg11 : memref<25x128xf32, #tpu.memory_space<vmem>>) dst(%dma_wait3A_283 : memref<25x128xf32, #tpu.memory_space<vmem_shared>>)
    %mul3A_284 = arith.constant 625 : i32
    %mul3A_285 = arith.muli %arg1, %mul3A_284 : i32
    %add3A_286 = arith.constant 250 : i32
    %add3A_287 = arith.addi %mul3A_285, %add3A_286 : i32
    %dma_wait3A_288 = arith.constant 0 : i32
    %dma_wait3A_289 = tpu.memref_slice %arg12[%add3A_287, %dma_wait3A_288] : memref<10000x128xf32, #tpu.memory_space<vmem_shared>> -> memref<25x128xf32, #tpu.memory_space<vmem_shared>>
    %dma_wait3A_290 = arith.constant 0 : i32
    %dma_wait3A_291 = tpu.memref_slice %arg12[%add3A_287, %dma_wait3A_290] : memref<10000x128xf32, #tpu.memory_space<vmem_shared>> -> memref<25x128xf32, #tpu.memory_space<vmem_shared>>
    tpu.wait_dma2 semaphore(%arg16 : memref<!tpu.dma_semaphore, #tpu.memory_space<semaphore_mem>>) src(%arg11 : memref<25x128xf32, #tpu.memory_space<vmem>>) dst(%dma_wait3A_291 : memref<25x128xf32, #tpu.memory_space<vmem_shared>>)
    %mul3A_292 = arith.constant 625 : i32
    %mul3A_293 = arith.muli %arg1, %mul3A_292 : i32
    %add3A_294 = arith.constant 275 : i32
    %add3A_295 = arith.addi %mul3A_293, %add3A_294 : i32
    %dma_wait3A_296 = arith.constant 0 : i32
    %dma_wait3A_297 = tpu.memref_slice %arg12[%add3A_295, %dma_wait3A_296] : memref<10000x128xf32, #tpu.memory_space<vmem_shared>> -> memref<25x128xf32, #tpu.memory_space<vmem_shared>>
    %dma_wait3A_298 = arith.constant 0 : i32
    %dma_wait3A_299 = tpu.memref_slice %arg12[%add3A_295, %dma_wait3A_298] : memref<10000x128xf32, #tpu.memory_space<vmem_shared>> -> memref<25x128xf32, #tpu.memory_space<vmem_shared>>
    tpu.wait_dma2 semaphore(%arg16 : memref<!tpu.dma_semaphore, #tpu.memory_space<semaphore_mem>>) src(%arg11 : memref<25x128xf32, #tpu.memory_space<vmem>>) dst(%dma_wait3A_299 : memref<25x128xf32, #tpu.memory_space<vmem_shared>>)
    %mul3A_300 = arith.constant 625 : i32
    %mul3A_301 = arith.muli %arg1, %mul3A_300 : i32
    %add3A_302 = arith.constant 300 : i32
    %add3A_303 = arith.addi %mul3A_301, %add3A_302 : i32
    %dma_wait3A_304 = arith.constant 0 : i32
    %dma_wait3A_305 = tpu.memref_slice %arg12[%add3A_303, %dma_wait3A_304] : memref<10000x128xf32, #tpu.memory_space<vmem_shared>> -> memref<25x128xf32, #tpu.memory_space<vmem_shared>>
    %dma_wait3A_306 = arith.constant 0 : i32
    %dma_wait3A_307 = tpu.memref_slice %arg12[%add3A_303, %dma_wait3A_306] : memref<10000x128xf32, #tpu.memory_space<vmem_shared>> -> memref<25x128xf32, #tpu.memory_space<vmem_shared>>
    tpu.wait_dma2 semaphore(%arg16 : memref<!tpu.dma_semaphore, #tpu.memory_space<semaphore_mem>>) src(%arg11 : memref<25x128xf32, #tpu.memory_space<vmem>>) dst(%dma_wait3A_307 : memref<25x128xf32, #tpu.memory_space<vmem_shared>>)
    %mul3A_308 = arith.constant 625 : i32
    %mul3A_309 = arith.muli %arg1, %mul3A_308 : i32
    %add3A_310 = arith.constant 325 : i32
    %add3A_311 = arith.addi %mul3A_309, %add3A_310 : i32
    %dma_wait3A_312 = arith.constant 0 : i32
    %dma_wait3A_313 = tpu.memref_slice %arg12[%add3A_311, %dma_wait3A_312] : memref<10000x128xf32, #tpu.memory_space<vmem_shared>> -> memref<25x128xf32, #tpu.memory_space<vmem_shared>>
    %dma_wait3A_314 = arith.constant 0 : i32
    %dma_wait3A_315 = tpu.memref_slice %arg12[%add3A_311, %dma_wait3A_314] : memref<10000x128xf32, #tpu.memory_space<vmem_shared>> -> memref<25x128xf32, #tpu.memory_space<vmem_shared>>
    tpu.wait_dma2 semaphore(%arg16 : memref<!tpu.dma_semaphore, #tpu.memory_space<semaphore_mem>>) src(%arg11 : memref<25x128xf32, #tpu.memory_space<vmem>>) dst(%dma_wait3A_315 : memref<25x128xf32, #tpu.memory_space<vmem_shared>>)
    %mul3A_316 = arith.constant 625 : i32
    %mul3A_317 = arith.muli %arg1, %mul3A_316 : i32
    %add3A_318 = arith.constant 350 : i32
    %add3A_319 = arith.addi %mul3A_317, %add3A_318 : i32
    %dma_wait3A_320 = arith.constant 0 : i32
    %dma_wait3A_321 = tpu.memref_slice %arg12[%add3A_319, %dma_wait3A_320] : memref<10000x128xf32, #tpu.memory_space<vmem_shared>> -> memref<25x128xf32, #tpu.memory_space<vmem_shared>>
    %dma_wait3A_322 = arith.constant 0 : i32
    %dma_wait3A_323 = tpu.memref_slice %arg12[%add3A_319, %dma_wait3A_322] : memref<10000x128xf32, #tpu.memory_space<vmem_shared>> -> memref<25x128xf32, #tpu.memory_space<vmem_shared>>
    tpu.wait_dma2 semaphore(%arg16 : memref<!tpu.dma_semaphore, #tpu.memory_space<semaphore_mem>>) src(%arg11 : memref<25x128xf32, #tpu.memory_space<vmem>>) dst(%dma_wait3A_323 : memref<25x128xf32, #tpu.memory_space<vmem_shared>>)
    %mul3A_324 = arith.constant 625 : i32
    %mul3A_325 = arith.muli %arg1, %mul3A_324 : i32
    %add3A_326 = arith.constant 375 : i32
    %add3A_327 = arith.addi %mul3A_325, %add3A_326 : i32
    %dma_wait3A_328 = arith.constant 0 : i32
    %dma_wait3A_329 = tpu.memref_slice %arg12[%add3A_327, %dma_wait3A_328] : memref<10000x128xf32, #tpu.memory_space<vmem_shared>> -> memref<25x128xf32, #tpu.memory_space<vmem_shared>>
    %dma_wait3A_330 = arith.constant 0 : i32
    %dma_wait3A_331 = tpu.memref_slice %arg12[%add3A_327, %dma_wait3A_330] : memref<10000x128xf32, #tpu.memory_space<vmem_shared>> -> memref<25x128xf32, #tpu.memory_space<vmem_shared>>
    tpu.wait_dma2 semaphore(%arg16 : memref<!tpu.dma_semaphore, #tpu.memory_space<semaphore_mem>>) src(%arg11 : memref<25x128xf32, #tpu.memory_space<vmem>>) dst(%dma_wait3A_331 : memref<25x128xf32, #tpu.memory_space<vmem_shared>>)
    %mul3A_332 = arith.constant 625 : i32
    %mul3A_333 = arith.muli %arg1, %mul3A_332 : i32
    %add3A_334 = arith.constant 400 : i32
    %add3A_335 = arith.addi %mul3A_333, %add3A_334 : i32
    %dma_wait3A_336 = arith.constant 0 : i32
    %dma_wait3A_337 = tpu.memref_slice %arg12[%add3A_335, %dma_wait3A_336] : memref<10000x128xf32, #tpu.memory_space<vmem_shared>> -> memref<25x128xf32, #tpu.memory_space<vmem_shared>>
    %dma_wait3A_338 = arith.constant 0 : i32
    %dma_wait3A_339 = tpu.memref_slice %arg12[%add3A_335, %dma_wait3A_338] : memref<10000x128xf32, #tpu.memory_space<vmem_shared>> -> memref<25x128xf32, #tpu.memory_space<vmem_shared>>
    tpu.wait_dma2 semaphore(%arg16 : memref<!tpu.dma_semaphore, #tpu.memory_space<semaphore_mem>>) src(%arg11 : memref<25x128xf32, #tpu.memory_space<vmem>>) dst(%dma_wait3A_339 : memref<25x128xf32, #tpu.memory_space<vmem_shared>>)
    %mul3A_340 = arith.constant 625 : i32
    %mul3A_341 = arith.muli %arg1, %mul3A_340 : i32
    %add3A_342 = arith.constant 425 : i32
    %add3A_343 = arith.addi %mul3A_341, %add3A_342 : i32
    %dma_wait3A_344 = arith.constant 0 : i32
    %dma_wait3A_345 = tpu.memref_slice %arg12[%add3A_343, %dma_wait3A_344] : memref<10000x128xf32, #tpu.memory_space<vmem_shared>> -> memref<25x128xf32, #tpu.memory_space<vmem_shared>>
    %dma_wait3A_346 = arith.constant 0 : i32
    %dma_wait3A_347 = tpu.memref_slice %arg12[%add3A_343, %dma_wait3A_346] : memref<10000x128xf32, #tpu.memory_space<vmem_shared>> -> memref<25x128xf32, #tpu.memory_space<vmem_shared>>
    tpu.wait_dma2 semaphore(%arg16 : memref<!tpu.dma_semaphore, #tpu.memory_space<semaphore_mem>>) src(%arg11 : memref<25x128xf32, #tpu.memory_space<vmem>>) dst(%dma_wait3A_347 : memref<25x128xf32, #tpu.memory_space<vmem_shared>>)
    %mul3A_348 = arith.constant 625 : i32
    %mul3A_349 = arith.muli %arg1, %mul3A_348 : i32
    %add3A_350 = arith.constant 450 : i32
    %add3A_351 = arith.addi %mul3A_349, %add3A_350 : i32
    %dma_wait3A_352 = arith.constant 0 : i32
    %dma_wait3A_353 = tpu.memref_slice %arg12[%add3A_351, %dma_wait3A_352] : memref<10000x128xf32, #tpu.memory_space<vmem_shared>> -> memref<25x128xf32, #tpu.memory_space<vmem_shared>>
    %dma_wait3A_354 = arith.constant 0 : i32
    %dma_wait3A_355 = tpu.memref_slice %arg12[%add3A_351, %dma_wait3A_354] : memref<10000x128xf32, #tpu.memory_space<vmem_shared>> -> memref<25x128xf32, #tpu.memory_space<vmem_shared>>
    tpu.wait_dma2 semaphore(%arg16 : memref<!tpu.dma_semaphore, #tpu.memory_space<semaphore_mem>>) src(%arg11 : memref<25x128xf32, #tpu.memory_space<vmem>>) dst(%dma_wait3A_355 : memref<25x128xf32, #tpu.memory_space<vmem_shared>>)
    %mul3A_356 = arith.constant 625 : i32
    %mul3A_357 = arith.muli %arg1, %mul3A_356 : i32
    %add3A_358 = arith.constant 475 : i32
    %add3A_359 = arith.addi %mul3A_357, %add3A_358 : i32
    %dma_wait3A_360 = arith.constant 0 : i32
    %dma_wait3A_361 = tpu.memref_slice %arg12[%add3A_359, %dma_wait3A_360] : memref<10000x128xf32, #tpu.memory_space<vmem_shared>> -> memref<25x128xf32, #tpu.memory_space<vmem_shared>>
    %dma_wait3A_362 = arith.constant 0 : i32
    %dma_wait3A_363 = tpu.memref_slice %arg12[%add3A_359, %dma_wait3A_362] : memref<10000x128xf32, #tpu.memory_space<vmem_shared>> -> memref<25x128xf32, #tpu.memory_space<vmem_shared>>
    tpu.wait_dma2 semaphore(%arg16 : memref<!tpu.dma_semaphore, #tpu.memory_space<semaphore_mem>>) src(%arg11 : memref<25x128xf32, #tpu.memory_space<vmem>>) dst(%dma_wait3A_363 : memref<25x128xf32, #tpu.memory_space<vmem_shared>>)
    %mul3A_364 = arith.constant 625 : i32
    %mul3A_365 = arith.muli %arg1, %mul3A_364 : i32
    %add3A_366 = arith.constant 500 : i32
    %add3A_367 = arith.addi %mul3A_365, %add3A_366 : i32
    %dma_wait3A_368 = arith.constant 0 : i32
    %dma_wait3A_369 = tpu.memref_slice %arg12[%add3A_367, %dma_wait3A_368] : memref<10000x128xf32, #tpu.memory_space<vmem_shared>> -> memref<25x128xf32, #tpu.memory_space<vmem_shared>>
    %dma_wait3A_370 = arith.constant 0 : i32
    %dma_wait3A_371 = tpu.memref_slice %arg12[%add3A_367, %dma_wait3A_370] : memref<10000x128xf32, #tpu.memory_space<vmem_shared>> -> memref<25x128xf32, #tpu.memory_space<vmem_shared>>
    tpu.wait_dma2 semaphore(%arg16 : memref<!tpu.dma_semaphore, #tpu.memory_space<semaphore_mem>>) src(%arg11 : memref<25x128xf32, #tpu.memory_space<vmem>>) dst(%dma_wait3A_371 : memref<25x128xf32, #tpu.memory_space<vmem_shared>>)
    %mul3A_372 = arith.constant 625 : i32
    %mul3A_373 = arith.muli %arg1, %mul3A_372 : i32
    %add3A_374 = arith.constant 525 : i32
    %add3A_375 = arith.addi %mul3A_373, %add3A_374 : i32
    %dma_wait3A_376 = arith.constant 0 : i32
    %dma_wait3A_377 = tpu.memref_slice %arg12[%add3A_375, %dma_wait3A_376] : memref<10000x128xf32, #tpu.memory_space<vmem_shared>> -> memref<25x128xf32, #tpu.memory_space<vmem_shared>>
    %dma_wait3A_378 = arith.constant 0 : i32
    %dma_wait3A_379 = tpu.memref_slice %arg12[%add3A_375, %dma_wait3A_378] : memref<10000x128xf32, #tpu.memory_space<vmem_shared>> -> memref<25x128xf32, #tpu.memory_space<vmem_shared>>
    tpu.wait_dma2 semaphore(%arg16 : memref<!tpu.dma_semaphore, #tpu.memory_space<semaphore_mem>>) src(%arg11 : memref<25x128xf32, #tpu.memory_space<vmem>>) dst(%dma_wait3A_379 : memref<25x128xf32, #tpu.memory_space<vmem_shared>>)
    %mul3A_380 = arith.constant 625 : i32
    %mul3A_381 = arith.muli %arg1, %mul3A_380 : i32
    %add3A_382 = arith.constant 550 : i32
    %add3A_383 = arith.addi %mul3A_381, %add3A_382 : i32
    %dma_wait3A_384 = arith.constant 0 : i32
    %dma_wait3A_385 = tpu.memref_slice %arg12[%add3A_383, %dma_wait3A_384] : memref<10000x128xf32, #tpu.memory_space<vmem_shared>> -> memref<25x128xf32, #tpu.memory_space<vmem_shared>>
    %dma_wait3A_386 = arith.constant 0 : i32
    %dma_wait3A_387 = tpu.memref_slice %arg12[%add3A_383, %dma_wait3A_386] : memref<10000x128xf32, #tpu.memory_space<vmem_shared>> -> memref<25x128xf32, #tpu.memory_space<vmem_shared>>
    tpu.wait_dma2 semaphore(%arg16 : memref<!tpu.dma_semaphore, #tpu.memory_space<semaphore_mem>>) src(%arg11 : memref<25x128xf32, #tpu.memory_space<vmem>>) dst(%dma_wait3A_387 : memref<25x128xf32, #tpu.memory_space<vmem_shared>>)
    %mul3A_388 = arith.constant 625 : i32
    %mul3A_389 = arith.muli %arg1, %mul3A_388 : i32
    %add3A_390 = arith.constant 575 : i32
    %add3A_391 = arith.addi %mul3A_389, %add3A_390 : i32
    %dma_wait3A_392 = arith.constant 0 : i32
    %dma_wait3A_393 = tpu.memref_slice %arg12[%add3A_391, %dma_wait3A_392] : memref<10000x128xf32, #tpu.memory_space<vmem_shared>> -> memref<25x128xf32, #tpu.memory_space<vmem_shared>>
    %dma_wait3A_394 = arith.constant 0 : i32
    %dma_wait3A_395 = tpu.memref_slice %arg12[%add3A_391, %dma_wait3A_394] : memref<10000x128xf32, #tpu.memory_space<vmem_shared>> -> memref<25x128xf32, #tpu.memory_space<vmem_shared>>
    tpu.wait_dma2 semaphore(%arg16 : memref<!tpu.dma_semaphore, #tpu.memory_space<semaphore_mem>>) src(%arg11 : memref<25x128xf32, #tpu.memory_space<vmem>>) dst(%dma_wait3A_395 : memref<25x128xf32, #tpu.memory_space<vmem_shared>>)
    %mul3A_396 = arith.constant 625 : i32
    %mul3A_397 = arith.muli %arg1, %mul3A_396 : i32
    %add3A_398 = arith.constant 600 : i32
    %add3A_399 = arith.addi %mul3A_397, %add3A_398 : i32
    %dma_wait3A_400 = arith.constant 0 : i32
    %dma_wait3A_401 = tpu.memref_slice %arg12[%add3A_399, %dma_wait3A_400] : memref<10000x128xf32, #tpu.memory_space<vmem_shared>> -> memref<25x128xf32, #tpu.memory_space<vmem_shared>>
    %dma_wait3A_402 = arith.constant 0 : i32
    %dma_wait3A_403 = tpu.memref_slice %arg12[%add3A_399, %dma_wait3A_402] : memref<10000x128xf32, #tpu.memory_space<vmem_shared>> -> memref<25x128xf32, #tpu.memory_space<vmem_shared>>
    tpu.wait_dma2 semaphore(%arg16 : memref<!tpu.dma_semaphore, #tpu.memory_space<semaphore_mem>>) src(%arg11 : memref<25x128xf32, #tpu.memory_space<vmem>>) dst(%dma_wait3A_403 : memref<25x128xf32, #tpu.memory_space<vmem_shared>>)
    %barrier3A = arith.constant 0 : index
    tpu.barrier barrier_id(%barrier3A)
    %rem3A = arith.constant 0 : i32
    %rem3A_404 = arith.constant 7 : i32
    %rem3A_405 = arith.remsi %rem3A, %rem3A_404 : i32
    %dma_start3A_406 = arith.constant 0 : i32
    %dma_start3A_407 = arith.constant 0 : i32
    %dma_start3A_408 = tpu.memref_slice %arg9[%rem3A_405, %dma_start3A_407] : memref<7x40xi32, #tpu.memory_space<vmem>> -> memref<1x40xi32, #tpu.memory_space<vmem>>
    %dma_start3A_409 = tpu.memref_squeeze %dma_start3A_408 : memref<1x40xi32, #tpu.memory_space<vmem>> -> memref<40xi32, #tpu.memory_space<vmem>>
    %dma_start3A_410 = arith.constant 0 : i32
    %dma_start3A_411 = tpu.memref_slice %arg3[%add3A, %dma_start3A_406, %dma_start3A_410] : memref<32x250x40xi32, #tpu.memory_space<hbm>> -> memref<1x1x40xi32, #tpu.memory_space<hbm>>
    %dma_start3A_412 = tpu.memref_squeeze %dma_start3A_411 : memref<1x1x40xi32, #tpu.memory_space<hbm>> -> memref<40xi32, #tpu.memory_space<hbm>>
    %dma_start3A_413 = tpu.memref_slice %arg15[%rem3A_405] : memref<7x!tpu.dma_semaphore, #tpu.memory_space<semaphore_mem>> -> memref<1x!tpu.dma_semaphore, #tpu.memory_space<semaphore_mem>>
    %dma_start3A_414 = tpu.memref_squeeze %dma_start3A_413 : memref<1x!tpu.dma_semaphore, #tpu.memory_space<semaphore_mem>> -> memref<!tpu.dma_semaphore, #tpu.memory_space<semaphore_mem>>
    %dma_start3A_415 = arith.constant 0 : i32
    %dma_start3A_416 = tpu.memref_slice %arg9[%rem3A_405, %dma_start3A_415] : memref<7x40xi32, #tpu.memory_space<vmem>> -> memref<1x40xi32, #tpu.memory_space<vmem>>
    %dma_start3A_417 = tpu.memref_squeeze %dma_start3A_416 : memref<1x40xi32, #tpu.memory_space<vmem>> -> memref<40xi32, #tpu.memory_space<vmem>>
    %dma_start3A_418 = arith.constant 0 : i32
    %dma_start3A_419 = tpu.memref_slice %arg3[%add3A, %dma_start3A_406, %dma_start3A_418] : memref<32x250x40xi32, #tpu.memory_space<hbm>> -> memref<1x1x40xi32, #tpu.memory_space<hbm>>
    %dma_start3A_420 = tpu.memref_squeeze %dma_start3A_419 : memref<1x1x40xi32, #tpu.memory_space<hbm>> -> memref<40xi32, #tpu.memory_space<hbm>>
    tpu.enqueue_dma source(%dma_start3A_420 : memref<40xi32, #tpu.memory_space<hbm>>) target(%dma_start3A_417 : memref<40xi32, #tpu.memory_space<vmem>>) target_semaphore(%dma_start3A_414 : memref<!tpu.dma_semaphore, #tpu.memory_space<semaphore_mem>>)
    %dma_start3A_421 = arith.constant 0 : i32
    %dma_start3A_422 = arith.constant 0 : i32
    %dma_start3A_423 = tpu.memref_slice %arg8[%rem3A_405, %dma_start3A_422] : memref<7x40xi32, #tpu.memory_space<vmem>> -> memref<1x40xi32, #tpu.memory_space<vmem>>
    %dma_start3A_424 = tpu.memref_squeeze %dma_start3A_423 : memref<1x40xi32, #tpu.memory_space<vmem>> -> memref<40xi32, #tpu.memory_space<vmem>>
    %dma_start3A_425 = arith.constant 0 : i32
    %dma_start3A_426 = tpu.memref_slice %arg2[%add3A, %dma_start3A_421, %dma_start3A_425] : memref<32x250x40xi32, #tpu.memory_space<hbm>> -> memref<1x1x40xi32, #tpu.memory_space<hbm>>
    %dma_start3A_427 = tpu.memref_squeeze %dma_start3A_426 : memref<1x1x40xi32, #tpu.memory_space<hbm>> -> memref<40xi32, #tpu.memory_space<hbm>>
    %dma_start3A_428 = tpu.memref_slice %arg15[%rem3A_405] : memref<7x!tpu.dma_semaphore, #tpu.memory_space<semaphore_mem>> -> memref<1x!tpu.dma_semaphore, #tpu.memory_space<semaphore_mem>>
    %dma_start3A_429 = tpu.memref_squeeze %dma_start3A_428 : memref<1x!tpu.dma_semaphore, #tpu.memory_space<semaphore_mem>> -> memref<!tpu.dma_semaphore, #tpu.memory_space<semaphore_mem>>
    %dma_start3A_430 = arith.constant 0 : i32
    %dma_start3A_431 = tpu.memref_slice %arg8[%rem3A_405, %dma_start3A_430] : memref<7x40xi32, #tpu.memory_space<vmem>> -> memref<1x40xi32, #tpu.memory_space<vmem>>
    %dma_start3A_432 = tpu.memref_squeeze %dma_start3A_431 : memref<1x40xi32, #tpu.memory_space<vmem>> -> memref<40xi32, #tpu.memory_space<vmem>>
    %dma_start3A_433 = arith.constant 0 : i32
    %dma_start3A_434 = tpu.memref_slice %arg2[%add3A, %dma_start3A_421, %dma_start3A_433] : memref<32x250x40xi32, #tpu.memory_space<hbm>> -> memref<1x1x40xi32, #tpu.memory_space<hbm>>
    %dma_start3A_435 = tpu.memref_squeeze %dma_start3A_434 : memref<1x1x40xi32, #tpu.memory_space<hbm>> -> memref<40xi32, #tpu.memory_space<hbm>>
    tpu.enqueue_dma source(%dma_start3A_435 : memref<40xi32, #tpu.memory_space<hbm>>) target(%dma_start3A_432 : memref<40xi32, #tpu.memory_space<vmem>>) target_semaphore(%dma_start3A_429 : memref<!tpu.dma_semaphore, #tpu.memory_space<semaphore_mem>>)
    %dma_start3A_436 = arith.constant 0 : i32
    %dma_start3A_437 = arith.constant 0 : i32
    %dma_start3A_438 = tpu.memref_slice %arg7[%rem3A_405, %dma_start3A_437] : memref<7x40xf32, #tpu.memory_space<vmem>> -> memref<1x40xf32, #tpu.memory_space<vmem>>
    %dma_start3A_439 = tpu.memref_squeeze %dma_start3A_438 : memref<1x40xf32, #tpu.memory_space<vmem>> -> memref<40xf32, #tpu.memory_space<vmem>>
    %dma_start3A_440 = arith.constant 0 : i32
    %dma_start3A_441 = tpu.memref_slice %arg4[%add3A, %dma_start3A_436, %dma_start3A_440] : memref<32x250x40xf32, #tpu.memory_space<hbm>> -> memref<1x1x40xf32, #tpu.memory_space<hbm>>
    %dma_start3A_442 = tpu.memref_squeeze %dma_start3A_441 : memref<1x1x40xf32, #tpu.memory_space<hbm>> -> memref<40xf32, #tpu.memory_space<hbm>>
    %dma_start3A_443 = tpu.memref_slice %arg15[%rem3A_405] : memref<7x!tpu.dma_semaphore, #tpu.memory_space<semaphore_mem>> -> memref<1x!tpu.dma_semaphore, #tpu.memory_space<semaphore_mem>>
    %dma_start3A_444 = tpu.memref_squeeze %dma_start3A_443 : memref<1x!tpu.dma_semaphore, #tpu.memory_space<semaphore_mem>> -> memref<!tpu.dma_semaphore, #tpu.memory_space<semaphore_mem>>
    %dma_start3A_445 = arith.constant 0 : i32
    %dma_start3A_446 = tpu.memref_slice %arg7[%rem3A_405, %dma_start3A_445] : memref<7x40xf32, #tpu.memory_space<vmem>> -> memref<1x40xf32, #tpu.memory_space<vmem>>
    %dma_start3A_447 = tpu.memref_squeeze %dma_start3A_446 : memref<1x40xf32, #tpu.memory_space<vmem>> -> memref<40xf32, #tpu.memory_space<vmem>>
    %dma_start3A_448 = arith.constant 0 : i32
    %dma_start3A_449 = tpu.memref_slice %arg4[%add3A, %dma_start3A_436, %dma_start3A_448] : memref<32x250x40xf32, #tpu.memory_space<hbm>> -> memref<1x1x40xf32, #tpu.memory_space<hbm>>
    %dma_start3A_450 = tpu.memref_squeeze %dma_start3A_449 : memref<1x1x40xf32, #tpu.memory_space<hbm>> -> memref<40xf32, #tpu.memory_space<hbm>>
    tpu.enqueue_dma source(%dma_start3A_450 : memref<40xf32, #tpu.memory_space<hbm>>) target(%dma_start3A_447 : memref<40xf32, #tpu.memory_space<vmem>>) target_semaphore(%dma_start3A_444 : memref<!tpu.dma_semaphore, #tpu.memory_space<semaphore_mem>>)
    %rem3A_451 = arith.constant 1 : i32
    %rem3A_452 = arith.constant 7 : i32
    %rem3A_453 = arith.remsi %rem3A_451, %rem3A_452 : i32
    %dma_start3A_454 = arith.constant 1 : i32
    %dma_start3A_455 = arith.constant 0 : i32
    %dma_start3A_456 = tpu.memref_slice %arg9[%rem3A_453, %dma_start3A_455] : memref<7x40xi32, #tpu.memory_space<vmem>> -> memref<1x40xi32, #tpu.memory_space<vmem>>
    %dma_start3A_457 = tpu.memref_squeeze %dma_start3A_456 : memref<1x40xi32, #tpu.memory_space<vmem>> -> memref<40xi32, #tpu.memory_space<vmem>>
    %dma_start3A_458 = arith.constant 0 : i32
    %dma_start3A_459 = tpu.memref_slice %arg3[%add3A, %dma_start3A_454, %dma_start3A_458] : memref<32x250x40xi32, #tpu.memory_space<hbm>> -> memref<1x1x40xi32, #tpu.memory_space<hbm>>
    %dma_start3A_460 = tpu.memref_squeeze %dma_start3A_459 : memref<1x1x40xi32, #tpu.memory_space<hbm>> -> memref<40xi32, #tpu.memory_space<hbm>>
    %dma_start3A_461 = tpu.memref_slice %arg15[%rem3A_453] : memref<7x!tpu.dma_semaphore, #tpu.memory_space<semaphore_mem>> -> memref<1x!tpu.dma_semaphore, #tpu.memory_space<semaphore_mem>>
    %dma_start3A_462 = tpu.memref_squeeze %dma_start3A_461 : memref<1x!tpu.dma_semaphore, #tpu.memory_space<semaphore_mem>> -> memref<!tpu.dma_semaphore, #tpu.memory_space<semaphore_mem>>
    %dma_start3A_463 = arith.constant 0 : i32
    %dma_start3A_464 = tpu.memref_slice %arg9[%rem3A_453, %dma_start3A_463] : memref<7x40xi32, #tpu.memory_space<vmem>> -> memref<1x40xi32, #tpu.memory_space<vmem>>
    %dma_start3A_465 = tpu.memref_squeeze %dma_start3A_464 : memref<1x40xi32, #tpu.memory_space<vmem>> -> memref<40xi32, #tpu.memory_space<vmem>>
    %dma_start3A_466 = arith.constant 0 : i32
    %dma_start3A_467 = tpu.memref_slice %arg3[%add3A, %dma_start3A_454, %dma_start3A_466] : memref<32x250x40xi32, #tpu.memory_space<hbm>> -> memref<1x1x40xi32, #tpu.memory_space<hbm>>
    %dma_start3A_468 = tpu.memref_squeeze %dma_start3A_467 : memref<1x1x40xi32, #tpu.memory_space<hbm>> -> memref<40xi32, #tpu.memory_space<hbm>>
    tpu.enqueue_dma source(%dma_start3A_468 : memref<40xi32, #tpu.memory_space<hbm>>) target(%dma_start3A_465 : memref<40xi32, #tpu.memory_space<vmem>>) target_semaphore(%dma_start3A_462 : memref<!tpu.dma_semaphore, #tpu.memory_space<semaphore_mem>>)
    %dma_start3A_469 = arith.constant 1 : i32
    %dma_start3A_470 = arith.constant 0 : i32
    %dma_start3A_471 = tpu.memref_slice %arg8[%rem3A_453, %dma_start3A_470] : memref<7x40xi32, #tpu.memory_space<vmem>> -> memref<1x40xi32, #tpu.memory_space<vmem>>
    %dma_start3A_472 = tpu.memref_squeeze %dma_start3A_471 : memref<1x40xi32, #tpu.memory_space<vmem>> -> memref<40xi32, #tpu.memory_space<vmem>>
    %dma_start3A_473 = arith.constant 0 : i32
    %dma_start3A_474 = tpu.memref_slice %arg2[%add3A, %dma_start3A_469, %dma_start3A_473] : memref<32x250x40xi32, #tpu.memory_space<hbm>> -> memref<1x1x40xi32, #tpu.memory_space<hbm>>
    %dma_start3A_475 = tpu.memref_squeeze %dma_start3A_474 : memref<1x1x40xi32, #tpu.memory_space<hbm>> -> memref<40xi32, #tpu.memory_space<hbm>>
    %dma_start3A_476 = tpu.memref_slice %arg15[%rem3A_453] : memref<7x!tpu.dma_semaphore, #tpu.memory_space<semaphore_mem>> -> memref<1x!tpu.dma_semaphore, #tpu.memory_space<semaphore_mem>>
    %dma_start3A_477 = tpu.memref_squeeze %dma_start3A_476 : memref<1x!tpu.dma_semaphore, #tpu.memory_space<semaphore_mem>> -> memref<!tpu.dma_semaphore, #tpu.memory_space<semaphore_mem>>
    %dma_start3A_478 = arith.constant 0 : i32
    %dma_start3A_479 = tpu.memref_slice %arg8[%rem3A_453, %dma_start3A_478] : memref<7x40xi32, #tpu.memory_space<vmem>> -> memref<1x40xi32, #tpu.memory_space<vmem>>
    %dma_start3A_480 = tpu.memref_squeeze %dma_start3A_479 : memref<1x40xi32, #tpu.memory_space<vmem>> -> memref<40xi32, #tpu.memory_space<vmem>>
    %dma_start3A_481 = arith.constant 0 : i32
    %dma_start3A_482 = tpu.memref_slice %arg2[%add3A, %dma_start3A_469, %dma_start3A_481] : memref<32x250x40xi32, #tpu.memory_space<hbm>> -> memref<1x1x40xi32, #tpu.memory_space<hbm>>
    %dma_start3A_483 = tpu.memref_squeeze %dma_start3A_482 : memref<1x1x40xi32, #tpu.memory_space<hbm>> -> memref<40xi32, #tpu.memory_space<hbm>>
    tpu.enqueue_dma source(%dma_start3A_483 : memref<40xi32, #tpu.memory_space<hbm>>) target(%dma_start3A_480 : memref<40xi32, #tpu.memory_space<vmem>>) target_semaphore(%dma_start3A_477 : memref<!tpu.dma_semaphore, #tpu.memory_space<semaphore_mem>>)
    %dma_start3A_484 = arith.constant 1 : i32
    %dma_start3A_485 = arith.constant 0 : i32
    %dma_start3A_486 = tpu.memref_slice %arg7[%rem3A_453, %dma_start3A_485] : memref<7x40xf32, #tpu.memory_space<vmem>> -> memref<1x40xf32, #tpu.memory_space<vmem>>
    %dma_start3A_487 = tpu.memref_squeeze %dma_start3A_486 : memref<1x40xf32, #tpu.memory_space<vmem>> -> memref<40xf32, #tpu.memory_space<vmem>>
    %dma_start3A_488 = arith.constant 0 : i32
    %dma_start3A_489 = tpu.memref_slice %arg4[%add3A, %dma_start3A_484, %dma_start3A_488] : memref<32x250x40xf32, #tpu.memory_space<hbm>> -> memref<1x1x40xf32, #tpu.memory_space<hbm>>
    %dma_start3A_490 = tpu.memref_squeeze %dma_start3A_489 : memref<1x1x40xf32, #tpu.memory_space<hbm>> -> memref<40xf32, #tpu.memory_space<hbm>>
    %dma_start3A_491 = tpu.memref_slice %arg15[%rem3A_453] : memref<7x!tpu.dma_semaphore, #tpu.memory_space<semaphore_mem>> -> memref<1x!tpu.dma_semaphore, #tpu.memory_space<semaphore_mem>>
    %dma_start3A_492 = tpu.memref_squeeze %dma_start3A_491 : memref<1x!tpu.dma_semaphore, #tpu.memory_space<semaphore_mem>> -> memref<!tpu.dma_semaphore, #tpu.memory_space<semaphore_mem>>
    %dma_start3A_493 = arith.constant 0 : i32
    %dma_start3A_494 = tpu.memref_slice %arg7[%rem3A_453, %dma_start3A_493] : memref<7x40xf32, #tpu.memory_space<vmem>> -> memref<1x40xf32, #tpu.memory_space<vmem>>
    %dma_start3A_495 = tpu.memref_squeeze %dma_start3A_494 : memref<1x40xf32, #tpu.memory_space<vmem>> -> memref<40xf32, #tpu.memory_space<vmem>>
    %dma_start3A_496 = arith.constant 0 : i32
    %dma_start3A_497 = tpu.memref_slice %arg4[%add3A, %dma_start3A_484, %dma_start3A_496] : memref<32x250x40xf32, #tpu.memory_space<hbm>> -> memref<1x1x40xf32, #tpu.memory_space<hbm>>
    %dma_start3A_498 = tpu.memref_squeeze %dma_start3A_497 : memref<1x1x40xf32, #tpu.memory_space<hbm>> -> memref<40xf32, #tpu.memory_space<hbm>>
    tpu.enqueue_dma source(%dma_start3A_498 : memref<40xf32, #tpu.memory_space<hbm>>) target(%dma_start3A_495 : memref<40xf32, #tpu.memory_space<vmem>>) target_semaphore(%dma_start3A_492 : memref<!tpu.dma_semaphore, #tpu.memory_space<semaphore_mem>>)
    %rem3A_499 = arith.constant 2 : i32
    %rem3A_500 = arith.constant 7 : i32
    %rem3A_501 = arith.remsi %rem3A_499, %rem3A_500 : i32
    %dma_start3A_502 = arith.constant 2 : i32
    %dma_start3A_503 = arith.constant 0 : i32
    %dma_start3A_504 = tpu.memref_slice %arg9[%rem3A_501, %dma_start3A_503] : memref<7x40xi32, #tpu.memory_space<vmem>> -> memref<1x40xi32, #tpu.memory_space<vmem>>
    %dma_start3A_505 = tpu.memref_squeeze %dma_start3A_504 : memref<1x40xi32, #tpu.memory_space<vmem>> -> memref<40xi32, #tpu.memory_space<vmem>>
    %dma_start3A_506 = arith.constant 0 : i32
    %dma_start3A_507 = tpu.memref_slice %arg3[%add3A, %dma_start3A_502, %dma_start3A_506] : memref<32x250x40xi32, #tpu.memory_space<hbm>> -> memref<1x1x40xi32, #tpu.memory_space<hbm>>
    %dma_start3A_508 = tpu.memref_squeeze %dma_start3A_507 : memref<1x1x40xi32, #tpu.memory_space<hbm>> -> memref<40xi32, #tpu.memory_space<hbm>>
    %dma_start3A_509 = tpu.memref_slice %arg15[%rem3A_501] : memref<7x!tpu.dma_semaphore, #tpu.memory_space<semaphore_mem>> -> memref<1x!tpu.dma_semaphore, #tpu.memory_space<semaphore_mem>>
    %dma_start3A_510 = tpu.memref_squeeze %dma_start3A_509 : memref<1x!tpu.dma_semaphore, #tpu.memory_space<semaphore_mem>> -> memref<!tpu.dma_semaphore, #tpu.memory_space<semaphore_mem>>
    %dma_start3A_511 = arith.constant 0 : i32
    %dma_start3A_512 = tpu.memref_slice %arg9[%rem3A_501, %dma_start3A_511] : memref<7x40xi32, #tpu.memory_space<vmem>> -> memref<1x40xi32, #tpu.memory_space<vmem>>
    %dma_start3A_513 = tpu.memref_squeeze %dma_start3A_512 : memref<1x40xi32, #tpu.memory_space<vmem>> -> memref<40xi32, #tpu.memory_space<vmem>>
    %dma_start3A_514 = arith.constant 0 : i32
    %dma_start3A_515 = tpu.memref_slice %arg3[%add3A, %dma_start3A_502, %dma_start3A_514] : memref<32x250x40xi32, #tpu.memory_space<hbm>> -> memref<1x1x40xi32, #tpu.memory_space<hbm>>
    %dma_start3A_516 = tpu.memref_squeeze %dma_start3A_515 : memref<1x1x40xi32, #tpu.memory_space<hbm>> -> memref<40xi32, #tpu.memory_space<hbm>>
    tpu.enqueue_dma source(%dma_start3A_516 : memref<40xi32, #tpu.memory_space<hbm>>) target(%dma_start3A_513 : memref<40xi32, #tpu.memory_space<vmem>>) target_semaphore(%dma_start3A_510 : memref<!tpu.dma_semaphore, #tpu.memory_space<semaphore_mem>>)
    %dma_start3A_517 = arith.constant 2 : i32
    %dma_start3A_518 = arith.constant 0 : i32
    %dma_start3A_519 = tpu.memref_slice %arg8[%rem3A_501, %dma_start3A_518] : memref<7x40xi32, #tpu.memory_space<vmem>> -> memref<1x40xi32, #tpu.memory_space<vmem>>
    %dma_start3A_520 = tpu.memref_squeeze %dma_start3A_519 : memref<1x40xi32, #tpu.memory_space<vmem>> -> memref<40xi32, #tpu.memory_space<vmem>>
    %dma_start3A_521 = arith.constant 0 : i32
    %dma_start3A_522 = tpu.memref_slice %arg2[%add3A, %dma_start3A_517, %dma_start3A_521] : memref<32x250x40xi32, #tpu.memory_space<hbm>> -> memref<1x1x40xi32, #tpu.memory_space<hbm>>
    %dma_start3A_523 = tpu.memref_squeeze %dma_start3A_522 : memref<1x1x40xi32, #tpu.memory_space<hbm>> -> memref<40xi32, #tpu.memory_space<hbm>>
    %dma_start3A_524 = tpu.memref_slice %arg15[%rem3A_501] : memref<7x!tpu.dma_semaphore, #tpu.memory_space<semaphore_mem>> -> memref<1x!tpu.dma_semaphore, #tpu.memory_space<semaphore_mem>>
    %dma_start3A_525 = tpu.memref_squeeze %dma_start3A_524 : memref<1x!tpu.dma_semaphore, #tpu.memory_space<semaphore_mem>> -> memref<!tpu.dma_semaphore, #tpu.memory_space<semaphore_mem>>
    %dma_start3A_526 = arith.constant 0 : i32
    %dma_start3A_527 = tpu.memref_slice %arg8[%rem3A_501, %dma_start3A_526] : memref<7x40xi32, #tpu.memory_space<vmem>> -> memref<1x40xi32, #tpu.memory_space<vmem>>
    %dma_start3A_528 = tpu.memref_squeeze %dma_start3A_527 : memref<1x40xi32, #tpu.memory_space<vmem>> -> memref<40xi32, #tpu.memory_space<vmem>>
    %dma_start3A_529 = arith.constant 0 : i32
    %dma_start3A_530 = tpu.memref_slice %arg2[%add3A, %dma_start3A_517, %dma_start3A_529] : memref<32x250x40xi32, #tpu.memory_space<hbm>> -> memref<1x1x40xi32, #tpu.memory_space<hbm>>
    %dma_start3A_531 = tpu.memref_squeeze %dma_start3A_530 : memref<1x1x40xi32, #tpu.memory_space<hbm>> -> memref<40xi32, #tpu.memory_space<hbm>>
    tpu.enqueue_dma source(%dma_start3A_531 : memref<40xi32, #tpu.memory_space<hbm>>) target(%dma_start3A_528 : memref<40xi32, #tpu.memory_space<vmem>>) target_semaphore(%dma_start3A_525 : memref<!tpu.dma_semaphore, #tpu.memory_space<semaphore_mem>>)
    %dma_start3A_532 = arith.constant 2 : i32
    %dma_start3A_533 = arith.constant 0 : i32
    %dma_start3A_534 = tpu.memref_slice %arg7[%rem3A_501, %dma_start3A_533] : memref<7x40xf32, #tpu.memory_space<vmem>> -> memref<1x40xf32, #tpu.memory_space<vmem>>
    %dma_start3A_535 = tpu.memref_squeeze %dma_start3A_534 : memref<1x40xf32, #tpu.memory_space<vmem>> -> memref<40xf32, #tpu.memory_space<vmem>>
    %dma_start3A_536 = arith.constant 0 : i32
    %dma_start3A_537 = tpu.memref_slice %arg4[%add3A, %dma_start3A_532, %dma_start3A_536] : memref<32x250x40xf32, #tpu.memory_space<hbm>> -> memref<1x1x40xf32, #tpu.memory_space<hbm>>
    %dma_start3A_538 = tpu.memref_squeeze %dma_start3A_537 : memref<1x1x40xf32, #tpu.memory_space<hbm>> -> memref<40xf32, #tpu.memory_space<hbm>>
    %dma_start3A_539 = tpu.memref_slice %arg15[%rem3A_501] : memref<7x!tpu.dma_semaphore, #tpu.memory_space<semaphore_mem>> -> memref<1x!tpu.dma_semaphore, #tpu.memory_space<semaphore_mem>>
    %dma_start3A_540 = tpu.memref_squeeze %dma_start3A_539 : memref<1x!tpu.dma_semaphore, #tpu.memory_space<semaphore_mem>> -> memref<!tpu.dma_semaphore, #tpu.memory_space<semaphore_mem>>
    %dma_start3A_541 = arith.constant 0 : i32
    %dma_start3A_542 = tpu.memref_slice %arg7[%rem3A_501, %dma_start3A_541] : memref<7x40xf32, #tpu.memory_space<vmem>> -> memref<1x40xf32, #tpu.memory_space<vmem>>
    %dma_start3A_543 = tpu.memref_squeeze %dma_start3A_542 : memref<1x40xf32, #tpu.memory_space<vmem>> -> memref<40xf32, #tpu.memory_space<vmem>>
    %dma_start3A_544 = arith.constant 0 : i32
    %dma_start3A_545 = tpu.memref_slice %arg4[%add3A, %dma_start3A_532, %dma_start3A_544] : memref<32x250x40xf32, #tpu.memory_space<hbm>> -> memref<1x1x40xf32, #tpu.memory_space<hbm>>
    %dma_start3A_546 = tpu.memref_squeeze %dma_start3A_545 : memref<1x1x40xf32, #tpu.memory_space<hbm>> -> memref<40xf32, #tpu.memory_space<hbm>>
    tpu.enqueue_dma source(%dma_start3A_546 : memref<40xf32, #tpu.memory_space<hbm>>) target(%dma_start3A_543 : memref<40xf32, #tpu.memory_space<vmem>>) target_semaphore(%dma_start3A_540 : memref<!tpu.dma_semaphore, #tpu.memory_space<semaphore_mem>>)
    %rem3A_547 = arith.constant 3 : i32
    %rem3A_548 = arith.constant 7 : i32
    %rem3A_549 = arith.remsi %rem3A_547, %rem3A_548 : i32
    %dma_start3A_550 = arith.constant 3 : i32
    %dma_start3A_551 = arith.constant 0 : i32
    %dma_start3A_552 = tpu.memref_slice %arg9[%rem3A_549, %dma_start3A_551] : memref<7x40xi32, #tpu.memory_space<vmem>> -> memref<1x40xi32, #tpu.memory_space<vmem>>
    %dma_start3A_553 = tpu.memref_squeeze %dma_start3A_552 : memref<1x40xi32, #tpu.memory_space<vmem>> -> memref<40xi32, #tpu.memory_space<vmem>>
    %dma_start3A_554 = arith.constant 0 : i32
    %dma_start3A_555 = tpu.memref_slice %arg3[%add3A, %dma_start3A_550, %dma_start3A_554] : memref<32x250x40xi32, #tpu.memory_space<hbm>> -> memref<1x1x40xi32, #tpu.memory_space<hbm>>
    %dma_start3A_556 = tpu.memref_squeeze %dma_start3A_555 : memref<1x1x40xi32, #tpu.memory_space<hbm>> -> memref<40xi32, #tpu.memory_space<hbm>>
    %dma_start3A_557 = tpu.memref_slice %arg15[%rem3A_549] : memref<7x!tpu.dma_semaphore, #tpu.memory_space<semaphore_mem>> -> memref<1x!tpu.dma_semaphore, #tpu.memory_space<semaphore_mem>>
    %dma_start3A_558 = tpu.memref_squeeze %dma_start3A_557 : memref<1x!tpu.dma_semaphore, #tpu.memory_space<semaphore_mem>> -> memref<!tpu.dma_semaphore, #tpu.memory_space<semaphore_mem>>
    %dma_start3A_559 = arith.constant 0 : i32
    %dma_start3A_560 = tpu.memref_slice %arg9[%rem3A_549, %dma_start3A_559] : memref<7x40xi32, #tpu.memory_space<vmem>> -> memref<1x40xi32, #tpu.memory_space<vmem>>
    %dma_start3A_561 = tpu.memref_squeeze %dma_start3A_560 : memref<1x40xi32, #tpu.memory_space<vmem>> -> memref<40xi32, #tpu.memory_space<vmem>>
    %dma_start3A_562 = arith.constant 0 : i32
    %dma_start3A_563 = tpu.memref_slice %arg3[%add3A, %dma_start3A_550, %dma_start3A_562] : memref<32x250x40xi32, #tpu.memory_space<hbm>> -> memref<1x1x40xi32, #tpu.memory_space<hbm>>
    %dma_start3A_564 = tpu.memref_squeeze %dma_start3A_563 : memref<1x1x40xi32, #tpu.memory_space<hbm>> -> memref<40xi32, #tpu.memory_space<hbm>>
    tpu.enqueue_dma source(%dma_start3A_564 : memref<40xi32, #tpu.memory_space<hbm>>) target(%dma_start3A_561 : memref<40xi32, #tpu.memory_space<vmem>>) target_semaphore(%dma_start3A_558 : memref<!tpu.dma_semaphore, #tpu.memory_space<semaphore_mem>>)
    %dma_start3A_565 = arith.constant 3 : i32
    %dma_start3A_566 = arith.constant 0 : i32
    %dma_start3A_567 = tpu.memref_slice %arg8[%rem3A_549, %dma_start3A_566] : memref<7x40xi32, #tpu.memory_space<vmem>> -> memref<1x40xi32, #tpu.memory_space<vmem>>
    %dma_start3A_568 = tpu.memref_squeeze %dma_start3A_567 : memref<1x40xi32, #tpu.memory_space<vmem>> -> memref<40xi32, #tpu.memory_space<vmem>>
    %dma_start3A_569 = arith.constant 0 : i32
    %dma_start3A_570 = tpu.memref_slice %arg2[%add3A, %dma_start3A_565, %dma_start3A_569] : memref<32x250x40xi32, #tpu.memory_space<hbm>> -> memref<1x1x40xi32, #tpu.memory_space<hbm>>
    %dma_start3A_571 = tpu.memref_squeeze %dma_start3A_570 : memref<1x1x40xi32, #tpu.memory_space<hbm>> -> memref<40xi32, #tpu.memory_space<hbm>>
    %dma_start3A_572 = tpu.memref_slice %arg15[%rem3A_549] : memref<7x!tpu.dma_semaphore, #tpu.memory_space<semaphore_mem>> -> memref<1x!tpu.dma_semaphore, #tpu.memory_space<semaphore_mem>>
    %dma_start3A_573 = tpu.memref_squeeze %dma_start3A_572 : memref<1x!tpu.dma_semaphore, #tpu.memory_space<semaphore_mem>> -> memref<!tpu.dma_semaphore, #tpu.memory_space<semaphore_mem>>
    %dma_start3A_574 = arith.constant 0 : i32
    %dma_start3A_575 = tpu.memref_slice %arg8[%rem3A_549, %dma_start3A_574] : memref<7x40xi32, #tpu.memory_space<vmem>> -> memref<1x40xi32, #tpu.memory_space<vmem>>
    %dma_start3A_576 = tpu.memref_squeeze %dma_start3A_575 : memref<1x40xi32, #tpu.memory_space<vmem>> -> memref<40xi32, #tpu.memory_space<vmem>>
    %dma_start3A_577 = arith.constant 0 : i32
    %dma_start3A_578 = tpu.memref_slice %arg2[%add3A, %dma_start3A_565, %dma_start3A_577] : memref<32x250x40xi32, #tpu.memory_space<hbm>> -> memref<1x1x40xi32, #tpu.memory_space<hbm>>
    %dma_start3A_579 = tpu.memref_squeeze %dma_start3A_578 : memref<1x1x40xi32, #tpu.memory_space<hbm>> -> memref<40xi32, #tpu.memory_space<hbm>>
    tpu.enqueue_dma source(%dma_start3A_579 : memref<40xi32, #tpu.memory_space<hbm>>) target(%dma_start3A_576 : memref<40xi32, #tpu.memory_space<vmem>>) target_semaphore(%dma_start3A_573 : memref<!tpu.dma_semaphore, #tpu.memory_space<semaphore_mem>>)
    %dma_start3A_580 = arith.constant 3 : i32
    %dma_start3A_581 = arith.constant 0 : i32
    %dma_start3A_582 = tpu.memref_slice %arg7[%rem3A_549, %dma_start3A_581] : memref<7x40xf32, #tpu.memory_space<vmem>> -> memref<1x40xf32, #tpu.memory_space<vmem>>
    %dma_start3A_583 = tpu.memref_squeeze %dma_start3A_582 : memref<1x40xf32, #tpu.memory_space<vmem>> -> memref<40xf32, #tpu.memory_space<vmem>>
    %dma_start3A_584 = arith.constant 0 : i32
    %dma_start3A_585 = tpu.memref_slice %arg4[%add3A, %dma_start3A_580, %dma_start3A_584] : memref<32x250x40xf32, #tpu.memory_space<hbm>> -> memref<1x1x40xf32, #tpu.memory_space<hbm>>
    %dma_start3A_586 = tpu.memref_squeeze %dma_start3A_585 : memref<1x1x40xf32, #tpu.memory_space<hbm>> -> memref<40xf32, #tpu.memory_space<hbm>>
    %dma_start3A_587 = tpu.memref_slice %arg15[%rem3A_549] : memref<7x!tpu.dma_semaphore, #tpu.memory_space<semaphore_mem>> -> memref<1x!tpu.dma_semaphore, #tpu.memory_space<semaphore_mem>>
    %dma_start3A_588 = tpu.memref_squeeze %dma_start3A_587 : memref<1x!tpu.dma_semaphore, #tpu.memory_space<semaphore_mem>> -> memref<!tpu.dma_semaphore, #tpu.memory_space<semaphore_mem>>
    %dma_start3A_589 = arith.constant 0 : i32
    %dma_start3A_590 = tpu.memref_slice %arg7[%rem3A_549, %dma_start3A_589] : memref<7x40xf32, #tpu.memory_space<vmem>> -> memref<1x40xf32, #tpu.memory_space<vmem>>
    %dma_start3A_591 = tpu.memref_squeeze %dma_start3A_590 : memref<1x40xf32, #tpu.memory_space<vmem>> -> memref<40xf32, #tpu.memory_space<vmem>>
    %dma_start3A_592 = arith.constant 0 : i32
    %dma_start3A_593 = tpu.memref_slice %arg4[%add3A, %dma_start3A_580, %dma_start3A_592] : memref<32x250x40xf32, #tpu.memory_space<hbm>> -> memref<1x1x40xf32, #tpu.memory_space<hbm>>
    %dma_start3A_594 = tpu.memref_squeeze %dma_start3A_593 : memref<1x1x40xf32, #tpu.memory_space<hbm>> -> memref<40xf32, #tpu.memory_space<hbm>>
    tpu.enqueue_dma source(%dma_start3A_594 : memref<40xf32, #tpu.memory_space<hbm>>) target(%dma_start3A_591 : memref<40xf32, #tpu.memory_space<vmem>>) target_semaphore(%dma_start3A_588 : memref<!tpu.dma_semaphore, #tpu.memory_space<semaphore_mem>>)
    %rem3A_595 = arith.constant 4 : i32
    %rem3A_596 = arith.constant 7 : i32
    %rem3A_597 = arith.remsi %rem3A_595, %rem3A_596 : i32
    %dma_start3A_598 = arith.constant 4 : i32
    %dma_start3A_599 = arith.constant 0 : i32
    %dma_start3A_600 = tpu.memref_slice %arg9[%rem3A_597, %dma_start3A_599] : memref<7x40xi32, #tpu.memory_space<vmem>> -> memref<1x40xi32, #tpu.memory_space<vmem>>
    %dma_start3A_601 = tpu.memref_squeeze %dma_start3A_600 : memref<1x40xi32, #tpu.memory_space<vmem>> -> memref<40xi32, #tpu.memory_space<vmem>>
    %dma_start3A_602 = arith.constant 0 : i32
    %dma_start3A_603 = tpu.memref_slice %arg3[%add3A, %dma_start3A_598, %dma_start3A_602] : memref<32x250x40xi32, #tpu.memory_space<hbm>> -> memref<1x1x40xi32, #tpu.memory_space<hbm>>
    %dma_start3A_604 = tpu.memref_squeeze %dma_start3A_603 : memref<1x1x40xi32, #tpu.memory_space<hbm>> -> memref<40xi32, #tpu.memory_space<hbm>>
    %dma_start3A_605 = tpu.memref_slice %arg15[%rem3A_597] : memref<7x!tpu.dma_semaphore, #tpu.memory_space<semaphore_mem>> -> memref<1x!tpu.dma_semaphore, #tpu.memory_space<semaphore_mem>>
    %dma_start3A_606 = tpu.memref_squeeze %dma_start3A_605 : memref<1x!tpu.dma_semaphore, #tpu.memory_space<semaphore_mem>> -> memref<!tpu.dma_semaphore, #tpu.memory_space<semaphore_mem>>
    %dma_start3A_607 = arith.constant 0 : i32
    %dma_start3A_608 = tpu.memref_slice %arg9[%rem3A_597, %dma_start3A_607] : memref<7x40xi32, #tpu.memory_space<vmem>> -> memref<1x40xi32, #tpu.memory_space<vmem>>
    %dma_start3A_609 = tpu.memref_squeeze %dma_start3A_608 : memref<1x40xi32, #tpu.memory_space<vmem>> -> memref<40xi32, #tpu.memory_space<vmem>>
    %dma_start3A_610 = arith.constant 0 : i32
    %dma_start3A_611 = tpu.memref_slice %arg3[%add3A, %dma_start3A_598, %dma_start3A_610] : memref<32x250x40xi32, #tpu.memory_space<hbm>> -> memref<1x1x40xi32, #tpu.memory_space<hbm>>
    %dma_start3A_612 = tpu.memref_squeeze %dma_start3A_611 : memref<1x1x40xi32, #tpu.memory_space<hbm>> -> memref<40xi32, #tpu.memory_space<hbm>>
    tpu.enqueue_dma source(%dma_start3A_612 : memref<40xi32, #tpu.memory_space<hbm>>) target(%dma_start3A_609 : memref<40xi32, #tpu.memory_space<vmem>>) target_semaphore(%dma_start3A_606 : memref<!tpu.dma_semaphore, #tpu.memory_space<semaphore_mem>>)
    %dma_start3A_613 = arith.constant 4 : i32
    %dma_start3A_614 = arith.constant 0 : i32
    %dma_start3A_615 = tpu.memref_slice %arg8[%rem3A_597, %dma_start3A_614] : memref<7x40xi32, #tpu.memory_space<vmem>> -> memref<1x40xi32, #tpu.memory_space<vmem>>
    %dma_start3A_616 = tpu.memref_squeeze %dma_start3A_615 : memref<1x40xi32, #tpu.memory_space<vmem>> -> memref<40xi32, #tpu.memory_space<vmem>>
    %dma_start3A_617 = arith.constant 0 : i32
    %dma_start3A_618 = tpu.memref_slice %arg2[%add3A, %dma_start3A_613, %dma_start3A_617] : memref<32x250x40xi32, #tpu.memory_space<hbm>> -> memref<1x1x40xi32, #tpu.memory_space<hbm>>
    %dma_start3A_619 = tpu.memref_squeeze %dma_start3A_618 : memref<1x1x40xi32, #tpu.memory_space<hbm>> -> memref<40xi32, #tpu.memory_space<hbm>>
    %dma_start3A_620 = tpu.memref_slice %arg15[%rem3A_597] : memref<7x!tpu.dma_semaphore, #tpu.memory_space<semaphore_mem>> -> memref<1x!tpu.dma_semaphore, #tpu.memory_space<semaphore_mem>>
    %dma_start3A_621 = tpu.memref_squeeze %dma_start3A_620 : memref<1x!tpu.dma_semaphore, #tpu.memory_space<semaphore_mem>> -> memref<!tpu.dma_semaphore, #tpu.memory_space<semaphore_mem>>
    %dma_start3A_622 = arith.constant 0 : i32
    %dma_start3A_623 = tpu.memref_slice %arg8[%rem3A_597, %dma_start3A_622] : memref<7x40xi32, #tpu.memory_space<vmem>> -> memref<1x40xi32, #tpu.memory_space<vmem>>
    %dma_start3A_624 = tpu.memref_squeeze %dma_start3A_623 : memref<1x40xi32, #tpu.memory_space<vmem>> -> memref<40xi32, #tpu.memory_space<vmem>>
    %dma_start3A_625 = arith.constant 0 : i32
    %dma_start3A_626 = tpu.memref_slice %arg2[%add3A, %dma_start3A_613, %dma_start3A_625] : memref<32x250x40xi32, #tpu.memory_space<hbm>> -> memref<1x1x40xi32, #tpu.memory_space<hbm>>
    %dma_start3A_627 = tpu.memref_squeeze %dma_start3A_626 : memref<1x1x40xi32, #tpu.memory_space<hbm>> -> memref<40xi32, #tpu.memory_space<hbm>>
    tpu.enqueue_dma source(%dma_start3A_627 : memref<40xi32, #tpu.memory_space<hbm>>) target(%dma_start3A_624 : memref<40xi32, #tpu.memory_space<vmem>>) target_semaphore(%dma_start3A_621 : memref<!tpu.dma_semaphore, #tpu.memory_space<semaphore_mem>>)
    %dma_start3A_628 = arith.constant 4 : i32
    %dma_start3A_629 = arith.constant 0 : i32
    %dma_start3A_630 = tpu.memref_slice %arg7[%rem3A_597, %dma_start3A_629] : memref<7x40xf32, #tpu.memory_space<vmem>> -> memref<1x40xf32, #tpu.memory_space<vmem>>
    %dma_start3A_631 = tpu.memref_squeeze %dma_start3A_630 : memref<1x40xf32, #tpu.memory_space<vmem>> -> memref<40xf32, #tpu.memory_space<vmem>>
    %dma_start3A_632 = arith.constant 0 : i32
    %dma_start3A_633 = tpu.memref_slice %arg4[%add3A, %dma_start3A_628, %dma_start3A_632] : memref<32x250x40xf32, #tpu.memory_space<hbm>> -> memref<1x1x40xf32, #tpu.memory_space<hbm>>
    %dma_start3A_634 = tpu.memref_squeeze %dma_start3A_633 : memref<1x1x40xf32, #tpu.memory_space<hbm>> -> memref<40xf32, #tpu.memory_space<hbm>>
    %dma_start3A_635 = tpu.memref_slice %arg15[%rem3A_597] : memref<7x!tpu.dma_semaphore, #tpu.memory_space<semaphore_mem>> -> memref<1x!tpu.dma_semaphore, #tpu.memory_space<semaphore_mem>>
    %dma_start3A_636 = tpu.memref_squeeze %dma_start3A_635 : memref<1x!tpu.dma_semaphore, #tpu.memory_space<semaphore_mem>> -> memref<!tpu.dma_semaphore, #tpu.memory_space<semaphore_mem>>
    %dma_start3A_637 = arith.constant 0 : i32
    %dma_start3A_638 = tpu.memref_slice %arg7[%rem3A_597, %dma_start3A_637] : memref<7x40xf32, #tpu.memory_space<vmem>> -> memref<1x40xf32, #tpu.memory_space<vmem>>
    %dma_start3A_639 = tpu.memref_squeeze %dma_start3A_638 : memref<1x40xf32, #tpu.memory_space<vmem>> -> memref<40xf32, #tpu.memory_space<vmem>>
    %dma_start3A_640 = arith.constant 0 : i32
    %dma_start3A_641 = tpu.memref_slice %arg4[%add3A, %dma_start3A_628, %dma_start3A_640] : memref<32x250x40xf32, #tpu.memory_space<hbm>> -> memref<1x1x40xf32, #tpu.memory_space<hbm>>
    %dma_start3A_642 = tpu.memref_squeeze %dma_start3A_641 : memref<1x1x40xf32, #tpu.memory_space<hbm>> -> memref<40xf32, #tpu.memory_space<hbm>>
    tpu.enqueue_dma source(%dma_start3A_642 : memref<40xf32, #tpu.memory_space<hbm>>) target(%dma_start3A_639 : memref<40xf32, #tpu.memory_space<vmem>>) target_semaphore(%dma_start3A_636 : memref<!tpu.dma_semaphore, #tpu.memory_space<semaphore_mem>>)
    %rem3A_643 = arith.constant 0 : i32
    %rem3A_644 = arith.constant 7 : i32
    %rem3A_645 = arith.remsi %rem3A_643, %rem3A_644 : i32
    %dma_wait3A_646 = arith.constant 0 : i32
    %dma_wait3A_647 = arith.constant 0 : i32
    %dma_wait3A_648 = tpu.memref_slice %arg9[%rem3A_645, %dma_wait3A_647] : memref<7x40xi32, #tpu.memory_space<vmem>> -> memref<1x40xi32, #tpu.memory_space<vmem>>
    %dma_wait3A_649 = tpu.memref_squeeze %dma_wait3A_648 : memref<1x40xi32, #tpu.memory_space<vmem>> -> memref<40xi32, #tpu.memory_space<vmem>>
    %dma_wait3A_650 = arith.constant 0 : i32
    %dma_wait3A_651 = tpu.memref_slice %arg3[%add3A, %dma_wait3A_646, %dma_wait3A_650] : memref<32x250x40xi32, #tpu.memory_space<hbm>> -> memref<1x1x40xi32, #tpu.memory_space<hbm>>
    %dma_wait3A_652 = tpu.memref_squeeze %dma_wait3A_651 : memref<1x1x40xi32, #tpu.memory_space<hbm>> -> memref<40xi32, #tpu.memory_space<hbm>>
    %dma_wait3A_653 = tpu.memref_slice %arg15[%rem3A_645] : memref<7x!tpu.dma_semaphore, #tpu.memory_space<semaphore_mem>> -> memref<1x!tpu.dma_semaphore, #tpu.memory_space<semaphore_mem>>
    %dma_wait3A_654 = tpu.memref_squeeze %dma_wait3A_653 : memref<1x!tpu.dma_semaphore, #tpu.memory_space<semaphore_mem>> -> memref<!tpu.dma_semaphore, #tpu.memory_space<semaphore_mem>>
    %dma_wait3A_655 = arith.constant 0 : i32
    %dma_wait3A_656 = tpu.memref_slice %arg9[%rem3A_645, %dma_wait3A_655] : memref<7x40xi32, #tpu.memory_space<vmem>> -> memref<1x40xi32, #tpu.memory_space<vmem>>
    %dma_wait3A_657 = tpu.memref_squeeze %dma_wait3A_656 : memref<1x40xi32, #tpu.memory_space<vmem>> -> memref<40xi32, #tpu.memory_space<vmem>>
    %dma_wait3A_658 = arith.constant 0 : i32
    %dma_wait3A_659 = tpu.memref_slice %arg3[%add3A, %dma_wait3A_646, %dma_wait3A_658] : memref<32x250x40xi32, #tpu.memory_space<hbm>> -> memref<1x1x40xi32, #tpu.memory_space<hbm>>
    %dma_wait3A_660 = tpu.memref_squeeze %dma_wait3A_659 : memref<1x1x40xi32, #tpu.memory_space<hbm>> -> memref<40xi32, #tpu.memory_space<hbm>>
    tpu.wait_dma2 semaphore(%dma_wait3A_654 : memref<!tpu.dma_semaphore, #tpu.memory_space<semaphore_mem>>) src(%dma_wait3A_660 : memref<40xi32, #tpu.memory_space<hbm>>) dst(%dma_wait3A_657 : memref<40xi32, #tpu.memory_space<vmem>>)
    %dma_wait3A_661 = arith.constant 0 : i32
    %dma_wait3A_662 = arith.constant 0 : i32
    %dma_wait3A_663 = tpu.memref_slice %arg8[%rem3A_645, %dma_wait3A_662] : memref<7x40xi32, #tpu.memory_space<vmem>> -> memref<1x40xi32, #tpu.memory_space<vmem>>
    %dma_wait3A_664 = tpu.memref_squeeze %dma_wait3A_663 : memref<1x40xi32, #tpu.memory_space<vmem>> -> memref<40xi32, #tpu.memory_space<vmem>>
    %dma_wait3A_665 = arith.constant 0 : i32
    %dma_wait3A_666 = tpu.memref_slice %arg2[%add3A, %dma_wait3A_661, %dma_wait3A_665] : memref<32x250x40xi32, #tpu.memory_space<hbm>> -> memref<1x1x40xi32, #tpu.memory_space<hbm>>
    %dma_wait3A_667 = tpu.memref_squeeze %dma_wait3A_666 : memref<1x1x40xi32, #tpu.memory_space<hbm>> -> memref<40xi32, #tpu.memory_space<hbm>>
    %dma_wait3A_668 = tpu.memref_slice %arg15[%rem3A_645] : memref<7x!tpu.dma_semaphore, #tpu.memory_space<semaphore_mem>> -> memref<1x!tpu.dma_semaphore, #tpu.memory_space<semaphore_mem>>
    %dma_wait3A_669 = tpu.memref_squeeze %dma_wait3A_668 : memref<1x!tpu.dma_semaphore, #tpu.memory_space<semaphore_mem>> -> memref<!tpu.dma_semaphore, #tpu.memory_space<semaphore_mem>>
    %dma_wait3A_670 = arith.constant 0 : i32
    %dma_wait3A_671 = tpu.memref_slice %arg8[%rem3A_645, %dma_wait3A_670] : memref<7x40xi32, #tpu.memory_space<vmem>> -> memref<1x40xi32, #tpu.memory_space<vmem>>
    %dma_wait3A_672 = tpu.memref_squeeze %dma_wait3A_671 : memref<1x40xi32, #tpu.memory_space<vmem>> -> memref<40xi32, #tpu.memory_space<vmem>>
    %dma_wait3A_673 = arith.constant 0 : i32
    %dma_wait3A_674 = tpu.memref_slice %arg2[%add3A, %dma_wait3A_661, %dma_wait3A_673] : memref<32x250x40xi32, #tpu.memory_space<hbm>> -> memref<1x1x40xi32, #tpu.memory_space<hbm>>
    %dma_wait3A_675 = tpu.memref_squeeze %dma_wait3A_674 : memref<1x1x40xi32, #tpu.memory_space<hbm>> -> memref<40xi32, #tpu.memory_space<hbm>>
    tpu.wait_dma2 semaphore(%dma_wait3A_669 : memref<!tpu.dma_semaphore, #tpu.memory_space<semaphore_mem>>) src(%dma_wait3A_675 : memref<40xi32, #tpu.memory_space<hbm>>) dst(%dma_wait3A_672 : memref<40xi32, #tpu.memory_space<vmem>>)
    %dma_wait3A_676 = arith.constant 0 : i32
    %dma_wait3A_677 = arith.constant 0 : i32
    %dma_wait3A_678 = tpu.memref_slice %arg7[%rem3A_645, %dma_wait3A_677] : memref<7x40xf32, #tpu.memory_space<vmem>> -> memref<1x40xf32, #tpu.memory_space<vmem>>
    %dma_wait3A_679 = tpu.memref_squeeze %dma_wait3A_678 : memref<1x40xf32, #tpu.memory_space<vmem>> -> memref<40xf32, #tpu.memory_space<vmem>>
    %dma_wait3A_680 = arith.constant 0 : i32
    %dma_wait3A_681 = tpu.memref_slice %arg4[%add3A, %dma_wait3A_676, %dma_wait3A_680] : memref<32x250x40xf32, #tpu.memory_space<hbm>> -> memref<1x1x40xf32, #tpu.memory_space<hbm>>
    %dma_wait3A_682 = tpu.memref_squeeze %dma_wait3A_681 : memref<1x1x40xf32, #tpu.memory_space<hbm>> -> memref<40xf32, #tpu.memory_space<hbm>>
    %dma_wait3A_683 = tpu.memref_slice %arg15[%rem3A_645] : memref<7x!tpu.dma_semaphore, #tpu.memory_space<semaphore_mem>> -> memref<1x!tpu.dma_semaphore, #tpu.memory_space<semaphore_mem>>
    %dma_wait3A_684 = tpu.memref_squeeze %dma_wait3A_683 : memref<1x!tpu.dma_semaphore, #tpu.memory_space<semaphore_mem>> -> memref<!tpu.dma_semaphore, #tpu.memory_space<semaphore_mem>>
    %dma_wait3A_685 = arith.constant 0 : i32
    %dma_wait3A_686 = tpu.memref_slice %arg7[%rem3A_645, %dma_wait3A_685] : memref<7x40xf32, #tpu.memory_space<vmem>> -> memref<1x40xf32, #tpu.memory_space<vmem>>
    %dma_wait3A_687 = tpu.memref_squeeze %dma_wait3A_686 : memref<1x40xf32, #tpu.memory_space<vmem>> -> memref<40xf32, #tpu.memory_space<vmem>>
    %dma_wait3A_688 = arith.constant 0 : i32
    %dma_wait3A_689 = tpu.memref_slice %arg4[%add3A, %dma_wait3A_676, %dma_wait3A_688] : memref<32x250x40xf32, #tpu.memory_space<hbm>> -> memref<1x1x40xf32, #tpu.memory_space<hbm>>
    %dma_wait3A_690 = tpu.memref_squeeze %dma_wait3A_689 : memref<1x1x40xf32, #tpu.memory_space<hbm>> -> memref<40xf32, #tpu.memory_space<hbm>>
    tpu.wait_dma2 semaphore(%dma_wait3A_684 : memref<!tpu.dma_semaphore, #tpu.memory_space<semaphore_mem>>) src(%dma_wait3A_690 : memref<40xf32, #tpu.memory_space<hbm>>) dst(%dma_wait3A_687 : memref<40xf32, #tpu.memory_space<vmem>>)
    %rem3A_691 = arith.constant 0 : i32
    %rem3A_692 = arith.constant 7 : i32
    %rem3A_693 = arith.remsi %rem3A_691, %rem3A_692 : i32
    %rem3A_694 = arith.constant 0 : i32
    %rem3A_695 = arith.constant 6 : i32
    %rem3A_696 = arith.remsi %rem3A_694, %rem3A_695 : i32
    %dma_start3A_697 = arith.constant 0 : i32
    %dma_start3A_698 = arith.constant 0 : i32
    %dma_start3A_699 = tpu.memref_slice %arg10[%rem3A_696, %dma_start3A_697, %dma_start3A_698] : memref<6x40x128xf32, #tpu.memory_space<vmem>> -> memref<1x40x128xf32, #tpu.memory_space<vmem>>
    %dma_start3A_700 = tpu.memref_squeeze %dma_start3A_699 : memref<1x40x128xf32, #tpu.memory_space<vmem>> -> memref<40x128xf32, #tpu.memory_space<vmem>>
    %dma_start3A_701 = arith.constant 0 : i32
    %dma_start3A_702 = tpu.memref_slice %arg9[%rem3A_693, %dma_start3A_701] : memref<7x40xi32, #tpu.memory_space<vmem>> -> memref<1x40xi32, #tpu.memory_space<vmem>>
    %dma_start3A_703 = tpu.memref_squeeze %dma_start3A_702 : memref<1x40xi32, #tpu.memory_space<vmem>> -> memref<40xi32, #tpu.memory_space<vmem>>
    %dma_start3A_704 = arith.constant 0 : i32
    %dma_start3A_705 = arith.constant 0 : i32
    %dma_start3A_706 = tpu.memref_slice %arg5[%dma_start3A_704, %dma_start3A_705] : memref<10000x128xf32, #tpu.memory_space<hbm>> -> memref<10000x128xf32, #tpu.memory_space<hbm>>
    %dma_start3A_707 = tpu.memref_slice %arg13[%rem3A_696] : memref<6x!tpu.dma_semaphore, #tpu.memory_space<semaphore_mem>> -> memref<1x!tpu.dma_semaphore, #tpu.memory_space<semaphore_mem>>
    %dma_start3A_708 = tpu.memref_squeeze %dma_start3A_707 : memref<1x!tpu.dma_semaphore, #tpu.memory_space<semaphore_mem>> -> memref<!tpu.dma_semaphore, #tpu.memory_space<semaphore_mem>>
    tpu.enqueue_indirect_dma source(%dma_start3A_706 : memref<10000x128xf32, #tpu.memory_space<hbm>>) target(%dma_start3A_700 : memref<40x128xf32, #tpu.memory_space<vmem>>) offsets(%dma_start3A_703 : memref<40xi32, #tpu.memory_space<vmem>>) semaphore(%dma_start3A_708 : memref<!tpu.dma_semaphore, #tpu.memory_space<semaphore_mem>>)
    %rem3A_709 = arith.constant 1 : i32
    %rem3A_710 = arith.constant 7 : i32
    %rem3A_711 = arith.remsi %rem3A_709, %rem3A_710 : i32
    %dma_wait3A_712 = arith.constant 1 : i32
    %dma_wait3A_713 = arith.constant 0 : i32
    %dma_wait3A_714 = tpu.memref_slice %arg9[%rem3A_711, %dma_wait3A_713] : memref<7x40xi32, #tpu.memory_space<vmem>> -> memref<1x40xi32, #tpu.memory_space<vmem>>
    %dma_wait3A_715 = tpu.memref_squeeze %dma_wait3A_714 : memref<1x40xi32, #tpu.memory_space<vmem>> -> memref<40xi32, #tpu.memory_space<vmem>>
    %dma_wait3A_716 = arith.constant 0 : i32
    %dma_wait3A_717 = tpu.memref_slice %arg3[%add3A, %dma_wait3A_712, %dma_wait3A_716] : memref<32x250x40xi32, #tpu.memory_space<hbm>> -> memref<1x1x40xi32, #tpu.memory_space<hbm>>
    %dma_wait3A_718 = tpu.memref_squeeze %dma_wait3A_717 : memref<1x1x40xi32, #tpu.memory_space<hbm>> -> memref<40xi32, #tpu.memory_space<hbm>>
    %dma_wait3A_719 = tpu.memref_slice %arg15[%rem3A_711] : memref<7x!tpu.dma_semaphore, #tpu.memory_space<semaphore_mem>> -> memref<1x!tpu.dma_semaphore, #tpu.memory_space<semaphore_mem>>
    %dma_wait3A_720 = tpu.memref_squeeze %dma_wait3A_719 : memref<1x!tpu.dma_semaphore, #tpu.memory_space<semaphore_mem>> -> memref<!tpu.dma_semaphore, #tpu.memory_space<semaphore_mem>>
    %dma_wait3A_721 = arith.constant 0 : i32
    %dma_wait3A_722 = tpu.memref_slice %arg9[%rem3A_711, %dma_wait3A_721] : memref<7x40xi32, #tpu.memory_space<vmem>> -> memref<1x40xi32, #tpu.memory_space<vmem>>
    %dma_wait3A_723 = tpu.memref_squeeze %dma_wait3A_722 : memref<1x40xi32, #tpu.memory_space<vmem>> -> memref<40xi32, #tpu.memory_space<vmem>>
    %dma_wait3A_724 = arith.constant 0 : i32
    %dma_wait3A_725 = tpu.memref_slice %arg3[%add3A, %dma_wait3A_712, %dma_wait3A_724] : memref<32x250x40xi32, #tpu.memory_space<hbm>> -> memref<1x1x40xi32, #tpu.memory_space<hbm>>
    %dma_wait3A_726 = tpu.memref_squeeze %dma_wait3A_725 : memref<1x1x40xi32, #tpu.memory_space<hbm>> -> memref<40xi32, #tpu.memory_space<hbm>>
    tpu.wait_dma2 semaphore(%dma_wait3A_720 : memref<!tpu.dma_semaphore, #tpu.memory_space<semaphore_mem>>) src(%dma_wait3A_726 : memref<40xi32, #tpu.memory_space<hbm>>) dst(%dma_wait3A_723 : memref<40xi32, #tpu.memory_space<vmem>>)
    %dma_wait3A_727 = arith.constant 1 : i32
    %dma_wait3A_728 = arith.constant 0 : i32
    %dma_wait3A_729 = tpu.memref_slice %arg8[%rem3A_711, %dma_wait3A_728] : memref<7x40xi32, #tpu.memory_space<vmem>> -> memref<1x40xi32, #tpu.memory_space<vmem>>
    %dma_wait3A_730 = tpu.memref_squeeze %dma_wait3A_729 : memref<1x40xi32, #tpu.memory_space<vmem>> -> memref<40xi32, #tpu.memory_space<vmem>>
    %dma_wait3A_731 = arith.constant 0 : i32
    %dma_wait3A_732 = tpu.memref_slice %arg2[%add3A, %dma_wait3A_727, %dma_wait3A_731] : memref<32x250x40xi32, #tpu.memory_space<hbm>> -> memref<1x1x40xi32, #tpu.memory_space<hbm>>
    %dma_wait3A_733 = tpu.memref_squeeze %dma_wait3A_732 : memref<1x1x40xi32, #tpu.memory_space<hbm>> -> memref<40xi32, #tpu.memory_space<hbm>>
    %dma_wait3A_734 = tpu.memref_slice %arg15[%rem3A_711] : memref<7x!tpu.dma_semaphore, #tpu.memory_space<semaphore_mem>> -> memref<1x!tpu.dma_semaphore, #tpu.memory_space<semaphore_mem>>
    %dma_wait3A_735 = tpu.memref_squeeze %dma_wait3A_734 : memref<1x!tpu.dma_semaphore, #tpu.memory_space<semaphore_mem>> -> memref<!tpu.dma_semaphore, #tpu.memory_space<semaphore_mem>>
    %dma_wait3A_736 = arith.constant 0 : i32
    %dma_wait3A_737 = tpu.memref_slice %arg8[%rem3A_711, %dma_wait3A_736] : memref<7x40xi32, #tpu.memory_space<vmem>> -> memref<1x40xi32, #tpu.memory_space<vmem>>
    %dma_wait3A_738 = tpu.memref_squeeze %dma_wait3A_737 : memref<1x40xi32, #tpu.memory_space<vmem>> -> memref<40xi32, #tpu.memory_space<vmem>>
    %dma_wait3A_739 = arith.constant 0 : i32
    %dma_wait3A_740 = tpu.memref_slice %arg2[%add3A, %dma_wait3A_727, %dma_wait3A_739] : memref<32x250x40xi32, #tpu.memory_space<hbm>> -> memref<1x1x40xi32, #tpu.memory_space<hbm>>
    %dma_wait3A_741 = tpu.memref_squeeze %dma_wait3A_740 : memref<1x1x40xi32, #tpu.memory_space<hbm>> -> memref<40xi32, #tpu.memory_space<hbm>>
    tpu.wait_dma2 semaphore(%dma_wait3A_735 : memref<!tpu.dma_semaphore, #tpu.memory_space<semaphore_mem>>) src(%dma_wait3A_741 : memref<40xi32, #tpu.memory_space<hbm>>) dst(%dma_wait3A_738 : memref<40xi32, #tpu.memory_space<vmem>>)
    %dma_wait3A_742 = arith.constant 1 : i32
    %dma_wait3A_743 = arith.constant 0 : i32
    %dma_wait3A_744 = tpu.memref_slice %arg7[%rem3A_711, %dma_wait3A_743] : memref<7x40xf32, #tpu.memory_space<vmem>> -> memref<1x40xf32, #tpu.memory_space<vmem>>
    %dma_wait3A_745 = tpu.memref_squeeze %dma_wait3A_744 : memref<1x40xf32, #tpu.memory_space<vmem>> -> memref<40xf32, #tpu.memory_space<vmem>>
    %dma_wait3A_746 = arith.constant 0 : i32
    %dma_wait3A_747 = tpu.memref_slice %arg4[%add3A, %dma_wait3A_742, %dma_wait3A_746] : memref<32x250x40xf32, #tpu.memory_space<hbm>> -> memref<1x1x40xf32, #tpu.memory_space<hbm>>
    %dma_wait3A_748 = tpu.memref_squeeze %dma_wait3A_747 : memref<1x1x40xf32, #tpu.memory_space<hbm>> -> memref<40xf32, #tpu.memory_space<hbm>>
    %dma_wait3A_749 = tpu.memref_slice %arg15[%rem3A_711] : memref<7x!tpu.dma_semaphore, #tpu.memory_space<semaphore_mem>> -> memref<1x!tpu.dma_semaphore, #tpu.memory_space<semaphore_mem>>
    %dma_wait3A_750 = tpu.memref_squeeze %dma_wait3A_749 : memref<1x!tpu.dma_semaphore, #tpu.memory_space<semaphore_mem>> -> memref<!tpu.dma_semaphore, #tpu.memory_space<semaphore_mem>>
    %dma_wait3A_751 = arith.constant 0 : i32
    %dma_wait3A_752 = tpu.memref_slice %arg7[%rem3A_711, %dma_wait3A_751] : memref<7x40xf32, #tpu.memory_space<vmem>> -> memref<1x40xf32, #tpu.memory_space<vmem>>
    %dma_wait3A_753 = tpu.memref_squeeze %dma_wait3A_752 : memref<1x40xf32, #tpu.memory_space<vmem>> -> memref<40xf32, #tpu.memory_space<vmem>>
    %dma_wait3A_754 = arith.constant 0 : i32
    %dma_wait3A_755 = tpu.memref_slice %arg4[%add3A, %dma_wait3A_742, %dma_wait3A_754] : memref<32x250x40xf32, #tpu.memory_space<hbm>> -> memref<1x1x40xf32, #tpu.memory_space<hbm>>
    %dma_wait3A_756 = tpu.memref_squeeze %dma_wait3A_755 : memref<1x1x40xf32, #tpu.memory_space<hbm>> -> memref<40xf32, #tpu.memory_space<hbm>>
    tpu.wait_dma2 semaphore(%dma_wait3A_750 : memref<!tpu.dma_semaphore, #tpu.memory_space<semaphore_mem>>) src(%dma_wait3A_756 : memref<40xf32, #tpu.memory_space<hbm>>) dst(%dma_wait3A_753 : memref<40xf32, #tpu.memory_space<vmem>>)
    %rem3A_757 = arith.constant 1 : i32
    %rem3A_758 = arith.constant 7 : i32
    %rem3A_759 = arith.remsi %rem3A_757, %rem3A_758 : i32
    %rem3A_760 = arith.constant 1 : i32
    %rem3A_761 = arith.constant 6 : i32
    %rem3A_762 = arith.remsi %rem3A_760, %rem3A_761 : i32
    %dma_start3A_763 = arith.constant 0 : i32
    %dma_start3A_764 = arith.constant 0 : i32
    %dma_start3A_765 = tpu.memref_slice %arg10[%rem3A_762, %dma_start3A_763, %dma_start3A_764] : memref<6x40x128xf32, #tpu.memory_space<vmem>> -> memref<1x40x128xf32, #tpu.memory_space<vmem>>
    %dma_start3A_766 = tpu.memref_squeeze %dma_start3A_765 : memref<1x40x128xf32, #tpu.memory_space<vmem>> -> memref<40x128xf32, #tpu.memory_space<vmem>>
    %dma_start3A_767 = arith.constant 0 : i32
    %dma_start3A_768 = tpu.memref_slice %arg9[%rem3A_759, %dma_start3A_767] : memref<7x40xi32, #tpu.memory_space<vmem>> -> memref<1x40xi32, #tpu.memory_space<vmem>>
    %dma_start3A_769 = tpu.memref_squeeze %dma_start3A_768 : memref<1x40xi32, #tpu.memory_space<vmem>> -> memref<40xi32, #tpu.memory_space<vmem>>
    %dma_start3A_770 = arith.constant 0 : i32
    %dma_start3A_771 = arith.constant 0 : i32
    %dma_start3A_772 = tpu.memref_slice %arg5[%dma_start3A_770, %dma_start3A_771] : memref<10000x128xf32, #tpu.memory_space<hbm>> -> memref<10000x128xf32, #tpu.memory_space<hbm>>
    %dma_start3A_773 = tpu.memref_slice %arg13[%rem3A_762] : memref<6x!tpu.dma_semaphore, #tpu.memory_space<semaphore_mem>> -> memref<1x!tpu.dma_semaphore, #tpu.memory_space<semaphore_mem>>
    %dma_start3A_774 = tpu.memref_squeeze %dma_start3A_773 : memref<1x!tpu.dma_semaphore, #tpu.memory_space<semaphore_mem>> -> memref<!tpu.dma_semaphore, #tpu.memory_space<semaphore_mem>>
    tpu.enqueue_indirect_dma source(%dma_start3A_772 : memref<10000x128xf32, #tpu.memory_space<hbm>>) target(%dma_start3A_766 : memref<40x128xf32, #tpu.memory_space<vmem>>) offsets(%dma_start3A_769 : memref<40xi32, #tpu.memory_space<vmem>>) semaphore(%dma_start3A_774 : memref<!tpu.dma_semaphore, #tpu.memory_space<semaphore_mem>>)
    %rem3A_775 = arith.constant 2 : i32
    %rem3A_776 = arith.constant 7 : i32
    %rem3A_777 = arith.remsi %rem3A_775, %rem3A_776 : i32
    %dma_wait3A_778 = arith.constant 2 : i32
    %dma_wait3A_779 = arith.constant 0 : i32
    %dma_wait3A_780 = tpu.memref_slice %arg9[%rem3A_777, %dma_wait3A_779] : memref<7x40xi32, #tpu.memory_space<vmem>> -> memref<1x40xi32, #tpu.memory_space<vmem>>
    %dma_wait3A_781 = tpu.memref_squeeze %dma_wait3A_780 : memref<1x40xi32, #tpu.memory_space<vmem>> -> memref<40xi32, #tpu.memory_space<vmem>>
    %dma_wait3A_782 = arith.constant 0 : i32
    %dma_wait3A_783 = tpu.memref_slice %arg3[%add3A, %dma_wait3A_778, %dma_wait3A_782] : memref<32x250x40xi32, #tpu.memory_space<hbm>> -> memref<1x1x40xi32, #tpu.memory_space<hbm>>
    %dma_wait3A_784 = tpu.memref_squeeze %dma_wait3A_783 : memref<1x1x40xi32, #tpu.memory_space<hbm>> -> memref<40xi32, #tpu.memory_space<hbm>>
    %dma_wait3A_785 = tpu.memref_slice %arg15[%rem3A_777] : memref<7x!tpu.dma_semaphore, #tpu.memory_space<semaphore_mem>> -> memref<1x!tpu.dma_semaphore, #tpu.memory_space<semaphore_mem>>
    %dma_wait3A_786 = tpu.memref_squeeze %dma_wait3A_785 : memref<1x!tpu.dma_semaphore, #tpu.memory_space<semaphore_mem>> -> memref<!tpu.dma_semaphore, #tpu.memory_space<semaphore_mem>>
    %dma_wait3A_787 = arith.constant 0 : i32
    %dma_wait3A_788 = tpu.memref_slice %arg9[%rem3A_777, %dma_wait3A_787] : memref<7x40xi32, #tpu.memory_space<vmem>> -> memref<1x40xi32, #tpu.memory_space<vmem>>
    %dma_wait3A_789 = tpu.memref_squeeze %dma_wait3A_788 : memref<1x40xi32, #tpu.memory_space<vmem>> -> memref<40xi32, #tpu.memory_space<vmem>>
    %dma_wait3A_790 = arith.constant 0 : i32
    %dma_wait3A_791 = tpu.memref_slice %arg3[%add3A, %dma_wait3A_778, %dma_wait3A_790] : memref<32x250x40xi32, #tpu.memory_space<hbm>> -> memref<1x1x40xi32, #tpu.memory_space<hbm>>
    %dma_wait3A_792 = tpu.memref_squeeze %dma_wait3A_791 : memref<1x1x40xi32, #tpu.memory_space<hbm>> -> memref<40xi32, #tpu.memory_space<hbm>>
    tpu.wait_dma2 semaphore(%dma_wait3A_786 : memref<!tpu.dma_semaphore, #tpu.memory_space<semaphore_mem>>) src(%dma_wait3A_792 : memref<40xi32, #tpu.memory_space<hbm>>) dst(%dma_wait3A_789 : memref<40xi32, #tpu.memory_space<vmem>>)
    %dma_wait3A_793 = arith.constant 2 : i32
    %dma_wait3A_794 = arith.constant 0 : i32
    %dma_wait3A_795 = tpu.memref_slice %arg8[%rem3A_777, %dma_wait3A_794] : memref<7x40xi32, #tpu.memory_space<vmem>> -> memref<1x40xi32, #tpu.memory_space<vmem>>
    %dma_wait3A_796 = tpu.memref_squeeze %dma_wait3A_795 : memref<1x40xi32, #tpu.memory_space<vmem>> -> memref<40xi32, #tpu.memory_space<vmem>>
    %dma_wait3A_797 = arith.constant 0 : i32
    %dma_wait3A_798 = tpu.memref_slice %arg2[%add3A, %dma_wait3A_793, %dma_wait3A_797] : memref<32x250x40xi32, #tpu.memory_space<hbm>> -> memref<1x1x40xi32, #tpu.memory_space<hbm>>
    %dma_wait3A_799 = tpu.memref_squeeze %dma_wait3A_798 : memref<1x1x40xi32, #tpu.memory_space<hbm>> -> memref<40xi32, #tpu.memory_space<hbm>>
    %dma_wait3A_800 = tpu.memref_slice %arg15[%rem3A_777] : memref<7x!tpu.dma_semaphore, #tpu.memory_space<semaphore_mem>> -> memref<1x!tpu.dma_semaphore, #tpu.memory_space<semaphore_mem>>
    %dma_wait3A_801 = tpu.memref_squeeze %dma_wait3A_800 : memref<1x!tpu.dma_semaphore, #tpu.memory_space<semaphore_mem>> -> memref<!tpu.dma_semaphore, #tpu.memory_space<semaphore_mem>>
    %dma_wait3A_802 = arith.constant 0 : i32
    %dma_wait3A_803 = tpu.memref_slice %arg8[%rem3A_777, %dma_wait3A_802] : memref<7x40xi32, #tpu.memory_space<vmem>> -> memref<1x40xi32, #tpu.memory_space<vmem>>
    %dma_wait3A_804 = tpu.memref_squeeze %dma_wait3A_803 : memref<1x40xi32, #tpu.memory_space<vmem>> -> memref<40xi32, #tpu.memory_space<vmem>>
    %dma_wait3A_805 = arith.constant 0 : i32
    %dma_wait3A_806 = tpu.memref_slice %arg2[%add3A, %dma_wait3A_793, %dma_wait3A_805] : memref<32x250x40xi32, #tpu.memory_space<hbm>> -> memref<1x1x40xi32, #tpu.memory_space<hbm>>
    %dma_wait3A_807 = tpu.memref_squeeze %dma_wait3A_806 : memref<1x1x40xi32, #tpu.memory_space<hbm>> -> memref<40xi32, #tpu.memory_space<hbm>>
    tpu.wait_dma2 semaphore(%dma_wait3A_801 : memref<!tpu.dma_semaphore, #tpu.memory_space<semaphore_mem>>) src(%dma_wait3A_807 : memref<40xi32, #tpu.memory_space<hbm>>) dst(%dma_wait3A_804 : memref<40xi32, #tpu.memory_space<vmem>>)
    %dma_wait3A_808 = arith.constant 2 : i32
    %dma_wait3A_809 = arith.constant 0 : i32
    %dma_wait3A_810 = tpu.memref_slice %arg7[%rem3A_777, %dma_wait3A_809] : memref<7x40xf32, #tpu.memory_space<vmem>> -> memref<1x40xf32, #tpu.memory_space<vmem>>
    %dma_wait3A_811 = tpu.memref_squeeze %dma_wait3A_810 : memref<1x40xf32, #tpu.memory_space<vmem>> -> memref<40xf32, #tpu.memory_space<vmem>>
    %dma_wait3A_812 = arith.constant 0 : i32
    %dma_wait3A_813 = tpu.memref_slice %arg4[%add3A, %dma_wait3A_808, %dma_wait3A_812] : memref<32x250x40xf32, #tpu.memory_space<hbm>> -> memref<1x1x40xf32, #tpu.memory_space<hbm>>
    %dma_wait3A_814 = tpu.memref_squeeze %dma_wait3A_813 : memref<1x1x40xf32, #tpu.memory_space<hbm>> -> memref<40xf32, #tpu.memory_space<hbm>>
    %dma_wait3A_815 = tpu.memref_slice %arg15[%rem3A_777] : memref<7x!tpu.dma_semaphore, #tpu.memory_space<semaphore_mem>> -> memref<1x!tpu.dma_semaphore, #tpu.memory_space<semaphore_mem>>
    %dma_wait3A_816 = tpu.memref_squeeze %dma_wait3A_815 : memref<1x!tpu.dma_semaphore, #tpu.memory_space<semaphore_mem>> -> memref<!tpu.dma_semaphore, #tpu.memory_space<semaphore_mem>>
    %dma_wait3A_817 = arith.constant 0 : i32
    %dma_wait3A_818 = tpu.memref_slice %arg7[%rem3A_777, %dma_wait3A_817] : memref<7x40xf32, #tpu.memory_space<vmem>> -> memref<1x40xf32, #tpu.memory_space<vmem>>
    %dma_wait3A_819 = tpu.memref_squeeze %dma_wait3A_818 : memref<1x40xf32, #tpu.memory_space<vmem>> -> memref<40xf32, #tpu.memory_space<vmem>>
    %dma_wait3A_820 = arith.constant 0 : i32
    %dma_wait3A_821 = tpu.memref_slice %arg4[%add3A, %dma_wait3A_808, %dma_wait3A_820] : memref<32x250x40xf32, #tpu.memory_space<hbm>> -> memref<1x1x40xf32, #tpu.memory_space<hbm>>
    %dma_wait3A_822 = tpu.memref_squeeze %dma_wait3A_821 : memref<1x1x40xf32, #tpu.memory_space<hbm>> -> memref<40xf32, #tpu.memory_space<hbm>>
    tpu.wait_dma2 semaphore(%dma_wait3A_816 : memref<!tpu.dma_semaphore, #tpu.memory_space<semaphore_mem>>) src(%dma_wait3A_822 : memref<40xf32, #tpu.memory_space<hbm>>) dst(%dma_wait3A_819 : memref<40xf32, #tpu.memory_space<vmem>>)
    %rem3A_823 = arith.constant 2 : i32
    %rem3A_824 = arith.constant 7 : i32
    %rem3A_825 = arith.remsi %rem3A_823, %rem3A_824 : i32
    %rem3A_826 = arith.constant 2 : i32
    %rem3A_827 = arith.constant 6 : i32
    %rem3A_828 = arith.remsi %rem3A_826, %rem3A_827 : i32
    %dma_start3A_829 = arith.constant 0 : i32
    %dma_start3A_830 = arith.constant 0 : i32
    %dma_start3A_831 = tpu.memref_slice %arg10[%rem3A_828, %dma_start3A_829, %dma_start3A_830] : memref<6x40x128xf32, #tpu.memory_space<vmem>> -> memref<1x40x128xf32, #tpu.memory_space<vmem>>
    %dma_start3A_832 = tpu.memref_squeeze %dma_start3A_831 : memref<1x40x128xf32, #tpu.memory_space<vmem>> -> memref<40x128xf32, #tpu.memory_space<vmem>>
    %dma_start3A_833 = arith.constant 0 : i32
    %dma_start3A_834 = tpu.memref_slice %arg9[%rem3A_825, %dma_start3A_833] : memref<7x40xi32, #tpu.memory_space<vmem>> -> memref<1x40xi32, #tpu.memory_space<vmem>>
    %dma_start3A_835 = tpu.memref_squeeze %dma_start3A_834 : memref<1x40xi32, #tpu.memory_space<vmem>> -> memref<40xi32, #tpu.memory_space<vmem>>
    %dma_start3A_836 = arith.constant 0 : i32
    %dma_start3A_837 = arith.constant 0 : i32
    %dma_start3A_838 = tpu.memref_slice %arg5[%dma_start3A_836, %dma_start3A_837] : memref<10000x128xf32, #tpu.memory_space<hbm>> -> memref<10000x128xf32, #tpu.memory_space<hbm>>
    %dma_start3A_839 = tpu.memref_slice %arg13[%rem3A_828] : memref<6x!tpu.dma_semaphore, #tpu.memory_space<semaphore_mem>> -> memref<1x!tpu.dma_semaphore, #tpu.memory_space<semaphore_mem>>
    %dma_start3A_840 = tpu.memref_squeeze %dma_start3A_839 : memref<1x!tpu.dma_semaphore, #tpu.memory_space<semaphore_mem>> -> memref<!tpu.dma_semaphore, #tpu.memory_space<semaphore_mem>>
    tpu.enqueue_indirect_dma source(%dma_start3A_838 : memref<10000x128xf32, #tpu.memory_space<hbm>>) target(%dma_start3A_832 : memref<40x128xf32, #tpu.memory_space<vmem>>) offsets(%dma_start3A_835 : memref<40xi32, #tpu.memory_space<vmem>>) semaphore(%dma_start3A_840 : memref<!tpu.dma_semaphore, #tpu.memory_space<semaphore_mem>>)
    %rem3A_841 = arith.constant 3 : i32
    %rem3A_842 = arith.constant 7 : i32
    %rem3A_843 = arith.remsi %rem3A_841, %rem3A_842 : i32
    %dma_wait3A_844 = arith.constant 3 : i32
    %dma_wait3A_845 = arith.constant 0 : i32
    %dma_wait3A_846 = tpu.memref_slice %arg9[%rem3A_843, %dma_wait3A_845] : memref<7x40xi32, #tpu.memory_space<vmem>> -> memref<1x40xi32, #tpu.memory_space<vmem>>
    %dma_wait3A_847 = tpu.memref_squeeze %dma_wait3A_846 : memref<1x40xi32, #tpu.memory_space<vmem>> -> memref<40xi32, #tpu.memory_space<vmem>>
    %dma_wait3A_848 = arith.constant 0 : i32
    %dma_wait3A_849 = tpu.memref_slice %arg3[%add3A, %dma_wait3A_844, %dma_wait3A_848] : memref<32x250x40xi32, #tpu.memory_space<hbm>> -> memref<1x1x40xi32, #tpu.memory_space<hbm>>
    %dma_wait3A_850 = tpu.memref_squeeze %dma_wait3A_849 : memref<1x1x40xi32, #tpu.memory_space<hbm>> -> memref<40xi32, #tpu.memory_space<hbm>>
    %dma_wait3A_851 = tpu.memref_slice %arg15[%rem3A_843] : memref<7x!tpu.dma_semaphore, #tpu.memory_space<semaphore_mem>> -> memref<1x!tpu.dma_semaphore, #tpu.memory_space<semaphore_mem>>
    %dma_wait3A_852 = tpu.memref_squeeze %dma_wait3A_851 : memref<1x!tpu.dma_semaphore, #tpu.memory_space<semaphore_mem>> -> memref<!tpu.dma_semaphore, #tpu.memory_space<semaphore_mem>>
    %dma_wait3A_853 = arith.constant 0 : i32
    %dma_wait3A_854 = tpu.memref_slice %arg9[%rem3A_843, %dma_wait3A_853] : memref<7x40xi32, #tpu.memory_space<vmem>> -> memref<1x40xi32, #tpu.memory_space<vmem>>
    %dma_wait3A_855 = tpu.memref_squeeze %dma_wait3A_854 : memref<1x40xi32, #tpu.memory_space<vmem>> -> memref<40xi32, #tpu.memory_space<vmem>>
    %dma_wait3A_856 = arith.constant 0 : i32
    %dma_wait3A_857 = tpu.memref_slice %arg3[%add3A, %dma_wait3A_844, %dma_wait3A_856] : memref<32x250x40xi32, #tpu.memory_space<hbm>> -> memref<1x1x40xi32, #tpu.memory_space<hbm>>
    %dma_wait3A_858 = tpu.memref_squeeze %dma_wait3A_857 : memref<1x1x40xi32, #tpu.memory_space<hbm>> -> memref<40xi32, #tpu.memory_space<hbm>>
    tpu.wait_dma2 semaphore(%dma_wait3A_852 : memref<!tpu.dma_semaphore, #tpu.memory_space<semaphore_mem>>) src(%dma_wait3A_858 : memref<40xi32, #tpu.memory_space<hbm>>) dst(%dma_wait3A_855 : memref<40xi32, #tpu.memory_space<vmem>>)
    %dma_wait3A_859 = arith.constant 3 : i32
    %dma_wait3A_860 = arith.constant 0 : i32
    %dma_wait3A_861 = tpu.memref_slice %arg8[%rem3A_843, %dma_wait3A_860] : memref<7x40xi32, #tpu.memory_space<vmem>> -> memref<1x40xi32, #tpu.memory_space<vmem>>
    %dma_wait3A_862 = tpu.memref_squeeze %dma_wait3A_861 : memref<1x40xi32, #tpu.memory_space<vmem>> -> memref<40xi32, #tpu.memory_space<vmem>>
    %dma_wait3A_863 = arith.constant 0 : i32
    %dma_wait3A_864 = tpu.memref_slice %arg2[%add3A, %dma_wait3A_859, %dma_wait3A_863] : memref<32x250x40xi32, #tpu.memory_space<hbm>> -> memref<1x1x40xi32, #tpu.memory_space<hbm>>
    %dma_wait3A_865 = tpu.memref_squeeze %dma_wait3A_864 : memref<1x1x40xi32, #tpu.memory_space<hbm>> -> memref<40xi32, #tpu.memory_space<hbm>>
    %dma_wait3A_866 = tpu.memref_slice %arg15[%rem3A_843] : memref<7x!tpu.dma_semaphore, #tpu.memory_space<semaphore_mem>> -> memref<1x!tpu.dma_semaphore, #tpu.memory_space<semaphore_mem>>
    %dma_wait3A_867 = tpu.memref_squeeze %dma_wait3A_866 : memref<1x!tpu.dma_semaphore, #tpu.memory_space<semaphore_mem>> -> memref<!tpu.dma_semaphore, #tpu.memory_space<semaphore_mem>>
    %dma_wait3A_868 = arith.constant 0 : i32
    %dma_wait3A_869 = tpu.memref_slice %arg8[%rem3A_843, %dma_wait3A_868] : memref<7x40xi32, #tpu.memory_space<vmem>> -> memref<1x40xi32, #tpu.memory_space<vmem>>
    %dma_wait3A_870 = tpu.memref_squeeze %dma_wait3A_869 : memref<1x40xi32, #tpu.memory_space<vmem>> -> memref<40xi32, #tpu.memory_space<vmem>>
    %dma_wait3A_871 = arith.constant 0 : i32
    %dma_wait3A_872 = tpu.memref_slice %arg2[%add3A, %dma_wait3A_859, %dma_wait3A_871] : memref<32x250x40xi32, #tpu.memory_space<hbm>> -> memref<1x1x40xi32, #tpu.memory_space<hbm>>
    %dma_wait3A_873 = tpu.memref_squeeze %dma_wait3A_872 : memref<1x1x40xi32, #tpu.memory_space<hbm>> -> memref<40xi32, #tpu.memory_space<hbm>>
    tpu.wait_dma2 semaphore(%dma_wait3A_867 : memref<!tpu.dma_semaphore, #tpu.memory_space<semaphore_mem>>) src(%dma_wait3A_873 : memref<40xi32, #tpu.memory_space<hbm>>) dst(%dma_wait3A_870 : memref<40xi32, #tpu.memory_space<vmem>>)
    %dma_wait3A_874 = arith.constant 3 : i32
    %dma_wait3A_875 = arith.constant 0 : i32
    %dma_wait3A_876 = tpu.memref_slice %arg7[%rem3A_843, %dma_wait3A_875] : memref<7x40xf32, #tpu.memory_space<vmem>> -> memref<1x40xf32, #tpu.memory_space<vmem>>
    %dma_wait3A_877 = tpu.memref_squeeze %dma_wait3A_876 : memref<1x40xf32, #tpu.memory_space<vmem>> -> memref<40xf32, #tpu.memory_space<vmem>>
    %dma_wait3A_878 = arith.constant 0 : i32
    %dma_wait3A_879 = tpu.memref_slice %arg4[%add3A, %dma_wait3A_874, %dma_wait3A_878] : memref<32x250x40xf32, #tpu.memory_space<hbm>> -> memref<1x1x40xf32, #tpu.memory_space<hbm>>
    %dma_wait3A_880 = tpu.memref_squeeze %dma_wait3A_879 : memref<1x1x40xf32, #tpu.memory_space<hbm>> -> memref<40xf32, #tpu.memory_space<hbm>>
    %dma_wait3A_881 = tpu.memref_slice %arg15[%rem3A_843] : memref<7x!tpu.dma_semaphore, #tpu.memory_space<semaphore_mem>> -> memref<1x!tpu.dma_semaphore, #tpu.memory_space<semaphore_mem>>
    %dma_wait3A_882 = tpu.memref_squeeze %dma_wait3A_881 : memref<1x!tpu.dma_semaphore, #tpu.memory_space<semaphore_mem>> -> memref<!tpu.dma_semaphore, #tpu.memory_space<semaphore_mem>>
    %dma_wait3A_883 = arith.constant 0 : i32
    %dma_wait3A_884 = tpu.memref_slice %arg7[%rem3A_843, %dma_wait3A_883] : memref<7x40xf32, #tpu.memory_space<vmem>> -> memref<1x40xf32, #tpu.memory_space<vmem>>
    %dma_wait3A_885 = tpu.memref_squeeze %dma_wait3A_884 : memref<1x40xf32, #tpu.memory_space<vmem>> -> memref<40xf32, #tpu.memory_space<vmem>>
    %dma_wait3A_886 = arith.constant 0 : i32
    %dma_wait3A_887 = tpu.memref_slice %arg4[%add3A, %dma_wait3A_874, %dma_wait3A_886] : memref<32x250x40xf32, #tpu.memory_space<hbm>> -> memref<1x1x40xf32, #tpu.memory_space<hbm>>
    %dma_wait3A_888 = tpu.memref_squeeze %dma_wait3A_887 : memref<1x1x40xf32, #tpu.memory_space<hbm>> -> memref<40xf32, #tpu.memory_space<hbm>>
    tpu.wait_dma2 semaphore(%dma_wait3A_882 : memref<!tpu.dma_semaphore, #tpu.memory_space<semaphore_mem>>) src(%dma_wait3A_888 : memref<40xf32, #tpu.memory_space<hbm>>) dst(%dma_wait3A_885 : memref<40xf32, #tpu.memory_space<vmem>>)
    %rem3A_889 = arith.constant 3 : i32
    %rem3A_890 = arith.constant 7 : i32
    %rem3A_891 = arith.remsi %rem3A_889, %rem3A_890 : i32
    %rem3A_892 = arith.constant 3 : i32
    %rem3A_893 = arith.constant 6 : i32
    %rem3A_894 = arith.remsi %rem3A_892, %rem3A_893 : i32
    %dma_start3A_895 = arith.constant 0 : i32
    %dma_start3A_896 = arith.constant 0 : i32
    %dma_start3A_897 = tpu.memref_slice %arg10[%rem3A_894, %dma_start3A_895, %dma_start3A_896] : memref<6x40x128xf32, #tpu.memory_space<vmem>> -> memref<1x40x128xf32, #tpu.memory_space<vmem>>
    %dma_start3A_898 = tpu.memref_squeeze %dma_start3A_897 : memref<1x40x128xf32, #tpu.memory_space<vmem>> -> memref<40x128xf32, #tpu.memory_space<vmem>>
    %dma_start3A_899 = arith.constant 0 : i32
    %dma_start3A_900 = tpu.memref_slice %arg9[%rem3A_891, %dma_start3A_899] : memref<7x40xi32, #tpu.memory_space<vmem>> -> memref<1x40xi32, #tpu.memory_space<vmem>>
    %dma_start3A_901 = tpu.memref_squeeze %dma_start3A_900 : memref<1x40xi32, #tpu.memory_space<vmem>> -> memref<40xi32, #tpu.memory_space<vmem>>
    %dma_start3A_902 = arith.constant 0 : i32
    %dma_start3A_903 = arith.constant 0 : i32
    %dma_start3A_904 = tpu.memref_slice %arg5[%dma_start3A_902, %dma_start3A_903] : memref<10000x128xf32, #tpu.memory_space<hbm>> -> memref<10000x128xf32, #tpu.memory_space<hbm>>
    %dma_start3A_905 = tpu.memref_slice %arg13[%rem3A_894] : memref<6x!tpu.dma_semaphore, #tpu.memory_space<semaphore_mem>> -> memref<1x!tpu.dma_semaphore, #tpu.memory_space<semaphore_mem>>
    %dma_start3A_906 = tpu.memref_squeeze %dma_start3A_905 : memref<1x!tpu.dma_semaphore, #tpu.memory_space<semaphore_mem>> -> memref<!tpu.dma_semaphore, #tpu.memory_space<semaphore_mem>>
    tpu.enqueue_indirect_dma source(%dma_start3A_904 : memref<10000x128xf32, #tpu.memory_space<hbm>>) target(%dma_start3A_898 : memref<40x128xf32, #tpu.memory_space<vmem>>) offsets(%dma_start3A_901 : memref<40xi32, #tpu.memory_space<vmem>>) semaphore(%dma_start3A_906 : memref<!tpu.dma_semaphore, #tpu.memory_space<semaphore_mem>>)
    %scan3A_907 = arith.constant 0 : i32
    %scan3A_908 = arith.constant 0 : i32
    %scan3A_909 = arith.constant 250 : i32
    %scan3A_910 = arith.addi %scan3A_908, %scan3A_909 : i32
    %scan3A_911 = arith.constant 1 : i32
    scf.for %scan3A_1400 = %scan3A_908 to %scan3A_910 step %scan3A_911  : i32 {
      %rem3A_1401 = arith.constant 6 : i32
      %rem3A_1402 = arith.remsi %scan3A_1400, %rem3A_1401 : i32
      %ge3A = arith.constant 2 : i32
      %ge3A_1403 = arith.cmpi sge, %scan3A_1400, %ge3A : i32
      %convert_element_type3A = arith.extui %ge3A_1403 : i1 to i32
      %cond3A = arith.constant 0 : i32
      %cond3A_1404 = arith.cmpi ne, %convert_element_type3A, %cond3A : i32
      scf.if %cond3A_1404 {
        %sub3A = arith.constant 2 : i32
        %sub3A_1454 = arith.subi %scan3A_1400, %sub3A : i32
        %rem3A_1455 = arith.constant 7 : i32
        %rem3A_1456 = arith.remsi %sub3A_1454, %rem3A_1455 : i32
        %rem3A_1457 = arith.constant 6 : i32
        %rem3A_1458 = arith.remsi %sub3A_1454, %rem3A_1457 : i32
        %dma_wait3A_1459 = arith.constant 0 : i32
        %dma_wait3A_1460 = arith.constant 0 : i32
        %dma_wait3A_1461 = tpu.memref_slice %arg10[%rem3A_1458, %dma_wait3A_1459, %dma_wait3A_1460] : memref<6x40x128xf32, #tpu.memory_space<vmem>> -> memref<1x40x128xf32, #tpu.memory_space<vmem>>
        %dma_wait3A_1462 = tpu.memref_squeeze %dma_wait3A_1461 : memref<1x40x128xf32, #tpu.memory_space<vmem>> -> memref<40x128xf32, #tpu.memory_space<vmem>>
        %dma_wait3A_1463 = arith.constant 0 : i32
        %dma_wait3A_1464 = tpu.memref_slice %arg8[%rem3A_1456, %dma_wait3A_1463] : memref<7x40xi32, #tpu.memory_space<vmem>> -> memref<1x40xi32, #tpu.memory_space<vmem>>
        %dma_wait3A_1465 = tpu.memref_squeeze %dma_wait3A_1464 : memref<1x40xi32, #tpu.memory_space<vmem>> -> memref<40xi32, #tpu.memory_space<vmem>>
        %dma_wait3A_1466 = arith.constant 0 : i32
        %dma_wait3A_1467 = arith.constant 0 : i32
        %dma_wait3A_1468 = tpu.memref_slice %arg12[%dma_wait3A_1466, %dma_wait3A_1467] : memref<10000x128xf32, #tpu.memory_space<vmem_shared>> -> memref<10000x128xf32, #tpu.memory_space<vmem_shared>>
        %dma_wait3A_1469 = tpu.memref_slice %arg14[%rem3A_1458] : memref<6x!tpu.dma_semaphore, #tpu.memory_space<semaphore_mem>> -> memref<1x!tpu.dma_semaphore, #tpu.memory_space<semaphore_mem>>
        %dma_wait3A_1470 = tpu.memref_squeeze %dma_wait3A_1469 : memref<1x!tpu.dma_semaphore, #tpu.memory_space<semaphore_mem>> -> memref<!tpu.dma_semaphore, #tpu.memory_space<semaphore_mem>>
        tpu.wait_indirect_dma semaphore(%dma_wait3A_1470 : memref<!tpu.dma_semaphore, #tpu.memory_space<semaphore_mem>>) src(%dma_wait3A_1462 : memref<40x128xf32, #tpu.memory_space<vmem>>) dst(%dma_wait3A_1468 : memref<10000x128xf32, #tpu.memory_space<vmem_shared>>)
      } else {
      }
      %add3A_1405 = arith.constant 5 : i32
      %add3A_1406 = arith.addi %scan3A_1400, %add3A_1405 : i32
      %lt3A = arith.constant 250 : i32
      %lt3A_1407 = arith.cmpi slt, %add3A_1406, %lt3A : i32
      %convert_element_type3A_1408 = arith.extui %lt3A_1407 : i1 to i32
      %cond3A_1409 = arith.constant 0 : i32
      %cond3A_1410 = arith.cmpi ne, %convert_element_type3A_1408, %cond3A_1409 : i32
      scf.if %cond3A_1410 {
        %add3A_1454 = arith.constant 5 : i32
        %add3A_1455 = arith.addi %scan3A_1400, %add3A_1454 : i32
        %rem3A_1456 = arith.constant 7 : i32
        %rem3A_1457 = arith.remsi %add3A_1455, %rem3A_1456 : i32
        %dma_start3A_1458 = arith.constant 0 : i32
        %dma_start3A_1459 = tpu.memref_slice %arg9[%rem3A_1457, %dma_start3A_1458] : memref<7x40xi32, #tpu.memory_space<vmem>> -> memref<1x40xi32, #tpu.memory_space<vmem>>
        %dma_start3A_1460 = tpu.memref_squeeze %dma_start3A_1459 : memref<1x40xi32, #tpu.memory_space<vmem>> -> memref<40xi32, #tpu.memory_space<vmem>>
        %dma_start3A_1461 = arith.constant 0 : i32
        %dma_start3A_1462 = tpu.memref_slice %arg3[%add3A, %add3A_1455, %dma_start3A_1461] : memref<32x250x40xi32, #tpu.memory_space<hbm>> -> memref<1x1x40xi32, #tpu.memory_space<hbm>>
        %dma_start3A_1463 = tpu.memref_squeeze %dma_start3A_1462 : memref<1x1x40xi32, #tpu.memory_space<hbm>> -> memref<40xi32, #tpu.memory_space<hbm>>
        %dma_start3A_1464 = tpu.memref_slice %arg15[%rem3A_1457] : memref<7x!tpu.dma_semaphore, #tpu.memory_space<semaphore_mem>> -> memref<1x!tpu.dma_semaphore, #tpu.memory_space<semaphore_mem>>
        %dma_start3A_1465 = tpu.memref_squeeze %dma_start3A_1464 : memref<1x!tpu.dma_semaphore, #tpu.memory_space<semaphore_mem>> -> memref<!tpu.dma_semaphore, #tpu.memory_space<semaphore_mem>>
        %dma_start3A_1466 = arith.constant 0 : i32
        %dma_start3A_1467 = tpu.memref_slice %arg9[%rem3A_1457, %dma_start3A_1466] : memref<7x40xi32, #tpu.memory_space<vmem>> -> memref<1x40xi32, #tpu.memory_space<vmem>>
        %dma_start3A_1468 = tpu.memref_squeeze %dma_start3A_1467 : memref<1x40xi32, #tpu.memory_space<vmem>> -> memref<40xi32, #tpu.memory_space<vmem>>
        %dma_start3A_1469 = arith.constant 0 : i32
        %dma_start3A_1470 = tpu.memref_slice %arg3[%add3A, %add3A_1455, %dma_start3A_1469] : memref<32x250x40xi32, #tpu.memory_space<hbm>> -> memref<1x1x40xi32, #tpu.memory_space<hbm>>
        %dma_start3A_1471 = tpu.memref_squeeze %dma_start3A_1470 : memref<1x1x40xi32, #tpu.memory_space<hbm>> -> memref<40xi32, #tpu.memory_space<hbm>>
        tpu.enqueue_dma source(%dma_start3A_1471 : memref<40xi32, #tpu.memory_space<hbm>>) target(%dma_start3A_1468 : memref<40xi32, #tpu.memory_space<vmem>>) target_semaphore(%dma_start3A_1465 : memref<!tpu.dma_semaphore, #tpu.memory_space<semaphore_mem>>)
        %dma_start3A_1472 = arith.constant 0 : i32
        %dma_start3A_1473 = tpu.memref_slice %arg8[%rem3A_1457, %dma_start3A_1472] : memref<7x40xi32, #tpu.memory_space<vmem>> -> memref<1x40xi32, #tpu.memory_space<vmem>>
        %dma_start3A_1474 = tpu.memref_squeeze %dma_start3A_1473 : memref<1x40xi32, #tpu.memory_space<vmem>> -> memref<40xi32, #tpu.memory_space<vmem>>
        %dma_start3A_1475 = arith.constant 0 : i32
        %dma_start3A_1476 = tpu.memref_slice %arg2[%add3A, %add3A_1455, %dma_start3A_1475] : memref<32x250x40xi32, #tpu.memory_space<hbm>> -> memref<1x1x40xi32, #tpu.memory_space<hbm>>
        %dma_start3A_1477 = tpu.memref_squeeze %dma_start3A_1476 : memref<1x1x40xi32, #tpu.memory_space<hbm>> -> memref<40xi32, #tpu.memory_space<hbm>>
        %dma_start3A_1478 = tpu.memref_slice %arg15[%rem3A_1457] : memref<7x!tpu.dma_semaphore, #tpu.memory_space<semaphore_mem>> -> memref<1x!tpu.dma_semaphore, #tpu.memory_space<semaphore_mem>>
        %dma_start3A_1479 = tpu.memref_squeeze %dma_start3A_1478 : memref<1x!tpu.dma_semaphore, #tpu.memory_space<semaphore_mem>> -> memref<!tpu.dma_semaphore, #tpu.memory_space<semaphore_mem>>
        %dma_start3A_1480 = arith.constant 0 : i32
        %dma_start3A_1481 = tpu.memref_slice %arg8[%rem3A_1457, %dma_start3A_1480] : memref<7x40xi32, #tpu.memory_space<vmem>> -> memref<1x40xi32, #tpu.memory_space<vmem>>
        %dma_start3A_1482 = tpu.memref_squeeze %dma_start3A_1481 : memref<1x40xi32, #tpu.memory_space<vmem>> -> memref<40xi32, #tpu.memory_space<vmem>>
        %dma_start3A_1483 = arith.constant 0 : i32
        %dma_start3A_1484 = tpu.memref_slice %arg2[%add3A, %add3A_1455, %dma_start3A_1483] : memref<32x250x40xi32, #tpu.memory_space<hbm>> -> memref<1x1x40xi32, #tpu.memory_space<hbm>>
        %dma_start3A_1485 = tpu.memref_squeeze %dma_start3A_1484 : memref<1x1x40xi32, #tpu.memory_space<hbm>> -> memref<40xi32, #tpu.memory_space<hbm>>
        tpu.enqueue_dma source(%dma_start3A_1485 : memref<40xi32, #tpu.memory_space<hbm>>) target(%dma_start3A_1482 : memref<40xi32, #tpu.memory_space<vmem>>) target_semaphore(%dma_start3A_1479 : memref<!tpu.dma_semaphore, #tpu.memory_space<semaphore_mem>>)
        %dma_start3A_1486 = arith.constant 0 : i32
        %dma_start3A_1487 = tpu.memref_slice %arg7[%rem3A_1457, %dma_start3A_1486] : memref<7x40xf32, #tpu.memory_space<vmem>> -> memref<1x40xf32, #tpu.memory_space<vmem>>
        %dma_start3A_1488 = tpu.memref_squeeze %dma_start3A_1487 : memref<1x40xf32, #tpu.memory_space<vmem>> -> memref<40xf32, #tpu.memory_space<vmem>>
        %dma_start3A_1489 = arith.constant 0 : i32
        %dma_start3A_1490 = tpu.memref_slice %arg4[%add3A, %add3A_1455, %dma_start3A_1489] : memref<32x250x40xf32, #tpu.memory_space<hbm>> -> memref<1x1x40xf32, #tpu.memory_space<hbm>>
        %dma_start3A_1491 = tpu.memref_squeeze %dma_start3A_1490 : memref<1x1x40xf32, #tpu.memory_space<hbm>> -> memref<40xf32, #tpu.memory_space<hbm>>
        %dma_start3A_1492 = tpu.memref_slice %arg15[%rem3A_1457] : memref<7x!tpu.dma_semaphore, #tpu.memory_space<semaphore_mem>> -> memref<1x!tpu.dma_semaphore, #tpu.memory_space<semaphore_mem>>
        %dma_start3A_1493 = tpu.memref_squeeze %dma_start3A_1492 : memref<1x!tpu.dma_semaphore, #tpu.memory_space<semaphore_mem>> -> memref<!tpu.dma_semaphore, #tpu.memory_space<semaphore_mem>>
        %dma_start3A_1494 = arith.constant 0 : i32
        %dma_start3A_1495 = tpu.memref_slice %arg7[%rem3A_1457, %dma_start3A_1494] : memref<7x40xf32, #tpu.memory_space<vmem>> -> memref<1x40xf32, #tpu.memory_space<vmem>>
        %dma_start3A_1496 = tpu.memref_squeeze %dma_start3A_1495 : memref<1x40xf32, #tpu.memory_space<vmem>> -> memref<40xf32, #tpu.memory_space<vmem>>
        %dma_start3A_1497 = arith.constant 0 : i32
        %dma_start3A_1498 = tpu.memref_slice %arg4[%add3A, %add3A_1455, %dma_start3A_1497] : memref<32x250x40xf32, #tpu.memory_space<hbm>> -> memref<1x1x40xf32, #tpu.memory_space<hbm>>
        %dma_start3A_1499 = tpu.memref_squeeze %dma_start3A_1498 : memref<1x1x40xf32, #tpu.memory_space<hbm>> -> memref<40xf32, #tpu.memory_space<hbm>>
        tpu.enqueue_dma source(%dma_start3A_1499 : memref<40xf32, #tpu.memory_space<hbm>>) target(%dma_start3A_1496 : memref<40xf32, #tpu.memory_space<vmem>>) target_semaphore(%dma_start3A_1493 : memref<!tpu.dma_semaphore, #tpu.memory_space<semaphore_mem>>)
      } else {
      }
      %add3A_1411 = arith.constant 4 : i32
      %add3A_1412 = arith.addi %scan3A_1400, %add3A_1411 : i32
      %lt3A_1413 = arith.constant 250 : i32
      %lt3A_1414 = arith.cmpi slt, %add3A_1412, %lt3A_1413 : i32
      %convert_element_type3A_1415 = arith.extui %lt3A_1414 : i1 to i32
      %cond3A_1416 = arith.constant 0 : i32
      %cond3A_1417 = arith.cmpi ne, %convert_element_type3A_1415, %cond3A_1416 : i32
      scf.if %cond3A_1417 {
        %add3A_1454 = arith.constant 4 : i32
        %add3A_1455 = arith.addi %scan3A_1400, %add3A_1454 : i32
        %rem3A_1456 = arith.constant 7 : i32
        %rem3A_1457 = arith.remsi %add3A_1455, %rem3A_1456 : i32
        %dma_wait3A_1458 = arith.constant 0 : i32
        %dma_wait3A_1459 = tpu.memref_slice %arg9[%rem3A_1457, %dma_wait3A_1458] : memref<7x40xi32, #tpu.memory_space<vmem>> -> memref<1x40xi32, #tpu.memory_space<vmem>>
        %dma_wait3A_1460 = tpu.memref_squeeze %dma_wait3A_1459 : memref<1x40xi32, #tpu.memory_space<vmem>> -> memref<40xi32, #tpu.memory_space<vmem>>
        %dma_wait3A_1461 = arith.constant 0 : i32
        %dma_wait3A_1462 = tpu.memref_slice %arg3[%add3A, %add3A_1455, %dma_wait3A_1461] : memref<32x250x40xi32, #tpu.memory_space<hbm>> -> memref<1x1x40xi32, #tpu.memory_space<hbm>>
        %dma_wait3A_1463 = tpu.memref_squeeze %dma_wait3A_1462 : memref<1x1x40xi32, #tpu.memory_space<hbm>> -> memref<40xi32, #tpu.memory_space<hbm>>
        %dma_wait3A_1464 = tpu.memref_slice %arg15[%rem3A_1457] : memref<7x!tpu.dma_semaphore, #tpu.memory_space<semaphore_mem>> -> memref<1x!tpu.dma_semaphore, #tpu.memory_space<semaphore_mem>>
        %dma_wait3A_1465 = tpu.memref_squeeze %dma_wait3A_1464 : memref<1x!tpu.dma_semaphore, #tpu.memory_space<semaphore_mem>> -> memref<!tpu.dma_semaphore, #tpu.memory_space<semaphore_mem>>
        %dma_wait3A_1466 = arith.constant 0 : i32
        %dma_wait3A_1467 = tpu.memref_slice %arg9[%rem3A_1457, %dma_wait3A_1466] : memref<7x40xi32, #tpu.memory_space<vmem>> -> memref<1x40xi32, #tpu.memory_space<vmem>>
        %dma_wait3A_1468 = tpu.memref_squeeze %dma_wait3A_1467 : memref<1x40xi32, #tpu.memory_space<vmem>> -> memref<40xi32, #tpu.memory_space<vmem>>
        %dma_wait3A_1469 = arith.constant 0 : i32
        %dma_wait3A_1470 = tpu.memref_slice %arg3[%add3A, %add3A_1455, %dma_wait3A_1469] : memref<32x250x40xi32, #tpu.memory_space<hbm>> -> memref<1x1x40xi32, #tpu.memory_space<hbm>>
        %dma_wait3A_1471 = tpu.memref_squeeze %dma_wait3A_1470 : memref<1x1x40xi32, #tpu.memory_space<hbm>> -> memref<40xi32, #tpu.memory_space<hbm>>
        tpu.wait_dma2 semaphore(%dma_wait3A_1465 : memref<!tpu.dma_semaphore, #tpu.memory_space<semaphore_mem>>) src(%dma_wait3A_1471 : memref<40xi32, #tpu.memory_space<hbm>>) dst(%dma_wait3A_1468 : memref<40xi32, #tpu.memory_space<vmem>>)
        %dma_wait3A_1472 = arith.constant 0 : i32
        %dma_wait3A_1473 = tpu.memref_slice %arg8[%rem3A_1457, %dma_wait3A_1472] : memref<7x40xi32, #tpu.memory_space<vmem>> -> memref<1x40xi32, #tpu.memory_space<vmem>>
        %dma_wait3A_1474 = tpu.memref_squeeze %dma_wait3A_1473 : memref<1x40xi32, #tpu.memory_space<vmem>> -> memref<40xi32, #tpu.memory_space<vmem>>
        %dma_wait3A_1475 = arith.constant 0 : i32
        %dma_wait3A_1476 = tpu.memref_slice %arg2[%add3A, %add3A_1455, %dma_wait3A_1475] : memref<32x250x40xi32, #tpu.memory_space<hbm>> -> memref<1x1x40xi32, #tpu.memory_space<hbm>>
        %dma_wait3A_1477 = tpu.memref_squeeze %dma_wait3A_1476 : memref<1x1x40xi32, #tpu.memory_space<hbm>> -> memref<40xi32, #tpu.memory_space<hbm>>
        %dma_wait3A_1478 = tpu.memref_slice %arg15[%rem3A_1457] : memref<7x!tpu.dma_semaphore, #tpu.memory_space<semaphore_mem>> -> memref<1x!tpu.dma_semaphore, #tpu.memory_space<semaphore_mem>>
        %dma_wait3A_1479 = tpu.memref_squeeze %dma_wait3A_1478 : memref<1x!tpu.dma_semaphore, #tpu.memory_space<semaphore_mem>> -> memref<!tpu.dma_semaphore, #tpu.memory_space<semaphore_mem>>
        %dma_wait3A_1480 = arith.constant 0 : i32
        %dma_wait3A_1481 = tpu.memref_slice %arg8[%rem3A_1457, %dma_wait3A_1480] : memref<7x40xi32, #tpu.memory_space<vmem>> -> memref<1x40xi32, #tpu.memory_space<vmem>>
        %dma_wait3A_1482 = tpu.memref_squeeze %dma_wait3A_1481 : memref<1x40xi32, #tpu.memory_space<vmem>> -> memref<40xi32, #tpu.memory_space<vmem>>
        %dma_wait3A_1483 = arith.constant 0 : i32
        %dma_wait3A_1484 = tpu.memref_slice %arg2[%add3A, %add3A_1455, %dma_wait3A_1483] : memref<32x250x40xi32, #tpu.memory_space<hbm>> -> memref<1x1x40xi32, #tpu.memory_space<hbm>>
        %dma_wait3A_1485 = tpu.memref_squeeze %dma_wait3A_1484 : memref<1x1x40xi32, #tpu.memory_space<hbm>> -> memref<40xi32, #tpu.memory_space<hbm>>
        tpu.wait_dma2 semaphore(%dma_wait3A_1479 : memref<!tpu.dma_semaphore, #tpu.memory_space<semaphore_mem>>) src(%dma_wait3A_1485 : memref<40xi32, #tpu.memory_space<hbm>>) dst(%dma_wait3A_1482 : memref<40xi32, #tpu.memory_space<vmem>>)
        %dma_wait3A_1486 = arith.constant 0 : i32
        %dma_wait3A_1487 = tpu.memref_slice %arg7[%rem3A_1457, %dma_wait3A_1486] : memref<7x40xf32, #tpu.memory_space<vmem>> -> memref<1x40xf32, #tpu.memory_space<vmem>>
        %dma_wait3A_1488 = tpu.memref_squeeze %dma_wait3A_1487 : memref<1x40xf32, #tpu.memory_space<vmem>> -> memref<40xf32, #tpu.memory_space<vmem>>
        %dma_wait3A_1489 = arith.constant 0 : i32
        %dma_wait3A_1490 = tpu.memref_slice %arg4[%add3A, %add3A_1455, %dma_wait3A_1489] : memref<32x250x40xf32, #tpu.memory_space<hbm>> -> memref<1x1x40xf32, #tpu.memory_space<hbm>>
        %dma_wait3A_1491 = tpu.memref_squeeze %dma_wait3A_1490 : memref<1x1x40xf32, #tpu.memory_space<hbm>> -> memref<40xf32, #tpu.memory_space<hbm>>
        %dma_wait3A_1492 = tpu.memref_slice %arg15[%rem3A_1457] : memref<7x!tpu.dma_semaphore, #tpu.memory_space<semaphore_mem>> -> memref<1x!tpu.dma_semaphore, #tpu.memory_space<semaphore_mem>>
        %dma_wait3A_1493 = tpu.memref_squeeze %dma_wait3A_1492 : memref<1x!tpu.dma_semaphore, #tpu.memory_space<semaphore_mem>> -> memref<!tpu.dma_semaphore, #tpu.memory_space<semaphore_mem>>
        %dma_wait3A_1494 = arith.constant 0 : i32
        %dma_wait3A_1495 = tpu.memref_slice %arg7[%rem3A_1457, %dma_wait3A_1494] : memref<7x40xf32, #tpu.memory_space<vmem>> -> memref<1x40xf32, #tpu.memory_space<vmem>>
        %dma_wait3A_1496 = tpu.memref_squeeze %dma_wait3A_1495 : memref<1x40xf32, #tpu.memory_space<vmem>> -> memref<40xf32, #tpu.memory_space<vmem>>
        %dma_wait3A_1497 = arith.constant 0 : i32
        %dma_wait3A_1498 = tpu.memref_slice %arg4[%add3A, %add3A_1455, %dma_wait3A_1497] : memref<32x250x40xf32, #tpu.memory_space<hbm>> -> memref<1x1x40xf32, #tpu.memory_space<hbm>>
        %dma_wait3A_1499 = tpu.memref_squeeze %dma_wait3A_1498 : memref<1x1x40xf32, #tpu.memory_space<hbm>> -> memref<40xf32, #tpu.memory_space<hbm>>
        tpu.wait_dma2 semaphore(%dma_wait3A_1493 : memref<!tpu.dma_semaphore, #tpu.memory_space<semaphore_mem>>) src(%dma_wait3A_1499 : memref<40xf32, #tpu.memory_space<hbm>>) dst(%dma_wait3A_1496 : memref<40xf32, #tpu.memory_space<vmem>>)
        %add3A_1500 = arith.constant 4 : i32
        %add3A_1501 = arith.addi %scan3A_1400, %add3A_1500 : i32
        %rem3A_1502 = arith.constant 7 : i32
        %rem3A_1503 = arith.remsi %add3A_1501, %rem3A_1502 : i32
        %rem3A_1504 = arith.constant 6 : i32
        %rem3A_1505 = arith.remsi %add3A_1501, %rem3A_1504 : i32
        %dma_start3A_1506 = arith.constant 0 : i32
        %dma_start3A_1507 = arith.constant 0 : i32
        %dma_start3A_1508 = tpu.memref_slice %arg10[%rem3A_1505, %dma_start3A_1506, %dma_start3A_1507] : memref<6x40x128xf32, #tpu.memory_space<vmem>> -> memref<1x40x128xf32, #tpu.memory_space<vmem>>
        %dma_start3A_1509 = tpu.memref_squeeze %dma_start3A_1508 : memref<1x40x128xf32, #tpu.memory_space<vmem>> -> memref<40x128xf32, #tpu.memory_space<vmem>>
        %dma_start3A_1510 = arith.constant 0 : i32
        %dma_start3A_1511 = tpu.memref_slice %arg9[%rem3A_1503, %dma_start3A_1510] : memref<7x40xi32, #tpu.memory_space<vmem>> -> memref<1x40xi32, #tpu.memory_space<vmem>>
        %dma_start3A_1512 = tpu.memref_squeeze %dma_start3A_1511 : memref<1x40xi32, #tpu.memory_space<vmem>> -> memref<40xi32, #tpu.memory_space<vmem>>
        %dma_start3A_1513 = arith.constant 0 : i32
        %dma_start3A_1514 = arith.constant 0 : i32
        %dma_start3A_1515 = tpu.memref_slice %arg5[%dma_start3A_1513, %dma_start3A_1514] : memref<10000x128xf32, #tpu.memory_space<hbm>> -> memref<10000x128xf32, #tpu.memory_space<hbm>>
        %dma_start3A_1516 = tpu.memref_slice %arg13[%rem3A_1505] : memref<6x!tpu.dma_semaphore, #tpu.memory_space<semaphore_mem>> -> memref<1x!tpu.dma_semaphore, #tpu.memory_space<semaphore_mem>>
        %dma_start3A_1517 = tpu.memref_squeeze %dma_start3A_1516 : memref<1x!tpu.dma_semaphore, #tpu.memory_space<semaphore_mem>> -> memref<!tpu.dma_semaphore, #tpu.memory_space<semaphore_mem>>
        tpu.enqueue_indirect_dma source(%dma_start3A_1515 : memref<10000x128xf32, #tpu.memory_space<hbm>>) target(%dma_start3A_1509 : memref<40x128xf32, #tpu.memory_space<vmem>>) offsets(%dma_start3A_1512 : memref<40xi32, #tpu.memory_space<vmem>>) semaphore(%dma_start3A_1517 : memref<!tpu.dma_semaphore, #tpu.memory_space<semaphore_mem>>)
      } else {
      }
      %rem3A_1418 = arith.constant 7 : i32
      %rem3A_1419 = arith.remsi %scan3A_1400, %rem3A_1418 : i32
      %rem3A_1420 = arith.constant 6 : i32
      %rem3A_1421 = arith.remsi %scan3A_1400, %rem3A_1420 : i32
      %dma_wait3A_1422 = arith.constant 0 : i32
      %dma_wait3A_1423 = arith.constant 0 : i32
      %dma_wait3A_1424 = tpu.memref_slice %arg10[%rem3A_1421, %dma_wait3A_1422, %dma_wait3A_1423] : memref<6x40x128xf32, #tpu.memory_space<vmem>> -> memref<1x40x128xf32, #tpu.memory_space<vmem>>
      %dma_wait3A_1425 = tpu.memref_squeeze %dma_wait3A_1424 : memref<1x40x128xf32, #tpu.memory_space<vmem>> -> memref<40x128xf32, #tpu.memory_space<vmem>>
      %dma_wait3A_1426 = arith.constant 0 : i32
      %dma_wait3A_1427 = tpu.memref_slice %arg9[%rem3A_1419, %dma_wait3A_1426] : memref<7x40xi32, #tpu.memory_space<vmem>> -> memref<1x40xi32, #tpu.memory_space<vmem>>
      %dma_wait3A_1428 = tpu.memref_squeeze %dma_wait3A_1427 : memref<1x40xi32, #tpu.memory_space<vmem>> -> memref<40xi32, #tpu.memory_space<vmem>>
      %dma_wait3A_1429 = arith.constant 0 : i32
      %dma_wait3A_1430 = arith.constant 0 : i32
      %dma_wait3A_1431 = tpu.memref_slice %arg5[%dma_wait3A_1429, %dma_wait3A_1430] : memref<10000x128xf32, #tpu.memory_space<hbm>> -> memref<10000x128xf32, #tpu.memory_space<hbm>>
      %dma_wait3A_1432 = tpu.memref_slice %arg13[%rem3A_1421] : memref<6x!tpu.dma_semaphore, #tpu.memory_space<semaphore_mem>> -> memref<1x!tpu.dma_semaphore, #tpu.memory_space<semaphore_mem>>
      %dma_wait3A_1433 = tpu.memref_squeeze %dma_wait3A_1432 : memref<1x!tpu.dma_semaphore, #tpu.memory_space<semaphore_mem>> -> memref<!tpu.dma_semaphore, #tpu.memory_space<semaphore_mem>>
      tpu.wait_indirect_dma semaphore(%dma_wait3A_1433 : memref<!tpu.dma_semaphore, #tpu.memory_space<semaphore_mem>>) src(%dma_wait3A_1431 : memref<10000x128xf32, #tpu.memory_space<hbm>>) dst(%dma_wait3A_1425 : memref<40x128xf32, #tpu.memory_space<vmem>>)
      %rem3A_1434 = arith.constant 7 : i32
      %rem3A_1435 = arith.remsi %scan3A_1400, %rem3A_1434 : i32
      %parallel_loop3A = arith.constant 0 : i32
      %parallel_loop3A_1436 = arith.constant 40 : i32
      %parallel_loop3A_1437 = arith.constant 1 : i32
      scf.for %parallel_loop3A_1454 = %parallel_loop3A to %parallel_loop3A_1436 step %parallel_loop3A_1437  : i32 {
        %parallel_loop3A_1455 = vector.broadcast %rem3A_1435 : i32 to vector<16xi32>
        %parallel_loop3A_1456 = vector.broadcast %parallel_loop3A_1454 : i32 to vector<16xi32>
        %parallel_loop3A_1457 = tpu.vector_load_idx %arg7[%parallel_loop3A_1455, %parallel_loop3A_1456] : memref<7x40xf32, #tpu.memory_space<vmem>>[vector<16xi32>, vector<16xi32>], vector<16xf32>,
        %parallel_loop3A_1458 = arith.constant 0 : i32
        %parallel_loop3A_1459 = arith.constant 0 : i32
        %parallel_loop3A_1460 = tpu.memref_slice %arg10[%rem3A_1402, %parallel_loop3A_1458, %parallel_loop3A_1459] : memref<6x40x128xf32, #tpu.memory_space<vmem>> -> memref<1x40x128xf32, #tpu.memory_space<vmem>>
        %parallel_loop3A_1461 = tpu.memref_squeeze %parallel_loop3A_1460 : memref<1x40x128xf32, #tpu.memory_space<vmem>> -> memref<40x128xf32, #tpu.memory_space<vmem>>
        %parallel_loop3A_1462 = arith.index_cast %parallel_loop3A_1454 : i32 to index
        %parallel_loop3A_1463 = arith.constant 0 : index
        %parallel_loop3A_1464 = tpu.vector_load %parallel_loop3A_1461[%parallel_loop3A_1462, %parallel_loop3A_1463] {strides = array<i32>} : memref<40x128xf32, #tpu.memory_space<vmem>>, vector<16xf32>,
        %parallel_loop3A_1465 = arith.mulf %parallel_loop3A_1464, %parallel_loop3A_1457 : vector<16xf32>
        %parallel_loop3A_1466 = arith.constant 0 : i32
        %parallel_loop3A_1467 = arith.constant 0 : i32
        %parallel_loop3A_1468 = tpu.memref_slice %arg10[%rem3A_1402, %parallel_loop3A_1466, %parallel_loop3A_1467] : memref<6x40x128xf32, #tpu.memory_space<vmem>> -> memref<1x40x128xf32, #tpu.memory_space<vmem>>
        %parallel_loop3A_1469 = tpu.memref_squeeze %parallel_loop3A_1468 : memref<1x40x128xf32, #tpu.memory_space<vmem>> -> memref<40x128xf32, #tpu.memory_space<vmem>>
        %parallel_loop3A_1470 = arith.index_cast %parallel_loop3A_1454 : i32 to index
        %parallel_loop3A_1471 = arith.constant 0 : index
        %parallel_loop3A_1472 = tpu.vector_load %parallel_loop3A_1469[%parallel_loop3A_1470, %parallel_loop3A_1471] {strides = array<i32>} : memref<40x128xf32, #tpu.memory_space<vmem>>, vector<16xf32>,
        tpu.vector_store %parallel_loop3A_1469[%parallel_loop3A_1470, %parallel_loop3A_1471], %parallel_loop3A_1465 {strides = array<i32>} : memref<40x128xf32, #tpu.memory_space<vmem>>, vector<16xf32>,
        %parallel_loop3A_1473 = arith.constant 0 : i32
        %parallel_loop3A_1474 = arith.constant 0 : i32
        %parallel_loop3A_1475 = tpu.memref_slice %arg10[%rem3A_1402, %parallel_loop3A_1473, %parallel_loop3A_1474] : memref<6x40x128xf32, #tpu.memory_space<vmem>> -> memref<1x40x128xf32, #tpu.memory_space<vmem>>
        %parallel_loop3A_1476 = tpu.memref_squeeze %parallel_loop3A_1475 : memref<1x40x128xf32, #tpu.memory_space<vmem>> -> memref<40x128xf32, #tpu.memory_space<vmem>>
        %parallel_loop3A_1477 = arith.index_cast %parallel_loop3A_1454 : i32 to index
        %parallel_loop3A_1478 = arith.constant 16 : index
        %parallel_loop3A_1479 = tpu.vector_load %parallel_loop3A_1476[%parallel_loop3A_1477, %parallel_loop3A_1478] {strides = array<i32>} : memref<40x128xf32, #tpu.memory_space<vmem>>, vector<16xf32>,
        %parallel_loop3A_1480 = arith.mulf %parallel_loop3A_1479, %parallel_loop3A_1457 : vector<16xf32>
        %parallel_loop3A_1481 = arith.constant 0 : i32
        %parallel_loop3A_1482 = arith.constant 0 : i32
        %parallel_loop3A_1483 = tpu.memref_slice %arg10[%rem3A_1402, %parallel_loop3A_1481, %parallel_loop3A_1482] : memref<6x40x128xf32, #tpu.memory_space<vmem>> -> memref<1x40x128xf32, #tpu.memory_space<vmem>>
        %parallel_loop3A_1484 = tpu.memref_squeeze %parallel_loop3A_1483 : memref<1x40x128xf32, #tpu.memory_space<vmem>> -> memref<40x128xf32, #tpu.memory_space<vmem>>
        %parallel_loop3A_1485 = arith.index_cast %parallel_loop3A_1454 : i32 to index
        %parallel_loop3A_1486 = arith.constant 16 : index
        %parallel_loop3A_1487 = tpu.vector_load %parallel_loop3A_1484[%parallel_loop3A_1485, %parallel_loop3A_1486] {strides = array<i32>} : memref<40x128xf32, #tpu.memory_space<vmem>>, vector<16xf32>,
        tpu.vector_store %parallel_loop3A_1484[%parallel_loop3A_1485, %parallel_loop3A_1486], %parallel_loop3A_1480 {strides = array<i32>} : memref<40x128xf32, #tpu.memory_space<vmem>>, vector<16xf32>,
        %parallel_loop3A_1488 = arith.constant 0 : i32
        %parallel_loop3A_1489 = arith.constant 0 : i32
        %parallel_loop3A_1490 = tpu.memref_slice %arg10[%rem3A_1402, %parallel_loop3A_1488, %parallel_loop3A_1489] : memref<6x40x128xf32, #tpu.memory_space<vmem>> -> memref<1x40x128xf32, #tpu.memory_space<vmem>>
        %parallel_loop3A_1491 = tpu.memref_squeeze %parallel_loop3A_1490 : memref<1x40x128xf32, #tpu.memory_space<vmem>> -> memref<40x128xf32, #tpu.memory_space<vmem>>
        %parallel_loop3A_1492 = arith.index_cast %parallel_loop3A_1454 : i32 to index
        %parallel_loop3A_1493 = arith.constant 32 : index
        %parallel_loop3A_1494 = tpu.vector_load %parallel_loop3A_1491[%parallel_loop3A_1492, %parallel_loop3A_1493] {strides = array<i32>} : memref<40x128xf32, #tpu.memory_space<vmem>>, vector<16xf32>,
        %parallel_loop3A_1495 = arith.mulf %parallel_loop3A_1494, %parallel_loop3A_1457 : vector<16xf32>
        %parallel_loop3A_1496 = arith.constant 0 : i32
        %parallel_loop3A_1497 = arith.constant 0 : i32
        %parallel_loop3A_1498 = tpu.memref_slice %arg10[%rem3A_1402, %parallel_loop3A_1496, %parallel_loop3A_1497] : memref<6x40x128xf32, #tpu.memory_space<vmem>> -> memref<1x40x128xf32, #tpu.memory_space<vmem>>
        %parallel_loop3A_1499 = tpu.memref_squeeze %parallel_loop3A_1498 : memref<1x40x128xf32, #tpu.memory_space<vmem>> -> memref<40x128xf32, #tpu.memory_space<vmem>>
        %parallel_loop3A_1500 = arith.index_cast %parallel_loop3A_1454 : i32 to index
        %parallel_loop3A_1501 = arith.constant 32 : index
        %parallel_loop3A_1502 = tpu.vector_load %parallel_loop3A_1499[%parallel_loop3A_1500, %parallel_loop3A_1501] {strides = array<i32>} : memref<40x128xf32, #tpu.memory_space<vmem>>, vector<16xf32>,
        tpu.vector_store %parallel_loop3A_1499[%parallel_loop3A_1500, %parallel_loop3A_1501], %parallel_loop3A_1495 {strides = array<i32>} : memref<40x128xf32, #tpu.memory_space<vmem>>, vector<16xf32>,
        %parallel_loop3A_1503 = arith.constant 0 : i32
        %parallel_loop3A_1504 = arith.constant 0 : i32
        %parallel_loop3A_1505 = tpu.memref_slice %arg10[%rem3A_1402, %parallel_loop3A_1503, %parallel_loop3A_1504] : memref<6x40x128xf32, #tpu.memory_space<vmem>> -> memref<1x40x128xf32, #tpu.memory_space<vmem>>
        %parallel_loop3A_1506 = tpu.memref_squeeze %parallel_loop3A_1505 : memref<1x40x128xf32, #tpu.memory_space<vmem>> -> memref<40x128xf32, #tpu.memory_space<vmem>>
        %parallel_loop3A_1507 = arith.index_cast %parallel_loop3A_1454 : i32 to index
        %parallel_loop3A_1508 = arith.constant 48 : index
        %parallel_loop3A_1509 = tpu.vector_load %parallel_loop3A_1506[%parallel_loop3A_1507, %parallel_loop3A_1508] {strides = array<i32>} : memref<40x128xf32, #tpu.memory_space<vmem>>, vector<16xf32>,
        %parallel_loop3A_1510 = arith.mulf %parallel_loop3A_1509, %parallel_loop3A_1457 : vector<16xf32>
        %parallel_loop3A_1511 = arith.constant 0 : i32
        %parallel_loop3A_1512 = arith.constant 0 : i32
        %parallel_loop3A_1513 = tpu.memref_slice %arg10[%rem3A_1402, %parallel_loop3A_1511, %parallel_loop3A_1512] : memref<6x40x128xf32, #tpu.memory_space<vmem>> -> memref<1x40x128xf32, #tpu.memory_space<vmem>>
        %parallel_loop3A_1514 = tpu.memref_squeeze %parallel_loop3A_1513 : memref<1x40x128xf32, #tpu.memory_space<vmem>> -> memref<40x128xf32, #tpu.memory_space<vmem>>
        %parallel_loop3A_1515 = arith.index_cast %parallel_loop3A_1454 : i32 to index
        %parallel_loop3A_1516 = arith.constant 48 : index
        %parallel_loop3A_1517 = tpu.vector_load %parallel_loop3A_1514[%parallel_loop3A_1515, %parallel_loop3A_1516] {strides = array<i32>} : memref<40x128xf32, #tpu.memory_space<vmem>>, vector<16xf32>,
        tpu.vector_store %parallel_loop3A_1514[%parallel_loop3A_1515, %parallel_loop3A_1516], %parallel_loop3A_1510 {strides = array<i32>} : memref<40x128xf32, #tpu.memory_space<vmem>>, vector<16xf32>,
        %parallel_loop3A_1518 = arith.constant 0 : i32
        %parallel_loop3A_1519 = arith.constant 0 : i32
        %parallel_loop3A_1520 = tpu.memref_slice %arg10[%rem3A_1402, %parallel_loop3A_1518, %parallel_loop3A_1519] : memref<6x40x128xf32, #tpu.memory_space<vmem>> -> memref<1x40x128xf32, #tpu.memory_space<vmem>>
        %parallel_loop3A_1521 = tpu.memref_squeeze %parallel_loop3A_1520 : memref<1x40x128xf32, #tpu.memory_space<vmem>> -> memref<40x128xf32, #tpu.memory_space<vmem>>
        %parallel_loop3A_1522 = arith.index_cast %parallel_loop3A_1454 : i32 to index
        %parallel_loop3A_1523 = arith.constant 64 : index
        %parallel_loop3A_1524 = tpu.vector_load %parallel_loop3A_1521[%parallel_loop3A_1522, %parallel_loop3A_1523] {strides = array<i32>} : memref<40x128xf32, #tpu.memory_space<vmem>>, vector<16xf32>,
        %parallel_loop3A_1525 = arith.mulf %parallel_loop3A_1524, %parallel_loop3A_1457 : vector<16xf32>
        %parallel_loop3A_1526 = arith.constant 0 : i32
        %parallel_loop3A_1527 = arith.constant 0 : i32
        %parallel_loop3A_1528 = tpu.memref_slice %arg10[%rem3A_1402, %parallel_loop3A_1526, %parallel_loop3A_1527] : memref<6x40x128xf32, #tpu.memory_space<vmem>> -> memref<1x40x128xf32, #tpu.memory_space<vmem>>
        %parallel_loop3A_1529 = tpu.memref_squeeze %parallel_loop3A_1528 : memref<1x40x128xf32, #tpu.memory_space<vmem>> -> memref<40x128xf32, #tpu.memory_space<vmem>>
        %parallel_loop3A_1530 = arith.index_cast %parallel_loop3A_1454 : i32 to index
        %parallel_loop3A_1531 = arith.constant 64 : index
        %parallel_loop3A_1532 = tpu.vector_load %parallel_loop3A_1529[%parallel_loop3A_1530, %parallel_loop3A_1531] {strides = array<i32>} : memref<40x128xf32, #tpu.memory_space<vmem>>, vector<16xf32>,
        tpu.vector_store %parallel_loop3A_1529[%parallel_loop3A_1530, %parallel_loop3A_1531], %parallel_loop3A_1525 {strides = array<i32>} : memref<40x128xf32, #tpu.memory_space<vmem>>, vector<16xf32>,
        %parallel_loop3A_1533 = arith.constant 0 : i32
        %parallel_loop3A_1534 = arith.constant 0 : i32
        %parallel_loop3A_1535 = tpu.memref_slice %arg10[%rem3A_1402, %parallel_loop3A_1533, %parallel_loop3A_1534] : memref<6x40x128xf32, #tpu.memory_space<vmem>> -> memref<1x40x128xf32, #tpu.memory_space<vmem>>
        %parallel_loop3A_1536 = tpu.memref_squeeze %parallel_loop3A_1535 : memref<1x40x128xf32, #tpu.memory_space<vmem>> -> memref<40x128xf32, #tpu.memory_space<vmem>>
        %parallel_loop3A_1537 = arith.index_cast %parallel_loop3A_1454 : i32 to index
        %parallel_loop3A_1538 = arith.constant 80 : index
        %parallel_loop3A_1539 = tpu.vector_load %parallel_loop3A_1536[%parallel_loop3A_1537, %parallel_loop3A_1538] {strides = array<i32>} : memref<40x128xf32, #tpu.memory_space<vmem>>, vector<16xf32>,
        %parallel_loop3A_1540 = arith.mulf %parallel_loop3A_1539, %parallel_loop3A_1457 : vector<16xf32>
        %parallel_loop3A_1541 = arith.constant 0 : i32
        %parallel_loop3A_1542 = arith.constant 0 : i32
        %parallel_loop3A_1543 = tpu.memref_slice %arg10[%rem3A_1402, %parallel_loop3A_1541, %parallel_loop3A_1542] : memref<6x40x128xf32, #tpu.memory_space<vmem>> -> memref<1x40x128xf32, #tpu.memory_space<vmem>>
        %parallel_loop3A_1544 = tpu.memref_squeeze %parallel_loop3A_1543 : memref<1x40x128xf32, #tpu.memory_space<vmem>> -> memref<40x128xf32, #tpu.memory_space<vmem>>
        %parallel_loop3A_1545 = arith.index_cast %parallel_loop3A_1454 : i32 to index
        %parallel_loop3A_1546 = arith.constant 80 : index
        %parallel_loop3A_1547 = tpu.vector_load %parallel_loop3A_1544[%parallel_loop3A_1545, %parallel_loop3A_1546] {strides = array<i32>} : memref<40x128xf32, #tpu.memory_space<vmem>>, vector<16xf32>,
        tpu.vector_store %parallel_loop3A_1544[%parallel_loop3A_1545, %parallel_loop3A_1546], %parallel_loop3A_1540 {strides = array<i32>} : memref<40x128xf32, #tpu.memory_space<vmem>>, vector<16xf32>,
        %parallel_loop3A_1548 = arith.constant 0 : i32
        %parallel_loop3A_1549 = arith.constant 0 : i32
        %parallel_loop3A_1550 = tpu.memref_slice %arg10[%rem3A_1402, %parallel_loop3A_1548, %parallel_loop3A_1549] : memref<6x40x128xf32, #tpu.memory_space<vmem>> -> memref<1x40x128xf32, #tpu.memory_space<vmem>>
        %parallel_loop3A_1551 = tpu.memref_squeeze %parallel_loop3A_1550 : memref<1x40x128xf32, #tpu.memory_space<vmem>> -> memref<40x128xf32, #tpu.memory_space<vmem>>
        %parallel_loop3A_1552 = arith.index_cast %parallel_loop3A_1454 : i32 to index
        %parallel_loop3A_1553 = arith.constant 96 : index
        %parallel_loop3A_1554 = tpu.vector_load %parallel_loop3A_1551[%parallel_loop3A_1552, %parallel_loop3A_1553] {strides = array<i32>} : memref<40x128xf32, #tpu.memory_space<vmem>>, vector<16xf32>,
        %parallel_loop3A_1555 = arith.mulf %parallel_loop3A_1554, %parallel_loop3A_1457 : vector<16xf32>
        %parallel_loop3A_1556 = arith.constant 0 : i32
        %parallel_loop3A_1557 = arith.constant 0 : i32
        %parallel_loop3A_1558 = tpu.memref_slice %arg10[%rem3A_1402, %parallel_loop3A_1556, %parallel_loop3A_1557] : memref<6x40x128xf32, #tpu.memory_space<vmem>> -> memref<1x40x128xf32, #tpu.memory_space<vmem>>
        %parallel_loop3A_1559 = tpu.memref_squeeze %parallel_loop3A_1558 : memref<1x40x128xf32, #tpu.memory_space<vmem>> -> memref<40x128xf32, #tpu.memory_space<vmem>>
        %parallel_loop3A_1560 = arith.index_cast %parallel_loop3A_1454 : i32 to index
        %parallel_loop3A_1561 = arith.constant 96 : index
        %parallel_loop3A_1562 = tpu.vector_load %parallel_loop3A_1559[%parallel_loop3A_1560, %parallel_loop3A_1561] {strides = array<i32>} : memref<40x128xf32, #tpu.memory_space<vmem>>, vector<16xf32>,
        tpu.vector_store %parallel_loop3A_1559[%parallel_loop3A_1560, %parallel_loop3A_1561], %parallel_loop3A_1555 {strides = array<i32>} : memref<40x128xf32, #tpu.memory_space<vmem>>, vector<16xf32>,
        %parallel_loop3A_1563 = arith.constant 0 : i32
        %parallel_loop3A_1564 = arith.constant 0 : i32
        %parallel_loop3A_1565 = tpu.memref_slice %arg10[%rem3A_1402, %parallel_loop3A_1563, %parallel_loop3A_1564] : memref<6x40x128xf32, #tpu.memory_space<vmem>> -> memref<1x40x128xf32, #tpu.memory_space<vmem>>
        %parallel_loop3A_1566 = tpu.memref_squeeze %parallel_loop3A_1565 : memref<1x40x128xf32, #tpu.memory_space<vmem>> -> memref<40x128xf32, #tpu.memory_space<vmem>>
        %parallel_loop3A_1567 = arith.index_cast %parallel_loop3A_1454 : i32 to index
        %parallel_loop3A_1568 = arith.constant 112 : index
        %parallel_loop3A_1569 = tpu.vector_load %parallel_loop3A_1566[%parallel_loop3A_1567, %parallel_loop3A_1568] {strides = array<i32>} : memref<40x128xf32, #tpu.memory_space<vmem>>, vector<16xf32>,
        %parallel_loop3A_1570 = arith.mulf %parallel_loop3A_1569, %parallel_loop3A_1457 : vector<16xf32>
        %parallel_loop3A_1571 = arith.constant 0 : i32
        %parallel_loop3A_1572 = arith.constant 0 : i32
        %parallel_loop3A_1573 = tpu.memref_slice %arg10[%rem3A_1402, %parallel_loop3A_1571, %parallel_loop3A_1572] : memref<6x40x128xf32, #tpu.memory_space<vmem>> -> memref<1x40x128xf32, #tpu.memory_space<vmem>>
        %parallel_loop3A_1574 = tpu.memref_squeeze %parallel_loop3A_1573 : memref<1x40x128xf32, #tpu.memory_space<vmem>> -> memref<40x128xf32, #tpu.memory_space<vmem>>
        %parallel_loop3A_1575 = arith.index_cast %parallel_loop3A_1454 : i32 to index
        %parallel_loop3A_1576 = arith.constant 112 : index
        %parallel_loop3A_1577 = tpu.vector_load %parallel_loop3A_1574[%parallel_loop3A_1575, %parallel_loop3A_1576] {strides = array<i32>} : memref<40x128xf32, #tpu.memory_space<vmem>>, vector<16xf32>,
        tpu.vector_store %parallel_loop3A_1574[%parallel_loop3A_1575, %parallel_loop3A_1576], %parallel_loop3A_1570 {strides = array<i32>} : memref<40x128xf32, #tpu.memory_space<vmem>>, vector<16xf32>,
      } {sc.loop_unroll_factor = 8 : i64, sc.parallel_access}
      %rem3A_1438 = arith.constant 7 : i32
      %rem3A_1439 = arith.remsi %scan3A_1400, %rem3A_1438 : i32
      %rem3A_1440 = arith.constant 6 : i32
      %rem3A_1441 = arith.remsi %scan3A_1400, %rem3A_1440 : i32
      %dma_start3A_1442 = arith.constant 0 : i32
      %dma_start3A_1443 = arith.constant 0 : i32
      %dma_start3A_1444 = tpu.memref_slice %arg10[%rem3A_1441, %dma_start3A_1442, %dma_start3A_1443] : memref<6x40x128xf32, #tpu.memory_space<vmem>> -> memref<1x40x128xf32, #tpu.memory_space<vmem>>
      %dma_start3A_1445 = tpu.memref_squeeze %dma_start3A_1444 : memref<1x40x128xf32, #tpu.memory_space<vmem>> -> memref<40x128xf32, #tpu.memory_space<vmem>>
      %dma_start3A_1446 = arith.constant 0 : i32
      %dma_start3A_1447 = tpu.memref_slice %arg8[%rem3A_1439, %dma_start3A_1446] : memref<7x40xi32, #tpu.memory_space<vmem>> -> memref<1x40xi32, #tpu.memory_space<vmem>>
      %dma_start3A_1448 = tpu.memref_squeeze %dma_start3A_1447 : memref<1x40xi32, #tpu.memory_space<vmem>> -> memref<40xi32, #tpu.memory_space<vmem>>
      %dma_start3A_1449 = arith.constant 0 : i32
      %dma_start3A_1450 = arith.constant 0 : i32
      %dma_start3A_1451 = tpu.memref_slice %arg12[%dma_start3A_1449, %dma_start3A_1450] : memref<10000x128xf32, #tpu.memory_space<vmem_shared>> -> memref<10000x128xf32, #tpu.memory_space<vmem_shared>>
      %dma_start3A_1452 = tpu.memref_slice %arg14[%rem3A_1441] : memref<6x!tpu.dma_semaphore, #tpu.memory_space<semaphore_mem>> -> memref<1x!tpu.dma_semaphore, #tpu.memory_space<semaphore_mem>>
      %dma_start3A_1453 = tpu.memref_squeeze %dma_start3A_1452 : memref<1x!tpu.dma_semaphore, #tpu.memory_space<semaphore_mem>> -> memref<!tpu.dma_semaphore, #tpu.memory_space<semaphore_mem>>
      tpu.enqueue_indirect_dma source(%dma_start3A_1445 : memref<40x128xf32, #tpu.memory_space<vmem>>) target(%dma_start3A_1451 : memref<10000x128xf32, #tpu.memory_space<vmem_shared>>) offsets(%dma_start3A_1448 : memref<40xi32, #tpu.memory_space<vmem>>) semaphore(%dma_start3A_1453 : memref<!tpu.dma_semaphore, #tpu.memory_space<semaphore_mem>>) {add = true}
    }
    %scan3A_912 = arith.constant 250 : i32
    %rem3A_913 = arith.constant 248 : i32
    %rem3A_914 = arith.constant 7 : i32
    %rem3A_915 = arith.remsi %rem3A_913, %rem3A_914 : i32
    %rem3A_916 = arith.constant 248 : i32
    %rem3A_917 = arith.constant 6 : i32
    %rem3A_918 = arith.remsi %rem3A_916, %rem3A_917 : i32
    %dma_wait3A_919 = arith.constant 0 : i32
    %dma_wait3A_920 = arith.constant 0 : i32
    %dma_wait3A_921 = tpu.memref_slice %arg10[%rem3A_918, %dma_wait3A_919, %dma_wait3A_920] : memref<6x40x128xf32, #tpu.memory_space<vmem>> -> memref<1x40x128xf32, #tpu.memory_space<vmem>>
    %dma_wait3A_922 = tpu.memref_squeeze %dma_wait3A_921 : memref<1x40x128xf32, #tpu.memory_space<vmem>> -> memref<40x128xf32, #tpu.memory_space<vmem>>
    %dma_wait3A_923 = arith.constant 0 : i32
    %dma_wait3A_924 = tpu.memref_slice %arg8[%rem3A_915, %dma_wait3A_923] : memref<7x40xi32, #tpu.memory_space<vmem>> -> memref<1x40xi32, #tpu.memory_space<vmem>>
    %dma_wait3A_925 = tpu.memref_squeeze %dma_wait3A_924 : memref<1x40xi32, #tpu.memory_space<vmem>> -> memref<40xi32, #tpu.memory_space<vmem>>
    %dma_wait3A_926 = arith.constant 0 : i32
    %dma_wait3A_927 = arith.constant 0 : i32
    %dma_wait3A_928 = tpu.memref_slice %arg12[%dma_wait3A_926, %dma_wait3A_927] : memref<10000x128xf32, #tpu.memory_space<vmem_shared>> -> memref<10000x128xf32, #tpu.memory_space<vmem_shared>>
    %dma_wait3A_929 = tpu.memref_slice %arg14[%rem3A_918] : memref<6x!tpu.dma_semaphore, #tpu.memory_space<semaphore_mem>> -> memref<1x!tpu.dma_semaphore, #tpu.memory_space<semaphore_mem>>
    %dma_wait3A_930 = tpu.memref_squeeze %dma_wait3A_929 : memref<1x!tpu.dma_semaphore, #tpu.memory_space<semaphore_mem>> -> memref<!tpu.dma_semaphore, #tpu.memory_space<semaphore_mem>>
    tpu.wait_indirect_dma semaphore(%dma_wait3A_930 : memref<!tpu.dma_semaphore, #tpu.memory_space<semaphore_mem>>) src(%dma_wait3A_922 : memref<40x128xf32, #tpu.memory_space<vmem>>) dst(%dma_wait3A_928 : memref<10000x128xf32, #tpu.memory_space<vmem_shared>>)
    %rem3A_931 = arith.constant 249 : i32
    %rem3A_932 = arith.constant 7 : i32
    %rem3A_933 = arith.remsi %rem3A_931, %rem3A_932 : i32
    %rem3A_934 = arith.constant 249 : i32
    %rem3A_935 = arith.constant 6 : i32
    %rem3A_936 = arith.remsi %rem3A_934, %rem3A_935 : i32
    %dma_wait3A_937 = arith.constant 0 : i32
    %dma_wait3A_938 = arith.constant 0 : i32
    %dma_wait3A_939 = tpu.memref_slice %arg10[%rem3A_936, %dma_wait3A_937, %dma_wait3A_938] : memref<6x40x128xf32, #tpu.memory_space<vmem>> -> memref<1x40x128xf32, #tpu.memory_space<vmem>>
    %dma_wait3A_940 = tpu.memref_squeeze %dma_wait3A_939 : memref<1x40x128xf32, #tpu.memory_space<vmem>> -> memref<40x128xf32, #tpu.memory_space<vmem>>
    %dma_wait3A_941 = arith.constant 0 : i32
    %dma_wait3A_942 = tpu.memref_slice %arg8[%rem3A_933, %dma_wait3A_941] : memref<7x40xi32, #tpu.memory_space<vmem>> -> memref<1x40xi32, #tpu.memory_space<vmem>>
    %dma_wait3A_943 = tpu.memref_squeeze %dma_wait3A_942 : memref<1x40xi32, #tpu.memory_space<vmem>> -> memref<40xi32, #tpu.memory_space<vmem>>
    %dma_wait3A_944 = arith.constant 0 : i32
    %dma_wait3A_945 = arith.constant 0 : i32
    %dma_wait3A_946 = tpu.memref_slice %arg12[%dma_wait3A_944, %dma_wait3A_945] : memref<10000x128xf32, #tpu.memory_space<vmem_shared>> -> memref<10000x128xf32, #tpu.memory_space<vmem_shared>>
    %dma_wait3A_947 = tpu.memref_slice %arg14[%rem3A_936] : memref<6x!tpu.dma_semaphore, #tpu.memory_space<semaphore_mem>> -> memref<1x!tpu.dma_semaphore, #tpu.memory_space<semaphore_mem>>
    %dma_wait3A_948 = tpu.memref_squeeze %dma_wait3A_947 : memref<1x!tpu.dma_semaphore, #tpu.memory_space<semaphore_mem>> -> memref<!tpu.dma_semaphore, #tpu.memory_space<semaphore_mem>>
    tpu.wait_indirect_dma semaphore(%dma_wait3A_948 : memref<!tpu.dma_semaphore, #tpu.memory_space<semaphore_mem>>) src(%dma_wait3A_940 : memref<40x128xf32, #tpu.memory_space<vmem>>) dst(%dma_wait3A_946 : memref<10000x128xf32, #tpu.memory_space<vmem_shared>>)
    %barrier3A_949 = arith.constant 0 : index
    tpu.barrier barrier_id(%barrier3A_949)
    %mul3A_950 = arith.constant 625 : i32
    %mul3A_951 = arith.muli %arg1, %mul3A_950 : i32
    %add3A_952 = arith.constant 0 : i32
    %add3A_953 = arith.addi %mul3A_951, %add3A_952 : i32
    %dma_start3A_954 = arith.constant 0 : i32
    %dma_start3A_955 = tpu.memref_slice %arg6[%arg0, %add3A_953, %dma_start3A_954] : memref<2x10000x128xf32, #tpu.memory_space<hbm>> -> memref<1x25x128xf32, #tpu.memory_space<hbm>>
    %dma_start3A_956 = tpu.memref_squeeze %dma_start3A_955 : memref<1x25x128xf32, #tpu.memory_space<hbm>> -> memref<25x128xf32, #tpu.memory_space<hbm>>
    %dma_start3A_957 = arith.constant 0 : i32
    %dma_start3A_958 = tpu.memref_slice %arg12[%add3A_953, %dma_start3A_957] : memref<10000x128xf32, #tpu.memory_space<vmem_shared>> -> memref<25x128xf32, #tpu.memory_space<vmem_shared>>
    tpu.enqueue_dma source(%dma_start3A_958 : memref<25x128xf32, #tpu.memory_space<vmem_shared>>) target(%dma_start3A_956 : memref<25x128xf32, #tpu.memory_space<hbm>>) target_semaphore(%arg16 : memref<!tpu.dma_semaphore, #tpu.memory_space<semaphore_mem>>)
    %mul3A_959 = arith.constant 625 : i32
    %mul3A_960 = arith.muli %arg1, %mul3A_959 : i32
    %add3A_961 = arith.constant 25 : i32
    %add3A_962 = arith.addi %mul3A_960, %add3A_961 : i32
    %dma_start3A_963 = arith.constant 0 : i32
    %dma_start3A_964 = tpu.memref_slice %arg6[%arg0, %add3A_962, %dma_start3A_963] : memref<2x10000x128xf32, #tpu.memory_space<hbm>> -> memref<1x25x128xf32, #tpu.memory_space<hbm>>
    %dma_start3A_965 = tpu.memref_squeeze %dma_start3A_964 : memref<1x25x128xf32, #tpu.memory_space<hbm>> -> memref<25x128xf32, #tpu.memory_space<hbm>>
    %dma_start3A_966 = arith.constant 0 : i32
    %dma_start3A_967 = tpu.memref_slice %arg12[%add3A_962, %dma_start3A_966] : memref<10000x128xf32, #tpu.memory_space<vmem_shared>> -> memref<25x128xf32, #tpu.memory_space<vmem_shared>>
    tpu.enqueue_dma source(%dma_start3A_967 : memref<25x128xf32, #tpu.memory_space<vmem_shared>>) target(%dma_start3A_965 : memref<25x128xf32, #tpu.memory_space<hbm>>) target_semaphore(%arg16 : memref<!tpu.dma_semaphore, #tpu.memory_space<semaphore_mem>>)
    %mul3A_968 = arith.constant 625 : i32
    %mul3A_969 = arith.muli %arg1, %mul3A_968 : i32
    %add3A_970 = arith.constant 50 : i32
    %add3A_971 = arith.addi %mul3A_969, %add3A_970 : i32
    %dma_start3A_972 = arith.constant 0 : i32
    %dma_start3A_973 = tpu.memref_slice %arg6[%arg0, %add3A_971, %dma_start3A_972] : memref<2x10000x128xf32, #tpu.memory_space<hbm>> -> memref<1x25x128xf32, #tpu.memory_space<hbm>>
    %dma_start3A_974 = tpu.memref_squeeze %dma_start3A_973 : memref<1x25x128xf32, #tpu.memory_space<hbm>> -> memref<25x128xf32, #tpu.memory_space<hbm>>
    %dma_start3A_975 = arith.constant 0 : i32
    %dma_start3A_976 = tpu.memref_slice %arg12[%add3A_971, %dma_start3A_975] : memref<10000x128xf32, #tpu.memory_space<vmem_shared>> -> memref<25x128xf32, #tpu.memory_space<vmem_shared>>
    tpu.enqueue_dma source(%dma_start3A_976 : memref<25x128xf32, #tpu.memory_space<vmem_shared>>) target(%dma_start3A_974 : memref<25x128xf32, #tpu.memory_space<hbm>>) target_semaphore(%arg16 : memref<!tpu.dma_semaphore, #tpu.memory_space<semaphore_mem>>)
    %mul3A_977 = arith.constant 625 : i32
    %mul3A_978 = arith.muli %arg1, %mul3A_977 : i32
    %add3A_979 = arith.constant 75 : i32
    %add3A_980 = arith.addi %mul3A_978, %add3A_979 : i32
    %dma_start3A_981 = arith.constant 0 : i32
    %dma_start3A_982 = tpu.memref_slice %arg6[%arg0, %add3A_980, %dma_start3A_981] : memref<2x10000x128xf32, #tpu.memory_space<hbm>> -> memref<1x25x128xf32, #tpu.memory_space<hbm>>
    %dma_start3A_983 = tpu.memref_squeeze %dma_start3A_982 : memref<1x25x128xf32, #tpu.memory_space<hbm>> -> memref<25x128xf32, #tpu.memory_space<hbm>>
    %dma_start3A_984 = arith.constant 0 : i32
    %dma_start3A_985 = tpu.memref_slice %arg12[%add3A_980, %dma_start3A_984] : memref<10000x128xf32, #tpu.memory_space<vmem_shared>> -> memref<25x128xf32, #tpu.memory_space<vmem_shared>>
    tpu.enqueue_dma source(%dma_start3A_985 : memref<25x128xf32, #tpu.memory_space<vmem_shared>>) target(%dma_start3A_983 : memref<25x128xf32, #tpu.memory_space<hbm>>) target_semaphore(%arg16 : memref<!tpu.dma_semaphore, #tpu.memory_space<semaphore_mem>>)
    %mul3A_986 = arith.constant 625 : i32
    %mul3A_987 = arith.muli %arg1, %mul3A_986 : i32
    %add3A_988 = arith.constant 100 : i32
    %add3A_989 = arith.addi %mul3A_987, %add3A_988 : i32
    %dma_start3A_990 = arith.constant 0 : i32
    %dma_start3A_991 = tpu.memref_slice %arg6[%arg0, %add3A_989, %dma_start3A_990] : memref<2x10000x128xf32, #tpu.memory_space<hbm>> -> memref<1x25x128xf32, #tpu.memory_space<hbm>>
    %dma_start3A_992 = tpu.memref_squeeze %dma_start3A_991 : memref<1x25x128xf32, #tpu.memory_space<hbm>> -> memref<25x128xf32, #tpu.memory_space<hbm>>
    %dma_start3A_993 = arith.constant 0 : i32
    %dma_start3A_994 = tpu.memref_slice %arg12[%add3A_989, %dma_start3A_993] : memref<10000x128xf32, #tpu.memory_space<vmem_shared>> -> memref<25x128xf32, #tpu.memory_space<vmem_shared>>
    tpu.enqueue_dma source(%dma_start3A_994 : memref<25x128xf32, #tpu.memory_space<vmem_shared>>) target(%dma_start3A_992 : memref<25x128xf32, #tpu.memory_space<hbm>>) target_semaphore(%arg16 : memref<!tpu.dma_semaphore, #tpu.memory_space<semaphore_mem>>)
    %mul3A_995 = arith.constant 625 : i32
    %mul3A_996 = arith.muli %arg1, %mul3A_995 : i32
    %add3A_997 = arith.constant 125 : i32
    %add3A_998 = arith.addi %mul3A_996, %add3A_997 : i32
    %dma_start3A_999 = arith.constant 0 : i32
    %dma_start3A_1000 = tpu.memref_slice %arg6[%arg0, %add3A_998, %dma_start3A_999] : memref<2x10000x128xf32, #tpu.memory_space<hbm>> -> memref<1x25x128xf32, #tpu.memory_space<hbm>>
    %dma_start3A_1001 = tpu.memref_squeeze %dma_start3A_1000 : memref<1x25x128xf32, #tpu.memory_space<hbm>> -> memref<25x128xf32, #tpu.memory_space<hbm>>
    %dma_start3A_1002 = arith.constant 0 : i32
    %dma_start3A_1003 = tpu.memref_slice %arg12[%add3A_998, %dma_start3A_1002] : memref<10000x128xf32, #tpu.memory_space<vmem_shared>> -> memref<25x128xf32, #tpu.memory_space<vmem_shared>>
    tpu.enqueue_dma source(%dma_start3A_1003 : memref<25x128xf32, #tpu.memory_space<vmem_shared>>) target(%dma_start3A_1001 : memref<25x128xf32, #tpu.memory_space<hbm>>) target_semaphore(%arg16 : memref<!tpu.dma_semaphore, #tpu.memory_space<semaphore_mem>>)
    %mul3A_1004 = arith.constant 625 : i32
    %mul3A_1005 = arith.muli %arg1, %mul3A_1004 : i32
    %add3A_1006 = arith.constant 150 : i32
    %add3A_1007 = arith.addi %mul3A_1005, %add3A_1006 : i32
    %dma_start3A_1008 = arith.constant 0 : i32
    %dma_start3A_1009 = tpu.memref_slice %arg6[%arg0, %add3A_1007, %dma_start3A_1008] : memref<2x10000x128xf32, #tpu.memory_space<hbm>> -> memref<1x25x128xf32, #tpu.memory_space<hbm>>
    %dma_start3A_1010 = tpu.memref_squeeze %dma_start3A_1009 : memref<1x25x128xf32, #tpu.memory_space<hbm>> -> memref<25x128xf32, #tpu.memory_space<hbm>>
    %dma_start3A_1011 = arith.constant 0 : i32
    %dma_start3A_1012 = tpu.memref_slice %arg12[%add3A_1007, %dma_start3A_1011] : memref<10000x128xf32, #tpu.memory_space<vmem_shared>> -> memref<25x128xf32, #tpu.memory_space<vmem_shared>>
    tpu.enqueue_dma source(%dma_start3A_1012 : memref<25x128xf32, #tpu.memory_space<vmem_shared>>) target(%dma_start3A_1010 : memref<25x128xf32, #tpu.memory_space<hbm>>) target_semaphore(%arg16 : memref<!tpu.dma_semaphore, #tpu.memory_space<semaphore_mem>>)
    %mul3A_1013 = arith.constant 625 : i32
    %mul3A_1014 = arith.muli %arg1, %mul3A_1013 : i32
    %add3A_1015 = arith.constant 175 : i32
    %add3A_1016 = arith.addi %mul3A_1014, %add3A_1015 : i32
    %dma_start3A_1017 = arith.constant 0 : i32
    %dma_start3A_1018 = tpu.memref_slice %arg6[%arg0, %add3A_1016, %dma_start3A_1017] : memref<2x10000x128xf32, #tpu.memory_space<hbm>> -> memref<1x25x128xf32, #tpu.memory_space<hbm>>
    %dma_start3A_1019 = tpu.memref_squeeze %dma_start3A_1018 : memref<1x25x128xf32, #tpu.memory_space<hbm>> -> memref<25x128xf32, #tpu.memory_space<hbm>>
    %dma_start3A_1020 = arith.constant 0 : i32
    %dma_start3A_1021 = tpu.memref_slice %arg12[%add3A_1016, %dma_start3A_1020] : memref<10000x128xf32, #tpu.memory_space<vmem_shared>> -> memref<25x128xf32, #tpu.memory_space<vmem_shared>>
    tpu.enqueue_dma source(%dma_start3A_1021 : memref<25x128xf32, #tpu.memory_space<vmem_shared>>) target(%dma_start3A_1019 : memref<25x128xf32, #tpu.memory_space<hbm>>) target_semaphore(%arg16 : memref<!tpu.dma_semaphore, #tpu.memory_space<semaphore_mem>>)
    %mul3A_1022 = arith.constant 625 : i32
    %mul3A_1023 = arith.muli %arg1, %mul3A_1022 : i32
    %add3A_1024 = arith.constant 200 : i32
    %add3A_1025 = arith.addi %mul3A_1023, %add3A_1024 : i32
    %dma_start3A_1026 = arith.constant 0 : i32
    %dma_start3A_1027 = tpu.memref_slice %arg6[%arg0, %add3A_1025, %dma_start3A_1026] : memref<2x10000x128xf32, #tpu.memory_space<hbm>> -> memref<1x25x128xf32, #tpu.memory_space<hbm>>
    %dma_start3A_1028 = tpu.memref_squeeze %dma_start3A_1027 : memref<1x25x128xf32, #tpu.memory_space<hbm>> -> memref<25x128xf32, #tpu.memory_space<hbm>>
    %dma_start3A_1029 = arith.constant 0 : i32
    %dma_start3A_1030 = tpu.memref_slice %arg12[%add3A_1025, %dma_start3A_1029] : memref<10000x128xf32, #tpu.memory_space<vmem_shared>> -> memref<25x128xf32, #tpu.memory_space<vmem_shared>>
    tpu.enqueue_dma source(%dma_start3A_1030 : memref<25x128xf32, #tpu.memory_space<vmem_shared>>) target(%dma_start3A_1028 : memref<25x128xf32, #tpu.memory_space<hbm>>) target_semaphore(%arg16 : memref<!tpu.dma_semaphore, #tpu.memory_space<semaphore_mem>>)
    %mul3A_1031 = arith.constant 625 : i32
    %mul3A_1032 = arith.muli %arg1, %mul3A_1031 : i32
    %add3A_1033 = arith.constant 225 : i32
    %add3A_1034 = arith.addi %mul3A_1032, %add3A_1033 : i32
    %dma_start3A_1035 = arith.constant 0 : i32
    %dma_start3A_1036 = tpu.memref_slice %arg6[%arg0, %add3A_1034, %dma_start3A_1035] : memref<2x10000x128xf32, #tpu.memory_space<hbm>> -> memref<1x25x128xf32, #tpu.memory_space<hbm>>
    %dma_start3A_1037 = tpu.memref_squeeze %dma_start3A_1036 : memref<1x25x128xf32, #tpu.memory_space<hbm>> -> memref<25x128xf32, #tpu.memory_space<hbm>>
    %dma_start3A_1038 = arith.constant 0 : i32
    %dma_start3A_1039 = tpu.memref_slice %arg12[%add3A_1034, %dma_start3A_1038] : memref<10000x128xf32, #tpu.memory_space<vmem_shared>> -> memref<25x128xf32, #tpu.memory_space<vmem_shared>>
    tpu.enqueue_dma source(%dma_start3A_1039 : memref<25x128xf32, #tpu.memory_space<vmem_shared>>) target(%dma_start3A_1037 : memref<25x128xf32, #tpu.memory_space<hbm>>) target_semaphore(%arg16 : memref<!tpu.dma_semaphore, #tpu.memory_space<semaphore_mem>>)
    %mul3A_1040 = arith.constant 625 : i32
    %mul3A_1041 = arith.muli %arg1, %mul3A_1040 : i32
    %add3A_1042 = arith.constant 250 : i32
    %add3A_1043 = arith.addi %mul3A_1041, %add3A_1042 : i32
    %dma_start3A_1044 = arith.constant 0 : i32
    %dma_start3A_1045 = tpu.memref_slice %arg6[%arg0, %add3A_1043, %dma_start3A_1044] : memref<2x10000x128xf32, #tpu.memory_space<hbm>> -> memref<1x25x128xf32, #tpu.memory_space<hbm>>
    %dma_start3A_1046 = tpu.memref_squeeze %dma_start3A_1045 : memref<1x25x128xf32, #tpu.memory_space<hbm>> -> memref<25x128xf32, #tpu.memory_space<hbm>>
    %dma_start3A_1047 = arith.constant 0 : i32
    %dma_start3A_1048 = tpu.memref_slice %arg12[%add3A_1043, %dma_start3A_1047] : memref<10000x128xf32, #tpu.memory_space<vmem_shared>> -> memref<25x128xf32, #tpu.memory_space<vmem_shared>>
    tpu.enqueue_dma source(%dma_start3A_1048 : memref<25x128xf32, #tpu.memory_space<vmem_shared>>) target(%dma_start3A_1046 : memref<25x128xf32, #tpu.memory_space<hbm>>) target_semaphore(%arg16 : memref<!tpu.dma_semaphore, #tpu.memory_space<semaphore_mem>>)
    %mul3A_1049 = arith.constant 625 : i32
    %mul3A_1050 = arith.muli %arg1, %mul3A_1049 : i32
    %add3A_1051 = arith.constant 275 : i32
    %add3A_1052 = arith.addi %mul3A_1050, %add3A_1051 : i32
    %dma_start3A_1053 = arith.constant 0 : i32
    %dma_start3A_1054 = tpu.memref_slice %arg6[%arg0, %add3A_1052, %dma_start3A_1053] : memref<2x10000x128xf32, #tpu.memory_space<hbm>> -> memref<1x25x128xf32, #tpu.memory_space<hbm>>
    %dma_start3A_1055 = tpu.memref_squeeze %dma_start3A_1054 : memref<1x25x128xf32, #tpu.memory_space<hbm>> -> memref<25x128xf32, #tpu.memory_space<hbm>>
    %dma_start3A_1056 = arith.constant 0 : i32
    %dma_start3A_1057 = tpu.memref_slice %arg12[%add3A_1052, %dma_start3A_1056] : memref<10000x128xf32, #tpu.memory_space<vmem_shared>> -> memref<25x128xf32, #tpu.memory_space<vmem_shared>>
    tpu.enqueue_dma source(%dma_start3A_1057 : memref<25x128xf32, #tpu.memory_space<vmem_shared>>) target(%dma_start3A_1055 : memref<25x128xf32, #tpu.memory_space<hbm>>) target_semaphore(%arg16 : memref<!tpu.dma_semaphore, #tpu.memory_space<semaphore_mem>>)
    %mul3A_1058 = arith.constant 625 : i32
    %mul3A_1059 = arith.muli %arg1, %mul3A_1058 : i32
    %add3A_1060 = arith.constant 300 : i32
    %add3A_1061 = arith.addi %mul3A_1059, %add3A_1060 : i32
    %dma_start3A_1062 = arith.constant 0 : i32
    %dma_start3A_1063 = tpu.memref_slice %arg6[%arg0, %add3A_1061, %dma_start3A_1062] : memref<2x10000x128xf32, #tpu.memory_space<hbm>> -> memref<1x25x128xf32, #tpu.memory_space<hbm>>
    %dma_start3A_1064 = tpu.memref_squeeze %dma_start3A_1063 : memref<1x25x128xf32, #tpu.memory_space<hbm>> -> memref<25x128xf32, #tpu.memory_space<hbm>>
    %dma_start3A_1065 = arith.constant 0 : i32
    %dma_start3A_1066 = tpu.memref_slice %arg12[%add3A_1061, %dma_start3A_1065] : memref<10000x128xf32, #tpu.memory_space<vmem_shared>> -> memref<25x128xf32, #tpu.memory_space<vmem_shared>>
    tpu.enqueue_dma source(%dma_start3A_1066 : memref<25x128xf32, #tpu.memory_space<vmem_shared>>) target(%dma_start3A_1064 : memref<25x128xf32, #tpu.memory_space<hbm>>) target_semaphore(%arg16 : memref<!tpu.dma_semaphore, #tpu.memory_space<semaphore_mem>>)
    %mul3A_1067 = arith.constant 625 : i32
    %mul3A_1068 = arith.muli %arg1, %mul3A_1067 : i32
    %add3A_1069 = arith.constant 325 : i32
    %add3A_1070 = arith.addi %mul3A_1068, %add3A_1069 : i32
    %dma_start3A_1071 = arith.constant 0 : i32
    %dma_start3A_1072 = tpu.memref_slice %arg6[%arg0, %add3A_1070, %dma_start3A_1071] : memref<2x10000x128xf32, #tpu.memory_space<hbm>> -> memref<1x25x128xf32, #tpu.memory_space<hbm>>
    %dma_start3A_1073 = tpu.memref_squeeze %dma_start3A_1072 : memref<1x25x128xf32, #tpu.memory_space<hbm>> -> memref<25x128xf32, #tpu.memory_space<hbm>>
    %dma_start3A_1074 = arith.constant 0 : i32
    %dma_start3A_1075 = tpu.memref_slice %arg12[%add3A_1070, %dma_start3A_1074] : memref<10000x128xf32, #tpu.memory_space<vmem_shared>> -> memref<25x128xf32, #tpu.memory_space<vmem_shared>>
    tpu.enqueue_dma source(%dma_start3A_1075 : memref<25x128xf32, #tpu.memory_space<vmem_shared>>) target(%dma_start3A_1073 : memref<25x128xf32, #tpu.memory_space<hbm>>) target_semaphore(%arg16 : memref<!tpu.dma_semaphore, #tpu.memory_space<semaphore_mem>>)
    %mul3A_1076 = arith.constant 625 : i32
    %mul3A_1077 = arith.muli %arg1, %mul3A_1076 : i32
    %add3A_1078 = arith.constant 350 : i32
    %add3A_1079 = arith.addi %mul3A_1077, %add3A_1078 : i32
    %dma_start3A_1080 = arith.constant 0 : i32
    %dma_start3A_1081 = tpu.memref_slice %arg6[%arg0, %add3A_1079, %dma_start3A_1080] : memref<2x10000x128xf32, #tpu.memory_space<hbm>> -> memref<1x25x128xf32, #tpu.memory_space<hbm>>
    %dma_start3A_1082 = tpu.memref_squeeze %dma_start3A_1081 : memref<1x25x128xf32, #tpu.memory_space<hbm>> -> memref<25x128xf32, #tpu.memory_space<hbm>>
    %dma_start3A_1083 = arith.constant 0 : i32
    %dma_start3A_1084 = tpu.memref_slice %arg12[%add3A_1079, %dma_start3A_1083] : memref<10000x128xf32, #tpu.memory_space<vmem_shared>> -> memref<25x128xf32, #tpu.memory_space<vmem_shared>>
    tpu.enqueue_dma source(%dma_start3A_1084 : memref<25x128xf32, #tpu.memory_space<vmem_shared>>) target(%dma_start3A_1082 : memref<25x128xf32, #tpu.memory_space<hbm>>) target_semaphore(%arg16 : memref<!tpu.dma_semaphore, #tpu.memory_space<semaphore_mem>>)
    %mul3A_1085 = arith.constant 625 : i32
    %mul3A_1086 = arith.muli %arg1, %mul3A_1085 : i32
    %add3A_1087 = arith.constant 375 : i32
    %add3A_1088 = arith.addi %mul3A_1086, %add3A_1087 : i32
    %dma_start3A_1089 = arith.constant 0 : i32
    %dma_start3A_1090 = tpu.memref_slice %arg6[%arg0, %add3A_1088, %dma_start3A_1089] : memref<2x10000x128xf32, #tpu.memory_space<hbm>> -> memref<1x25x128xf32, #tpu.memory_space<hbm>>
    %dma_start3A_1091 = tpu.memref_squeeze %dma_start3A_1090 : memref<1x25x128xf32, #tpu.memory_space<hbm>> -> memref<25x128xf32, #tpu.memory_space<hbm>>
    %dma_start3A_1092 = arith.constant 0 : i32
    %dma_start3A_1093 = tpu.memref_slice %arg12[%add3A_1088, %dma_start3A_1092] : memref<10000x128xf32, #tpu.memory_space<vmem_shared>> -> memref<25x128xf32, #tpu.memory_space<vmem_shared>>
    tpu.enqueue_dma source(%dma_start3A_1093 : memref<25x128xf32, #tpu.memory_space<vmem_shared>>) target(%dma_start3A_1091 : memref<25x128xf32, #tpu.memory_space<hbm>>) target_semaphore(%arg16 : memref<!tpu.dma_semaphore, #tpu.memory_space<semaphore_mem>>)
    %mul3A_1094 = arith.constant 625 : i32
    %mul3A_1095 = arith.muli %arg1, %mul3A_1094 : i32
    %add3A_1096 = arith.constant 400 : i32
    %add3A_1097 = arith.addi %mul3A_1095, %add3A_1096 : i32
    %dma_start3A_1098 = arith.constant 0 : i32
    %dma_start3A_1099 = tpu.memref_slice %arg6[%arg0, %add3A_1097, %dma_start3A_1098] : memref<2x10000x128xf32, #tpu.memory_space<hbm>> -> memref<1x25x128xf32, #tpu.memory_space<hbm>>
    %dma_start3A_1100 = tpu.memref_squeeze %dma_start3A_1099 : memref<1x25x128xf32, #tpu.memory_space<hbm>> -> memref<25x128xf32, #tpu.memory_space<hbm>>
    %dma_start3A_1101 = arith.constant 0 : i32
    %dma_start3A_1102 = tpu.memref_slice %arg12[%add3A_1097, %dma_start3A_1101] : memref<10000x128xf32, #tpu.memory_space<vmem_shared>> -> memref<25x128xf32, #tpu.memory_space<vmem_shared>>
    tpu.enqueue_dma source(%dma_start3A_1102 : memref<25x128xf32, #tpu.memory_space<vmem_shared>>) target(%dma_start3A_1100 : memref<25x128xf32, #tpu.memory_space<hbm>>) target_semaphore(%arg16 : memref<!tpu.dma_semaphore, #tpu.memory_space<semaphore_mem>>)
    %mul3A_1103 = arith.constant 625 : i32
    %mul3A_1104 = arith.muli %arg1, %mul3A_1103 : i32
    %add3A_1105 = arith.constant 425 : i32
    %add3A_1106 = arith.addi %mul3A_1104, %add3A_1105 : i32
    %dma_start3A_1107 = arith.constant 0 : i32
    %dma_start3A_1108 = tpu.memref_slice %arg6[%arg0, %add3A_1106, %dma_start3A_1107] : memref<2x10000x128xf32, #tpu.memory_space<hbm>> -> memref<1x25x128xf32, #tpu.memory_space<hbm>>
    %dma_start3A_1109 = tpu.memref_squeeze %dma_start3A_1108 : memref<1x25x128xf32, #tpu.memory_space<hbm>> -> memref<25x128xf32, #tpu.memory_space<hbm>>
    %dma_start3A_1110 = arith.constant 0 : i32
    %dma_start3A_1111 = tpu.memref_slice %arg12[%add3A_1106, %dma_start3A_1110] : memref<10000x128xf32, #tpu.memory_space<vmem_shared>> -> memref<25x128xf32, #tpu.memory_space<vmem_shared>>
    tpu.enqueue_dma source(%dma_start3A_1111 : memref<25x128xf32, #tpu.memory_space<vmem_shared>>) target(%dma_start3A_1109 : memref<25x128xf32, #tpu.memory_space<hbm>>) target_semaphore(%arg16 : memref<!tpu.dma_semaphore, #tpu.memory_space<semaphore_mem>>)
    %mul3A_1112 = arith.constant 625 : i32
    %mul3A_1113 = arith.muli %arg1, %mul3A_1112 : i32
    %add3A_1114 = arith.constant 450 : i32
    %add3A_1115 = arith.addi %mul3A_1113, %add3A_1114 : i32
    %dma_start3A_1116 = arith.constant 0 : i32
    %dma_start3A_1117 = tpu.memref_slice %arg6[%arg0, %add3A_1115, %dma_start3A_1116] : memref<2x10000x128xf32, #tpu.memory_space<hbm>> -> memref<1x25x128xf32, #tpu.memory_space<hbm>>
    %dma_start3A_1118 = tpu.memref_squeeze %dma_start3A_1117 : memref<1x25x128xf32, #tpu.memory_space<hbm>> -> memref<25x128xf32, #tpu.memory_space<hbm>>
    %dma_start3A_1119 = arith.constant 0 : i32
    %dma_start3A_1120 = tpu.memref_slice %arg12[%add3A_1115, %dma_start3A_1119] : memref<10000x128xf32, #tpu.memory_space<vmem_shared>> -> memref<25x128xf32, #tpu.memory_space<vmem_shared>>
    tpu.enqueue_dma source(%dma_start3A_1120 : memref<25x128xf32, #tpu.memory_space<vmem_shared>>) target(%dma_start3A_1118 : memref<25x128xf32, #tpu.memory_space<hbm>>) target_semaphore(%arg16 : memref<!tpu.dma_semaphore, #tpu.memory_space<semaphore_mem>>)
    %mul3A_1121 = arith.constant 625 : i32
    %mul3A_1122 = arith.muli %arg1, %mul3A_1121 : i32
    %add3A_1123 = arith.constant 475 : i32
    %add3A_1124 = arith.addi %mul3A_1122, %add3A_1123 : i32
    %dma_start3A_1125 = arith.constant 0 : i32
    %dma_start3A_1126 = tpu.memref_slice %arg6[%arg0, %add3A_1124, %dma_start3A_1125] : memref<2x10000x128xf32, #tpu.memory_space<hbm>> -> memref<1x25x128xf32, #tpu.memory_space<hbm>>
    %dma_start3A_1127 = tpu.memref_squeeze %dma_start3A_1126 : memref<1x25x128xf32, #tpu.memory_space<hbm>> -> memref<25x128xf32, #tpu.memory_space<hbm>>
    %dma_start3A_1128 = arith.constant 0 : i32
    %dma_start3A_1129 = tpu.memref_slice %arg12[%add3A_1124, %dma_start3A_1128] : memref<10000x128xf32, #tpu.memory_space<vmem_shared>> -> memref<25x128xf32, #tpu.memory_space<vmem_shared>>
    tpu.enqueue_dma source(%dma_start3A_1129 : memref<25x128xf32, #tpu.memory_space<vmem_shared>>) target(%dma_start3A_1127 : memref<25x128xf32, #tpu.memory_space<hbm>>) target_semaphore(%arg16 : memref<!tpu.dma_semaphore, #tpu.memory_space<semaphore_mem>>)
    %mul3A_1130 = arith.constant 625 : i32
    %mul3A_1131 = arith.muli %arg1, %mul3A_1130 : i32
    %add3A_1132 = arith.constant 500 : i32
    %add3A_1133 = arith.addi %mul3A_1131, %add3A_1132 : i32
    %dma_start3A_1134 = arith.constant 0 : i32
    %dma_start3A_1135 = tpu.memref_slice %arg6[%arg0, %add3A_1133, %dma_start3A_1134] : memref<2x10000x128xf32, #tpu.memory_space<hbm>> -> memref<1x25x128xf32, #tpu.memory_space<hbm>>
    %dma_start3A_1136 = tpu.memref_squeeze %dma_start3A_1135 : memref<1x25x128xf32, #tpu.memory_space<hbm>> -> memref<25x128xf32, #tpu.memory_space<hbm>>
    %dma_start3A_1137 = arith.constant 0 : i32
    %dma_start3A_1138 = tpu.memref_slice %arg12[%add3A_1133, %dma_start3A_1137] : memref<10000x128xf32, #tpu.memory_space<vmem_shared>> -> memref<25x128xf32, #tpu.memory_space<vmem_shared>>
    tpu.enqueue_dma source(%dma_start3A_1138 : memref<25x128xf32, #tpu.memory_space<vmem_shared>>) target(%dma_start3A_1136 : memref<25x128xf32, #tpu.memory_space<hbm>>) target_semaphore(%arg16 : memref<!tpu.dma_semaphore, #tpu.memory_space<semaphore_mem>>)
    %mul3A_1139 = arith.constant 625 : i32
    %mul3A_1140 = arith.muli %arg1, %mul3A_1139 : i32
    %add3A_1141 = arith.constant 525 : i32
    %add3A_1142 = arith.addi %mul3A_1140, %add3A_1141 : i32
    %dma_start3A_1143 = arith.constant 0 : i32
    %dma_start3A_1144 = tpu.memref_slice %arg6[%arg0, %add3A_1142, %dma_start3A_1143] : memref<2x10000x128xf32, #tpu.memory_space<hbm>> -> memref<1x25x128xf32, #tpu.memory_space<hbm>>
    %dma_start3A_1145 = tpu.memref_squeeze %dma_start3A_1144 : memref<1x25x128xf32, #tpu.memory_space<hbm>> -> memref<25x128xf32, #tpu.memory_space<hbm>>
    %dma_start3A_1146 = arith.constant 0 : i32
    %dma_start3A_1147 = tpu.memref_slice %arg12[%add3A_1142, %dma_start3A_1146] : memref<10000x128xf32, #tpu.memory_space<vmem_shared>> -> memref<25x128xf32, #tpu.memory_space<vmem_shared>>
    tpu.enqueue_dma source(%dma_start3A_1147 : memref<25x128xf32, #tpu.memory_space<vmem_shared>>) target(%dma_start3A_1145 : memref<25x128xf32, #tpu.memory_space<hbm>>) target_semaphore(%arg16 : memref<!tpu.dma_semaphore, #tpu.memory_space<semaphore_mem>>)
    %mul3A_1148 = arith.constant 625 : i32
    %mul3A_1149 = arith.muli %arg1, %mul3A_1148 : i32
    %add3A_1150 = arith.constant 550 : i32
    %add3A_1151 = arith.addi %mul3A_1149, %add3A_1150 : i32
    %dma_start3A_1152 = arith.constant 0 : i32
    %dma_start3A_1153 = tpu.memref_slice %arg6[%arg0, %add3A_1151, %dma_start3A_1152] : memref<2x10000x128xf32, #tpu.memory_space<hbm>> -> memref<1x25x128xf32, #tpu.memory_space<hbm>>
    %dma_start3A_1154 = tpu.memref_squeeze %dma_start3A_1153 : memref<1x25x128xf32, #tpu.memory_space<hbm>> -> memref<25x128xf32, #tpu.memory_space<hbm>>
    %dma_start3A_1155 = arith.constant 0 : i32
    %dma_start3A_1156 = tpu.memref_slice %arg12[%add3A_1151, %dma_start3A_1155] : memref<10000x128xf32, #tpu.memory_space<vmem_shared>> -> memref<25x128xf32, #tpu.memory_space<vmem_shared>>
    tpu.enqueue_dma source(%dma_start3A_1156 : memref<25x128xf32, #tpu.memory_space<vmem_shared>>) target(%dma_start3A_1154 : memref<25x128xf32, #tpu.memory_space<hbm>>) target_semaphore(%arg16 : memref<!tpu.dma_semaphore, #tpu.memory_space<semaphore_mem>>)
    %mul3A_1157 = arith.constant 625 : i32
    %mul3A_1158 = arith.muli %arg1, %mul3A_1157 : i32
    %add3A_1159 = arith.constant 575 : i32
    %add3A_1160 = arith.addi %mul3A_1158, %add3A_1159 : i32
    %dma_start3A_1161 = arith.constant 0 : i32
    %dma_start3A_1162 = tpu.memref_slice %arg6[%arg0, %add3A_1160, %dma_start3A_1161] : memref<2x10000x128xf32, #tpu.memory_space<hbm>> -> memref<1x25x128xf32, #tpu.memory_space<hbm>>
    %dma_start3A_1163 = tpu.memref_squeeze %dma_start3A_1162 : memref<1x25x128xf32, #tpu.memory_space<hbm>> -> memref<25x128xf32, #tpu.memory_space<hbm>>
    %dma_start3A_1164 = arith.constant 0 : i32
    %dma_start3A_1165 = tpu.memref_slice %arg12[%add3A_1160, %dma_start3A_1164] : memref<10000x128xf32, #tpu.memory_space<vmem_shared>> -> memref<25x128xf32, #tpu.memory_space<vmem_shared>>
    tpu.enqueue_dma source(%dma_start3A_1165 : memref<25x128xf32, #tpu.memory_space<vmem_shared>>) target(%dma_start3A_1163 : memref<25x128xf32, #tpu.memory_space<hbm>>) target_semaphore(%arg16 : memref<!tpu.dma_semaphore, #tpu.memory_space<semaphore_mem>>)
    %mul3A_1166 = arith.constant 625 : i32
    %mul3A_1167 = arith.muli %arg1, %mul3A_1166 : i32
    %add3A_1168 = arith.constant 600 : i32
    %add3A_1169 = arith.addi %mul3A_1167, %add3A_1168 : i32
    %dma_start3A_1170 = arith.constant 0 : i32
    %dma_start3A_1171 = tpu.memref_slice %arg6[%arg0, %add3A_1169, %dma_start3A_1170] : memref<2x10000x128xf32, #tpu.memory_space<hbm>> -> memref<1x25x128xf32, #tpu.memory_space<hbm>>
    %dma_start3A_1172 = tpu.memref_squeeze %dma_start3A_1171 : memref<1x25x128xf32, #tpu.memory_space<hbm>> -> memref<25x128xf32, #tpu.memory_space<hbm>>
    %dma_start3A_1173 = arith.constant 0 : i32
    %dma_start3A_1174 = tpu.memref_slice %arg12[%add3A_1169, %dma_start3A_1173] : memref<10000x128xf32, #tpu.memory_space<vmem_shared>> -> memref<25x128xf32, #tpu.memory_space<vmem_shared>>
    tpu.enqueue_dma source(%dma_start3A_1174 : memref<25x128xf32, #tpu.memory_space<vmem_shared>>) target(%dma_start3A_1172 : memref<25x128xf32, #tpu.memory_space<hbm>>) target_semaphore(%arg16 : memref<!tpu.dma_semaphore, #tpu.memory_space<semaphore_mem>>)
    %mul3A_1175 = arith.constant 625 : i32
    %mul3A_1176 = arith.muli %arg1, %mul3A_1175 : i32
    %add3A_1177 = arith.constant 0 : i32
    %add3A_1178 = arith.addi %mul3A_1176, %add3A_1177 : i32
    %dma_wait3A_1179 = arith.constant 0 : i32
    %dma_wait3A_1180 = tpu.memref_slice %arg6[%arg0, %add3A_1178, %dma_wait3A_1179] : memref<2x10000x128xf32, #tpu.memory_space<hbm>> -> memref<1x25x128xf32, #tpu.memory_space<hbm>>
    %dma_wait3A_1181 = tpu.memref_squeeze %dma_wait3A_1180 : memref<1x25x128xf32, #tpu.memory_space<hbm>> -> memref<25x128xf32, #tpu.memory_space<hbm>>
    %dma_wait3A_1182 = arith.constant 0 : i32
    %dma_wait3A_1183 = tpu.memref_slice %arg12[%add3A_1178, %dma_wait3A_1182] : memref<10000x128xf32, #tpu.memory_space<vmem_shared>> -> memref<25x128xf32, #tpu.memory_space<vmem_shared>>
    tpu.wait_dma2 semaphore(%arg16 : memref<!tpu.dma_semaphore, #tpu.memory_space<semaphore_mem>>) src(%dma_wait3A_1183 : memref<25x128xf32, #tpu.memory_space<vmem_shared>>) dst(%dma_wait3A_1181 : memref<25x128xf32, #tpu.memory_space<hbm>>)
    %mul3A_1184 = arith.constant 625 : i32
    %mul3A_1185 = arith.muli %arg1, %mul3A_1184 : i32
    %add3A_1186 = arith.constant 25 : i32
    %add3A_1187 = arith.addi %mul3A_1185, %add3A_1186 : i32
    %dma_wait3A_1188 = arith.constant 0 : i32
    %dma_wait3A_1189 = tpu.memref_slice %arg6[%arg0, %add3A_1187, %dma_wait3A_1188] : memref<2x10000x128xf32, #tpu.memory_space<hbm>> -> memref<1x25x128xf32, #tpu.memory_space<hbm>>
    %dma_wait3A_1190 = tpu.memref_squeeze %dma_wait3A_1189 : memref<1x25x128xf32, #tpu.memory_space<hbm>> -> memref<25x128xf32, #tpu.memory_space<hbm>>
    %dma_wait3A_1191 = arith.constant 0 : i32
    %dma_wait3A_1192 = tpu.memref_slice %arg12[%add3A_1187, %dma_wait3A_1191] : memref<10000x128xf32, #tpu.memory_space<vmem_shared>> -> memref<25x128xf32, #tpu.memory_space<vmem_shared>>
    tpu.wait_dma2 semaphore(%arg16 : memref<!tpu.dma_semaphore, #tpu.memory_space<semaphore_mem>>) src(%dma_wait3A_1192 : memref<25x128xf32, #tpu.memory_space<vmem_shared>>) dst(%dma_wait3A_1190 : memref<25x128xf32, #tpu.memory_space<hbm>>)
    %mul3A_1193 = arith.constant 625 : i32
    %mul3A_1194 = arith.muli %arg1, %mul3A_1193 : i32
    %add3A_1195 = arith.constant 50 : i32
    %add3A_1196 = arith.addi %mul3A_1194, %add3A_1195 : i32
    %dma_wait3A_1197 = arith.constant 0 : i32
    %dma_wait3A_1198 = tpu.memref_slice %arg6[%arg0, %add3A_1196, %dma_wait3A_1197] : memref<2x10000x128xf32, #tpu.memory_space<hbm>> -> memref<1x25x128xf32, #tpu.memory_space<hbm>>
    %dma_wait3A_1199 = tpu.memref_squeeze %dma_wait3A_1198 : memref<1x25x128xf32, #tpu.memory_space<hbm>> -> memref<25x128xf32, #tpu.memory_space<hbm>>
    %dma_wait3A_1200 = arith.constant 0 : i32
    %dma_wait3A_1201 = tpu.memref_slice %arg12[%add3A_1196, %dma_wait3A_1200] : memref<10000x128xf32, #tpu.memory_space<vmem_shared>> -> memref<25x128xf32, #tpu.memory_space<vmem_shared>>
    tpu.wait_dma2 semaphore(%arg16 : memref<!tpu.dma_semaphore, #tpu.memory_space<semaphore_mem>>) src(%dma_wait3A_1201 : memref<25x128xf32, #tpu.memory_space<vmem_shared>>) dst(%dma_wait3A_1199 : memref<25x128xf32, #tpu.memory_space<hbm>>)
    %mul3A_1202 = arith.constant 625 : i32
    %mul3A_1203 = arith.muli %arg1, %mul3A_1202 : i32
    %add3A_1204 = arith.constant 75 : i32
    %add3A_1205 = arith.addi %mul3A_1203, %add3A_1204 : i32
    %dma_wait3A_1206 = arith.constant 0 : i32
    %dma_wait3A_1207 = tpu.memref_slice %arg6[%arg0, %add3A_1205, %dma_wait3A_1206] : memref<2x10000x128xf32, #tpu.memory_space<hbm>> -> memref<1x25x128xf32, #tpu.memory_space<hbm>>
    %dma_wait3A_1208 = tpu.memref_squeeze %dma_wait3A_1207 : memref<1x25x128xf32, #tpu.memory_space<hbm>> -> memref<25x128xf32, #tpu.memory_space<hbm>>
    %dma_wait3A_1209 = arith.constant 0 : i32
    %dma_wait3A_1210 = tpu.memref_slice %arg12[%add3A_1205, %dma_wait3A_1209] : memref<10000x128xf32, #tpu.memory_space<vmem_shared>> -> memref<25x128xf32, #tpu.memory_space<vmem_shared>>
    tpu.wait_dma2 semaphore(%arg16 : memref<!tpu.dma_semaphore, #tpu.memory_space<semaphore_mem>>) src(%dma_wait3A_1210 : memref<25x128xf32, #tpu.memory_space<vmem_shared>>) dst(%dma_wait3A_1208 : memref<25x128xf32, #tpu.memory_space<hbm>>)
    %mul3A_1211 = arith.constant 625 : i32
    %mul3A_1212 = arith.muli %arg1, %mul3A_1211 : i32
    %add3A_1213 = arith.constant 100 : i32
    %add3A_1214 = arith.addi %mul3A_1212, %add3A_1213 : i32
    %dma_wait3A_1215 = arith.constant 0 : i32
    %dma_wait3A_1216 = tpu.memref_slice %arg6[%arg0, %add3A_1214, %dma_wait3A_1215] : memref<2x10000x128xf32, #tpu.memory_space<hbm>> -> memref<1x25x128xf32, #tpu.memory_space<hbm>>
    %dma_wait3A_1217 = tpu.memref_squeeze %dma_wait3A_1216 : memref<1x25x128xf32, #tpu.memory_space<hbm>> -> memref<25x128xf32, #tpu.memory_space<hbm>>
    %dma_wait3A_1218 = arith.constant 0 : i32
    %dma_wait3A_1219 = tpu.memref_slice %arg12[%add3A_1214, %dma_wait3A_1218] : memref<10000x128xf32, #tpu.memory_space<vmem_shared>> -> memref<25x128xf32, #tpu.memory_space<vmem_shared>>
    tpu.wait_dma2 semaphore(%arg16 : memref<!tpu.dma_semaphore, #tpu.memory_space<semaphore_mem>>) src(%dma_wait3A_1219 : memref<25x128xf32, #tpu.memory_space<vmem_shared>>) dst(%dma_wait3A_1217 : memref<25x128xf32, #tpu.memory_space<hbm>>)
    %mul3A_1220 = arith.constant 625 : i32
    %mul3A_1221 = arith.muli %arg1, %mul3A_1220 : i32
    %add3A_1222 = arith.constant 125 : i32
    %add3A_1223 = arith.addi %mul3A_1221, %add3A_1222 : i32
    %dma_wait3A_1224 = arith.constant 0 : i32
    %dma_wait3A_1225 = tpu.memref_slice %arg6[%arg0, %add3A_1223, %dma_wait3A_1224] : memref<2x10000x128xf32, #tpu.memory_space<hbm>> -> memref<1x25x128xf32, #tpu.memory_space<hbm>>
    %dma_wait3A_1226 = tpu.memref_squeeze %dma_wait3A_1225 : memref<1x25x128xf32, #tpu.memory_space<hbm>> -> memref<25x128xf32, #tpu.memory_space<hbm>>
    %dma_wait3A_1227 = arith.constant 0 : i32
    %dma_wait3A_1228 = tpu.memref_slice %arg12[%add3A_1223, %dma_wait3A_1227] : memref<10000x128xf32, #tpu.memory_space<vmem_shared>> -> memref<25x128xf32, #tpu.memory_space<vmem_shared>>
    tpu.wait_dma2 semaphore(%arg16 : memref<!tpu.dma_semaphore, #tpu.memory_space<semaphore_mem>>) src(%dma_wait3A_1228 : memref<25x128xf32, #tpu.memory_space<vmem_shared>>) dst(%dma_wait3A_1226 : memref<25x128xf32, #tpu.memory_space<hbm>>)
    %mul3A_1229 = arith.constant 625 : i32
    %mul3A_1230 = arith.muli %arg1, %mul3A_1229 : i32
    %add3A_1231 = arith.constant 150 : i32
    %add3A_1232 = arith.addi %mul3A_1230, %add3A_1231 : i32
    %dma_wait3A_1233 = arith.constant 0 : i32
    %dma_wait3A_1234 = tpu.memref_slice %arg6[%arg0, %add3A_1232, %dma_wait3A_1233] : memref<2x10000x128xf32, #tpu.memory_space<hbm>> -> memref<1x25x128xf32, #tpu.memory_space<hbm>>
    %dma_wait3A_1235 = tpu.memref_squeeze %dma_wait3A_1234 : memref<1x25x128xf32, #tpu.memory_space<hbm>> -> memref<25x128xf32, #tpu.memory_space<hbm>>
    %dma_wait3A_1236 = arith.constant 0 : i32
    %dma_wait3A_1237 = tpu.memref_slice %arg12[%add3A_1232, %dma_wait3A_1236] : memref<10000x128xf32, #tpu.memory_space<vmem_shared>> -> memref<25x128xf32, #tpu.memory_space<vmem_shared>>
    tpu.wait_dma2 semaphore(%arg16 : memref<!tpu.dma_semaphore, #tpu.memory_space<semaphore_mem>>) src(%dma_wait3A_1237 : memref<25x128xf32, #tpu.memory_space<vmem_shared>>) dst(%dma_wait3A_1235 : memref<25x128xf32, #tpu.memory_space<hbm>>)
    %mul3A_1238 = arith.constant 625 : i32
    %mul3A_1239 = arith.muli %arg1, %mul3A_1238 : i32
    %add3A_1240 = arith.constant 175 : i32
    %add3A_1241 = arith.addi %mul3A_1239, %add3A_1240 : i32
    %dma_wait3A_1242 = arith.constant 0 : i32
    %dma_wait3A_1243 = tpu.memref_slice %arg6[%arg0, %add3A_1241, %dma_wait3A_1242] : memref<2x10000x128xf32, #tpu.memory_space<hbm>> -> memref<1x25x128xf32, #tpu.memory_space<hbm>>
    %dma_wait3A_1244 = tpu.memref_squeeze %dma_wait3A_1243 : memref<1x25x128xf32, #tpu.memory_space<hbm>> -> memref<25x128xf32, #tpu.memory_space<hbm>>
    %dma_wait3A_1245 = arith.constant 0 : i32
    %dma_wait3A_1246 = tpu.memref_slice %arg12[%add3A_1241, %dma_wait3A_1245] : memref<10000x128xf32, #tpu.memory_space<vmem_shared>> -> memref<25x128xf32, #tpu.memory_space<vmem_shared>>
    tpu.wait_dma2 semaphore(%arg16 : memref<!tpu.dma_semaphore, #tpu.memory_space<semaphore_mem>>) src(%dma_wait3A_1246 : memref<25x128xf32, #tpu.memory_space<vmem_shared>>) dst(%dma_wait3A_1244 : memref<25x128xf32, #tpu.memory_space<hbm>>)
    %mul3A_1247 = arith.constant 625 : i32
    %mul3A_1248 = arith.muli %arg1, %mul3A_1247 : i32
    %add3A_1249 = arith.constant 200 : i32
    %add3A_1250 = arith.addi %mul3A_1248, %add3A_1249 : i32
    %dma_wait3A_1251 = arith.constant 0 : i32
    %dma_wait3A_1252 = tpu.memref_slice %arg6[%arg0, %add3A_1250, %dma_wait3A_1251] : memref<2x10000x128xf32, #tpu.memory_space<hbm>> -> memref<1x25x128xf32, #tpu.memory_space<hbm>>
    %dma_wait3A_1253 = tpu.memref_squeeze %dma_wait3A_1252 : memref<1x25x128xf32, #tpu.memory_space<hbm>> -> memref<25x128xf32, #tpu.memory_space<hbm>>
    %dma_wait3A_1254 = arith.constant 0 : i32
    %dma_wait3A_1255 = tpu.memref_slice %arg12[%add3A_1250, %dma_wait3A_1254] : memref<10000x128xf32, #tpu.memory_space<vmem_shared>> -> memref<25x128xf32, #tpu.memory_space<vmem_shared>>
    tpu.wait_dma2 semaphore(%arg16 : memref<!tpu.dma_semaphore, #tpu.memory_space<semaphore_mem>>) src(%dma_wait3A_1255 : memref<25x128xf32, #tpu.memory_space<vmem_shared>>) dst(%dma_wait3A_1253 : memref<25x128xf32, #tpu.memory_space<hbm>>)
    %mul3A_1256 = arith.constant 625 : i32
    %mul3A_1257 = arith.muli %arg1, %mul3A_1256 : i32
    %add3A_1258 = arith.constant 225 : i32
    %add3A_1259 = arith.addi %mul3A_1257, %add3A_1258 : i32
    %dma_wait3A_1260 = arith.constant 0 : i32
    %dma_wait3A_1261 = tpu.memref_slice %arg6[%arg0, %add3A_1259, %dma_wait3A_1260] : memref<2x10000x128xf32, #tpu.memory_space<hbm>> -> memref<1x25x128xf32, #tpu.memory_space<hbm>>
    %dma_wait3A_1262 = tpu.memref_squeeze %dma_wait3A_1261 : memref<1x25x128xf32, #tpu.memory_space<hbm>> -> memref<25x128xf32, #tpu.memory_space<hbm>>
    %dma_wait3A_1263 = arith.constant 0 : i32
    %dma_wait3A_1264 = tpu.memref_slice %arg12[%add3A_1259, %dma_wait3A_1263] : memref<10000x128xf32, #tpu.memory_space<vmem_shared>> -> memref<25x128xf32, #tpu.memory_space<vmem_shared>>
    tpu.wait_dma2 semaphore(%arg16 : memref<!tpu.dma_semaphore, #tpu.memory_space<semaphore_mem>>) src(%dma_wait3A_1264 : memref<25x128xf32, #tpu.memory_space<vmem_shared>>) dst(%dma_wait3A_1262 : memref<25x128xf32, #tpu.memory_space<hbm>>)
    %mul3A_1265 = arith.constant 625 : i32
    %mul3A_1266 = arith.muli %arg1, %mul3A_1265 : i32
    %add3A_1267 = arith.constant 250 : i32
    %add3A_1268 = arith.addi %mul3A_1266, %add3A_1267 : i32
    %dma_wait3A_1269 = arith.constant 0 : i32
    %dma_wait3A_1270 = tpu.memref_slice %arg6[%arg0, %add3A_1268, %dma_wait3A_1269] : memref<2x10000x128xf32, #tpu.memory_space<hbm>> -> memref<1x25x128xf32, #tpu.memory_space<hbm>>
    %dma_wait3A_1271 = tpu.memref_squeeze %dma_wait3A_1270 : memref<1x25x128xf32, #tpu.memory_space<hbm>> -> memref<25x128xf32, #tpu.memory_space<hbm>>
    %dma_wait3A_1272 = arith.constant 0 : i32
    %dma_wait3A_1273 = tpu.memref_slice %arg12[%add3A_1268, %dma_wait3A_1272] : memref<10000x128xf32, #tpu.memory_space<vmem_shared>> -> memref<25x128xf32, #tpu.memory_space<vmem_shared>>
    tpu.wait_dma2 semaphore(%arg16 : memref<!tpu.dma_semaphore, #tpu.memory_space<semaphore_mem>>) src(%dma_wait3A_1273 : memref<25x128xf32, #tpu.memory_space<vmem_shared>>) dst(%dma_wait3A_1271 : memref<25x128xf32, #tpu.memory_space<hbm>>)
    %mul3A_1274 = arith.constant 625 : i32
    %mul3A_1275 = arith.muli %arg1, %mul3A_1274 : i32
    %add3A_1276 = arith.constant 275 : i32
    %add3A_1277 = arith.addi %mul3A_1275, %add3A_1276 : i32
    %dma_wait3A_1278 = arith.constant 0 : i32
    %dma_wait3A_1279 = tpu.memref_slice %arg6[%arg0, %add3A_1277, %dma_wait3A_1278] : memref<2x10000x128xf32, #tpu.memory_space<hbm>> -> memref<1x25x128xf32, #tpu.memory_space<hbm>>
    %dma_wait3A_1280 = tpu.memref_squeeze %dma_wait3A_1279 : memref<1x25x128xf32, #tpu.memory_space<hbm>> -> memref<25x128xf32, #tpu.memory_space<hbm>>
    %dma_wait3A_1281 = arith.constant 0 : i32
    %dma_wait3A_1282 = tpu.memref_slice %arg12[%add3A_1277, %dma_wait3A_1281] : memref<10000x128xf32, #tpu.memory_space<vmem_shared>> -> memref<25x128xf32, #tpu.memory_space<vmem_shared>>
    tpu.wait_dma2 semaphore(%arg16 : memref<!tpu.dma_semaphore, #tpu.memory_space<semaphore_mem>>) src(%dma_wait3A_1282 : memref<25x128xf32, #tpu.memory_space<vmem_shared>>) dst(%dma_wait3A_1280 : memref<25x128xf32, #tpu.memory_space<hbm>>)
    %mul3A_1283 = arith.constant 625 : i32
    %mul3A_1284 = arith.muli %arg1, %mul3A_1283 : i32
    %add3A_1285 = arith.constant 300 : i32
    %add3A_1286 = arith.addi %mul3A_1284, %add3A_1285 : i32
    %dma_wait3A_1287 = arith.constant 0 : i32
    %dma_wait3A_1288 = tpu.memref_slice %arg6[%arg0, %add3A_1286, %dma_wait3A_1287] : memref<2x10000x128xf32, #tpu.memory_space<hbm>> -> memref<1x25x128xf32, #tpu.memory_space<hbm>>
    %dma_wait3A_1289 = tpu.memref_squeeze %dma_wait3A_1288 : memref<1x25x128xf32, #tpu.memory_space<hbm>> -> memref<25x128xf32, #tpu.memory_space<hbm>>
    %dma_wait3A_1290 = arith.constant 0 : i32
    %dma_wait3A_1291 = tpu.memref_slice %arg12[%add3A_1286, %dma_wait3A_1290] : memref<10000x128xf32, #tpu.memory_space<vmem_shared>> -> memref<25x128xf32, #tpu.memory_space<vmem_shared>>
    tpu.wait_dma2 semaphore(%arg16 : memref<!tpu.dma_semaphore, #tpu.memory_space<semaphore_mem>>) src(%dma_wait3A_1291 : memref<25x128xf32, #tpu.memory_space<vmem_shared>>) dst(%dma_wait3A_1289 : memref<25x128xf32, #tpu.memory_space<hbm>>)
    %mul3A_1292 = arith.constant 625 : i32
    %mul3A_1293 = arith.muli %arg1, %mul3A_1292 : i32
    %add3A_1294 = arith.constant 325 : i32
    %add3A_1295 = arith.addi %mul3A_1293, %add3A_1294 : i32
    %dma_wait3A_1296 = arith.constant 0 : i32
    %dma_wait3A_1297 = tpu.memref_slice %arg6[%arg0, %add3A_1295, %dma_wait3A_1296] : memref<2x10000x128xf32, #tpu.memory_space<hbm>> -> memref<1x25x128xf32, #tpu.memory_space<hbm>>
    %dma_wait3A_1298 = tpu.memref_squeeze %dma_wait3A_1297 : memref<1x25x128xf32, #tpu.memory_space<hbm>> -> memref<25x128xf32, #tpu.memory_space<hbm>>
    %dma_wait3A_1299 = arith.constant 0 : i32
    %dma_wait3A_1300 = tpu.memref_slice %arg12[%add3A_1295, %dma_wait3A_1299] : memref<10000x128xf32, #tpu.memory_space<vmem_shared>> -> memref<25x128xf32, #tpu.memory_space<vmem_shared>>
    tpu.wait_dma2 semaphore(%arg16 : memref<!tpu.dma_semaphore, #tpu.memory_space<semaphore_mem>>) src(%dma_wait3A_1300 : memref<25x128xf32, #tpu.memory_space<vmem_shared>>) dst(%dma_wait3A_1298 : memref<25x128xf32, #tpu.memory_space<hbm>>)
    %mul3A_1301 = arith.constant 625 : i32
    %mul3A_1302 = arith.muli %arg1, %mul3A_1301 : i32
    %add3A_1303 = arith.constant 350 : i32
    %add3A_1304 = arith.addi %mul3A_1302, %add3A_1303 : i32
    %dma_wait3A_1305 = arith.constant 0 : i32
    %dma_wait3A_1306 = tpu.memref_slice %arg6[%arg0, %add3A_1304, %dma_wait3A_1305] : memref<2x10000x128xf32, #tpu.memory_space<hbm>> -> memref<1x25x128xf32, #tpu.memory_space<hbm>>
    %dma_wait3A_1307 = tpu.memref_squeeze %dma_wait3A_1306 : memref<1x25x128xf32, #tpu.memory_space<hbm>> -> memref<25x128xf32, #tpu.memory_space<hbm>>
    %dma_wait3A_1308 = arith.constant 0 : i32
    %dma_wait3A_1309 = tpu.memref_slice %arg12[%add3A_1304, %dma_wait3A_1308] : memref<10000x128xf32, #tpu.memory_space<vmem_shared>> -> memref<25x128xf32, #tpu.memory_space<vmem_shared>>
    tpu.wait_dma2 semaphore(%arg16 : memref<!tpu.dma_semaphore, #tpu.memory_space<semaphore_mem>>) src(%dma_wait3A_1309 : memref<25x128xf32, #tpu.memory_space<vmem_shared>>) dst(%dma_wait3A_1307 : memref<25x128xf32, #tpu.memory_space<hbm>>)
    %mul3A_1310 = arith.constant 625 : i32
    %mul3A_1311 = arith.muli %arg1, %mul3A_1310 : i32
    %add3A_1312 = arith.constant 375 : i32
    %add3A_1313 = arith.addi %mul3A_1311, %add3A_1312 : i32
    %dma_wait3A_1314 = arith.constant 0 : i32
    %dma_wait3A_1315 = tpu.memref_slice %arg6[%arg0, %add3A_1313, %dma_wait3A_1314] : memref<2x10000x128xf32, #tpu.memory_space<hbm>> -> memref<1x25x128xf32, #tpu.memory_space<hbm>>
    %dma_wait3A_1316 = tpu.memref_squeeze %dma_wait3A_1315 : memref<1x25x128xf32, #tpu.memory_space<hbm>> -> memref<25x128xf32, #tpu.memory_space<hbm>>
    %dma_wait3A_1317 = arith.constant 0 : i32
    %dma_wait3A_1318 = tpu.memref_slice %arg12[%add3A_1313, %dma_wait3A_1317] : memref<10000x128xf32, #tpu.memory_space<vmem_shared>> -> memref<25x128xf32, #tpu.memory_space<vmem_shared>>
    tpu.wait_dma2 semaphore(%arg16 : memref<!tpu.dma_semaphore, #tpu.memory_space<semaphore_mem>>) src(%dma_wait3A_1318 : memref<25x128xf32, #tpu.memory_space<vmem_shared>>) dst(%dma_wait3A_1316 : memref<25x128xf32, #tpu.memory_space<hbm>>)
    %mul3A_1319 = arith.constant 625 : i32
    %mul3A_1320 = arith.muli %arg1, %mul3A_1319 : i32
    %add3A_1321 = arith.constant 400 : i32
    %add3A_1322 = arith.addi %mul3A_1320, %add3A_1321 : i32
    %dma_wait3A_1323 = arith.constant 0 : i32
    %dma_wait3A_1324 = tpu.memref_slice %arg6[%arg0, %add3A_1322, %dma_wait3A_1323] : memref<2x10000x128xf32, #tpu.memory_space<hbm>> -> memref<1x25x128xf32, #tpu.memory_space<hbm>>
    %dma_wait3A_1325 = tpu.memref_squeeze %dma_wait3A_1324 : memref<1x25x128xf32, #tpu.memory_space<hbm>> -> memref<25x128xf32, #tpu.memory_space<hbm>>
    %dma_wait3A_1326 = arith.constant 0 : i32
    %dma_wait3A_1327 = tpu.memref_slice %arg12[%add3A_1322, %dma_wait3A_1326] : memref<10000x128xf32, #tpu.memory_space<vmem_shared>> -> memref<25x128xf32, #tpu.memory_space<vmem_shared>>
    tpu.wait_dma2 semaphore(%arg16 : memref<!tpu.dma_semaphore, #tpu.memory_space<semaphore_mem>>) src(%dma_wait3A_1327 : memref<25x128xf32, #tpu.memory_space<vmem_shared>>) dst(%dma_wait3A_1325 : memref<25x128xf32, #tpu.memory_space<hbm>>)
    %mul3A_1328 = arith.constant 625 : i32
    %mul3A_1329 = arith.muli %arg1, %mul3A_1328 : i32
    %add3A_1330 = arith.constant 425 : i32
    %add3A_1331 = arith.addi %mul3A_1329, %add3A_1330 : i32
    %dma_wait3A_1332 = arith.constant 0 : i32
    %dma_wait3A_1333 = tpu.memref_slice %arg6[%arg0, %add3A_1331, %dma_wait3A_1332] : memref<2x10000x128xf32, #tpu.memory_space<hbm>> -> memref<1x25x128xf32, #tpu.memory_space<hbm>>
    %dma_wait3A_1334 = tpu.memref_squeeze %dma_wait3A_1333 : memref<1x25x128xf32, #tpu.memory_space<hbm>> -> memref<25x128xf32, #tpu.memory_space<hbm>>
    %dma_wait3A_1335 = arith.constant 0 : i32
    %dma_wait3A_1336 = tpu.memref_slice %arg12[%add3A_1331, %dma_wait3A_1335] : memref<10000x128xf32, #tpu.memory_space<vmem_shared>> -> memref<25x128xf32, #tpu.memory_space<vmem_shared>>
    tpu.wait_dma2 semaphore(%arg16 : memref<!tpu.dma_semaphore, #tpu.memory_space<semaphore_mem>>) src(%dma_wait3A_1336 : memref<25x128xf32, #tpu.memory_space<vmem_shared>>) dst(%dma_wait3A_1334 : memref<25x128xf32, #tpu.memory_space<hbm>>)
    %mul3A_1337 = arith.constant 625 : i32
    %mul3A_1338 = arith.muli %arg1, %mul3A_1337 : i32
    %add3A_1339 = arith.constant 450 : i32
    %add3A_1340 = arith.addi %mul3A_1338, %add3A_1339 : i32
    %dma_wait3A_1341 = arith.constant 0 : i32
    %dma_wait3A_1342 = tpu.memref_slice %arg6[%arg0, %add3A_1340, %dma_wait3A_1341] : memref<2x10000x128xf32, #tpu.memory_space<hbm>> -> memref<1x25x128xf32, #tpu.memory_space<hbm>>
    %dma_wait3A_1343 = tpu.memref_squeeze %dma_wait3A_1342 : memref<1x25x128xf32, #tpu.memory_space<hbm>> -> memref<25x128xf32, #tpu.memory_space<hbm>>
    %dma_wait3A_1344 = arith.constant 0 : i32
    %dma_wait3A_1345 = tpu.memref_slice %arg12[%add3A_1340, %dma_wait3A_1344] : memref<10000x128xf32, #tpu.memory_space<vmem_shared>> -> memref<25x128xf32, #tpu.memory_space<vmem_shared>>
    tpu.wait_dma2 semaphore(%arg16 : memref<!tpu.dma_semaphore, #tpu.memory_space<semaphore_mem>>) src(%dma_wait3A_1345 : memref<25x128xf32, #tpu.memory_space<vmem_shared>>) dst(%dma_wait3A_1343 : memref<25x128xf32, #tpu.memory_space<hbm>>)
    %mul3A_1346 = arith.constant 625 : i32
    %mul3A_1347 = arith.muli %arg1, %mul3A_1346 : i32
    %add3A_1348 = arith.constant 475 : i32
    %add3A_1349 = arith.addi %mul3A_1347, %add3A_1348 : i32
    %dma_wait3A_1350 = arith.constant 0 : i32
    %dma_wait3A_1351 = tpu.memref_slice %arg6[%arg0, %add3A_1349, %dma_wait3A_1350] : memref<2x10000x128xf32, #tpu.memory_space<hbm>> -> memref<1x25x128xf32, #tpu.memory_space<hbm>>
    %dma_wait3A_1352 = tpu.memref_squeeze %dma_wait3A_1351 : memref<1x25x128xf32, #tpu.memory_space<hbm>> -> memref<25x128xf32, #tpu.memory_space<hbm>>
    %dma_wait3A_1353 = arith.constant 0 : i32
    %dma_wait3A_1354 = tpu.memref_slice %arg12[%add3A_1349, %dma_wait3A_1353] : memref<10000x128xf32, #tpu.memory_space<vmem_shared>> -> memref<25x128xf32, #tpu.memory_space<vmem_shared>>
    tpu.wait_dma2 semaphore(%arg16 : memref<!tpu.dma_semaphore, #tpu.memory_space<semaphore_mem>>) src(%dma_wait3A_1354 : memref<25x128xf32, #tpu.memory_space<vmem_shared>>) dst(%dma_wait3A_1352 : memref<25x128xf32, #tpu.memory_space<hbm>>)
    %mul3A_1355 = arith.constant 625 : i32
    %mul3A_1356 = arith.muli %arg1, %mul3A_1355 : i32
    %add3A_1357 = arith.constant 500 : i32
    %add3A_1358 = arith.addi %mul3A_1356, %add3A_1357 : i32
    %dma_wait3A_1359 = arith.constant 0 : i32
    %dma_wait3A_1360 = tpu.memref_slice %arg6[%arg0, %add3A_1358, %dma_wait3A_1359] : memref<2x10000x128xf32, #tpu.memory_space<hbm>> -> memref<1x25x128xf32, #tpu.memory_space<hbm>>
    %dma_wait3A_1361 = tpu.memref_squeeze %dma_wait3A_1360 : memref<1x25x128xf32, #tpu.memory_space<hbm>> -> memref<25x128xf32, #tpu.memory_space<hbm>>
    %dma_wait3A_1362 = arith.constant 0 : i32
    %dma_wait3A_1363 = tpu.memref_slice %arg12[%add3A_1358, %dma_wait3A_1362] : memref<10000x128xf32, #tpu.memory_space<vmem_shared>> -> memref<25x128xf32, #tpu.memory_space<vmem_shared>>
    tpu.wait_dma2 semaphore(%arg16 : memref<!tpu.dma_semaphore, #tpu.memory_space<semaphore_mem>>) src(%dma_wait3A_1363 : memref<25x128xf32, #tpu.memory_space<vmem_shared>>) dst(%dma_wait3A_1361 : memref<25x128xf32, #tpu.memory_space<hbm>>)
    %mul3A_1364 = arith.constant 625 : i32
    %mul3A_1365 = arith.muli %arg1, %mul3A_1364 : i32
    %add3A_1366 = arith.constant 525 : i32
    %add3A_1367 = arith.addi %mul3A_1365, %add3A_1366 : i32
    %dma_wait3A_1368 = arith.constant 0 : i32
    %dma_wait3A_1369 = tpu.memref_slice %arg6[%arg0, %add3A_1367, %dma_wait3A_1368] : memref<2x10000x128xf32, #tpu.memory_space<hbm>> -> memref<1x25x128xf32, #tpu.memory_space<hbm>>
    %dma_wait3A_1370 = tpu.memref_squeeze %dma_wait3A_1369 : memref<1x25x128xf32, #tpu.memory_space<hbm>> -> memref<25x128xf32, #tpu.memory_space<hbm>>
    %dma_wait3A_1371 = arith.constant 0 : i32
    %dma_wait3A_1372 = tpu.memref_slice %arg12[%add3A_1367, %dma_wait3A_1371] : memref<10000x128xf32, #tpu.memory_space<vmem_shared>> -> memref<25x128xf32, #tpu.memory_space<vmem_shared>>
    tpu.wait_dma2 semaphore(%arg16 : memref<!tpu.dma_semaphore, #tpu.memory_space<semaphore_mem>>) src(%dma_wait3A_1372 : memref<25x128xf32, #tpu.memory_space<vmem_shared>>) dst(%dma_wait3A_1370 : memref<25x128xf32, #tpu.memory_space<hbm>>)
    %mul3A_1373 = arith.constant 625 : i32
    %mul3A_1374 = arith.muli %arg1, %mul3A_1373 : i32
    %add3A_1375 = arith.constant 550 : i32
    %add3A_1376 = arith.addi %mul3A_1374, %add3A_1375 : i32
    %dma_wait3A_1377 = arith.constant 0 : i32
    %dma_wait3A_1378 = tpu.memref_slice %arg6[%arg0, %add3A_1376, %dma_wait3A_1377] : memref<2x10000x128xf32, #tpu.memory_space<hbm>> -> memref<1x25x128xf32, #tpu.memory_space<hbm>>
    %dma_wait3A_1379 = tpu.memref_squeeze %dma_wait3A_1378 : memref<1x25x128xf32, #tpu.memory_space<hbm>> -> memref<25x128xf32, #tpu.memory_space<hbm>>
    %dma_wait3A_1380 = arith.constant 0 : i32
    %dma_wait3A_1381 = tpu.memref_slice %arg12[%add3A_1376, %dma_wait3A_1380] : memref<10000x128xf32, #tpu.memory_space<vmem_shared>> -> memref<25x128xf32, #tpu.memory_space<vmem_shared>>
    tpu.wait_dma2 semaphore(%arg16 : memref<!tpu.dma_semaphore, #tpu.memory_space<semaphore_mem>>) src(%dma_wait3A_1381 : memref<25x128xf32, #tpu.memory_space<vmem_shared>>) dst(%dma_wait3A_1379 : memref<25x128xf32, #tpu.memory_space<hbm>>)
    %mul3A_1382 = arith.constant 625 : i32
    %mul3A_1383 = arith.muli %arg1, %mul3A_1382 : i32
    %add3A_1384 = arith.constant 575 : i32
    %add3A_1385 = arith.addi %mul3A_1383, %add3A_1384 : i32
    %dma_wait3A_1386 = arith.constant 0 : i32
    %dma_wait3A_1387 = tpu.memref_slice %arg6[%arg0, %add3A_1385, %dma_wait3A_1386] : memref<2x10000x128xf32, #tpu.memory_space<hbm>> -> memref<1x25x128xf32, #tpu.memory_space<hbm>>
    %dma_wait3A_1388 = tpu.memref_squeeze %dma_wait3A_1387 : memref<1x25x128xf32, #tpu.memory_space<hbm>> -> memref<25x128xf32, #tpu.memory_space<hbm>>
    %dma_wait3A_1389 = arith.constant 0 : i32
    %dma_wait3A_1390 = tpu.memref_slice %arg12[%add3A_1385, %dma_wait3A_1389] : memref<10000x128xf32, #tpu.memory_space<vmem_shared>> -> memref<25x128xf32, #tpu.memory_space<vmem_shared>>
    tpu.wait_dma2 semaphore(%arg16 : memref<!tpu.dma_semaphore, #tpu.memory_space<semaphore_mem>>) src(%dma_wait3A_1390 : memref<25x128xf32, #tpu.memory_space<vmem_shared>>) dst(%dma_wait3A_1388 : memref<25x128xf32, #tpu.memory_space<hbm>>)
    %mul3A_1391 = arith.constant 625 : i32
    %mul3A_1392 = arith.muli %arg1, %mul3A_1391 : i32
    %add3A_1393 = arith.constant 600 : i32
    %add3A_1394 = arith.addi %mul3A_1392, %add3A_1393 : i32
    %dma_wait3A_1395 = arith.constant 0 : i32
    %dma_wait3A_1396 = tpu.memref_slice %arg6[%arg0, %add3A_1394, %dma_wait3A_1395] : memref<2x10000x128xf32, #tpu.memory_space<hbm>> -> memref<1x25x128xf32, #tpu.memory_space<hbm>>
    %dma_wait3A_1397 = tpu.memref_squeeze %dma_wait3A_1396 : memref<1x25x128xf32, #tpu.memory_space<hbm>> -> memref<25x128xf32, #tpu.memory_space<hbm>>
    %dma_wait3A_1398 = arith.constant 0 : i32
    %dma_wait3A_1399 = tpu.memref_slice %arg12[%add3A_1394, %dma_wait3A_1398] : memref<10000x128xf32, #tpu.memory_space<vmem_shared>> -> memref<25x128xf32, #tpu.memory_space<vmem_shared>>
    tpu.wait_dma2 semaphore(%arg16 : memref<!tpu.dma_semaphore, #tpu.memory_space<semaphore_mem>>) src(%dma_wait3A_1399 : memref<25x128xf32, #tpu.memory_space<vmem_shared>>) dst(%dma_wait3A_1397 : memref<25x128xf32, #tpu.memory_space<hbm>>)
    return
  }
}

module attributes {stable_mosaic.version = 14 : i64} {
  func.func @_add_body(%arg0: i32, %arg1: memref<5000x128xf32, #tpu.memory_space<vmem>>, %arg2: memref<5000x128xf32, #tpu.memory_space<vmem>>, %arg3: memref<5000x128xf32, #tpu.memory_space<vmem>>) attributes {dimension_semantics = [#tpu.dimension_semantics<arbitrary>], iteration_bounds = array<i64: 2>, scalar_prefetch = 0 : i64, scratch_operands = 0 : i64, tpu.core_type = #tpu.core_type<tc>, window_params = [{transform_indices = @transform_0, window_bounds = array<i64: 5000, 128>}, {transform_indices = @transform_1, window_bounds = array<i64: 5000, 128>}, {transform_indices = @transform_2, window_bounds = array<i64: 5000, 128>}]} {
    %get3A = arith.constant 0 : index
    %get3A_0 = arith.constant 0 : index
    %get3A_1 = vector.load %arg1[%get3A, %get3A_0] : memref<5000x128xf32, #tpu.memory_space<vmem>>, vector<5000x128xf32>
    %get3A_2 = arith.constant 0 : index
    %get3A_3 = arith.constant 0 : index
    %get3A_4 = vector.load %arg2[%get3A_2, %get3A_3] : memref<5000x128xf32, #tpu.memory_space<vmem>>, vector<5000x128xf32>
    %add3A = arith.addf %get3A_1, %get3A_4 : vector<5000x128xf32>
    %swap3A = arith.constant 0 : index
    %swap3A_5 = arith.constant 0 : index
    %swap3A_6 = vector.load %arg3[%swap3A, %swap3A_5] : memref<5000x128xf32, #tpu.memory_space<vmem>>, vector<5000x128xf32>
    tpu.vector_store %arg3[%swap3A, %swap3A_5], %add3A {strides = array<i32>} : memref<5000x128xf32, #tpu.memory_space<vmem>>, vector<5000x128xf32>,
    return
  }
  func.func @transform_0(%arg0: i32) -> (i32, i32) {
    %c0_i32 = arith.constant 0 : i32
    %c0_i32_0 = arith.constant 0 : i32
    return %arg0, %c0_i32 : i32, i32
  }
  func.func @transform_1(%arg0: i32) -> (i32, i32) {
    %c0_i32 = arith.constant 0 : i32
    %c0_i32_0 = arith.constant 0 : i32
    return %arg0, %c0_i32 : i32, i32
  }
  func.func @transform_2(%arg0: i32) -> (i32, i32) {
    %c0_i32 = arith.constant 0 : i32
    %c0_i32_0 = arith.constant 0 : i32
    return %arg0, %c0_i32 : i32, i32
  }
}

</mosaic_0001>

<sc_bundles>
// kernel: kernel.4.cloned.1.call-start
scs
__scs_entry_jumppad:
0x0: {  	(pc) =	sbr.rel $0x88, $3  }
0x1: {  	(tag) =	ssettag $0x0;
	lr =	simm.s32 $0x1  }
0x2: {  	[smem:$0x3F9E] =	sst lr;
	_ =	strace $0xD0000000  }
0x3: {  	_ = 	snop  }
0x4: {  	_ = 	snop  }
0x5: {  	_ = 	snop  }
0x6: {  	_ = 	snop  }
0x7: {  	_ = 	snop  }
__scs_overlays_trampoline_lowered:
0x8: {  	[smem:$0x3FAD] =	sst s0  }
0x9: {  	[smem:$0x3FAE] =	sst s1  }
0xa: {  	[smem:$0x3FAF] =	sst s2  }
0xb: {  	[smem:$0x3FB0] =	sst s3  }
0xc: {  	[smem:$0x3FB1] =	sst s4  }
0xd: {  	[smem:$0x3FB2] =	sst s5  }
0xe: {  	[smem:$0x3FB3] =	sst s6  }
0xf: {  	[smem:$0x3FB4] =	sst s7  }
0x10: {  	[smem:$0x3FB5] =	sst s8  }
0x11: {  	[smem:$0x3FB6] =	sst s9;
	s0 =	simm.s32 @!p0 $0x0  }
0x12: {  	s1 =	sld [smem:$0x3F9C];
	s0 =	simm.s32 @p0 $0x1  }
0x13: {  	[smem:$0x3FB7] =	sst s0;
	s0 =	simm.s32 @!p1 $0x0  }
0x14: {  	s2 =	sld [smem:$0x3F9B];
	s0 =	simm.s32 @p1 $0x1  }
0x15: {  	[smem:$0x3FB8] =	sst s0;
	s0 =	simm.s32 @!p2 $0x0  }
0x16: {  	s3 =	sld [smem:$0x3FDB];
	s0 =	simm.s32 @p2 $0x1  }
0x17: {  	s4 =	simm.s32 $0x1BF5;
	[smem:$0x3FBA] =	sst s0  }
0x18: {  	s0 =	sld [smem:$0x3F9D];
	_ =	swait.ge [sflag:s4], $0x0  }
0x19: {  	s7 =	sld [smem:$0x3F9E]  }
0x1a: {  	s8 =	sadd.s32 $0xFFFFE003, lr  }
0x1b: {  	s9 =	sadd.s32 $0xFFFFFEF7, lr;
	s5 =	simm.s32 $0xFFFFFFFF;
	p2 =	slt.u32 s8, $0xFFFFF086  }
0x1c: {  	p1 =	slt.u32 s9, $0xF7A;
	s5 =	simm.s32 @!p2 $0x0  }
0x1d: {  	s5 =	simm.s32 @p1 $0x1;
	p0 =	seq.s32 s7, s2  }
0x1e: {  	s7 =	smul.u32 @!p0 $0xF7A, s2;
	p2 =	seq.s32 @!p0 s5, $0x0  }
0x1f: {  	s9 =	smul.u32 $0xF7A, s1;
	s8 =	simm.s32 @!p0 $0x1BF5;
	p2 =	por !p2, p0  }
0x20: {  	[sflag:s8] =	ssyncset.s32 @!p0 $0xFFFFF086;
	s6 =	sadd.s32 @!p0 s3, s7;
	s7 =	simm.s32 @!p0 $0x108  }
0x21: {  	s3 =	sadd.s32 s3, s9;
	s6 =	sadd.s32 @!p0 $0x88, s6;
	s7 =	simm.s32 @p2 $0x1082  }
0x22: {  	[simem:s7], [sflag:s8] =	dma.local @!p0 [hbm:s6], $0xF7A  }
0x23: {  	s9 =	sor.u32 $0xD0000000, s2;
	s6 =	simm.s32 $0x108;
	_ =	swait.ge @!p0 [sflag:s8], $0x0  }
0x24: {  	s3 =	sadd.s32 $0x88, s3;
	s6 =	simm.s32 @!p1 $0x1082;
	[sflag:s4] =	ssyncset.s32 $0xFFFFF086  }
0x25: {  	[simem:s6], [sflag:s4] =	dma.local [hbm:s3], $0xF7A  }
0x26: {  	[smem:$0x3F9E] =	sst s1;
	(tag) =	ssettag s2;
	_ =	strace s9  }
0x27: {  	s1 =	sld [smem:$0x3FAE]  }
0x28: {  	s2 =	sld [smem:$0x3FAF]  }
0x29: {  	s4 =	sld [smem:$0x3FB1]  }
0x2a: {  	p0 =	seq.s32 s5, $0x0;
	s5 =	sld [smem:$0x3FB2]  }
0x2b: {  	s6 =	sld [smem:$0x3FB3]  }
0x2c: {  	s7 =	sld [smem:$0x3FB4]  }
0x2d: {  	s3 =	simm.s32 $0x108;
	s8 =	sld [smem:$0x3FB5]  }
0x2e: {  	s3 =	simm.s32 @!p0 $0x1082;
	s9 =	sld [smem:$0x3FB6]  }
0x2f: {  	lr =	sadd.s32 s0, s3;
	s0 =	sld [smem:$0x3FAD]  }
0x30: {  	s3 =	sld [smem:$0x3FB0]  }
0x31: {  	[smem:$0x3FB9] =	sst s10  }
0x32: {  	s10 =	sld [smem:$0x3FB7];
	_ =	sdelay $0x3  }
0x33: {  	p0 =	seq.s32 s10, $0x1;
	s10 =	sld [smem:$0x3FB9];
	_ =	sdelay $0x3  }
0x34: {  	[smem:$0x3FB9] =	sst s10  }
0x35: {  	s10 =	sld [smem:$0x3FB8];
	_ =	sdelay $0x3  }
0x36: {  	p1 =	seq.s32 s10, $0x1;
	s10 =	sld [smem:$0x3FB9];
	_ =	sdelay $0x3  }
0x37: {  	[smem:$0x3FB9] =	sst s10  }
0x38: {  	s10 =	sld [smem:$0x3FBA]  }
0x39: {  	_ = 	snop;
	(pc) =	sbr.ind lr, $3  }
0x3a: {  	_ = 	snop  }
0x3b: {  	_ = 	snop  }
0x3c: {  	p2 =	seq.s32 s10, $0x1;
	s10 =	sld [smem:$0x3FB9]  }
0x3d: {  	_ =	shalt  }
0x3e: {  	_ =	shalt  }
0x3f: {  	_ =	shalt  }
0x40: {  	_ =	shalt  }
0x41: {  	_ =	shalt  }
0x42: {  	_ =	shalt  }
0x43: {  	_ =	shalt  }
0x44: {  	_ =	shalt  }
0x45: {  	_ =	shalt  }
0x46: {  	_ =	shalt  }
0x47: {  	_ =	shalt  }
0x48: {  	_ =	shalt  }
0x49: {  	_ =	shalt  }
0x4a: {  	_ =	shalt  }
0x4b: {  	_ =	shalt  }
0x4c: {  	_ =	shalt  }
0x4d: {  	_ =	shalt  }
0x4e: {  	_ =	shalt  }
0x4f: {  	_ =	shalt  }
0x50: {  	_ =	shalt  }
0x51: {  	_ =	shalt  }
0x52: {  	_ =	shalt  }
0x53: {  	_ =	shalt  }
0x54: {  	_ =	shalt  }
0x55: {  	_ =	shalt  }
0x56: {  	_ =	shalt  }
0x57: {  	_ =	shalt  }
0x58: {  	_ =	shalt  }
0x59: {  	_ =	shalt  }
0x5a: {  	_ =	shalt  }
0x5b: {  	_ =	shalt  }
0x5c: {  	_ =	shalt  }
0x5d: {  	_ =	shalt  }
0x5e: {  	_ =	shalt  }
0x5f: {  	_ =	shalt  }
0x60: {  	_ =	shalt  }
0x61: {  	_ =	shalt  }
0x62: {  	_ =	shalt  }
0x63: {  	_ =	shalt  }
0x64: {  	_ =	shalt  }
0x65: {  	_ =	shalt  }
0x66: {  	_ =	shalt  }
0x67: {  	_ =	shalt  }
0x68: {  	_ =	shalt  }
0x69: {  	_ =	shalt  }
0x6a: {  	_ =	shalt  }
0x6b: {  	_ =	shalt  }
0x6c: {  	_ =	shalt  }
0x6d: {  	_ =	shalt  }
0x6e: {  	_ =	shalt  }
0x6f: {  	_ =	shalt  }
0x70: {  	_ =	shalt  }
0x71: {  	_ =	shalt  }
0x72: {  	_ =	shalt  }
0x73: {  	_ =	shalt  }
0x74: {  	_ =	shalt  }
0x75: {  	_ =	shalt  }
0x76: {  	_ =	shalt  }
0x77: {  	_ =	shalt  }
0x78: {  	_ =	shalt  }
0x79: {  	_ =	shalt  }
0x7a: {  	_ =	shalt  }
0x7b: {  	_ =	shalt  }
0x7c: {  	_ =	shalt  }
0x7d: {  	_ =	shalt  }
0x7e: {  	_ =	shalt  }
0x7f: {  	_ =	shalt  }
0x80: {  	_ =	shalt  }
0x81: {  	_ =	shalt  }
0x82: {  	_ =	shalt  }
0x83: {  	_ =	shalt  }
0x84: {  	_ =	shalt  }
0x85: {  	_ =	shalt  }
0x86: {  	_ =	shalt  }
0x87: {  	_ =	shalt  }
.Lfunc_end0:
.L_simem_size_0:
called_computation_lowered:
.L_overlay_start_0:
0x88: {  	s2 =	sld [smem:$0x3FD9]  }
0x89: {  	s3 =	sld [smem:$0x3FFE];
	_ =	sdelay $0x1  }
0x8a: {  	s1 =	srdreg.scid  }
0x8b: {  	s0 =	sand.u32 $0x1, s1  }
0x8c: {  	s17 =	sshll.u32 s0, $0xA;
	s2 =	sadd.s32 s3, s2  }
0x8d: {  	s2 =	sadd.s32 s2, s17  }
0x8e: {  	[smem:$0x3FC5] =	sst s2  }
0x8f: {  	_ = 	snop  }
0x90: {  	s2 =	sld [smem:$0x3FC8]  }
0x91: {  	s18 =	sld [smem:$0x3FC7]  }
0x92: {  	s4 =	sld [smem:$0x3FD0];
	(tm) =	ssettm $0x1  }
0x93: {  	s5 =	sld [smem:$0x3FFB];
	_ =	sdelay $0x3  }
0x94: {  	_ =	strace s5  }
0x95: {  	s5 =	sld [smem:$0x3FFC];
	_ =	sdelay $0x3  }
0x96: {  	_ =	strace s5  }
0x97: {  	s5 =	sld [smem:$0x3FFD];
	_ =	sdelay $0x3  }
0x98: {  	_ =	strace s5  }
0x99: {  	_ =	strace $0x8FFFFFFF  }
0x9a: {  	s19 =	sld [smem:$0x3FDB];
	_ =	sdelay $0x1  }
0x9b: {  	s6 =	simm.s32 $_scs_section_size  }
0x9c: {  	s7 =	simm.s32 $_size__tile_overlayer_lowered;
	s8 =	simm.s32 $_tile_overlayer_lowered  }
0x9d: {  	s22 =	simm.s32 $0x1BFF;
	s21 =	sshll.u32 s8, $0x1;
	s5 =	sadd.s32 s6, s19  }
0x9e: {  	s9 =	simm.s32 $0x0;
	s20 =	sshll.u32 s7, $0x1;
	s7 =	sadd.s32 s21, s5  }
0x9f: {  	[timem:s9], [sflag:s22] =	dma.local [hbm:s7], s20  }
0xa0: {  	_ =	swait.ge [sflag:s22], s20  }
0xa1: {  	s6 =	ssub.s32 $0x0, s20;
	[sflag:s22] =	ssyncset.done $0x0  }
0xa2: {  	[sflag:s22] =	ssyncadd.s32 s6;
	_ =	sdelay $0x1  }
0xa3: {  	s23 =	simm.s32 $0x1B8B  }
0xa4: {  	_ =	swait.ge [sflag:s23], $0x1  }
0xa5: {  	[sflag:s23] =	ssyncset.done $0x0  }
0xa6: {  	s25 =	simm.s32 $0x1B8E;
	s24 =	sld [smem:$0x3FFE];
	[sflag:s23] =	ssyncadd.s32 $0xFFFFFFFF  }
0xa7: {  	s26 =	simm.s32 $execute0_lowered;
	[smem:$0x3FD2] =	sst s25  }
0xa8: {  	s7 =	sshll.u32 s26, $0x1;
	_ =	strace $0x80000046;
	[dreg:$0x1] =	wrdreg $0xFFFFFFFF  }
0xa9: {  	s28 =	simm.s32 $_size_execute0_lowered;
	s5 =	sadd.s32 s5, s7;
	[dreg:$0x0] =	wrdreg $0x0  }
0xaa: {  	s7 =	sshll.u32 s28, $0x1;
	[dreg:$0x2] =	wrdreg s5  }
0xab: {  	[dreg:$0x3] =	wrdreg s7  }
0xac: {  	[dreg:$0x4] =	wrdreg $0xC0  }
0xad: {  	_ =	task [dreg:s9], $0x5FFFF  }
0xae: {  	[dreg:$0x1] =	wrdreg $0xFFFFFFFF  }
0xaf: {  	[dreg:$0x0] =	wrdreg $0x60  }
0xb0: {  	[dreg:$0x2] =	wrdreg s24  }
0xb1: {  	[dreg:$0x3] =	wrdreg s4  }
0xb2: {  	[dreg:$0x4] =	wrdreg s2  }
0xb3: {  	[dreg:$0x5] =	wrdreg s18  }
0xb4: {  	[dreg:$0x6] =	wrdreg $0x87C80  }
0xb5: {  	[dreg:$0x7] =	wrdreg $0x9  }
0xb6: {  	_ =	task.clear_ibuf [dreg:s9], $0x8FFFF;
	_ =	strace $0x90000046  }
0xb7: {  	s29 =	simm.s32 $0x9;
	_ =	strace $0x80000048  }
0xb8: {  	_ =	swait.ge [sflag:s29], $0x1  }
0xb9: {  	[sflag:s29] =	ssyncadd.s32 $0xFFFFFFFF  }
0xba: {  	_ =	strace $0x90000048  }
0xbb: {  	_ =	sfence  }
0xbc: {  	s30 =	sld [smem:$0x0];
	_ =	sdelay $0x2  }
0xbd: {  	s31 =	sshll.u32 s1, $0xD;
	s1 =	sshrl.u32 s1, $0x2  }
0xbe: {  	s3 =	sand.u32 $0x4000, s31;
	s1 =	sadd.s32 s1, s30  }
0xbf: {  	s0 =	sor.u32 s3, s0;
	s1 =	sshll.u32 s1, $0x11  }
0xc0: {  	s0 =	sor.u32 s1, s0  }
0xc1: {  	s0 =	sadd.s32 $0x8F2B, s0  }
0xc2: {  	[sflag:s0] =	ssyncadd.remote.s32 $0x1  }
0xc3: {  	_ =	sfence.sel $0xFFFF  }
0xc4: {  	[dreg:$0x0] =	wrdreg $0xFFFFFFFF;
	(pc) =	sbr.abs _section_cstart, $3  }
0xc5: {  	[dreg:$0x1] =	wrdreg $0xFFFFFFFF  }
0xc6: {  	_ =	task.clear_ibuf [dreg:s9], $0x2FFFF;
	_ =	strace $0x9FFFFFFF  }
0xc7: {  	(tm) =	ssettm $0x7FFFFFFF  }
tec
execute0_lowered:
.L_overlay_start_1:
0x0: {  	(tag) =	ssettag $0x1  }
0x1: {  	s1 =	rddreg [dreg:$0x0]  }
0x2: {  	s0 =	srdreg.scid;
	s29 =	rddreg [dreg:$0x3]  }
0x3: {  	s2 =	simm.s32 $0x0;
	s6 =	stileid.u32;
	s31 =	rddreg [dreg:$0x4]  }
0x4: {  	s9 =	sand.u32 $0x1, s0;
	[smem:$0x7FF] =	sst s2;
	s3 =	smul.u32 $0x13880, s6  }
0x5: {  	s5 =	sadd.s32 $0x9E00, s1;
	s6 =	sshll.u32 s6, $0x1;
	s0 =	ssub.s32 $0x2, s9  }
0x6: {  	s20 =	sor.u32 s9, s6;
	s15 =	smul.u32 $0x138800, s9;
	s4 =	sshrl.u32 s0, $0x1  }
0x7: {  	[smem:$0x7E5] =	sst s20;
	s21 =	sadd.s32 $0xC80, s3;
	s22 =	sadd.s32 $0x1900, s3  }
0x8: {  	s23 =	sadd.s32 $0x2580, s3;
	s9 =	sadd.s32 $0x3200, s3;
	s10 =	sadd.s32 $0x3E80, s3  }
0x9: {  	s11 =	sadd.s32 $0x4B00, s3;
	s12 =	sadd.s32 $0x5780, s3;
	[smem:$0x7D7] =	sst s21  }
0xa: {  	s13 =	sadd.s32 $0x6400, s3;
	s14 =	sadd.s32 $0x7080, s3;
	[smem:$0x7D9] =	sst s22  }
0xb: {  	s0 =	ssub.s32 s0, s4;
	[smem:$0x7DB] =	sst s23;
	s16 =	sadd.s32 s3, s15  }
0xc: {  	s17 =	sadd.s32 s15, s21;
	s26 =	sadd.s32 s15, s22;
	s4 =	sadd.s32 s15, s23  }
0xd: {  	s8 =	sadd.s32 s15, s9;
	s20 =	sadd.s32 s15, s10;
	s23 =	sadd.s32 s15, s11  }
0xe: {  	[smem:$0x7FC] =	sst s0;
	s16 =	sshrl.u32 s16, $0x3;
	s25 =	sshrl.u32 s17, $0x3  }
0xf: {  	s0 =	sshrl.u32 s26, $0x3;
	s7 =	sshrl.u32 s4, $0x3;
	s19 =	sshrl.u32 s8, $0x3  }
0x10: {  	s22 =	sshrl.u32 s20, $0x3;
	s26 =	sadd.s32 s15, s12;
	s24 =	sadd.s32 s5, s16  }
0x11: {  	s4 =	sadd.s32 s15, s13;
	s30 =	sadd.s32 s5, s25;
	[dreg:$0x6] =	wrdreg s24  }
0x12: {  	s8 =	sadd.s32 s15, s14;
	s6 =	sadd.s32 s5, s0;
	[dreg:$0x7] =	wrdreg s30  }
0x13: {  	s18 =	sadd.s32 s5, s7;
	s21 =	sadd.s32 s5, s19;
	[dreg:$0x8] =	wrdreg s6  }
0x14: {  	s25 =	sshrl.u32 s23, $0x3;
	s0 =	sshrl.u32 s26, $0x3;
	[dreg:$0x9] =	wrdreg s18  }
0x15: {  	s17 =	sshrl.u32 s4, $0x3;
	[dreg:$0xa] =	wrdreg s21;
	s24 =	sadd.s32 s5, s22  }
0x16: {  	s16 =	sadd.s32 $0x7D00, s3;
	s30 =	sadd.s32 s5, s25;
	[dreg:$0xb] =	wrdreg s24  }
0x17: {  	s19 =	sshrl.u32 s8, $0x3;
	s6 =	sadd.s32 s5, s0;
	[dreg:$0xc] =	wrdreg s30  }
0x18: {  	s7 =	sadd.s32 s5, s17;
	s18 =	sadd.s32 s15, s16;
	[dreg:$0xd] =	wrdreg s6  }
0x19: {  	s17 =	sadd.s32 $0x8980, s3;
	s19 =	sadd.s32 s5, s19;
	[dreg:$0xe] =	wrdreg s7  }
0x1a: {  	s18 =	sshrl.u32 s18, $0x3;
	[dreg:$0xf] =	wrdreg s19;
	s21 =	sadd.s32 s15, s17  }
0x1b: {  	s19 =	sadd.s32 $0xA280, s3;
	s20 =	sadd.s32 s5, s18;
	s18 =	sadd.s32 $0x9600, s3  }
0x1c: {  	[dreg:$0x10] =	wrdreg s20;
	s20 =	sshrl.u32 s21, $0x3;
	s21 =	sadd.s32 s15, s19  }
0x1d: {  	s23 =	sadd.s32 s15, s18;
	s22 =	sadd.s32 s5, s20;
	s21 =	sshrl.u32 s21, $0x3  }
0x1e: {  	s20 =	sadd.s32 $0xAF00, s3;
	[dreg:$0x11] =	wrdreg s22;
	s22 =	sshrl.u32 s23, $0x3  }
0x1f: {  	s25 =	sadd.s32 s5, s21;
	s26 =	sadd.s32 s15, s20;
	s23 =	sadd.s32 $0xC800, s3  }
0x20: {  	s24 =	sadd.s32 s5, s22;
	[dreg:$0x13] =	wrdreg s25;
	s21 =	sshrl.u32 s26, $0x3  }
0x21: {  	s22 =	sadd.s32 $0xBB80, s3;
	s25 =	sadd.s32 $0xD480, s3;
	s26 =	sadd.s32 $0xE100, s3  }
0x22: {  	[dreg:$0x12] =	wrdreg s24;
	s30 =	sadd.s32 s5, s21;
	s4 =	sadd.s32 s15, s22  }
0x23: {  	s24 =	sadd.s32 s15, s23;
	s8 =	sadd.s32 s15, s25;
	[dreg:$0x14] =	wrdreg s30  }
0x24: {  	s21 =	sshrl.u32 s4, $0x3;
	s24 =	sshrl.u32 s24, $0x3;
	s30 =	sadd.s32 $0xED80, s3  }
0x25: {  	s6 =	sadd.s32 s5, s21;
	s7 =	sadd.s32 s5, s24;
	s21 =	sshrl.u32 s8, $0x3  }
0x26: {  	s24 =	sadd.s32 s15, s26;
	s0 =	sadd.s32 s15, s30;
	[dreg:$0x15] =	wrdreg s6  }
0x27: {  	s8 =	sadd.s32 $0xFA00, s3;
	[dreg:$0x16] =	wrdreg s7;
	s21 =	sadd.s32 s5, s21  }
0x28: {  	[dreg:$0x17] =	wrdreg s21;
	s21 =	sshrl.u32 s24, $0x3;
	s24 =	sshrl.u32 s0, $0x3  }
0x29: {  	s7 =	sadd.s32 s15, s8;
	s4 =	sadd.s32 s5, s21;
	s6 =	sadd.s32 s5, s24  }
0x2a: {  	s21 =	sshrl.u32 s7, $0x3;
	[dreg:$0x19] =	wrdreg s6;
	s6 =	sadd.s32 $0x10680, s3  }
0x2b: {  	s7 =	sadd.s32 $0x11300, s3;
	[dreg:$0x18] =	wrdreg s4;
	s0 =	sadd.s32 s15, s6  }
0x2c: {  	s24 =	sadd.s32 s5, s21;
	s4 =	sadd.s32 s15, s7;
	s21 =	sshrl.u32 s0, $0x3  }
0x2d: {  	[dreg:$0x1a] =	wrdreg s24;
	s28 =	sshrl.u32 s4, $0x3;
	s21 =	sadd.s32 s5, s21  }
0x2e: {  	s4 =	sadd.s32 s5, s28;
	[dreg:$0x1b] =	wrdreg s21;
	s21 =	sadd.s32 $0x11F80, s3  }
0x2f: {  	[dreg:$0x1c] =	wrdreg s4;
	s4 =	sadd.s32 $0x12C00, s3;
	s0 =	sadd.s32 s15, s21  }
0x30: {  	s24 =	rddreg [dreg:$0x1];
	s15 =	sadd.s32 s15, s4;
	s0 =	sshrl.u32 s0, $0x3  }
0x31: {  	s28 =	rddreg [dreg:$0x2];
	s15 =	sshrl.u32 s15, $0x3;
	s0 =	sadd.s32 s5, s0  }
0x32: {  	s15 =	sadd.s32 s5, s15;
	[dreg:$0x1d] =	wrdreg s0  }
0x33: {  	s5 =	sadd.s32 s3, s31;
	[dreg:$0x1e] =	wrdreg s15  }
0x34: {  	s9 =	sadd.s32 s9, s31;
	_ =	strace $0x80000047;
	[dreg:$0x1f] =	wrdreg s5  }
0x35: {  	s10 =	sadd.s32 s10, s31;
	[smem:$0x7DD] =	sst s9  }
0x36: {  	s11 =	sadd.s32 s11, s31;
	[smem:$0x7DE] =	sst s10  }
0x37: {  	s12 =	sadd.s32 s12, s31;
	[smem:$0x7DF] =	sst s11  }
0x38: {  	[smem:$0x7E0] =	sst s12  }
0x39: {  	s15 =	sld [smem:$0x7D7]  }
0x3a: {  	s3 =	sld [smem:$0x7D9]  }
0x3b: {  	s9 =	sadd.s32 s17, s31;
	s5 =	sld [smem:$0x7DB]  }
0x3c: {  	[smem:$0x7E4] =	sst s9  }
0x3d: {  	s11 =	sadd.s32 s25, s31;
	s10 =	sld [smem:$0x7E5]  }
0x3e: {  	s12 =	sadd.s32 s26, s31;
	[smem:$0x7E6] =	sst s11  }
0x3f: {  	s17 =	sadd.s32 s22, s31;
	s22 =	sadd.s32 s6, s31;
	[smem:$0x7E7] =	sst s12  }
0x40: {  	s25 =	sadd.s32 s7, s31;
	[smem:$0x7EA] =	sst s22  }
0x41: {  	s26 =	sadd.s32 s21, s31;
	[smem:$0x7EB] =	sst s25  }
0x42: {  	[smem:$0x7EC] =	sst s26;
	s0 =	sadd.s32 s15, s31  }
0x43: {  	s15 =	sadd.s32 s13, s31;
	[smem:$0x7D8] =	sst s0  }
0x44: {  	s13 =	sadd.s32 s30, s31;
	[smem:$0x7E1] =	sst s15  }
0x45: {  	s0 =	sadd.s32 s3, s31;
	[smem:$0x7E8] =	sst s13  }
0x46: {  	s3 =	sadd.s32 s14, s31;
	s15 =	sadd.s32 s19, s31;
	[smem:$0x7DA] =	sst s0  }
0x47: {  	s19 =	sadd.s32 s8, s31;
	s0 =	sadd.s32 s5, s31;
	[smem:$0x7E2] =	sst s3  }
0x48: {  	s5 =	sadd.s32 s16, s31;
	s16 =	sadd.s32 s20, s31;
	s20 =	smul.u32 $0x2710, s10  }
0x49: {  	s14 =	sadd.s32 s18, s31;
	[smem:$0x7E9] =	sst s19  }
0x4a: {  	s18 =	sadd.s32 s23, s31;
	[smem:$0x7DC] =	sst s0;
	s23 =	sadd.s32 $0x28, s20  }
0x4b: {  	[smem:$0x7E3] =	sst s5;
	s30 =	sshrl.u32 s20, $0x3;
	s0 =	sshrl.u32 s23, $0x3  }
0x4c: {  	s8 =	sadd.s32 $0xA, s30;
	s21 =	sadd.s32 s24, s30;
	s22 =	sadd.s32 s1, s30  }
0x4d: {  	s23 =	sadd.s32 s28, s30;
	s25 =	sadd.s32 $0x14, s30;
	s30 =	sld [smem:$0x7FC]  }
0x4e: {  	[smem:$0x7F6] =	sst s21  }
0x4f: {  	[smem:$0x7F7] =	sst s22  }
0x50: {  	s6 =	sadd.s32 s24, s0;
	[smem:$0x7F8] =	sst s23  }
0x51: {  	s7 =	sadd.s32 s1, s0;
	[smem:$0x7ED] =	sst s6  }
0x52: {  	s0 =	sadd.s32 s28, s0;
	[smem:$0x7EE] =	sst s7  }
0x53: {  	s11 =	sadd.s32 s24, s8;
	[smem:$0x7EF] =	sst s0  }
0x54: {  	s9 =	sadd.s32 $0x78, s20;
	s12 =	sadd.s32 s1, s8;
	[smem:$0x7F0] =	sst s11  }
0x55: {  	s10 =	sshrl.u32 s9, $0x3;
	s5 =	sadd.s32 s28, s8;
	[smem:$0x7F1] =	sst s12  }
0x56: {  	s3 =	sadd.s32 s4, s31;
	s13 =	sadd.s32 s24, s10;
	[smem:$0x7F2] =	sst s5  }
0x57: {  	s9 =	simm.s32 $0xF;
	s19 =	sadd.s32 s1, s10;
	[smem:$0x7F3] =	sst s13  }
0x58: {  	s4 =	sadd.s32 s24, s25;
	s26 =	sadd.s32 s1, s25;
	[smem:$0x7F4] =	sst s19  }
0x59: {  	s8 =	simm.s32 $0xE;
	s0 =	sadd.s32 s28, s10;
	[smem:$0x7F9] =	sst s4  }
0x5a: {  	[smem:$0x7FA] =	sst s26;
	s4 =	simm.s32 $0x7B48;
	s5 =	simm.s32 $0x14  }
0x5b: {  	s6 =	simm.s32 $0x28;
	[smem:$0x7F5] =	sst s0;
	s0 =	sadd.s32 s28, s25  }
0x5c: {  	v1 =	vimm.s32 $0x0;
	vm0 =	vcmask $0x300;
	s7 =	simm.s32 $0xD;
	[smem:$0x7FB] =	sst s0;
	s0 =	smax.u32 s30, $0x1  }
0x5d: {  	v0 =	vimm.f32 $0.0e+00;
	v1 =	vsel vm0, $0x3, v1;
	s10 =	simm.s32 $0x10;
	s11 =	simm.s32 $0x0;
	[smem:$0x7FD] =	sst s0  }
.LBB2_1:
0x5e: {  	s12 =	simm.s32 $0x0;
	s13 =	simm.s32 $0x200  }
.LBB2_2:
0x5f: {  	p0 =	sne.s32 s13, $0x3000;
	[tilespmem:s12+$0x7BB8] =	vst v0  }
0x60: {  	[tilespmem:s12+$0x7B48] =	vst v0  }
0x61: {  	[tilespmem:s12+$0x7B58] =	vst v0  }
.Ltmp0:
0x62: {  	[tilespmem:s12+$0x7B68] =	vst v0;
	(pc) =	sbr.rel @p0 .LBB2_2-.Ltmp0, $4  }
0x63: {  	[tilespmem:s12+$0x7B78] =	vst v0  }
0x64: {  	[tilespmem:s12+$0x7B88] =	vst v0  }
0x65: {  	[tilespmem:s12+$0x7B98] =	vst v0  }
0x66: {  	[tilespmem:s12+$0x7BA8] =	vst v0;
	s12 =	sshra.s32 s13, $0x2;
	s13 =	sadd.s32 $0x200, s13  }
0x67: {  	[tilespmem:s12+$0x7BB8] =	vst v0  }
0x68: {  	[tilespmem:s12+$0x7B48] =	vst v0  }
0x69: {  	[tilespmem:s12+$0x7B58] =	vst v0  }
0x6a: {  	[tilespmem:s12+$0x7B68] =	vst v0  }
0x6b: {  	[tilespmem:s12+$0x7B78] =	vst v0  }
0x6c: {  	[tilespmem:s12+$0x7B88] =	vst v0  }
0x6d: {  	[tilespmem:s12+$0x7B98] =	vst v0;
	s0 =	rddreg [dreg:$0x1f]  }
0x6e: {  	[tilespmem:s12+$0x7BA8] =	vst v0;
	s26 =	sld [smem:$0x7D8]  }
0x6f: {  	[spmem:s0] =	stream.linear.scatter [tilespmem:s4], [sflag:$0x14], $0xC80, $0x38;
	[tilespmem:$0x1C048] =	vst v63  }
0x70: {  	s12 =	sld [smem:$0x7DA]  }
0x71: {  	[spmem:s26] =	stream.linear.scatter [tilespmem:s4], [sflag:$0x14], $0xC80, $0x38;
	[tilespmem:$0x1C048] =	vst v63  }
0x72: {  	s13 =	sld [smem:$0x7DC]  }
0x73: {  	[spmem:s12] =	stream.linear.scatter [tilespmem:s4], [sflag:$0x14], $0xC80, $0x38;
	[tilespmem:$0x1C048] =	vst v63  }
0x74: {  	s19 =	sld [smem:$0x7DD]  }
0x75: {  	[spmem:s13] =	stream.linear.scatter [tilespmem:s4], [sflag:$0x14], $0xC80, $0x38;
	[tilespmem:$0x1C048] =	vst v63  }
0x76: {  	s21 =	sld [smem:$0x7DE]  }
0x77: {  	[spmem:s19] =	stream.linear.scatter [tilespmem:s4], [sflag:$0x14], $0xC80, $0x38;
	[tilespmem:$0x1C048] =	vst v63  }
0x78: {  	s22 =	sld [smem:$0x7DF]  }
0x79: {  	[spmem:s21] =	stream.linear.scatter [tilespmem:s4], [sflag:$0x14], $0xC80, $0x38;
	[tilespmem:$0x1C048] =	vst v63  }
0x7a: {  	s23 =	sld [smem:$0x7E0]  }
0x7b: {  	[spmem:s22] =	stream.linear.scatter [tilespmem:s4], [sflag:$0x14], $0xC80, $0x38;
	[tilespmem:$0x1C048] =	vst v63  }
0x7c: {  	s25 =	sld [smem:$0x7E1]  }
0x7d: {  	[spmem:s23] =	stream.linear.scatter [tilespmem:s4], [sflag:$0x14], $0xC80, $0x38;
	[tilespmem:$0x1C048] =	vst v63  }
0x7e: {  	s26 =	sld [smem:$0x7E2]  }
0x7f: {  	[spmem:s25] =	stream.linear.scatter [tilespmem:s4], [sflag:$0x14], $0xC80, $0x38;
	[tilespmem:$0x1C048] =	vst v63  }
0x80: {  	s12 =	sld [smem:$0x7E3]  }
0x81: {  	[spmem:s26] =	stream.linear.scatter [tilespmem:s4], [sflag:$0x14], $0xC80, $0x38;
	[tilespmem:$0x1C048] =	vst v63  }
0x82: {  	s13 =	sld [smem:$0x7E4]  }
0x83: {  	[spmem:s12] =	stream.linear.scatter [tilespmem:s4], [sflag:$0x14], $0xC80, $0x38;
	[tilespmem:$0x1C048] =	vst v63  }
0x84: {  	_ = 	snop  }
0x85: {  	[spmem:s13] =	stream.linear.scatter [tilespmem:s4], [sflag:$0x14], $0xC80, $0x38;
	[tilespmem:$0x1C048] =	vst v63  }
0x86: {  	_ = 	snop  }
0x87: {  	[spmem:s14] =	stream.linear.scatter [tilespmem:s4], [sflag:$0x14], $0xC80, $0x38;
	[tilespmem:$0x1C048] =	vst v63  }
0x88: {  	_ = 	snop  }
0x89: {  	[spmem:s15] =	stream.linear.scatter [tilespmem:s4], [sflag:$0x14], $0xC80, $0x38;
	[tilespmem:$0x1C048] =	vst v63  }
0x8a: {  	_ = 	snop  }
0x8b: {  	[spmem:s16] =	stream.linear.scatter [tilespmem:s4], [sflag:$0x14], $0xC80, $0x38;
	[tilespmem:$0x1C048] =	vst v63  }
0x8c: {  	_ = 	snop  }
0x8d: {  	[spmem:s17] =	stream.linear.scatter [tilespmem:s4], [sflag:$0x14], $0xC80, $0x38;
	[tilespmem:$0x1C048] =	vst v63  }
0x8e: {  	_ = 	snop  }
0x8f: {  	[spmem:s18] =	stream.linear.scatter [tilespmem:s4], [sflag:$0x14], $0xC80, $0x38;
	[tilespmem:$0x1C048] =	vst v63  }
0x90: {  	s22 =	smov.u32 s18;
	s18 =	sld [smem:$0x7E6];
	_ =	sdelay $0x1  }
0x91: {  	s19 =	sld [smem:$0x7E7]  }
0x92: {  	[spmem:s18] =	stream.linear.scatter [tilespmem:s4], [sflag:$0x14], $0xC80, $0x38;
	[tilespmem:$0x1C048] =	vst v63  }
0x93: {  	s21 =	sld [smem:$0x7E8]  }
0x94: {  	[spmem:s19] =	stream.linear.scatter [tilespmem:s4], [sflag:$0x14], $0xC80, $0x38;
	[tilespmem:$0x1C048] =	vst v63  }
0x95: {  	s12 =	sld [smem:$0x7E9]  }
0x96: {  	[spmem:s21] =	stream.linear.scatter [tilespmem:s4], [sflag:$0x14], $0xC80, $0x38;
	[tilespmem:$0x1C048] =	vst v63  }
0x97: {  	s13 =	sld [smem:$0x7EA]  }
0x98: {  	[spmem:s12] =	stream.linear.scatter [tilespmem:s4], [sflag:$0x14], $0xC80, $0x38;
	[tilespmem:$0x1C048] =	vst v63  }
0x99: {  	s23 =	smov.u32 s14;
	s14 =	sld [smem:$0x7EB]  }
0x9a: {  	[spmem:s13] =	stream.linear.scatter [tilespmem:s4], [sflag:$0x14], $0xC80, $0x38;
	[tilespmem:$0x1C048] =	vst v63  }
0x9b: {  	s25 =	smov.u32 s15;
	s15 =	sld [smem:$0x7EC]  }
0x9c: {  	[spmem:s14] =	stream.linear.scatter [tilespmem:s4], [sflag:$0x14], $0xC80, $0x38;
	[tilespmem:$0x1C048] =	vst v63  }
0x9d: {  	_ = 	snop  }
0x9e: {  	[spmem:s15] =	stream.linear.scatter [tilespmem:s4], [sflag:$0x14], $0xC80, $0x38;
	[tilespmem:$0x1C048] =	vst v63  }
0x9f: {  	_ = 	snop  }
0xa0: {  	[spmem:s3] =	stream.linear.scatter [tilespmem:s4], [sflag:$0x14], $0xC80, $0x38;
	[tilespmem:$0x1C048] =	vst v63  }
0xa1: {  	_ =	swait.ge [sflag:s5], $0xC80  }
0xa2: {  	[sflag:s5] =	ssyncset.done $0x0  }
0xa3: {  	[sflag:s5] =	ssyncadd.s32 $0xFFFFF380  }
0xa4: {  	_ =	swait.ge [sflag:s5], $0xC80  }
0xa5: {  	[sflag:s5] =	ssyncset.done $0x0  }
0xa6: {  	[sflag:s5] =	ssyncadd.s32 $0xFFFFF380  }
0xa7: {  	_ =	swait.ge [sflag:s5], $0xC80  }
0xa8: {  	[sflag:s5] =	ssyncset.done $0x0  }
0xa9: {  	[sflag:s5] =	ssyncadd.s32 $0xFFFFF380  }
0xaa: {  	_ =	swait.ge [sflag:s5], $0xC80  }
0xab: {  	[sflag:s5] =	ssyncset.done $0x0  }
0xac: {  	[sflag:s5] =	ssyncadd.s32 $0xFFFFF380  }
0xad: {  	_ =	swait.ge [sflag:s5], $0xC80  }
0xae: {  	[sflag:s5] =	ssyncset.done $0x0  }
0xaf: {  	[sflag:s5] =	ssyncadd.s32 $0xFFFFF380  }
0xb0: {  	_ =	swait.ge [sflag:s5], $0xC80  }
0xb1: {  	[sflag:s5] =	ssyncset.done $0x0  }
0xb2: {  	[sflag:s5] =	ssyncadd.s32 $0xFFFFF380  }
0xb3: {  	_ =	swait.ge [sflag:s5], $0xC80  }
0xb4: {  	[sflag:s5] =	ssyncset.done $0x0  }
0xb5: {  	[sflag:s5] =	ssyncadd.s32 $0xFFFFF380  }
0xb6: {  	_ =	swait.ge [sflag:s5], $0xC80  }
0xb7: {  	[sflag:s5] =	ssyncset.done $0x0  }
0xb8: {  	[sflag:s5] =	ssyncadd.s32 $0xFFFFF380  }
0xb9: {  	_ =	swait.ge [sflag:s5], $0xC80  }
0xba: {  	[sflag:s5] =	ssyncset.done $0x0  }
0xbb: {  	[sflag:s5] =	ssyncadd.s32 $0xFFFFF380  }
0xbc: {  	_ =	swait.ge [sflag:s5], $0xC80  }
0xbd: {  	[sflag:s5] =	ssyncset.done $0x0  }
0xbe: {  	[sflag:s5] =	ssyncadd.s32 $0xFFFFF380  }
0xbf: {  	_ =	swait.ge [sflag:s5], $0xC80  }
0xc0: {  	[sflag:s5] =	ssyncset.done $0x0  }
0xc1: {  	[sflag:s5] =	ssyncadd.s32 $0xFFFFF380  }
0xc2: {  	_ =	swait.ge [sflag:s5], $0xC80  }
0xc3: {  	[sflag:s5] =	ssyncset.done $0x0  }
0xc4: {  	[sflag:s5] =	ssyncadd.s32 $0xFFFFF380  }
0xc5: {  	_ =	swait.ge [sflag:s5], $0xC80  }
0xc6: {  	[sflag:s5] =	ssyncset.done $0x0  }
0xc7: {  	[sflag:s5] =	ssyncadd.s32 $0xFFFFF380  }
0xc8: {  	_ =	swait.ge [sflag:s5], $0xC80  }
0xc9: {  	[sflag:s5] =	ssyncset.done $0x0  }
0xca: {  	[sflag:s5] =	ssyncadd.s32 $0xFFFFF380  }
0xcb: {  	_ =	swait.ge [sflag:s5], $0xC80  }
0xcc: {  	[sflag:s5] =	ssyncset.done $0x0  }
0xcd: {  	[sflag:s5] =	ssyncadd.s32 $0xFFFFF380  }
0xce: {  	_ =	swait.ge [sflag:s5], $0xC80  }
0xcf: {  	[sflag:s5] =	ssyncset.done $0x0  }
0xd0: {  	[sflag:s5] =	ssyncadd.s32 $0xFFFFF380  }
0xd1: {  	_ =	swait.ge [sflag:s5], $0xC80  }
0xd2: {  	[sflag:s5] =	ssyncset.done $0x0  }
0xd3: {  	[sflag:s5] =	ssyncadd.s32 $0xFFFFF380  }
0xd4: {  	_ =	swait.ge [sflag:s5], $0xC80  }
0xd5: {  	[sflag:s5] =	ssyncset.done $0x0  }
0xd6: {  	[sflag:s5] =	ssyncadd.s32 $0xFFFFF380  }
0xd7: {  	_ =	swait.ge [sflag:s5], $0xC80  }
0xd8: {  	[sflag:s5] =	ssyncset.done $0x0  }
0xd9: {  	[sflag:s5] =	ssyncadd.s32 $0xFFFFF380  }
0xda: {  	_ =	swait.ge [sflag:s5], $0xC80  }
0xdb: {  	[sflag:s5] =	ssyncset.done $0x0  }
0xdc: {  	[sflag:s5] =	ssyncadd.s32 $0xFFFFF380  }
0xdd: {  	_ =	swait.ge [sflag:s5], $0xC80  }
0xde: {  	[sflag:s5] =	ssyncset.done $0x0  }
0xdf: {  	[sflag:s5] =	ssyncadd.s32 $0xFFFFF380  }
0xe0: {  	_ =	swait.ge [sflag:s5], $0xC80  }
0xe1: {  	[sflag:s5] =	ssyncset.done $0x0  }
0xe2: {  	[sflag:s5] =	ssyncadd.s32 $0xFFFFF380  }
0xe3: {  	_ =	swait.ge [sflag:s5], $0xC80  }
0xe4: {  	[sflag:s5] =	ssyncset.done $0x0  }
0xe5: {  	[sflag:s5] =	ssyncadd.s32 $0xFFFFF380  }
0xe6: {  	_ =	swait.ge [sflag:s5], $0xC80  }
0xe7: {  	[sflag:s5] =	ssyncset.done $0x0  }
0xe8: {  	[sflag:s5] =	ssyncadd.s32 $0xFFFFF380  }
0xe9: {  	_ =	swait.ge [sflag:s5], $0xC80  }
0xea: {  	[sflag:s5] =	ssyncset.done $0x0  }
0xeb: {  	[sflag:s5] =	ssyncadd.s32 $0xFFFFF380  }
0xec: {  	[bflag:$0x0] =	sbarrier.arrive $0xFFFF  }
0xed: {  	s26 =	smov.u32 s16;
	s16 =	sld [smem:$0x7F6]  }
0xee: {  	s30 =	smov.u32 s17  }
0xef: {  	s12 =	simm.s32 $0x0;
	s13 =	simm.s32 $0x230;
	s17 =	sld [smem:$0x7F7]  }
0xf0: {  	[tilespmem:s13], [sflag:$0xD] =	stream.linear.gather [hbm4b:s16+s12], $0x28, $0x38;
	[tilespmem:$0x1C048] =	vst v63  }
0xf1: {  	s18 =	simm.s32 $0x118;
	s19 =	sld [smem:$0x7F8]  }
0xf2: {  	[tilespmem:s18], [sflag:$0xD] =	stream.linear.gather [hbm4b:s17+s12], $0x28, $0x38;
	[tilespmem:$0x1C048] =	vst v63  }
0xf3: {  	s21 =	sld [smem:$0x7ED]  }
0xf4: {  	[tilespmem:s12], [sflag:$0xD] =	stream.linear.gather [hbm4b:s19+s12], $0x28, $0x38;
	[tilespmem:$0x1C048] =	vst v63  }
0xf5: {  	s14 =	simm.s32 $0x258;
	s15 =	sld [smem:$0x7EE]  }
0xf6: {  	[tilespmem:s14], [sflag:$0xE] =	stream.linear.gather [hbm4b:s21+s12], $0x28, $0x38;
	[tilespmem:$0x1C048] =	vst v63  }
0xf7: {  	s16 =	simm.s32 $0x140;
	s17 =	sld [smem:$0x7EF]  }
0xf8: {  	[tilespmem:s16], [sflag:$0xE] =	stream.linear.gather [hbm4b:s15+s12], $0x28, $0x38;
	[tilespmem:$0x1C048] =	vst v63  }
0xf9: {  	s18 =	sld [smem:$0x7F0]  }
0xfa: {  	[tilespmem:s6], [sflag:$0xE] =	stream.linear.gather [hbm4b:s17+s12], $0x28, $0x38;
	[tilespmem:$0x1C048] =	vst v63  }
0xfb: {  	s19 =	sld [smem:$0x7F1];
	s15 =	simm.s32 $0x280  }
0xfc: {  	[tilespmem:s15], [sflag:$0xF] =	stream.linear.gather [hbm4b:s18+s12], $0x28, $0x38;
	[tilespmem:$0x1C048] =	vst v63  }
0xfd: {  	s21 =	simm.s32 $0x168;
	s16 =	sld [smem:$0x7F2]  }
0xfe: {  	[tilespmem:s21], [sflag:$0xF] =	stream.linear.gather [hbm4b:s19+s12], $0x28, $0x38;
	[tilespmem:$0x1C048] =	vst v63  }
0xff: {  	s17 =	simm.s32 $0x50;
	s18 =	sld [smem:$0x7F3]  }
0x100: {  	[tilespmem:s17], [sflag:$0xF] =	stream.linear.gather [hbm4b:s16+s12], $0x28, $0x38;
	[tilespmem:$0x1C048] =	vst v63  }
0x101: {  	s19 =	sld [smem:$0x7F4];
	s16 =	simm.s32 $0x2A8  }
0x102: {  	[tilespmem:s16], [sflag:$0x10] =	stream.linear.gather [hbm4b:s18+s12], $0x28, $0x38;
	[tilespmem:$0x1C048] =	vst v63  }
0x103: {  	s21 =	simm.s32 $0x190;
	s17 =	sld [smem:$0x7F5]  }
0x104: {  	[tilespmem:s21], [sflag:$0x10] =	stream.linear.gather [hbm4b:s19+s12], $0x28, $0x38;
	[tilespmem:$0x1C048] =	vst v63  }
0x105: {  	s18 =	simm.s32 $0x78;
	s19 =	sld [smem:$0x7F9]  }
0x106: {  	[tilespmem:s18], [sflag:$0x10] =	stream.linear.gather [hbm4b:s17+s12], $0x28, $0x38;
	[tilespmem:$0x1C048] =	vst v63  }
0x107: {  	s21 =	simm.s32 $0x2D0;
	s17 =	sld [smem:$0x7FA]  }
0x108: {  	[tilespmem:s21], [sflag:$0x11] =	stream.linear.gather [hbm4b:s19+s12], $0x28, $0x38;
	[tilespmem:$0x1C048] =	vst v63  }
0x109: {  	s18 =	simm.s32 $0x1B8;
	s19 =	sld [smem:$0x7FB]  }
0x10a: {  	[tilespmem:s18], [sflag:$0x11] =	stream.linear.gather [hbm4b:s17+s12], $0x28, $0x38;
	[tilespmem:$0x1C048] =	vst v63  }
0x10b: {  	s21 =	simm.s32 $0xA0  }
0x10c: {  	[tilespmem:s21], [sflag:$0x11] =	stream.linear.gather [hbm4b:s19+s12], $0x28, $0x38;
	[tilespmem:$0x1C048] =	vst v63  }
0x10d: {  	_ =	swait.ge [sflag:s7], $0x28  }
0x10e: {  	[sflag:s7] =	ssyncset.done $0x0  }
0x10f: {  	[sflag:s7] =	ssyncadd.s32 $0xFFFFFFD8  }
0x110: {  	_ =	swait.ge [sflag:s7], $0x28  }
0x111: {  	[sflag:s7] =	ssyncset.done $0x0  }
0x112: {  	[sflag:s7] =	ssyncadd.s32 $0xFFFFFFD8  }
0x113: {  	_ =	swait.ge [sflag:s7], $0x28  }
0x114: {  	[sflag:s7] =	ssyncset.done $0x0  }
0x115: {  	s18 =	simm.s32 $0x348;
	[sflag:s7] =	ssyncadd.s32 $0xFFFFFFD8  }
0x116: {  	[tilespmem:s18], [sflag:$0x1] =	stream.indirect.gather [hbm4b:s29+s6], $0x80, s13, s6, $0xb8;
	[tilespmem:$0x1C048] =	vst v63  }
0x117: {  	_ =	swait.ge [sflag:s8], $0x28  }
0x118: {  	[sflag:s8] =	ssyncset.done $0x0  }
0x119: {  	[sflag:s8] =	ssyncadd.s32 $0xFFFFFFD8  }
0x11a: {  	_ =	swait.ge [sflag:s8], $0x28  }
0x11b: {  	[sflag:s8] =	ssyncset.done $0x0  }
0x11c: {  	[sflag:s8] =	ssyncadd.s32 $0xFFFFFFD8  }
0x11d: {  	_ =	swait.ge [sflag:s8], $0x28  }
0x11e: {  	[sflag:s8] =	ssyncset.done $0x0  }
0x11f: {  	s17 =	simm.s32 $0x1748;
	[sflag:s8] =	ssyncadd.s32 $0xFFFFFFD8  }
0x120: {  	[tilespmem:s17], [sflag:$0x2] =	stream.indirect.gather [hbm4b:s29+s6], $0x80, s14, s6, $0xb8;
	[tilespmem:$0x1C048] =	vst v63  }
0x121: {  	_ =	swait.ge [sflag:s9], $0x28  }
0x122: {  	[sflag:s9] =	ssyncset.done $0x0  }
0x123: {  	[sflag:s9] =	ssyncadd.s32 $0xFFFFFFD8  }
0x124: {  	_ =	swait.ge [sflag:s9], $0x28  }
0x125: {  	[sflag:s9] =	ssyncset.done $0x0  }
0x126: {  	[sflag:s9] =	ssyncadd.s32 $0xFFFFFFD8  }
0x127: {  	_ =	swait.ge [sflag:s9], $0x28  }
0x128: {  	[sflag:s9] =	ssyncset.done $0x0  }
0x129: {  	s19 =	simm.s32 $0x2B48;
	[sflag:s9] =	ssyncadd.s32 $0xFFFFFFD8  }
0x12a: {  	[tilespmem:s19], [sflag:$0x3] =	stream.indirect.gather [hbm4b:s29+s6], $0x80, s15, s6, $0xb8;
	[tilespmem:$0x1C048] =	vst v63  }
0x12b: {  	_ =	swait.ge [sflag:s10], $0x28  }
0x12c: {  	[sflag:s10] =	ssyncset.done $0x0  }
0x12d: {  	[sflag:s10] =	ssyncadd.s32 $0xFFFFFFD8  }
0x12e: {  	_ =	swait.ge [sflag:s10], $0x28  }
0x12f: {  	[sflag:s10] =	ssyncset.done $0x0  }
0x130: {  	[sflag:s10] =	ssyncadd.s32 $0xFFFFFFD8  }
0x131: {  	_ =	swait.ge [sflag:s10], $0x28  }
0x132: {  	[sflag:s10] =	ssyncset.done $0x0  }
0x133: {  	s21 =	simm.s32 $0x3F48;
	[sflag:s10] =	ssyncadd.s32 $0xFFFFFFD8  }
0x134: {  	[tilespmem:s21], [sflag:$0x4] =	stream.indirect.gather [hbm4b:s29+s6], $0x80, s16, s6, $0xb8;
	[tilespmem:$0x1C048] =	vst v63  }
.LBB2_4:
0x135: {  	p0 =	slt.u32 s12, $0x2  }
0x136: {  	s0 =	sadd.s32 @!p0 $0xFFFFFFFE, s12  }
0x137: {  	s13 =	sand.u32 @!p0 $0xFF, s0  }
0x138: {  	s13 =	smul.u32 @!p0 $0xAB, s13;
	_ =	sdelay $0x1  }
0x139: {  	s13 =	sshrl.u32 @!p0 s13, $0xA  }
0x13a: {  	s13 =	smul.u32 @!p0 $0x6, s13  }
0x13b: {  	p1 =	sgt.u32 @!p0 s12, $0xF4  }
0x13c: {  	p1 =	por p0, !p1;
	s0 =	ssub.s32 @!p0 s0, s13  }
.Ltmp1:
0x13d: {  	s0 =	sand.u32 @!p0 $0xFF, s0;
	(pc) =	sbr.rel @!p1 .LBB2_6-.Ltmp1, $4  }
0x13e: {  	s0 =	sadd.s32 @!p0 $0x7, s0  }
0x13f: {  	_ =	swait.ge @!p0 [sflag:s0], $0x1400  }
0x140: {  	[sflag:s0] =	ssyncset.done @!p0 $0x0  }
0x141: {  	[sflag:s0] =	ssyncadd.s32 @!p0 $0xFFFFEC00  }
0x142: {  	s0 =	sadd.s32 $0x5, s12  }
0x143: {  	s13 =	smul.u32 $0x25, s0;
	_ =	sdelay $0x1  }
0x144: {  	s13 =	sshrl.u32 s13, $0x8  }
0x145: {  	s14 =	ssub.s32 s0, s13  }
0x146: {  	s14 =	sand.u32 $0xFE, s14  }
0x147: {  	s14 =	sshrl.u32 s14, $0x1  }
0x148: {  	s13 =	sadd.s32 s13, s14  }
0x149: {  	s13 =	sand.u32 $0xFC, s13  }
0x14a: {  	s13 =	sshrl.u32 s13, $0x2  }
0x14b: {  	s13 =	smul.u32 $0x7, s13;
	_ =	sdelay $0x1  }
0x14c: {  	s13 =	ssub.s32 s0, s13;
	s0 =	smul.u32 $0x28, s0  }
0x14d: {  	s13 =	sand.u32 $0xFF, s13  }
0x14e: {  	s17 =	smul.u32 $0x28, s13;
	s0 =	sadd.s32 s20, s0  }
0x14f: {  	s0 =	sshrl.u32 s0, $0x3  }
0x150: {  	s13 =	sadd.s32 $0xD, s13;
	s15 =	sadd.s32 $0x230, s17;
	s16 =	sadd.s32 s24, s0  }
0x151: {  	[tilespmem:s15], [sflag:s13] =	stream.linear.gather [hbm4b:s16+s2], $0x28, $0x38;
	[tilespmem:$0x1C048] =	vst v63  }
.Ltmp2:
0x152: {  	_ = 	snop;
	(pc) =	sbr.rel .LBB2_7-.Ltmp2, $4  }
0x153: {  	s19 =	sadd.s32 $0x118, s17;
	s21 =	sadd.s32 s1, s0  }
0x154: {  	[tilespmem:s19], [sflag:s13] =	stream.linear.gather [hbm4b:s21+s2], $0x28, $0x38;
	[tilespmem:$0x1C048] =	vst v63  }
0x155: {  	s0 =	sadd.s32 s28, s0  }
0x156: {  	[tilespmem:s17], [sflag:s13] =	stream.linear.gather [hbm4b:s0+s2], $0x28, $0x38;
	[tilespmem:$0x1C048] =	vst v63  }
.LBB2_6:
0x157: {  	p0 =	sne.s32 s12, $0xF5  }
.Ltmp3:
0x158: {  	_ = 	snop;
	(pc) =	sbr.rel @p0 .LBB2_8-.Ltmp3, $1  }
0x159: {  	_ =	sdelay $0x3  }
.LBB2_7:
0x15a: {  	s0 =	sadd.s32 $0x4, s12  }
0x15b: {  	s13 =	sand.u32 $0xFF, s0  }
0x15c: {  	s14 =	smul.u32 $0x25, s13;
	_ =	sdelay $0x1  }
0x15d: {  	s14 =	sshrl.u32 s14, $0x8  }
0x15e: {  	s15 =	ssub.s32 s0, s14  }
0x15f: {  	s15 =	sand.u32 $0xFE, s15  }
0x160: {  	s15 =	sshrl.u32 s15, $0x1  }
0x161: {  	s14 =	sadd.s32 s14, s15  }
0x162: {  	s14 =	sshrl.u32 s14, $0x2  }
0x163: {  	s14 =	smul.u32 $0x7, s14;
	_ =	sdelay $0x1  }
0x164: {  	s14 =	ssub.s32 s0, s14  }
0x165: {  	s13 =	smul.u32 $0xAB, s13;
	s14 =	sand.u32 $0xFF, s14  }
0x166: {  	s17 =	sadd.s32 $0xD, s14  }
0x167: {  	s13 =	sshrl.u32 s13, $0xA;
	_ =	swait.ge [sflag:s17], $0x28  }
0x168: {  	s13 =	smul.u32 $0x6, s13;
	[sflag:s17] =	ssyncset.done $0x0  }
0x169: {  	[sflag:s17] =	ssyncadd.s32 $0xFFFFFFD8  }
0x16a: {  	s0 =	ssub.s32 s0, s13;
	_ =	swait.ge [sflag:s17], $0x28  }
0x16b: {  	s0 =	sand.u32 $0xFF, s0;
	s19 =	smul.u32 $0xA0, s14;
	[sflag:s17] =	ssyncset.done $0x0  }
0x16c: {  	s21 =	smul.u32 $0x5000, s0;
	[sflag:s17] =	ssyncadd.s32 $0xFFFFFFD8  }
0x16d: {  	s0 =	sadd.s32 $0x1, s0;
	_ =	swait.ge [sflag:s17], $0x28  }
0x16e: {  	s13 =	sshrl.u32 s19, $0x2;
	s14 =	sshrl.u32 s21, $0x2;
	[sflag:s17] =	ssyncset.done $0x0  }
0x16f: {  	s13 =	sadd.s32 $0x230, s13;
	s14 =	sor.u32 $0x348, s14;
	[sflag:s17] =	ssyncadd.s32 $0xFFFFFFD8  }
0x170: {  	[tilespmem:s14], [sflag:s0] =	stream.indirect.gather [hbm4b:s29+s6], $0x80, s13, s6, $0xb8;
	[tilespmem:$0x1C048] =	vst v63  }
.LBB2_8:
0x171: {  	s0 =	smul.u32 $0x25, s12;
	_ =	sdelay $0x1  }
0x172: {  	s0 =	sshrl.u32 s0, $0x8  }
0x173: {  	s13 =	ssub.s32 s12, s0  }
0x174: {  	s13 =	sand.u32 $0xFE, s13  }
0x175: {  	s13 =	sshrl.u32 s13, $0x1  }
0x176: {  	s0 =	sadd.s32 s0, s13  }
0x177: {  	s0 =	sand.u32 $0xFC, s0  }
0x178: {  	s0 =	sshrl.u32 s0, $0x2  }
0x179: {  	s15 =	simm.s32 $0x1;
	s0 =	smul.u32 $0x7, s0  }
0x17a: {  	s17 =	simm.s32 $0x2;
	s19 =	simm.s32 $0x3;
	v3 =	vmov s15  }
0x17b: {  	v4 =	vmov s17;
	v12 =	vmov s19;
	s15 =	simm.s32 $0x4;
	v3 =	vshrl.u32 v3, $0x3;
	s0 =	ssub.s32 s12, s0  }
0x17c: {  	s17 =	simm.s32 $0x6;
	v4 =	vshrl.u32 v4, $0x3;
	v12 =	vshrl.u32 v12, $0x3;
	v13 =	vmov s15;
	s14 =	sand.u32 $0xFF, s0  }
0x17d: {  	s16 =	smul.u32 $0xAB, s12;
	v15 =	vmov s17;
	v3 =	vshll.u32 v3, v1;
	v2 =	vmov s14  }
0x17e: {  	v4 =	vshll.u32 v4, v1;
	v13 =	vshrl.u32 v13, $0x3;
	s13 =	simm.s32 $0x0;
	v5 =	vmul.u32 $0x28, v2  }
0x17f: {  	v12 =	vshll.u32 v12, v1;
	v13 =	vshll.u32 v13, v1;
	v2 =	vmov s13;
	s13 =	sshrl.u32 s16, $0xA;
	s16 =	simm.s32 $0x5  }
0x180: {  	v2 =	vshrl.u32 v2, $0x3;
	s13 =	sand.u32 $0x3F, s13;
	v14 =	vmov s16;
	v6 =	vor.u32 $0x1, v5  }
0x181: {  	v7 =	vor.u32 $0x2, v5;
	v8 =	vor.u32 $0x3, v5;
	v2 =	vshll.u32 v2, v1;
	s21 =	smul.u32 $0x6, s13  }
0x182: {  	v9 =	vor.u32 $0x4, v5;
	v10 =	vor.u32 $0x5, v5;
	v2 =	vadd.s32 v5, v2  }
0x183: {  	v14 =	vshrl.u32 v14, $0x3;
	v3 =	vadd.s32 v3, v6;
	v2 =	vbroadcast v2, $0x0;
	s0 =	ssub.s32 s12, s21  }
0x184: {  	v4 =	vadd.s32 v4, v7;
	v12 =	vadd.s32 v12, v8;
	v3 =	vbroadcast v3, $0x0;
	s15 =	sand.u32 $0xFF, s0  }
0x185: {  	s19 =	smulhi.u32 $0xAAAAAAAB, s12;
	v13 =	vadd.s32 v13, v9;
	v4 =	vbroadcast v4, $0x0;
	v12 =	vbroadcast v12, $0x0;
	s16 =	sadd.s32 $0x1, s15  }
0x186: {  	v16 =	vbroadcast v13, $0x0;
	v13 =	vshll.u32 v14, v1;
	v14 =	vshrl.u32 v15, $0x3;
	_ =	swait.ge [sflag:s16], $0x1400  }
0x187: {  	v11 =	vor.u32 $0x6, v5;
	s13 =	sshrl.u32 s19, $0x2;
	s21 =	simm.s32 $0x7;
	v13 =	vadd.s32 v13, v10;
	v14 =	vshll.u32 v14, v1;
	[sflag:s16] =	ssyncset.done $0x0  }
0x188: {  	s13 =	smul.u32 $0xFFFE2000, s13;
	v15 =	vmov s21;
	v21 =	vbroadcast v13, $0x0;
	v13 =	vadd.s32 v14, v11;
	[sflag:s16] =	ssyncadd.s32 $0xFFFFEC00  }
0x189: {  	v14 =	vshrl.u32 v15, $0x3;
	v15 =	vbroadcast v13, $0x0;
	v17 =	vld.idx.msk [tilespmem:v2+s2+$0x0], $0xffff  }
0x18a: {  	v20 =	vor.u32 $0x7, v5;
	s0 =	sshra.s32 s13, $0x2;
	v2 =	vshll.u32 v14, v1;
	v13 =	vld.idx.msk [tilespmem:v3+s2+$0x0], $0xffff  }
0x18b: {  	v19 =	vld.idx.msk [tilespmem:v4+s2+$0x0], $0xffff;
	v3 =	vadd.s32 v2, v20;
	v2 =	vmov s0  }
0x18c: {  	v18 =	vld.idx.msk [tilespmem:v12+s2+$0x0], $0xffff;
	v3 =	vbroadcast v3, $0x0  }
0x18d: {  	v16 =	vld.idx.msk [tilespmem:v16+s2+$0x0], $0xffff  }
0x18e: {  	v14 =	vld.idx.msk [tilespmem:v21+s2+$0x0], $0xffff  }
0x18f: {  	s17 =	simm.s32 $0x8;
	v12 =	vld.idx.msk [tilespmem:v15+s2+$0x0], $0xffff  }
0x190: {  	v4 =	vmov s17;
	v15 =	vld.idx.msk [tilespmem:v2+s18+$0x380 ss:$0x1], $0xffff  }
0x191: {  	v4 =	vshrl.u32 v4, $0x3;
	v22 =	vld.idx.msk [tilespmem:v2+s18+$0x80 ss:$0x1], $0xffff  }
0x192: {  	v4 =	vshll.u32 v4, v1;
	v21 =	vld.idx.msk [tilespmem:v3+s2+$0x0], $0xffff  }
0x193: {  	v3 =	vadd.s32 v5, v4;
	v4 =	vld.idx.msk [tilespmem:v2+s18+$0x0 ss:$0x1], $0xffff  }
0x194: {  	v24 =	vld.idx.msk [tilespmem:v2+s18+$0x180 ss:$0x1], $0xffff  }
0x195: {  	v23 =	vld.idx.msk [tilespmem:v2+s18+$0x100 ss:$0x1], $0xffff  }
0x196: {  	v26 =	vld.idx.msk [tilespmem:v2+s18+$0x280 ss:$0x1], $0xffff;
	v22 =	vmul.f32 v22, v13  }
0x197: {  	v25 =	vld.idx.msk [tilespmem:v2+s18+$0x200 ss:$0x1], $0xffff;
	v15 =	vmul.f32 v15, v21  }
0x198: {  	s19 =	simm.s32 $0x9;
	v4 =	vmul.f32 v4, v17;
	[tilespmem:v2+s18+$0x80 ss:$0x1] =	vst.idx.msk $0xffff, v22  }
0x199: {  	v27 =	vmov s19;
	v28 =	vld.idx.msk [tilespmem:v2+s18+$0x300 ss:$0x1], $0xffff;
	v22 =	vmul.f32 v24, v18;
	[tilespmem:v2+s18+$0x380 ss:$0x1] =	vst.idx.msk $0xffff, v15  }
0x19a: {  	v27 =	vshrl.u32 v27, $0x3;
	v24 =	vld.idx.msk [tilespmem:v2+s18+$0x90 ss:$0x1], $0xffff;
	[tilespmem:v2+s18+$0x0 ss:$0x1] =	vst.idx.msk $0xffff, v4;
	v4 =	vmul.f32 v23, v19  }
0x19b: {  	v15 =	vshll.u32 v27, v1;
	[tilespmem:v2+s18+$0x180 ss:$0x1] =	vst.idx.msk $0xffff, v22;
	v22 =	vmul.f32 v26, v14;
	v23 =	vld.idx.msk [tilespmem:v2+s18+$0x390 ss:$0x1], $0xffff  }
0x19c: {  	v15 =	vadd.s32 v15, v6;
	v27 =	vld.idx.msk [tilespmem:v2+s18+$0x10 ss:$0x1], $0xffff;
	[tilespmem:v2+s18+$0x100 ss:$0x1] =	vst.idx.msk $0xffff, v4;
	v4 =	vmul.f32 v25, v16  }
0x19d: {  	v26 =	vld.idx.msk [tilespmem:v2+s18+$0x190 ss:$0x1], $0xffff;
	v15 =	vbroadcast v15, $0x0;
	[tilespmem:v2+s18+$0x280 ss:$0x1] =	vst.idx.msk $0xffff, v22  }
0x19e: {  	v25 =	vld.idx.msk [tilespmem:v2+s18+$0x110 ss:$0x1], $0xffff;
	[tilespmem:v2+s18+$0x200 ss:$0x1] =	vst.idx.msk $0xffff, v4;
	v4 =	vmul.f32 v28, v12  }
0x19f: {  	v22 =	vld.idx.msk [tilespmem:v2+s18+$0x290 ss:$0x1], $0xffff;
	v24 =	vmul.f32 v24, v13  }
0x1a0: {  	v28 =	vld.idx.msk [tilespmem:v2+s18+$0x210 ss:$0x1], $0xffff;
	[tilespmem:v2+s18+$0x300 ss:$0x1] =	vst.idx.msk $0xffff, v4;
	v23 =	vmul.f32 v23, v21  }
0x1a1: {  	v27 =	vmul.f32 v27, v17;
	[tilespmem:v2+s18+$0x90 ss:$0x1] =	vst.idx.msk $0xffff, v24;
	v30 =	vld.idx.msk [tilespmem:v2+s18+$0x310 ss:$0x1], $0xffff  }
0x1a2: {  	v24 =	vmul.f32 v26, v18;
	v26 =	vld.idx.msk [tilespmem:v2+s18+$0xA0 ss:$0x1], $0xffff;
	[tilespmem:v2+s18+$0x390 ss:$0x1] =	vst.idx.msk $0xffff, v23  }
0x1a3: {  	v4 =	vld.idx.msk [tilespmem:v15+s2+$0x0], $0xffff;
	[tilespmem:v2+s18+$0x10 ss:$0x1] =	vst.idx.msk $0xffff, v27;
	v23 =	vmul.f32 v25, v19  }
0x1a4: {  	v3 =	vbroadcast v3, $0x0;
	[tilespmem:v2+s18+$0x190 ss:$0x1] =	vst.idx.msk $0xffff, v24;
	v22 =	vmul.f32 v22, v14;
	v25 =	vld.idx.msk [tilespmem:v2+s18+$0x3A0 ss:$0x1], $0xffff  }
0x1a5: {  	v27 =	vld.idx.msk [tilespmem:v2+s18+$0x20 ss:$0x1], $0xffff;
	[tilespmem:v2+s18+$0x110 ss:$0x1] =	vst.idx.msk $0xffff, v23;
	v23 =	vmul.f32 v28, v16  }
0x1a6: {  	v24 =	vld.idx.msk [tilespmem:v2+s18+$0x1A0 ss:$0x1], $0xffff;
	[tilespmem:v2+s18+$0x290 ss:$0x1] =	vst.idx.msk $0xffff, v22  }
0x1a7: {  	s21 =	simm.s32 $0xA;
	v28 =	vld.idx.msk [tilespmem:v2+s18+$0x120 ss:$0x1], $0xffff;
	[tilespmem:v2+s18+$0x210 ss:$0x1] =	vst.idx.msk $0xffff, v23;
	v23 =	vmul.f32 v30, v12  }
0x1a8: {  	v29 =	vmov s21;
	v22 =	vld.idx.msk [tilespmem:v2+s18+$0x2A0 ss:$0x1], $0xffff;
	v26 =	vmul.f32 v26, v13  }
0x1a9: {  	s13 =	simm.s32 $0xB;
	v15 =	vshrl.u32 v29, $0x3;
	v29 =	vld.idx.msk [tilespmem:v2+s18+$0x220 ss:$0x1], $0xffff;
	[tilespmem:v2+s18+$0x310 ss:$0x1] =	vst.idx.msk $0xffff, v23;
	v23 =	vmul.f32 v25, v21  }
0x1aa: {  	v3 =	vld.idx.msk [tilespmem:v3+s2+$0x0], $0xffff;
	v25 =	vmov s13;
	v27 =	vmul.f32 v27, v17;
	[tilespmem:v2+s18+$0xA0 ss:$0x1] =	vst.idx.msk $0xffff, v26  }
0x1ab: {  	v24 =	vmul.f32 v24, v18;
	v30 =	vld.idx.msk [tilespmem:v2+s18+$0x320 ss:$0x1], $0xffff;
	v25 =	vshrl.u32 v25, $0x3;
	[tilespmem:v2+s18+$0x3A0 ss:$0x1] =	vst.idx.msk $0xffff, v23  }
0x1ac: {  	v26 =	vld.idx.msk [tilespmem:v2+s18+$0xB0 ss:$0x1], $0xffff;
	v23 =	vshll.u32 v25, v1;
	[tilespmem:v2+s18+$0x20 ss:$0x1] =	vst.idx.msk $0xffff, v27;
	v25 =	vmul.f32 v28, v19  }
0x1ad: {  	[tilespmem:v2+s18+$0x1A0 ss:$0x1] =	vst.idx.msk $0xffff, v24;
	v22 =	vmul.f32 v22, v14;
	v27 =	vld.idx.msk [tilespmem:v2+s18+$0x3B0 ss:$0x1], $0xffff  }
0x1ae: {  	v23 =	vadd.s32 v23, v8;
	v28 =	vld.idx.msk [tilespmem:v2+s18+$0x30 ss:$0x1], $0xffff;
	[tilespmem:v2+s18+$0x120 ss:$0x1] =	vst.idx.msk $0xffff, v25;
	v25 =	vmul.f32 v29, v16  }
0x1af: {  	v24 =	vld.idx.msk [tilespmem:v2+s18+$0x1B0 ss:$0x1], $0xffff;
	v23 =	vbroadcast v23, $0x0;
	[tilespmem:v2+s18+$0x2A0 ss:$0x1] =	vst.idx.msk $0xffff, v22  }
0x1b0: {  	v29 =	vld.idx.msk [tilespmem:v2+s18+$0x130 ss:$0x1], $0xffff;
	[tilespmem:v2+s18+$0x220 ss:$0x1] =	vst.idx.msk $0xffff, v25;
	v25 =	vmul.f32 v30, v12  }
0x1b1: {  	v31 =	vld.idx.msk [tilespmem:v2+s18+$0x2B0 ss:$0x1], $0xffff;
	v26 =	vmul.f32 v26, v13  }
0x1b2: {  	v15 =	vshll.u32 v15, v1;
	v30 =	vld.idx.msk [tilespmem:v2+s18+$0x230 ss:$0x1], $0xffff;
	[tilespmem:v2+s18+$0x320 ss:$0x1] =	vst.idx.msk $0xffff, v25;
	v25 =	vmul.f32 v27, v21  }
0x1b3: {  	v15 =	vadd.s32 v15, v7;
	v28 =	vmul.f32 v28, v17;
	[tilespmem:v2+s18+$0xB0 ss:$0x1] =	vst.idx.msk $0xffff, v26;
	v32 =	vld.idx.msk [tilespmem:v2+s18+$0x330 ss:$0x1], $0xffff  }
0x1b4: {  	s16 =	simm.s32 $0xC;
	v15 =	vbroadcast v15, $0x0;
	v24 =	vmul.f32 v24, v18;
	v26 =	vld.idx.msk [tilespmem:v2+s18+$0xC0 ss:$0x1], $0xffff;
	[tilespmem:v2+s18+$0x3B0 ss:$0x1] =	vst.idx.msk $0xffff, v25  }
0x1b5: {  	v27 =	vmov s16;
	v22 =	vld.idx.msk [tilespmem:v23+s2+$0x0], $0xffff;
	[tilespmem:v2+s18+$0x30 ss:$0x1] =	vst.idx.msk $0xffff, v28;
	v25 =	vmul.f32 v29, v19  }
0x1b6: {  	v23 =	vshrl.u32 v27, $0x3;
	[tilespmem:v2+s18+$0x1B0 ss:$0x1] =	vst.idx.msk $0xffff, v24;
	v27 =	vld.idx.msk [tilespmem:v2+s18+$0x3C0 ss:$0x1], $0xffff  }
0x1b7: {  	v28 =	vld.idx.msk [tilespmem:v2+s18+$0x40 ss:$0x1], $0xffff;
	[tilespmem:v2+s18+$0x130 ss:$0x1] =	vst.idx.msk $0xffff, v25;
	v25 =	vmul.f32 v30, v16  }
0x1b8: {  	v24 =	vmul.f32 v31, v14;
	v30 =	vld.idx.msk [tilespmem:v2+s18+$0x1C0 ss:$0x1], $0xffff  }
0x1b9: {  	v29 =	vld.idx.msk [tilespmem:v2+s18+$0x140 ss:$0x1], $0xffff;
	[tilespmem:v2+s18+$0x230 ss:$0x1] =	vst.idx.msk $0xffff, v25;
	v25 =	vmul.f32 v32, v12  }
0x1ba: {  	s17 =	simm.s32 $0xD;
	v15 =	vld.idx.msk [tilespmem:v15+s2+$0x0], $0xffff;
	v23 =	vshll.u32 v23, v1;
	[tilespmem:v2+s18+$0x2B0 ss:$0x1] =	vst.idx.msk $0xffff, v24;
	v26 =	vmul.f32 v26, v13  }
0x1bb: {  	v23 =	vadd.s32 v23, v9;
	v31 =	vld.idx.msk [tilespmem:v2+s18+$0x240 ss:$0x1], $0xffff;
	[tilespmem:v2+s18+$0x330 ss:$0x1] =	vst.idx.msk $0xffff, v25;
	v25 =	vmul.f32 v27, v21;
	v27 =	vmov s17  }
0x1bc: {  	v23 =	vbroadcast v23, $0x0;
	v24 =	vld.idx.msk [tilespmem:v2+s18+$0x2C0 ss:$0x1], $0xffff;
	v28 =	vmul.f32 v28, v17;
	[tilespmem:v2+s18+$0xC0 ss:$0x1] =	vst.idx.msk $0xffff, v26;
	v27 =	vshrl.u32 v27, $0x3  }
0x1bd: {  	v61 =	vld.idx.msk [tilespmem:v2+s18+$0x340 ss:$0x1], $0xffff;
	v26 =	vmul.f32 v30, v18;
	[tilespmem:v2+s18+$0x3C0 ss:$0x1] =	vst.idx.msk $0xffff, v25;
	v25 =	vshll.u32 v27, v1  }
0x1be: {  	v30 =	vld.idx.msk [tilespmem:v2+s18+$0xD0 ss:$0x1], $0xffff;
	[tilespmem:v2+s18+$0x40 ss:$0x1] =	vst.idx.msk $0xffff, v28;
	v27 =	vmul.f32 v29, v19;
	v25 =	vadd.s32 v25, v10  }
0x1bf: {  	v28 =	vld.idx.msk [tilespmem:v2+s18+$0x3D0 ss:$0x1], $0xffff;
	[tilespmem:v2+s18+$0x1C0 ss:$0x1] =	vst.idx.msk $0xffff, v26;
	v25 =	vbroadcast v25, $0x0  }
0x1c0: {  	v29 =	vld.idx.msk [tilespmem:v2+s18+$0x50 ss:$0x1], $0xffff;
	[tilespmem:v2+s18+$0x140 ss:$0x1] =	vst.idx.msk $0xffff, v27;
	v27 =	vmul.f32 v31, v16  }
0x1c1: {  	v26 =	vld.idx.msk [tilespmem:v2+s18+$0x1D0 ss:$0x1], $0xffff  }
0x1c2: {  	v31 =	vld.idx.msk [tilespmem:v2+s18+$0x150 ss:$0x1], $0xffff;
	[tilespmem:v2+s18+$0x240 ss:$0x1] =	vst.idx.msk $0xffff, v27  }
0x1c3: {  	v24 =	vmul.f32 v24, v14;
	v62 =	vld.idx.msk [tilespmem:v2+s18+$0x250 ss:$0x1], $0xffff  }
0x1c4: {  	v23 =	vld.idx.msk [tilespmem:v23+s2+$0x0], $0xffff;
	v27 =	vmul.f32 v61, v12  }
0x1c5: {  	[tilespmem:v2+s18+$0x2C0 ss:$0x1] =	vst.idx.msk $0xffff, v24;
	v24 =	vld.idx.msk [tilespmem:v25+s2+$0x0], $0xffff;
	v25 =	vmul.f32 v30, v13  }
0x1c6: {  	s19 =	simm.s32 $0xE;
	v33 =	vld.idx.msk [tilespmem:v2+s18+$0x2D0 ss:$0x1], $0xffff;
	[tilespmem:v2+s18+$0x340 ss:$0x1] =	vst.idx.msk $0xffff, v27;
	v27 =	vmul.f32 v28, v21  }
0x1c7: {  	v28 =	vmul.f32 v29, v17;
	v34 =	vld.idx.msk [tilespmem:v2+s18+$0x350 ss:$0x1], $0xffff;
	[tilespmem:v2+s18+$0xD0 ss:$0x1] =	vst.idx.msk $0xffff, v25;
	v25 =	vmul.f32 v26, v18;
	v26 =	vmov s19  }
0x1c8: {  	[tilespmem:v2+s18+$0x3D0 ss:$0x1] =	vst.idx.msk $0xffff, v27;
	v27 =	vmul.f32 v31, v19;
	v31 =	vmul.f32 v62, v16;
	v26 =	vshrl.u32 v26, $0x3  }
0x1c9: {  	[tilespmem:v2+s18+$0x50 ss:$0x1] =	vst.idx.msk $0xffff, v28;
	v30 =	vld.idx.msk [tilespmem:v2+s18+$0x3E0 ss:$0x1], $0xffff;
	v26 =	vshll.u32 v26, v1  }
0x1ca: {  	v35 =	vld.idx.msk [tilespmem:v2+s18+$0x60 ss:$0x1], $0xffff;
	[tilespmem:v2+s18+$0x250 ss:$0x1] =	vst.idx.msk $0xffff, v31;
	v31 =	vadd.s32 v26, v11  }
0x1cb: {  	[tilespmem:v2+s18+$0x150 ss:$0x1] =	vst.idx.msk $0xffff, v27;
	v29 =	vld.idx.msk [tilespmem:v2+s18+$0xE0 ss:$0x1], $0xffff;
	v31 =	vbroadcast v31, $0x0  }
0x1cc: {  	v28 =	vld.idx.msk [tilespmem:v2+s18+$0x160 ss:$0x1], $0xffff;
	[tilespmem:v2+s18+$0x1D0 ss:$0x1] =	vst.idx.msk $0xffff, v25;
	v25 =	vmul.f32 v33, v14  }
0x1cd: {  	s21 =	smul.u32 $0x5000, s15;
	v63 =	vmul.f32 v34, v12;
	v27 =	vld.idx.msk [tilespmem:v2+s18+$0x1E0 ss:$0x1], $0xffff  }
0x1ce: {  	v26 =	vld.idx.msk [tilespmem:v2+s18+$0x260 ss:$0x1], $0xffff;
	[tilespmem:v2+s18+$0x2D0 ss:$0x1] =	vst.idx.msk $0xffff, v25  }
0x1cf: {  	s0 =	sshrl.u32 s21, $0x2;
	s21 =	simm.s32 $0xF;
	s13 =	smov.u32 s18;
	[tilespmem:v2+s18+$0x350 ss:$0x1] =	vst.idx.msk $0xffff, v63;
	v32 =	vmul.f32 v30, v21;
	v25 =	vld.idx.msk [tilespmem:v2+s18+$0x2E0 ss:$0x1], $0xffff  }
0x1d0: {  	s16 =	sor.u32 $0x348, s0;
	s17 =	smov.u32 s18;
	s19 =	simm.s32 $0x10;
	v33 =	vmul.f32 v35, v17;
	v30 =	vld.idx.msk [tilespmem:v2+s18+$0x360 ss:$0x1], $0xffff  }
.LBB2_9:
0x1d1: {  	p0 =	slt.u32 s19, $0x20;
	v31 =	vld.idx.msk [tilespmem:v31+s2+$0x0], $0xffff;
	v34 =	vmov s21;
	v29 =	vmul.f32 v29, v13;
	[tilespmem:v2+s17+$0x3E0 ss:$0x1] =	vst.idx.msk $0xffff, v32  }
0x1d2: {  	v28 =	vmul.f32 v28, v19;
	v32 =	vshrl.u32 v34, $0x3;
	[tilespmem:v2+s17+$0x60 ss:$0x1] =	vst.idx.msk $0xffff, v33;
	v33 =	vld.idx.msk [tilespmem:v2+s17+$0x3F0 ss:$0x1], $0xffff  }
0x1d3: {  	v27 =	vmul.f32 v27, v18;
	v32 =	vshll.u32 v32, v1;
	v34 =	vld.idx.msk [tilespmem:v2+s17+$0x70 ss:$0x1], $0xffff;
	[tilespmem:v2+s17+$0xE0 ss:$0x1] =	vst.idx.msk $0xffff, v29  }
0x1d4: {  	v26 =	vmul.f32 v26, v16;
	v29 =	vadd.s32 v32, v20;
	v32 =	vld.idx.msk [tilespmem:v2+s17+$0xF0 ss:$0x1], $0xffff;
	[tilespmem:v2+s17+$0x160 ss:$0x1] =	vst.idx.msk $0xffff, v28  }
0x1d5: {  	v25 =	vmul.f32 v25, v14;
	v28 =	vbroadcast v29, $0x0;
	v29 =	vld.idx.msk [tilespmem:v2+s17+$0x170 ss:$0x1], $0xffff;
	[tilespmem:v2+s17+$0x1E0 ss:$0x1] =	vst.idx.msk $0xffff, v27  }
0x1d6: {  	v27 =	vld.idx.msk [tilespmem:v2+s17+$0x1F0 ss:$0x1], $0xffff;
	[tilespmem:v2+s17+$0x260 ss:$0x1] =	vst.idx.msk $0xffff, v26;
	v26 =	vmul.f32 v30, v12  }
0x1d7: {  	v30 =	vld.idx.msk [tilespmem:v2+s17+$0x270 ss:$0x1], $0xffff;
	[tilespmem:v2+s17+$0x2E0 ss:$0x1] =	vst.idx.msk $0xffff, v25  }
0x1d8: {  	v21 =	vmul.f32 v33, v21;
	v25 =	vld.idx.msk [tilespmem:v2+s17+$0x2F0 ss:$0x1], $0xffff;
	[tilespmem:v2+s17+$0x360 ss:$0x1] =	vst.idx.msk $0xffff, v26  }
0x1d9: {  	v26 =	vmov s19;
	v33 =	vmul.f32 v34, v17;
	s17 =	sadd.s32 $0x400, s17;
	v17 =	vmov v3;
	v34 =	vld.idx.msk [tilespmem:v2+s13+$0x370 ss:$0x1], $0xffff  }
0x1da: {  	v3 =	vshrl.u32 v26, $0x3;
	v32 =	vmul.f32 v32, v13;
	v13 =	vmov v4;
	v26 =	vld.idx.msk [tilespmem:v2+s17+$0x380 ss:$0x1], $0xffff;
	[tilespmem:v2+s13+$0x3F0 ss:$0x1] =	vst.idx.msk $0xffff, v21  }
0x1db: {  	v3 =	vshll.u32 v3, v1;
	v4 =	vmul.f32 v29, v19;
	v21 =	vld.idx.msk [tilespmem:v28+s2+$0x0], $0xffff;
	[tilespmem:v2+s13+$0x70 ss:$0x1] =	vst.idx.msk $0xffff, v33  }
0x1dc: {  	v3 =	vadd.s32 v5, v3;
	v29 =	vmul.f32 v27, v18;
	v28 =	vld.idx.msk [tilespmem:v2+s17+$0x0 ss:$0x1], $0xffff;
	[tilespmem:v2+s13+$0xF0 ss:$0x1] =	vst.idx.msk $0xffff, v32  }
0x1dd: {  	v19 =	vmov v15;
	v3 =	vbroadcast v3, $0x0;
	v27 =	vld.idx.msk [tilespmem:v2+s17+$0x80 ss:$0x1], $0xffff;
	[tilespmem:v2+s13+$0x170 ss:$0x1] =	vst.idx.msk $0xffff, v4;
	v4 =	vmul.f32 v30, v16  }
0x1de: {  	v18 =	vmov v22;
	v25 =	vmul.f32 v25, v14;
	v16 =	vmov v23;
	v15 =	vld.idx.msk [tilespmem:v2+s17+$0x100 ss:$0x1], $0xffff;
	[tilespmem:v2+s13+$0x1F0 ss:$0x1] =	vst.idx.msk $0xffff, v29  }
0x1df: {  	v14 =	vmov v24;
	v22 =	vld.idx.msk [tilespmem:v2+s17+$0x180 ss:$0x1], $0xffff;
	[tilespmem:v2+s13+$0x270 ss:$0x1] =	vst.idx.msk $0xffff, v4;
	v4 =	vmul.f32 v34, v12;
	v12 =	vmov v31  }
0x1e0: {  	v23 =	vld.idx.msk [tilespmem:v2+s17+$0x200 ss:$0x1], $0xffff;
	[tilespmem:v2+s13+$0x2F0 ss:$0x1] =	vst.idx.msk $0xffff, v25  }
0x1e1: {  	s0 =	sadd.s32 $0x1, s19;
	v25 =	vmul.f32 v26, v21;
	v24 =	vld.idx.msk [tilespmem:v2+s17+$0x280 ss:$0x1], $0xffff;
	[tilespmem:v2+s13+$0x370 ss:$0x1] =	vst.idx.msk $0xffff, v4;
	s13 =	smov.u32 s17  }
0x1e2: {  	v4 =	vmov s0;
	v26 =	vmul.f32 v28, v17;
	v28 =	vld.idx.msk [tilespmem:v2+s17+$0x300 ss:$0x1], $0xffff  }
0x1e3: {  	v4 =	vshrl.u32 v4, $0x3;
	v27 =	vmul.f32 v27, v13;
	v3 =	vld.idx.msk [tilespmem:v3+s2+$0x0], $0xffff;
	[tilespmem:v2+s17+$0x380 ss:$0x1] =	vst.idx.msk $0xffff, v25  }
0x1e4: {  	v4 =	vshll.u32 v4, v1;
	v15 =	vmul.f32 v15, v19;
	[tilespmem:v2+s17+$0x0 ss:$0x1] =	vst.idx.msk $0xffff, v26;
	v25 =	vld.idx.msk [tilespmem:v2+s17+$0x390 ss:$0x1], $0xffff  }
0x1e5: {  	v4 =	vadd.s32 v4, v6;
	v22 =	vmul.f32 v22, v18;
	v26 =	vld.idx.msk [tilespmem:v2+s17+$0x10 ss:$0x1], $0xffff;
	[tilespmem:v2+s17+$0x80 ss:$0x1] =	vst.idx.msk $0xffff, v27  }
0x1e6: {  	v4 =	vbroadcast v4, $0x0;
	v27 =	vld.idx.msk [tilespmem:v2+s17+$0x90 ss:$0x1], $0xffff;
	[tilespmem:v2+s17+$0x100 ss:$0x1] =	vst.idx.msk $0xffff, v15;
	v15 =	vmul.f32 v23, v16  }
0x1e7: {  	v23 =	vld.idx.msk [tilespmem:v2+s17+$0x110 ss:$0x1], $0xffff;
	[tilespmem:v2+s17+$0x180 ss:$0x1] =	vst.idx.msk $0xffff, v22;
	v22 =	vmul.f32 v24, v14  }
0x1e8: {  	v24 =	vld.idx.msk [tilespmem:v2+s17+$0x190 ss:$0x1], $0xffff;
	[tilespmem:v2+s17+$0x200 ss:$0x1] =	vst.idx.msk $0xffff, v15;
	v15 =	vmul.f32 v28, v12  }
0x1e9: {  	v28 =	vld.idx.msk [tilespmem:v2+s17+$0x210 ss:$0x1], $0xffff;
	[tilespmem:v2+s17+$0x280 ss:$0x1] =	vst.idx.msk $0xffff, v22  }
0x1ea: {  	s0 =	sadd.s32 $0x2, s19;
	v22 =	vld.idx.msk [tilespmem:v2+s17+$0x290 ss:$0x1], $0xffff;
	[tilespmem:v2+s17+$0x300 ss:$0x1] =	vst.idx.msk $0xffff, v15;
	v15 =	vmul.f32 v25, v21  }
0x1eb: {  	v25 =	vmov s0;
	v26 =	vmul.f32 v26, v17;
	v29 =	vld.idx.msk [tilespmem:v2+s17+$0x310 ss:$0x1], $0xffff  }
0x1ec: {  	v25 =	vshrl.u32 v25, $0x3;
	v27 =	vmul.f32 v27, v13;
	v4 =	vld.idx.msk [tilespmem:v4+s2+$0x0], $0xffff;
	[tilespmem:v2+s17+$0x390 ss:$0x1] =	vst.idx.msk $0xffff, v15  }
0x1ed: {  	v15 =	vshll.u32 v25, v1;
	v23 =	vmul.f32 v23, v19;
	[tilespmem:v2+s17+$0x10 ss:$0x1] =	vst.idx.msk $0xffff, v26;
	v25 =	vld.idx.msk [tilespmem:v2+s17+$0x3A0 ss:$0x1], $0xffff  }
0x1ee: {  	v15 =	vadd.s32 v15, v7;
	v24 =	vmul.f32 v24, v18;
	v26 =	vld.idx.msk [tilespmem:v2+s17+$0x20 ss:$0x1], $0xffff;
	[tilespmem:v2+s17+$0x90 ss:$0x1] =	vst.idx.msk $0xffff, v27  }
0x1ef: {  	v15 =	vbroadcast v15, $0x0;
	v27 =	vld.idx.msk [tilespmem:v2+s17+$0xA0 ss:$0x1], $0xffff;
	[tilespmem:v2+s17+$0x110 ss:$0x1] =	vst.idx.msk $0xffff, v23;
	v23 =	vmul.f32 v28, v16  }
0x1f0: {  	v22 =	vmul.f32 v22, v14;
	v28 =	vld.idx.msk [tilespmem:v2+s17+$0x120 ss:$0x1], $0xffff;
	[tilespmem:v2+s17+$0x190 ss:$0x1] =	vst.idx.msk $0xffff, v24  }
0x1f1: {  	v24 =	vld.idx.msk [tilespmem:v2+s17+$0x1A0 ss:$0x1], $0xffff;
	[tilespmem:v2+s17+$0x210 ss:$0x1] =	vst.idx.msk $0xffff, v23;
	v23 =	vmul.f32 v29, v12  }
0x1f2: {  	v29 =	vld.idx.msk [tilespmem:v2+s17+$0x220 ss:$0x1], $0xffff;
	[tilespmem:v2+s17+$0x290 ss:$0x1] =	vst.idx.msk $0xffff, v22  }
0x1f3: {  	s0 =	sadd.s32 $0x3, s19;
	v22 =	vld.idx.msk [tilespmem:v2+s17+$0x2A0 ss:$0x1], $0xffff;
	[tilespmem:v2+s17+$0x310 ss:$0x1] =	vst.idx.msk $0xffff, v23;
	v23 =	vmul.f32 v25, v21  }
0x1f4: {  	v25 =	vmov s0;
	v26 =	vmul.f32 v26, v17;
	v30 =	vld.idx.msk [tilespmem:v2+s17+$0x320 ss:$0x1], $0xffff  }
0x1f5: {  	v25 =	vshrl.u32 v25, $0x3;
	v27 =	vmul.f32 v27, v13;
	v15 =	vld.idx.msk [tilespmem:v15+s2+$0x0], $0xffff;
	[tilespmem:v2+s17+$0x3A0 ss:$0x1] =	vst.idx.msk $0xffff, v23  }
0x1f6: {  	v23 =	vshll.u32 v25, v1;
	v25 =	vmul.f32 v28, v19;
	[tilespmem:v2+s17+$0x20 ss:$0x1] =	vst.idx.msk $0xffff, v26;
	v26 =	vld.idx.msk [tilespmem:v2+s17+$0x3B0 ss:$0x1], $0xffff  }
0x1f7: {  	v23 =	vadd.s32 v23, v8;
	v24 =	vmul.f32 v24, v18;
	v28 =	vld.idx.msk [tilespmem:v2+s17+$0x30 ss:$0x1], $0xffff;
	[tilespmem:v2+s17+$0xA0 ss:$0x1] =	vst.idx.msk $0xffff, v27  }
0x1f8: {  	v23 =	vbroadcast v23, $0x0;
	v27 =	vld.idx.msk [tilespmem:v2+s17+$0xB0 ss:$0x1], $0xffff;
	[tilespmem:v2+s17+$0x120 ss:$0x1] =	vst.idx.msk $0xffff, v25;
	v25 =	vmul.f32 v29, v16  }
0x1f9: {  	v22 =	vmul.f32 v22, v14;
	v29 =	vld.idx.msk [tilespmem:v2+s17+$0x130 ss:$0x1], $0xffff;
	[tilespmem:v2+s17+$0x1A0 ss:$0x1] =	vst.idx.msk $0xffff, v24  }
0x1fa: {  	v24 =	vld.idx.msk [tilespmem:v2+s17+$0x1B0 ss:$0x1], $0xffff;
	[tilespmem:v2+s17+$0x220 ss:$0x1] =	vst.idx.msk $0xffff, v25;
	v25 =	vmul.f32 v30, v12  }
0x1fb: {  	v30 =	vld.idx.msk [tilespmem:v2+s17+$0x230 ss:$0x1], $0xffff;
	[tilespmem:v2+s17+$0x2A0 ss:$0x1] =	vst.idx.msk $0xffff, v22  }
0x1fc: {  	s0 =	sadd.s32 $0x4, s19;
	v31 =	vld.idx.msk [tilespmem:v2+s17+$0x2B0 ss:$0x1], $0xffff;
	[tilespmem:v2+s17+$0x320 ss:$0x1] =	vst.idx.msk $0xffff, v25;
	v25 =	vmul.f32 v26, v21  }
0x1fd: {  	v26 =	vmov s0;
	v28 =	vmul.f32 v28, v17;
	v32 =	vld.idx.msk [tilespmem:v2+s17+$0x330 ss:$0x1], $0xffff  }
0x1fe: {  	v22 =	vld.idx.msk [tilespmem:v23+s2+$0x0], $0xffff;
	v23 =	vshrl.u32 v26, $0x3;
	v26 =	vmul.f32 v27, v13;
	[tilespmem:v2+s17+$0x3B0 ss:$0x1] =	vst.idx.msk $0xffff, v25  }
0x1ff: {  	v25 =	vmul.f32 v29, v19;
	v23 =	vshll.u32 v23, v1;
	[tilespmem:v2+s17+$0x30 ss:$0x1] =	vst.idx.msk $0xffff, v28;
	v27 =	vld.idx.msk [tilespmem:v2+s17+$0x3C0 ss:$0x1], $0xffff  }
0x200: {  	v24 =	vmul.f32 v24, v18;
	v23 =	vadd.s32 v23, v9;
	v28 =	vld.idx.msk [tilespmem:v2+s17+$0x40 ss:$0x1], $0xffff;
	[tilespmem:v2+s17+$0xB0 ss:$0x1] =	vst.idx.msk $0xffff, v26  }
0x201: {  	v23 =	vbroadcast v23, $0x0;
	v26 =	vld.idx.msk [tilespmem:v2+s17+$0xC0 ss:$0x1], $0xffff;
	[tilespmem:v2+s17+$0x130 ss:$0x1] =	vst.idx.msk $0xffff, v25;
	v25 =	vmul.f32 v30, v16  }
0x202: {  	v29 =	vld.idx.msk [tilespmem:v2+s17+$0x140 ss:$0x1], $0xffff;
	[tilespmem:v2+s17+$0x1B0 ss:$0x1] =	vst.idx.msk $0xffff, v24;
	v24 =	vmul.f32 v31, v14  }
0x203: {  	v30 =	vld.idx.msk [tilespmem:v2+s17+$0x1C0 ss:$0x1], $0xffff;
	[tilespmem:v2+s17+$0x230 ss:$0x1] =	vst.idx.msk $0xffff, v25;
	v25 =	vmul.f32 v32, v12  }
0x204: {  	v31 =	vld.idx.msk [tilespmem:v2+s17+$0x240 ss:$0x1], $0xffff;
	[tilespmem:v2+s17+$0x2B0 ss:$0x1] =	vst.idx.msk $0xffff, v24  }
0x205: {  	s0 =	sadd.s32 $0x5, s19;
	v24 =	vld.idx.msk [tilespmem:v2+s17+$0x2C0 ss:$0x1], $0xffff;
	[tilespmem:v2+s17+$0x330 ss:$0x1] =	vst.idx.msk $0xffff, v25;
	v25 =	vmul.f32 v27, v21  }
0x206: {  	v27 =	vmov s0;
	v28 =	vmul.f32 v28, v17;
	v32 =	vld.idx.msk [tilespmem:v2+s17+$0x340 ss:$0x1], $0xffff  }
0x207: {  	v27 =	vshrl.u32 v27, $0x3;
	v26 =	vmul.f32 v26, v13;
	v23 =	vld.idx.msk [tilespmem:v23+s2+$0x0], $0xffff;
	[tilespmem:v2+s17+$0x3C0 ss:$0x1] =	vst.idx.msk $0xffff, v25  }
0x208: {  	v25 =	vshll.u32 v27, v1;
	v27 =	vmul.f32 v29, v19;
	[tilespmem:v2+s17+$0x40 ss:$0x1] =	vst.idx.msk $0xffff, v28;
	v28 =	vld.idx.msk [tilespmem:v2+s17+$0x3D0 ss:$0x1], $0xffff  }
0x209: {  	v25 =	vadd.s32 v25, v10;
	v29 =	vld.idx.msk [tilespmem:v2+s17+$0x50 ss:$0x1], $0xffff;
	[tilespmem:v2+s17+$0xC0 ss:$0x1] =	vst.idx.msk $0xffff, v26;
	v26 =	vmul.f32 v30, v18  }
0x20a: {  	v25 =	vbroadcast v25, $0x0;
	v30 =	vld.idx.msk [tilespmem:v2+s17+$0xD0 ss:$0x1], $0xffff;
	[tilespmem:v2+s17+$0x140 ss:$0x1] =	vst.idx.msk $0xffff, v27;
	v27 =	vmul.f32 v31, v16  }
0x20b: {  	v24 =	vmul.f32 v24, v14;
	v31 =	vld.idx.msk [tilespmem:v2+s17+$0x150 ss:$0x1], $0xffff;
	[tilespmem:v2+s17+$0x1C0 ss:$0x1] =	vst.idx.msk $0xffff, v26  }
0x20c: {  	v26 =	vld.idx.msk [tilespmem:v2+s17+$0x1D0 ss:$0x1], $0xffff;
	[tilespmem:v2+s17+$0x240 ss:$0x1] =	vst.idx.msk $0xffff, v27;
	v27 =	vmul.f32 v32, v12  }
0x20d: {  	v32 =	vld.idx.msk [tilespmem:v2+s17+$0x250 ss:$0x1], $0xffff;
	[tilespmem:v2+s17+$0x2C0 ss:$0x1] =	vst.idx.msk $0xffff, v24  }
0x20e: {  	s0 =	sadd.s32 $0x6, s19;
	v33 =	vld.idx.msk [tilespmem:v2+s17+$0x2D0 ss:$0x1], $0xffff;
	[tilespmem:v2+s17+$0x340 ss:$0x1] =	vst.idx.msk $0xffff, v27;
	v27 =	vmul.f32 v28, v21  }
0x20f: {  	v28 =	vmov s0;
	v29 =	vmul.f32 v29, v17;
	v34 =	vld.idx.msk [tilespmem:v2+s17+$0x350 ss:$0x1], $0xffff  }
0x210: {  	v24 =	vld.idx.msk [tilespmem:v25+s2+$0x0], $0xffff;
	v25 =	vshrl.u32 v28, $0x3;
	v28 =	vmul.f32 v30, v13;
	[tilespmem:v2+s17+$0x3D0 ss:$0x1] =	vst.idx.msk $0xffff, v27  }
0x211: {  	v27 =	vmul.f32 v31, v19;
	v25 =	vshll.u32 v25, v1;
	[tilespmem:v2+s17+$0x50 ss:$0x1] =	vst.idx.msk $0xffff, v29;
	v30 =	vld.idx.msk [tilespmem:v2+s17+$0x3E0 ss:$0x1], $0xffff  }
0x212: {  	v26 =	vmul.f32 v26, v18;
	v25 =	vadd.s32 v25, v11;
	v35 =	vld.idx.msk [tilespmem:v2+s17+$0x60 ss:$0x1], $0xffff;
	[tilespmem:v2+s17+$0xD0 ss:$0x1] =	vst.idx.msk $0xffff, v28  }
0x213: {  	v31 =	vbroadcast v25, $0x0;
	v29 =	vld.idx.msk [tilespmem:v2+s17+$0xE0 ss:$0x1], $0xffff;
	[tilespmem:v2+s17+$0x150 ss:$0x1] =	vst.idx.msk $0xffff, v27;
	v25 =	vmul.f32 v32, v16  }
.Ltmp4:
0x214: {  	v32 =	vmul.f32 v33, v14;
	v28 =	vld.idx.msk [tilespmem:v2+s17+$0x160 ss:$0x1], $0xffff;
	[tilespmem:v2+s17+$0x1D0 ss:$0x1] =	vst.idx.msk $0xffff, v26;
	(pc) =	sbr.rel @p0 .LBB2_9-.Ltmp4, $4  }
0x215: {  	v33 =	vmul.f32 v34, v12;
	v27 =	vld.idx.msk [tilespmem:v2+s17+$0x1E0 ss:$0x1], $0xffff;
	[tilespmem:v2+s17+$0x250 ss:$0x1] =	vst.idx.msk $0xffff, v25  }
0x216: {  	v26 =	vld.idx.msk [tilespmem:v2+s17+$0x260 ss:$0x1], $0xffff;
	[tilespmem:v2+s17+$0x2D0 ss:$0x1] =	vst.idx.msk $0xffff, v32  }
0x217: {  	v32 =	vmul.f32 v30, v21;
	v25 =	vld.idx.msk [tilespmem:v2+s17+$0x2E0 ss:$0x1], $0xffff;
	[tilespmem:v2+s17+$0x350 ss:$0x1] =	vst.idx.msk $0xffff, v33  }
0x218: {  	s21 =	sadd.s32 $0x7, s19;
	s19 =	sadd.s32 $0x8, s19;
	v33 =	vmul.f32 v35, v17;
	v30 =	vld.idx.msk [tilespmem:v2+s17+$0x360 ss:$0x1], $0xffff  }
0x219: {  	_ =	sdelay $0x3  }
0x21a: {  	v5 =	vld.idx.msk [tilespmem:v31+s2+$0x0], $0xffff;
	[tilespmem:v2+s17+$0x3E0 ss:$0x1] =	vst.idx.msk $0xffff, v32  }
0x21b: {  	v7 =	vmul.f32 v29, v13;
	s19 =	sadd.s32 $0x400, s17;
	v9 =	vld.idx.msk [tilespmem:v2+s17+$0x3F0 ss:$0x1], $0xffff  }
0x21c: {  	v8 =	vmul.f32 v28, v19;
	[tilespmem:v2+s17+$0x60 ss:$0x1] =	vst.idx.msk $0xffff, v33;
	v34 =	vld.idx.msk [tilespmem:v2+s19+$0x380 ss:$0x1], $0xffff  }
0x21d: {  	v60 =	vmul.f32 v27, v18;
	v36 =	vld.idx.msk [tilespmem:v2+s19+$0x0 ss:$0x1], $0xffff;
	[tilespmem:v2+s17+$0xE0 ss:$0x1] =	vst.idx.msk $0xffff, v7  }
0x21e: {  	v40 =	vld.idx.msk [tilespmem:v2+s19+$0x100 ss:$0x1], $0xffff;
	[tilespmem:v2+s17+$0x160 ss:$0x1] =	vst.idx.msk $0xffff, v8;
	v61 =	vmul.f32 v26, v16  }
0x21f: {  	v43 =	vld.idx.msk [tilespmem:v2+s19+$0x200 ss:$0x1], $0xffff;
	[tilespmem:v2+s17+$0x1E0 ss:$0x1] =	vst.idx.msk $0xffff, v60;
	v63 =	vmul.f32 v25, v14  }
0x220: {  	v45 =	vld.idx.msk [tilespmem:v2+s19+$0x280 ss:$0x1], $0xffff;
	[tilespmem:v2+s17+$0x260 ss:$0x1] =	vst.idx.msk $0xffff, v61;
	v29 =	vmul.f32 v30, v12  }
0x221: {  	v6 =	vmov s21;
	v47 =	vld.idx.msk [tilespmem:v2+s19+$0x300 ss:$0x1], $0xffff;
	[tilespmem:v2+s17+$0x2E0 ss:$0x1] =	vst.idx.msk $0xffff, v63;
	v31 =	vmul.f32 v9, v21  }
0x222: {  	v6 =	vshrl.u32 v6, $0x3;
	v10 =	vld.idx.msk [tilespmem:v2+s17+$0x70 ss:$0x1], $0xffff;
	[tilespmem:v2+s17+$0x360 ss:$0x1] =	vst.idx.msk $0xffff, v29;
	v46 =	vmul.f32 v36, v3  }
0x223: {  	v6 =	vshll.u32 v6, v1;
	v11 =	vld.idx.msk [tilespmem:v2+s17+$0xF0 ss:$0x1], $0xffff;
	v48 =	vmul.f32 v40, v15;
	[tilespmem:v2+s13+$0x3F0 ss:$0x1] =	vst.idx.msk $0xffff, v31  }
0x224: {  	v6 =	vadd.s32 v6, v20;
	v62 =	vld.idx.msk [tilespmem:v2+s17+$0x170 ss:$0x1], $0xffff;
	v51 =	vmul.f32 v43, v23;
	[tilespmem:v2+s19+$0x0 ss:$0x1] =	vst.idx.msk $0xffff, v46  }
0x225: {  	v38 =	vld.idx.msk [tilespmem:v2+s19+$0x80 ss:$0x1], $0xffff;
	v6 =	vbroadcast v6, $0x0;
	v53 =	vmul.f32 v45, v24;
	[tilespmem:v2+s19+$0x100 ss:$0x1] =	vst.idx.msk $0xffff, v48  }
0x226: {  	v28 =	vld.idx.msk [tilespmem:v2+s17+$0x1F0 ss:$0x1], $0xffff;
	v55 =	vmul.f32 v47, v5;
	[tilespmem:v2+s19+$0x200 ss:$0x1] =	vst.idx.msk $0xffff, v51  }
0x227: {  	v30 =	vld.idx.msk [tilespmem:v2+s17+$0x270 ss:$0x1], $0xffff;
	v32 =	vmul.f32 v10, v17;
	[tilespmem:v2+s19+$0x280 ss:$0x1] =	vst.idx.msk $0xffff, v53  }
0x228: {  	v41 =	vld.idx.msk [tilespmem:v2+s19+$0x180 ss:$0x1], $0xffff;
	v11 =	vmul.f32 v11, v13;
	[tilespmem:v2+s19+$0x300 ss:$0x1] =	vst.idx.msk $0xffff, v55  }
0x229: {  	v7 =	vld.idx.msk [tilespmem:v2+s17+$0x2F0 ss:$0x1], $0xffff;
	v35 =	vmul.f32 v62, v19;
	[tilespmem:v2+s13+$0x70 ss:$0x1] =	vst.idx.msk $0xffff, v32  }
0x22a: {  	v33 =	vld.idx.msk [tilespmem:v2+s13+$0x370 ss:$0x1], $0xffff;
	v13 =	vmul.f32 v38, v4;
	[tilespmem:v2+s13+$0xF0 ss:$0x1] =	vst.idx.msk $0xffff, v11  }
0x22b: {  	v37 =	vmul.f32 v28, v18;
	v6 =	vld.idx.msk [tilespmem:v6+s2+$0x0], $0xffff;
	[tilespmem:v2+s13+$0x170 ss:$0x1] =	vst.idx.msk $0xffff, v35  }
0x22c: {  	v50 =	vld.idx.msk [tilespmem:v2+s19+$0x10 ss:$0x1], $0xffff;
	v39 =	vmul.f32 v30, v16;
	[tilespmem:v2+s19+$0x80 ss:$0x1] =	vst.idx.msk $0xffff, v13  }
0x22d: {  	v11 =	vmul.f32 v41, v22;
	[tilespmem:v2+s13+$0x1F0 ss:$0x1] =	vst.idx.msk $0xffff, v37;
	v13 =	vld.idx.msk [tilespmem:v2+s19+$0x90 ss:$0x1], $0xffff  }
0x22e: {  	v52 =	vld.idx.msk [tilespmem:v2+s19+$0x110 ss:$0x1], $0xffff;
	v7 =	vmul.f32 v7, v14;
	[tilespmem:v2+s13+$0x270 ss:$0x1] =	vst.idx.msk $0xffff, v39  }
0x22f: {  	v42 =	vmul.f32 v33, v12;
	[tilespmem:v2+s19+$0x180 ss:$0x1] =	vst.idx.msk $0xffff, v11;
	v11 =	vld.idx.msk [tilespmem:v2+s19+$0x290 ss:$0x1], $0xffff  }
0x230: {  	v56 =	vld.idx.msk [tilespmem:v2+s19+$0x210 ss:$0x1], $0xffff;
	[tilespmem:v2+s13+$0x2F0 ss:$0x1] =	vst.idx.msk $0xffff, v7;
	v44 =	vmul.f32 v34, v6  }
0x231: {  	v54 =	vld.idx.msk [tilespmem:v2+s19+$0x190 ss:$0x1], $0xffff;
	[tilespmem:v2+s13+$0x370 ss:$0x1] =	vst.idx.msk $0xffff, v42;
	v57 =	vmul.f32 v50, v3  }
0x232: {  	v58 =	vld.idx.msk [tilespmem:v2+s19+$0x310 ss:$0x1], $0xffff;
	v13 =	vmul.f32 v13, v4;
	[tilespmem:v2+s19+$0x380 ss:$0x1] =	vst.idx.msk $0xffff, v44  }
0x233: {  	v59 =	vmul.f32 v52, v15;
	[tilespmem:v2+s19+$0x10 ss:$0x1] =	vst.idx.msk $0xffff, v57;
	v49 =	vld.idx.msk [tilespmem:v2+s19+$0x390 ss:$0x1], $0xffff  }
0x234: {  	v60 =	vld.idx.msk [tilespmem:v2+s19+$0x20 ss:$0x1], $0xffff;
	v11 =	vmul.f32 v11, v24;
	[tilespmem:v2+s19+$0x90 ss:$0x1] =	vst.idx.msk $0xffff, v13  }
0x235: {  	v61 =	vmul.f32 v56, v23;
	[tilespmem:v2+s19+$0x110 ss:$0x1] =	vst.idx.msk $0xffff, v59;
	v13 =	vld.idx.msk [tilespmem:v2+s19+$0xA0 ss:$0x1], $0xffff  }
0x236: {  	v62 =	vld.idx.msk [tilespmem:v2+s19+$0x120 ss:$0x1], $0xffff;
	v12 =	vmul.f32 v54, v22;
	[tilespmem:v2+s19+$0x290 ss:$0x1] =	vst.idx.msk $0xffff, v11  }
0x237: {  	v63 =	vmul.f32 v58, v5;
	[tilespmem:v2+s19+$0x210 ss:$0x1] =	vst.idx.msk $0xffff, v61;
	v11 =	vld.idx.msk [tilespmem:v2+s19+$0x2A0 ss:$0x1], $0xffff  }
0x238: {  	v16 =	vld.idx.msk [tilespmem:v2+s19+$0x220 ss:$0x1], $0xffff;
	[tilespmem:v2+s19+$0x190 ss:$0x1] =	vst.idx.msk $0xffff, v12;
	v8 =	vmul.f32 v49, v6  }
0x239: {  	[tilespmem:v2+s19+$0x310 ss:$0x1] =	vst.idx.msk $0xffff, v63;
	v12 =	vld.idx.msk [tilespmem:v2+s19+$0x1A0 ss:$0x1], $0xffff;
	v17 =	vmul.f32 v60, v3  }
0x23a: {  	v18 =	vld.idx.msk [tilespmem:v2+s19+$0x320 ss:$0x1], $0xffff;
	v13 =	vmul.f32 v13, v4;
	[tilespmem:v2+s19+$0x390 ss:$0x1] =	vst.idx.msk $0xffff, v8  }
0x23b: {  	v19 =	vmul.f32 v62, v15;
	[tilespmem:v2+s19+$0x20 ss:$0x1] =	vst.idx.msk $0xffff, v17;
	v8 =	vld.idx.msk [tilespmem:v2+s19+$0x3A0 ss:$0x1], $0xffff  }
0x23c: {  	v20 =	vld.idx.msk [tilespmem:v2+s19+$0x30 ss:$0x1], $0xffff;
	v11 =	vmul.f32 v11, v24;
	[tilespmem:v2+s19+$0xA0 ss:$0x1] =	vst.idx.msk $0xffff, v13  }
0x23d: {  	v21 =	vmul.f32 v16, v23;
	[tilespmem:v2+s19+$0x120 ss:$0x1] =	vst.idx.msk $0xffff, v19;
	v13 =	vld.idx.msk [tilespmem:v2+s19+$0xB0 ss:$0x1], $0xffff  }
0x23e: {  	v25 =	vld.idx.msk [tilespmem:v2+s19+$0x130 ss:$0x1], $0xffff;
	v12 =	vmul.f32 v12, v22;
	[tilespmem:v2+s19+$0x2A0 ss:$0x1] =	vst.idx.msk $0xffff, v11  }
0x23f: {  	v26 =	vmul.f32 v18, v5;
	[tilespmem:v2+s19+$0x220 ss:$0x1] =	vst.idx.msk $0xffff, v21;
	v11 =	vld.idx.msk [tilespmem:v2+s19+$0x2B0 ss:$0x1], $0xffff  }
0x240: {  	v27 =	vld.idx.msk [tilespmem:v2+s19+$0x230 ss:$0x1], $0xffff;
	[tilespmem:v2+s19+$0x1A0 ss:$0x1] =	vst.idx.msk $0xffff, v12;
	v8 =	vmul.f32 v8, v6  }
0x241: {  	[tilespmem:v2+s19+$0x320 ss:$0x1] =	vst.idx.msk $0xffff, v26;
	v12 =	vld.idx.msk [tilespmem:v2+s19+$0x1B0 ss:$0x1], $0xffff;
	v28 =	vmul.f32 v20, v3  }
0x242: {  	v29 =	vld.idx.msk [tilespmem:v2+s19+$0x330 ss:$0x1], $0xffff;
	v13 =	vmul.f32 v13, v4;
	[tilespmem:v2+s19+$0x3A0 ss:$0x1] =	vst.idx.msk $0xffff, v8  }
0x243: {  	v30 =	vmul.f32 v25, v15;
	[tilespmem:v2+s19+$0x30 ss:$0x1] =	vst.idx.msk $0xffff, v28;
	v8 =	vld.idx.msk [tilespmem:v2+s19+$0x3B0 ss:$0x1], $0xffff  }
0x244: {  	v31 =	vld.idx.msk [tilespmem:v2+s19+$0x40 ss:$0x1], $0xffff;
	v11 =	vmul.f32 v11, v24;
	[tilespmem:v2+s19+$0xB0 ss:$0x1] =	vst.idx.msk $0xffff, v13  }
0x245: {  	v32 =	vmul.f32 v27, v23;
	[tilespmem:v2+s19+$0x130 ss:$0x1] =	vst.idx.msk $0xffff, v30;
	v13 =	vld.idx.msk [tilespmem:v2+s19+$0xC0 ss:$0x1], $0xffff  }
0x246: {  	v33 =	vld.idx.msk [tilespmem:v2+s19+$0x140 ss:$0x1], $0xffff;
	v12 =	vmul.f32 v12, v22;
	[tilespmem:v2+s19+$0x2B0 ss:$0x1] =	vst.idx.msk $0xffff, v11  }
0x247: {  	v34 =	vmul.f32 v29, v5;
	[tilespmem:v2+s19+$0x230 ss:$0x1] =	vst.idx.msk $0xffff, v32;
	v11 =	vld.idx.msk [tilespmem:v2+s19+$0x2C0 ss:$0x1], $0xffff  }
0x248: {  	v35 =	vld.idx.msk [tilespmem:v2+s19+$0x240 ss:$0x1], $0xffff;
	[tilespmem:v2+s19+$0x1B0 ss:$0x1] =	vst.idx.msk $0xffff, v12;
	v8 =	vmul.f32 v8, v6  }
0x249: {  	[tilespmem:v2+s19+$0x330 ss:$0x1] =	vst.idx.msk $0xffff, v34;
	v12 =	vld.idx.msk [tilespmem:v2+s19+$0x1C0 ss:$0x1], $0xffff;
	v36 =	vmul.f32 v31, v3  }
0x24a: {  	v37 =	vld.idx.msk [tilespmem:v2+s19+$0x340 ss:$0x1], $0xffff;
	v13 =	vmul.f32 v13, v4;
	[tilespmem:v2+s19+$0x3B0 ss:$0x1] =	vst.idx.msk $0xffff, v8  }
0x24b: {  	v38 =	vmul.f32 v33, v15;
	[tilespmem:v2+s19+$0x40 ss:$0x1] =	vst.idx.msk $0xffff, v36;
	v8 =	vld.idx.msk [tilespmem:v2+s19+$0x3C0 ss:$0x1], $0xffff  }
0x24c: {  	v39 =	vld.idx.msk [tilespmem:v2+s19+$0x50 ss:$0x1], $0xffff;
	v11 =	vmul.f32 v11, v24;
	[tilespmem:v2+s19+$0xC0 ss:$0x1] =	vst.idx.msk $0xffff, v13  }
0x24d: {  	v40 =	vmul.f32 v35, v23;
	[tilespmem:v2+s19+$0x140 ss:$0x1] =	vst.idx.msk $0xffff, v38;
	v13 =	vld.idx.msk [tilespmem:v2+s19+$0xD0 ss:$0x1], $0xffff  }
0x24e: {  	v41 =	vld.idx.msk [tilespmem:v2+s19+$0x150 ss:$0x1], $0xffff;
	v12 =	vmul.f32 v12, v22;
	[tilespmem:v2+s19+$0x2C0 ss:$0x1] =	vst.idx.msk $0xffff, v11  }
0x24f: {  	v42 =	vmul.f32 v37, v5;
	[tilespmem:v2+s19+$0x240 ss:$0x1] =	vst.idx.msk $0xffff, v40;
	v11 =	vld.idx.msk [tilespmem:v2+s19+$0x2D0 ss:$0x1], $0xffff  }
0x250: {  	v43 =	vld.idx.msk [tilespmem:v2+s19+$0x250 ss:$0x1], $0xffff;
	[tilespmem:v2+s19+$0x1C0 ss:$0x1] =	vst.idx.msk $0xffff, v12;
	v8 =	vmul.f32 v8, v6  }
0x251: {  	[tilespmem:v2+s19+$0x340 ss:$0x1] =	vst.idx.msk $0xffff, v42;
	v12 =	vld.idx.msk [tilespmem:v2+s19+$0x1D0 ss:$0x1], $0xffff;
	v44 =	vmul.f32 v39, v3  }
0x252: {  	v45 =	vld.idx.msk [tilespmem:v2+s19+$0x350 ss:$0x1], $0xffff;
	v13 =	vmul.f32 v13, v4;
	[tilespmem:v2+s19+$0x3C0 ss:$0x1] =	vst.idx.msk $0xffff, v8  }
0x253: {  	v46 =	vmul.f32 v41, v15;
	[tilespmem:v2+s19+$0x50 ss:$0x1] =	vst.idx.msk $0xffff, v44;
	v8 =	vld.idx.msk [tilespmem:v2+s19+$0x3D0 ss:$0x1], $0xffff  }
0x254: {  	v47 =	vld.idx.msk [tilespmem:v2+s19+$0x60 ss:$0x1], $0xffff;
	v11 =	vmul.f32 v11, v24;
	[tilespmem:v2+s19+$0xD0 ss:$0x1] =	vst.idx.msk $0xffff, v13  }
0x255: {  	v48 =	vmul.f32 v43, v23;
	[tilespmem:v2+s19+$0x150 ss:$0x1] =	vst.idx.msk $0xffff, v46;
	v13 =	vld.idx.msk [tilespmem:v2+s19+$0xE0 ss:$0x1], $0xffff  }
0x256: {  	v49 =	vld.idx.msk [tilespmem:v2+s19+$0x160 ss:$0x1], $0xffff;
	v12 =	vmul.f32 v12, v22;
	[tilespmem:v2+s19+$0x2D0 ss:$0x1] =	vst.idx.msk $0xffff, v11  }
0x257: {  	v50 =	vmul.f32 v45, v5;
	[tilespmem:v2+s19+$0x250 ss:$0x1] =	vst.idx.msk $0xffff, v48;
	v11 =	vld.idx.msk [tilespmem:v2+s19+$0x2E0 ss:$0x1], $0xffff  }
0x258: {  	v51 =	vld.idx.msk [tilespmem:v2+s19+$0x260 ss:$0x1], $0xffff;
	[tilespmem:v2+s19+$0x1D0 ss:$0x1] =	vst.idx.msk $0xffff, v12;
	v8 =	vmul.f32 v8, v6  }
0x259: {  	[tilespmem:v2+s19+$0x350 ss:$0x1] =	vst.idx.msk $0xffff, v50;
	v12 =	vld.idx.msk [tilespmem:v2+s19+$0x1E0 ss:$0x1], $0xffff;
	v52 =	vmul.f32 v47, v3  }
0x25a: {  	v53 =	vld.idx.msk [tilespmem:v2+s19+$0x360 ss:$0x1], $0xffff;
	v13 =	vmul.f32 v13, v4;
	[tilespmem:v2+s19+$0x3D0 ss:$0x1] =	vst.idx.msk $0xffff, v8  }
0x25b: {  	v54 =	vmul.f32 v49, v15;
	[tilespmem:v2+s19+$0x60 ss:$0x1] =	vst.idx.msk $0xffff, v52;
	v8 =	vld.idx.msk [tilespmem:v2+s19+$0x3E0 ss:$0x1], $0xffff  }
0x25c: {  	v55 =	vld.idx.msk [tilespmem:v2+s19+$0x70 ss:$0x1], $0xffff;
	v11 =	vmul.f32 v11, v24;
	[tilespmem:v2+s19+$0xE0 ss:$0x1] =	vst.idx.msk $0xffff, v13  }
0x25d: {  	v56 =	vmul.f32 v51, v23;
	[tilespmem:v2+s19+$0x160 ss:$0x1] =	vst.idx.msk $0xffff, v54;
	v13 =	vld.idx.msk [tilespmem:v2+s19+$0xF0 ss:$0x1], $0xffff  }
0x25e: {  	v57 =	vld.idx.msk [tilespmem:v2+s19+$0x170 ss:$0x1], $0xffff;
	v12 =	vmul.f32 v12, v22;
	[tilespmem:v2+s19+$0x2E0 ss:$0x1] =	vst.idx.msk $0xffff, v11  }
0x25f: {  	v58 =	vmul.f32 v53, v5;
	[tilespmem:v2+s19+$0x260 ss:$0x1] =	vst.idx.msk $0xffff, v56;
	v60 =	vld.idx.msk [tilespmem:v2+s19+$0x2F0 ss:$0x1], $0xffff  }
0x260: {  	v59 =	vld.idx.msk [tilespmem:v2+s19+$0x270 ss:$0x1], $0xffff;
	[tilespmem:v2+s19+$0x1E0 ss:$0x1] =	vst.idx.msk $0xffff, v12;
	v8 =	vmul.f32 v8, v6  }
0x261: {  	[tilespmem:v2+s19+$0x360 ss:$0x1] =	vst.idx.msk $0xffff, v58;
	v12 =	vld.idx.msk [tilespmem:v2+s19+$0x1F0 ss:$0x1], $0xffff;
	v3 =	vmul.f32 v55, v3  }
0x262: {  	v7 =	vld.idx.msk [tilespmem:v2+s19+$0x370 ss:$0x1], $0xffff;
	v61 =	vmul.f32 v13, v4;
	[tilespmem:v2+s19+$0x3E0 ss:$0x1] =	vst.idx.msk $0xffff, v8  }
0x263: {  	[tilespmem:v2+s19+$0x70 ss:$0x1] =	vst.idx.msk $0xffff, v3;
	v3 =	vmul.f32 v57, v15;
	v8 =	vld.idx.msk [tilespmem:v2+s19+$0x3F0 ss:$0x1], $0xffff  }
0x264: {  	v63 =	vmul.f32 v60, v24;
	[tilespmem:v2+s19+$0xF0 ss:$0x1] =	vst.idx.msk $0xffff, v61  }
0x265: {  	s12 =	sadd.s32 $0x1, s12;
	[tilespmem:v2+s19+$0x170 ss:$0x1] =	vst.idx.msk $0xffff, v3;
	v3 =	vmul.f32 v59, v23  }
0x266: {  	s0 =	smul.u32 $0xA0, s14;
	p0 =	sne.s32 s12, $0xFA;
	v62 =	vmul.f32 v12, v22;
	[tilespmem:v2+s19+$0x2F0 ss:$0x1] =	vst.idx.msk $0xffff, v63  }
.Ltmp5:
0x267: {  	[tilespmem:v2+s19+$0x270 ss:$0x1] =	vst.idx.msk $0xffff, v3;
	v3 =	vmul.f32 v7, v5;
	(pc) =	sbr.rel @p0 .LBB2_4-.Ltmp5, $4  }
0x268: {  	[tilespmem:v2+s19+$0x1F0 ss:$0x1] =	vst.idx.msk $0xffff, v62;
	v6 =	vmul.f32 v8, v6  }
0x269: {  	s0 =	sshrl.u32 s0, $0x2;
	[tilespmem:v2+s19+$0x370 ss:$0x1] =	vst.idx.msk $0xffff, v3  }
0x26a: {  	s21 =	sadd.s32 $0x7, s15;
	s18 =	sadd.s32 $0x1400, s18;
	s0 =	sadd.s32 $0x118, s0;
	[tilespmem:v2+s19+$0x3F0 ss:$0x1] =	vst.idx.msk $0xffff, v6  }
0x26b: {  	[spmem:s31] =	stream.indirect.scatter.add.f32 [tilespmem:s16], [sflag:s21], $0x80, s0, s6, $0xb8;
	[tilespmem:$0x1C048] =	vst v63  }
0x26c: {  	s0 =	simm.s32 $0x9  }
0x26d: {  	_ =	swait.ge [sflag:s0], $0x1400  }
0x26e: {  	[sflag:s0] =	ssyncset.done $0x0  }
0x26f: {  	s16 =	simm.s32 $0xA;
	[sflag:s0] =	ssyncadd.s32 $0xFFFFEC00  }
0x270: {  	_ =	swait.ge [sflag:s16], $0x1400  }
0x271: {  	[sflag:s16] =	ssyncset.done $0x0  }
0x272: {  	[sflag:s16] =	ssyncadd.s32 $0xFFFFEC00  }
0x273: {  	s17 =	stileid.u32;
	[bflag:$0x0] =	sbarrier.arrive $0xFFFF  }
0x274: {  	s0 =	sshll.u32 s17, $0x6;
	s12 =	rddreg [dreg:$0x1f]  }
0x275: {  	s0 =	sor.u32 $0x1C14, s0;
	s13 =	rddreg [dreg:$0x6];
	s12 =	sshrl.u32 s12, $0x3  }
0x276: {  	[hbm:s13], [sflag:s0] =	dma.local [spmem:s12], $0x190  }
0x277: {  	s12 =	sld [smem:$0x7D8];
	_ =	sdelay $0x2  }
0x278: {  	s13 =	rddreg [dreg:$0x7];
	s12 =	sshrl.u32 s12, $0x3  }
0x279: {  	[hbm:s13], [sflag:s0] =	dma.local [spmem:s12], $0x190  }
0x27a: {  	s12 =	sld [smem:$0x7DA];
	_ =	sdelay $0x2  }
0x27b: {  	s13 =	rddreg [dreg:$0x8];
	s12 =	sshrl.u32 s12, $0x3  }
0x27c: {  	[hbm:s13], [sflag:s0] =	dma.local [spmem:s12], $0x190  }
0x27d: {  	s12 =	sld [smem:$0x7DC];
	_ =	sdelay $0x2  }
0x27e: {  	s13 =	rddreg [dreg:$0x9];
	s12 =	sshrl.u32 s12, $0x3  }
0x27f: {  	[hbm:s13], [sflag:s0] =	dma.local [spmem:s12], $0x190  }
0x280: {  	s12 =	sld [smem:$0x7DD];
	_ =	sdelay $0x2  }
0x281: {  	s13 =	rddreg [dreg:$0xa];
	s12 =	sshrl.u32 s12, $0x3  }
0x282: {  	[hbm:s13], [sflag:s0] =	dma.local [spmem:s12], $0x190  }
0x283: {  	s12 =	sld [smem:$0x7DE];
	_ =	sdelay $0x2  }
0x284: {  	s13 =	rddreg [dreg:$0xb];
	s12 =	sshrl.u32 s12, $0x3  }
0x285: {  	[hbm:s13], [sflag:s0] =	dma.local [spmem:s12], $0x190  }
0x286: {  	s12 =	sld [smem:$0x7DF];
	_ =	sdelay $0x2  }
0x287: {  	s13 =	rddreg [dreg:$0xc];
	s12 =	sshrl.u32 s12, $0x3  }
0x288: {  	[hbm:s13], [sflag:s0] =	dma.local [spmem:s12], $0x190  }
0x289: {  	s12 =	sld [smem:$0x7E0];
	_ =	sdelay $0x2  }
0x28a: {  	s13 =	rddreg [dreg:$0xd];
	s12 =	sshrl.u32 s12, $0x3  }
0x28b: {  	[hbm:s13], [sflag:s0] =	dma.local [spmem:s12], $0x190  }
0x28c: {  	s12 =	sld [smem:$0x7E1];
	_ =	sdelay $0x2  }
0x28d: {  	s13 =	rddreg [dreg:$0xe];
	s12 =	sshrl.u32 s12, $0x3  }
0x28e: {  	[hbm:s13], [sflag:s0] =	dma.local [spmem:s12], $0x190  }
0x28f: {  	s12 =	sld [smem:$0x7E2];
	_ =	sdelay $0x2  }
0x290: {  	s13 =	rddreg [dreg:$0xf];
	s12 =	sshrl.u32 s12, $0x3  }
0x291: {  	[hbm:s13], [sflag:s0] =	dma.local [spmem:s12], $0x190  }
0x292: {  	s12 =	sld [smem:$0x7E3];
	_ =	sdelay $0x2  }
0x293: {  	s13 =	rddreg [dreg:$0x10];
	s12 =	sshrl.u32 s12, $0x3  }
0x294: {  	[hbm:s13], [sflag:s0] =	dma.local [spmem:s12], $0x190  }
0x295: {  	s12 =	sld [smem:$0x7E4];
	_ =	sdelay $0x2  }
0x296: {  	s13 =	rddreg [dreg:$0x11];
	s12 =	sshrl.u32 s12, $0x3  }
0x297: {  	[hbm:s13], [sflag:s0] =	dma.local [spmem:s12], $0x190  }
0x298: {  	s18 =	sshrl.u32 s23, $0x3;
	s13 =	rddreg [dreg:$0x12]  }
0x299: {  	[hbm:s13], [sflag:s0] =	dma.local [spmem:s18], $0x190  }
0x29a: {  	s19 =	sshrl.u32 s25, $0x3;
	s13 =	rddreg [dreg:$0x13]  }
0x29b: {  	[hbm:s13], [sflag:s0] =	dma.local [spmem:s19], $0x190  }
0x29c: {  	s21 =	sshrl.u32 s26, $0x3;
	s13 =	rddreg [dreg:$0x14]  }
0x29d: {  	[hbm:s13], [sflag:s0] =	dma.local [spmem:s21], $0x190  }
0x29e: {  	s14 =	smov.u32 s23;
	s23 =	sshrl.u32 s30, $0x3;
	s13 =	rddreg [dreg:$0x15]  }
0x29f: {  	[hbm:s13], [sflag:s0] =	dma.local [spmem:s23], $0x190  }
0x2a0: {  	s15 =	smov.u32 s25;
	s25 =	sshrl.u32 s22, $0x3;
	s13 =	rddreg [dreg:$0x16]  }
0x2a1: {  	[hbm:s13], [sflag:s0] =	dma.local [spmem:s25], $0x190  }
0x2a2: {  	s12 =	sld [smem:$0x7E6];
	_ =	sdelay $0x2  }
0x2a3: {  	s13 =	rddreg [dreg:$0x17];
	s12 =	sshrl.u32 s12, $0x3  }
0x2a4: {  	[hbm:s13], [sflag:s0] =	dma.local [spmem:s12], $0x190  }
0x2a5: {  	s12 =	sld [smem:$0x7E7];
	_ =	sdelay $0x2  }
0x2a6: {  	s13 =	rddreg [dreg:$0x18];
	s12 =	sshrl.u32 s12, $0x3  }
0x2a7: {  	[hbm:s13], [sflag:s0] =	dma.local [spmem:s12], $0x190  }
0x2a8: {  	s12 =	sld [smem:$0x7E8];
	_ =	sdelay $0x2  }
0x2a9: {  	s13 =	rddreg [dreg:$0x19];
	s12 =	sshrl.u32 s12, $0x3  }
0x2aa: {  	[hbm:s13], [sflag:s0] =	dma.local [spmem:s12], $0x190  }
0x2ab: {  	s12 =	sld [smem:$0x7E9];
	_ =	sdelay $0x2  }
0x2ac: {  	s13 =	rddreg [dreg:$0x1a];
	s12 =	sshrl.u32 s12, $0x3  }
0x2ad: {  	[hbm:s13], [sflag:s0] =	dma.local [spmem:s12], $0x190  }
0x2ae: {  	s12 =	sld [smem:$0x7EA];
	_ =	sdelay $0x2  }
0x2af: {  	s13 =	rddreg [dreg:$0x1b];
	s12 =	sshrl.u32 s12, $0x3  }
0x2b0: {  	[hbm:s13], [sflag:s0] =	dma.local [spmem:s12], $0x190  }
0x2b1: {  	s12 =	sld [smem:$0x7EB];
	_ =	sdelay $0x2  }
0x2b2: {  	s13 =	rddreg [dreg:$0x1c];
	s12 =	sshrl.u32 s12, $0x3  }
0x2b3: {  	[hbm:s13], [sflag:s0] =	dma.local [spmem:s12], $0x190  }
0x2b4: {  	s12 =	sld [smem:$0x7EC];
	_ =	sdelay $0x2  }
0x2b5: {  	s13 =	rddreg [dreg:$0x1d];
	s12 =	sshrl.u32 s12, $0x3  }
0x2b6: {  	[hbm:s13], [sflag:s0] =	dma.local [spmem:s12], $0x190  }
0x2b7: {  	s16 =	smov.u32 s26;
	s26 =	sshrl.u32 s3, $0x3;
	s13 =	rddreg [dreg:$0x1e]  }
0x2b8: {  	[hbm:s13], [sflag:s0] =	dma.local [spmem:s26], $0x190  }
0x2b9: {  	_ =	swait.ge [sflag:s5], $0x190  }
0x2ba: {  	[sflag:s5] =	ssyncset.done $0x0  }
0x2bb: {  	[sflag:s5] =	ssyncadd.s32 $0xFFFFFE70  }
0x2bc: {  	_ =	swait.ge [sflag:s5], $0x190  }
0x2bd: {  	[sflag:s5] =	ssyncset.done $0x0  }
0x2be: {  	[sflag:s5] =	ssyncadd.s32 $0xFFFFFE70  }
0x2bf: {  	_ =	swait.ge [sflag:s5], $0x190  }
0x2c0: {  	[sflag:s5] =	ssyncset.done $0x0  }
0x2c1: {  	[sflag:s5] =	ssyncadd.s32 $0xFFFFFE70  }
0x2c2: {  	_ =	swait.ge [sflag:s5], $0x190  }
0x2c3: {  	[sflag:s5] =	ssyncset.done $0x0  }
0x2c4: {  	[sflag:s5] =	ssyncadd.s32 $0xFFFFFE70  }
0x2c5: {  	_ =	swait.ge [sflag:s5], $0x190  }
0x2c6: {  	[sflag:s5] =	ssyncset.done $0x0  }
0x2c7: {  	[sflag:s5] =	ssyncadd.s32 $0xFFFFFE70  }
0x2c8: {  	_ =	swait.ge [sflag:s5], $0x190  }
0x2c9: {  	[sflag:s5] =	ssyncset.done $0x0  }
0x2ca: {  	[sflag:s5] =	ssyncadd.s32 $0xFFFFFE70  }
0x2cb: {  	_ =	swait.ge [sflag:s5], $0x190  }
0x2cc: {  	[sflag:s5] =	ssyncset.done $0x0  }
0x2cd: {  	[sflag:s5] =	ssyncadd.s32 $0xFFFFFE70  }
0x2ce: {  	_ =	swait.ge [sflag:s5], $0x190  }
0x2cf: {  	[sflag:s5] =	ssyncset.done $0x0  }
0x2d0: {  	[sflag:s5] =	ssyncadd.s32 $0xFFFFFE70  }
0x2d1: {  	_ =	swait.ge [sflag:s5], $0x190  }
0x2d2: {  	[sflag:s5] =	ssyncset.done $0x0  }
0x2d3: {  	[sflag:s5] =	ssyncadd.s32 $0xFFFFFE70  }
0x2d4: {  	_ =	swait.ge [sflag:s5], $0x190  }
0x2d5: {  	[sflag:s5] =	ssyncset.done $0x0  }
0x2d6: {  	[sflag:s5] =	ssyncadd.s32 $0xFFFFFE70  }
0x2d7: {  	_ =	swait.ge [sflag:s5], $0x190  }
0x2d8: {  	[sflag:s5] =	ssyncset.done $0x0  }
0x2d9: {  	[sflag:s5] =	ssyncadd.s32 $0xFFFFFE70  }
0x2da: {  	_ =	swait.ge [sflag:s5], $0x190  }
0x2db: {  	[sflag:s5] =	ssyncset.done $0x0  }
0x2dc: {  	[sflag:s5] =	ssyncadd.s32 $0xFFFFFE70  }
0x2dd: {  	_ =	swait.ge [sflag:s5], $0x190  }
0x2de: {  	[sflag:s5] =	ssyncset.done $0x0  }
0x2df: {  	[sflag:s5] =	ssyncadd.s32 $0xFFFFFE70  }
0x2e0: {  	_ =	swait.ge [sflag:s5], $0x190  }
0x2e1: {  	[sflag:s5] =	ssyncset.done $0x0  }
0x2e2: {  	[sflag:s5] =	ssyncadd.s32 $0xFFFFFE70  }
0x2e3: {  	_ =	swait.ge [sflag:s5], $0x190  }
0x2e4: {  	[sflag:s5] =	ssyncset.done $0x0  }
0x2e5: {  	[sflag:s5] =	ssyncadd.s32 $0xFFFFFE70  }
0x2e6: {  	_ =	swait.ge [sflag:s5], $0x190  }
0x2e7: {  	[sflag:s5] =	ssyncset.done $0x0  }
0x2e8: {  	[sflag:s5] =	ssyncadd.s32 $0xFFFFFE70  }
0x2e9: {  	_ =	swait.ge [sflag:s5], $0x190  }
0x2ea: {  	[sflag:s5] =	ssyncset.done $0x0  }
0x2eb: {  	[sflag:s5] =	ssyncadd.s32 $0xFFFFFE70  }
0x2ec: {  	_ =	swait.ge [sflag:s5], $0x190  }
0x2ed: {  	[sflag:s5] =	ssyncset.done $0x0  }
0x2ee: {  	[sflag:s5] =	ssyncadd.s32 $0xFFFFFE70  }
0x2ef: {  	_ =	swait.ge [sflag:s5], $0x190  }
0x2f0: {  	[sflag:s5] =	ssyncset.done $0x0  }
0x2f1: {  	[sflag:s5] =	ssyncadd.s32 $0xFFFFFE70  }
0x2f2: {  	_ =	swait.ge [sflag:s5], $0x190  }
0x2f3: {  	[sflag:s5] =	ssyncset.done $0x0  }
0x2f4: {  	[sflag:s5] =	ssyncadd.s32 $0xFFFFFE70  }
0x2f5: {  	_ =	swait.ge [sflag:s5], $0x190  }
0x2f6: {  	[sflag:s5] =	ssyncset.done $0x0  }
0x2f7: {  	[sflag:s5] =	ssyncadd.s32 $0xFFFFFE70  }
0x2f8: {  	_ =	swait.ge [sflag:s5], $0x190  }
0x2f9: {  	[sflag:s5] =	ssyncset.done $0x0  }
0x2fa: {  	[sflag:s5] =	ssyncadd.s32 $0xFFFFFE70  }
0x2fb: {  	_ =	swait.ge [sflag:s5], $0x190  }
0x2fc: {  	[sflag:s5] =	ssyncset.done $0x0  }
0x2fd: {  	[sflag:s5] =	ssyncadd.s32 $0xFFFFFE70  }
0x2fe: {  	_ =	swait.ge [sflag:s5], $0x190  }
0x2ff: {  	[sflag:s5] =	ssyncset.done $0x0  }
0x300: {  	[sflag:s5] =	ssyncadd.s32 $0xFFFFFE70  }
0x301: {  	_ =	swait.ge [sflag:s5], $0x190  }
0x302: {  	s17 =	smov.u32 s30;
	s30 =	sld [smem:$0x7FD];
	_ =	sdelay $0x1  }
0x303: {  	s11 =	sadd.s32 $0x1, s11  }
0x304: {  	p0 =	sne.s32 s11, s30  }
.Ltmp6:
0x305: {  	_ = 	snop;
	(pc) =	sbr.rel @p0 .LBB2_1-.Ltmp6, $3  }
0x306: {  	_ =	sdelay $0x1  }
0x307: {  	[sflag:s5] =	ssyncset.done $0x0  }
0x308: {  	s18 =	smov.u32 s22;
	[sflag:s5] =	ssyncadd.s32 $0xFFFFFE70  }
0x309: {  	_ =	sfence.sel $0x180000  }
0x30a: {  	[bflag:$0x0] =	sbarrier.arrive $0xFFFF  }
0x30b: {  	_ =	strace $0x90000047  }
0x30c: {  	s0 =	stileid.u32;
	[bflag:$0x2] =	sbarrier.arrive $0xFFFF  }
0x30d: {  	p0 =	sne.s32 s0, $0x0;
	s0 =	rddreg [dreg:$0x5]  }
0x30e: {  	s0 =	sadd.s32 @!p0 $0x100000, s0  }
0x30f: {  	[sflag:s0] =	ssyncadd.tile.s32 @!p0 $0x1;
	_ =	shalt  }
.Lfunc_end2:
_tile_overlayer_lowered:
.L_overlay_start_2:
0x310: {  	(tag) =	ssettag $0x2  }
0x311: {  	s0 =	rddreg [dreg:$0x0];
	s2 =	stileid.u32  }
0x312: {  	s1 =	rddreg [dreg:$0x1];
	p0 =	sne.s32 s2, $0x0  }
0x313: {  	s3 =	rddreg [dreg:$0x2];
	[bflag:$0x3] =	sbarrier.arrive $0xFFFF;
	s2 =	simm.s32 @!p0 $0x1C15  }
0x314: {  	[timem:s3], [sflag:s2] =	dma.local @!p0 [hbm:s0], s1  }
0x315: {  	s0 =	simm.s32 @!p0 $0x15  }
0x316: {  	_ =	swait.ge @!p0 [sflag:s0], s1  }
0x317: {  	s1 =	ssub.s32 @!p0 $0x0, s1;
	[sflag:s0] =	ssyncset.done @!p0 $0x0  }
0x318: {  	[sflag:s0] =	ssyncadd.s32 @!p0 s1  }
0x319: {  	[bflag:$0x3] =	sbarrier.arrive $0xFFFF  }
0x31a: {  	_ =	shalt  }

</sc_bundles>
